<compile_context>
chip_gen: v7x
topology: tpu7x:2x2x1
jax: 0.10.2.dev20260603
libtpu: 0.0.44.dev20260713+nightly
codegen_flags: <defaults>
</compile_context>

<pallas_src>
import functools

import jax
import jax.numpy as jnp
from jax import lax
from jax.experimental import pallas as pl
from jax.experimental.pallas import tpu as pltpu
from jax.experimental.pallas import tpu_sc as plsc

VOCAB = 4000
EMBED = 64
BATCH = 16384
SEQ = 200

NC = 2
NS = 16
NW = NC * NS
EG = 16
NG = EMBED // EG
EGP = EG + 1
LT = SEQ // 8
BT = BATCH // 128
BT_PER_W = BT // NW
NCHUNK = LT


def _sc_body(x_hbm, tbl_hbm, out_hbm, tblg, xbuf, obuf, osems, xsems):
    wid = lax.axis_index("s") * NC + lax.axis_index("c")

    def g_body(g, _):
        pltpu.sync_copy(tbl_hbm.at[g], tblg)

        def i_body(i, _):
            bt = wid * BT_PER_W + i

            pltpu.async_copy(x_hbm.at[0, bt], xbuf.at[0], xsems.at[0])

            def chunk_body(lt, _):
                p = lt & 1
                po = lax.rem(lt, 3)

                pltpu.make_async_copy(
                    x_hbm.at[lt, bt], xbuf.at[p], xsems.at[p]
                ).wait()

                @pl.when(lt + 1 < NCHUNK)
                def _():
                    pltpu.async_copy(
                        x_hbm.at[lt + 1, bt], xbuf.at[1 - p], xsems.at[1 - p]
                    )

                @pl.when(lt >= 3)
                def _():
                    pltpu.make_async_copy(
                        obuf.at[po],
                        out_hbm.at[pl.ds(g * EG, EG), lt, bt],
                        osems.at[po],
                    ).wait()

                def ls_body(ls):
                    xv17 = [
                        (lambda v: (v << 4) + v)(
                            xbuf[p, ls, pl.ds(bv * 16, 16)]
                        )
                        for bv in range(8)
                    ]
                    vals = [
                        plsc.load_gather(tblg, [xv17[bv]]) for bv in range(8)
                    ]
                    for e in range(1, EG):
                        nvals = []
                        for bv in range(8):
                            nvals.append(
                                plsc.load_gather(tblg, [xv17[bv] + e])
                            )
                            obuf[po, e - 1, ls, pl.ds(bv * 16, 16)] = vals[bv]
                        vals = nvals
                    for bv in range(8):
                        obuf[po, EG - 1, ls, pl.ds(bv * 16, 16)] = vals[bv]

                plsc.parallel_loop(0, 8, unroll=2)(ls_body)

                pltpu.async_copy(
                    obuf.at[po],
                    out_hbm.at[pl.ds(g * EG, EG), lt, bt],
                    osems.at[po],
                )
                return 0

            lax.fori_loop(0, NCHUNK, chunk_body, 0)

            for pp in range(3):
                pltpu.make_async_copy(
                    obuf.at[pp],
                    out_hbm.at[pl.ds(g * EG, EG), 0, bt],
                    osems.at[pp],
                ).wait()
            return 0

        lax.fori_loop(0, BT_PER_W, i_body, 0)
        return 0

    lax.fori_loop(0, NG, g_body, 0)


@functools.partial(jax.jit, static_argnames=())
def kernel(x, table):
    tbl4 = jnp.pad(
        jnp.transpose(table.reshape(VOCAB, NG, EG), (1, 0, 2)),
        ((0, 0), (0, 0), (0, 1)),
    ).reshape(NG, VOCAB * EGP)
    xt = jnp.transpose(
        x.astype(jnp.int32).T.reshape(LT, 8, BT, 128), (0, 2, 1, 3)
    )

    run = pl.kernel(
        _sc_body,
        out_type=jax.ShapeDtypeStruct((EMBED, LT, BT, 8, 128), jnp.float32),
        mesh=plsc.VectorSubcoreMesh(core_axis_name="c", subcore_axis_name="s"),
        compiler_params=pltpu.CompilerParams(
            needs_layout_passes=False, use_tc_tiling_on_sc=False
        ),
        scratch_types=[
            pltpu.VMEM((VOCAB * EGP,), jnp.float32),
            pltpu.VMEM((2, 8, 128), jnp.int32),
            pltpu.VMEM((3, EG, 8, 128), jnp.float32),
            pltpu.SemaphoreType.DMA((3,)),
            pltpu.SemaphoreType.DMA((2,)),
        ],
    )
    out5 = run(xt, tbl4)
    return jnp.transpose(out5, (2, 4, 0, 1, 3)).reshape(BATCH, EMBED, SEQ)

# --- scband reference (transcript-rebuilt; emitter-appended) ---
"""Pipeline reference for scband-embedder-9131100471742 (READ-ONLY COPY).

The authoritative reference and input builder live on the scoring server;
editing this copy changes nothing except your own understanding.
"""

import jax, jax.numpy as jnp
import numpy as np

VOCAB = 4000
EMBED = 64
B = 16384
L = 200

def setup_inputs(seed: int = 0) -> dict:
    key = jax.random.key(seed)
    k1, k2 = jax.random.split(key)
    x = jax.random.randint(k1, (B, L), 0, VOCAB, dtype=jnp.int64 if jax.config.jax_enable_x64 else jnp.int32)
    table = jax.random.normal(k2, (VOCAB, EMBED), dtype=jnp.float32)
    return {"x": x, "table": table}

def reference(x, table):
    # nn.Embedding lookup: [B, L] -> [B, L, E]
    embedded = jnp.take(table, x, axis=0)
    # permute(0, 2, 1): [B, L, E] -> [B, E, L]
    embedded = jnp.transpose(embedded, (0, 2, 1))
    return embedded

if __name__ == "__main__":
    import jax
    _d = setup_inputs()
    print(jax.jit(kernel)(*tuple(_d.values())))

</pallas_src>

<mosaic_0001>
#map = affine_map<(d0, d1) -> (0, 0, 0, 0)>
#map1 = affine_map<(d0, d1) -> (0, 0)>
#map2 = affine_map<(d0, d1) -> (0, 0, 0, 0, 0)>
module attributes {stable_mosaic.version = 14 : i64} {
  func.func @_sc_body(%arg0: i32, %arg1: i32, %arg2: memref<25x128x8x128xi32, #tpu.memory_space<hbm>>, %arg3: memref<4x68000xf32, #tpu.memory_space<hbm>>, %arg4: memref<64x25x128x8x128xf32, #tpu.memory_space<hbm>>, %arg5: memref<68000xf32, #tpu.memory_space<vmem>>, %arg6: memref<2x8x128xi32, #tpu.memory_space<vmem>>, %arg7: memref<3x16x8x128xf32, #tpu.memory_space<vmem>>, %arg8: memref<3x!tpu.dma_semaphore, #tpu.memory_space<semaphore_mem>>, %arg9: memref<2x!tpu.dma_semaphore, #tpu.memory_space<semaphore_mem>>) attributes {dimension_semantics = [#tpu.dimension_semantics<core_parallel>, #tpu.dimension_semantics<subcore_parallel>], iteration_bounds = array<i64: 2, 16>, scalar_prefetch = 0 : i64, scratch_operands = 5 : i64, tpu.core_type = #tpu.core_type<sc_vector_subcore>, window_params = [{transform_indices = #map}, {transform_indices = #map1}, {transform_indices = #map2}]} {
    %mul3A = arith.constant 2 : i32
    %mul3A_0 = arith.muli %arg1, %mul3A : i32
    %add3A = arith.addi %mul3A_0, %arg0 : i32
    %scan3A = arith.constant 0 : i32
    %scan3A_1 = arith.constant 0 : i32
    %scan3A_2 = arith.constant 4 : i32
    %scan3A_3 = arith.addi %scan3A_1, %scan3A_2 : i32
    %scan3A_4 = arith.constant 1 : i32
    %scan3A_5 = scf.for %scan3A_7 = %scan3A_1 to %scan3A_3 step %scan3A_4 iter_args(%scan3A_8 = %scan3A) -> (i32)  : i32 {
      "tpu.region"() ({
        %run_scoped3A = tpu.sem_alloc : memref<!tpu.dma_semaphore, #tpu.memory_space<semaphore_mem>>
        %dma_start3A = arith.constant 0 : i32
        %dma_start3A_17 = tpu.memref_slice %arg3[%scan3A_7, %dma_start3A] : memref<4x68000xf32, #tpu.memory_space<hbm>> -> memref<1x68000xf32, #tpu.memory_space<hbm>>
        %dma_start3A_18 = tpu.memref_squeeze %dma_start3A_17 : memref<1x68000xf32, #tpu.memory_space<hbm>> -> memref<68000xf32, #tpu.memory_space<hbm>>
        %dma_start3A_19 = arith.constant 0 : i32
        %dma_start3A_20 = tpu.memref_slice %arg3[%scan3A_7, %dma_start3A_19] : memref<4x68000xf32, #tpu.memory_space<hbm>> -> memref<1x68000xf32, #tpu.memory_space<hbm>>
        %dma_start3A_21 = tpu.memref_squeeze %dma_start3A_20 : memref<1x68000xf32, #tpu.memory_space<hbm>> -> memref<68000xf32, #tpu.memory_space<hbm>>
        tpu.enqueue_dma source(%dma_start3A_21 : memref<68000xf32, #tpu.memory_space<hbm>>) target(%arg5 : memref<68000xf32, #tpu.memory_space<vmem>>) target_semaphore(%run_scoped3A : memref<!tpu.dma_semaphore, #tpu.memory_space<semaphore_mem>>)
        %dma_wait3A = arith.constant 0 : i32
        %dma_wait3A_22 = tpu.memref_slice %arg3[%scan3A_7, %dma_wait3A] : memref<4x68000xf32, #tpu.memory_space<hbm>> -> memref<1x68000xf32, #tpu.memory_space<hbm>>
        %dma_wait3A_23 = tpu.memref_squeeze %dma_wait3A_22 : memref<1x68000xf32, #tpu.memory_space<hbm>> -> memref<68000xf32, #tpu.memory_space<hbm>>
        %dma_wait3A_24 = arith.constant 0 : i32
        %dma_wait3A_25 = tpu.memref_slice %arg3[%scan3A_7, %dma_wait3A_24] : memref<4x68000xf32, #tpu.memory_space<hbm>> -> memref<1x68000xf32, #tpu.memory_space<hbm>>
        %dma_wait3A_26 = tpu.memref_squeeze %dma_wait3A_25 : memref<1x68000xf32, #tpu.memory_space<hbm>> -> memref<68000xf32, #tpu.memory_space<hbm>>
        tpu.wait_dma2 semaphore(%run_scoped3A : memref<!tpu.dma_semaphore, #tpu.memory_space<semaphore_mem>>) src(%dma_wait3A_26 : memref<68000xf32, #tpu.memory_space<hbm>>) dst(%arg5 : memref<68000xf32, #tpu.memory_space<vmem>>)
        tpu.yield
      }) : () -> ()
      %scan3A_9 = arith.constant 0 : i32
      %scan3A_10 = arith.constant 0 : i32
      %scan3A_11 = arith.constant 4 : i32
      %scan3A_12 = arith.addi %scan3A_10, %scan3A_11 : i32
      %scan3A_13 = arith.constant 1 : i32
      %scan3A_14 = scf.for %scan3A_17 = %scan3A_10 to %scan3A_12 step %scan3A_13 iter_args(%scan3A_18 = %scan3A_9) -> (i32)  : i32 {
        %mul3A_19 = arith.constant 4 : i32
        %mul3A_20 = arith.muli %add3A, %mul3A_19 : i32
        %add3A_21 = arith.addi %mul3A_20, %scan3A_17 : i32
        %dma_start3A = arith.constant 0 : i32
        %dma_start3A_22 = arith.constant 0 : i32
        %dma_start3A_23 = arith.constant 0 : i32
        %dma_start3A_24 = arith.constant 0 : i32
        %dma_start3A_25 = arith.constant 0 : i32
        %dma_start3A_26 = tpu.memref_slice %arg6[%dma_start3A_22, %dma_start3A_24, %dma_start3A_25] : memref<2x8x128xi32, #tpu.memory_space<vmem>> -> memref<1x8x128xi32, #tpu.memory_space<vmem>>
        %dma_start3A_27 = tpu.memref_squeeze %dma_start3A_26 : memref<1x8x128xi32, #tpu.memory_space<vmem>> -> memref<8x128xi32, #tpu.memory_space<vmem>>
        %dma_start3A_28 = arith.constant 0 : i32
        %dma_start3A_29 = arith.constant 0 : i32
        %dma_start3A_30 = tpu.memref_slice %arg2[%dma_start3A, %add3A_21, %dma_start3A_28, %dma_start3A_29] : memref<25x128x8x128xi32, #tpu.memory_space<hbm>> -> memref<1x1x8x128xi32, #tpu.memory_space<hbm>>
        %dma_start3A_31 = tpu.memref_squeeze %dma_start3A_30 : memref<1x1x8x128xi32, #tpu.memory_space<hbm>> -> memref<8x128xi32, #tpu.memory_space<hbm>>
        %dma_start3A_32 = tpu.memref_slice %arg9[%dma_start3A_23] : memref<2x!tpu.dma_semaphore, #tpu.memory_space<semaphore_mem>> -> memref<1x!tpu.dma_semaphore, #tpu.memory_space<semaphore_mem>>
        %dma_start3A_33 = tpu.memref_squeeze %dma_start3A_32 : memref<1x!tpu.dma_semaphore, #tpu.memory_space<semaphore_mem>> -> memref<!tpu.dma_semaphore, #tpu.memory_space<semaphore_mem>>
        %dma_start3A_34 = arith.constant 0 : i32
        %dma_start3A_35 = arith.constant 0 : i32
        %dma_start3A_36 = tpu.memref_slice %arg6[%dma_start3A_22, %dma_start3A_34, %dma_start3A_35] : memref<2x8x128xi32, #tpu.memory_space<vmem>> -> memref<1x8x128xi32, #tpu.memory_space<vmem>>
        %dma_start3A_37 = tpu.memref_squeeze %dma_start3A_36 : memref<1x8x128xi32, #tpu.memory_space<vmem>> -> memref<8x128xi32, #tpu.memory_space<vmem>>
        %dma_start3A_38 = arith.constant 0 : i32
        %dma_start3A_39 = arith.constant 0 : i32
        %dma_start3A_40 = tpu.memref_slice %arg2[%dma_start3A, %add3A_21, %dma_start3A_38, %dma_start3A_39] : memref<25x128x8x128xi32, #tpu.memory_space<hbm>> -> memref<1x1x8x128xi32, #tpu.memory_space<hbm>>
        %dma_start3A_41 = tpu.memref_squeeze %dma_start3A_40 : memref<1x1x8x128xi32, #tpu.memory_space<hbm>> -> memref<8x128xi32, #tpu.memory_space<hbm>>
        tpu.enqueue_dma source(%dma_start3A_41 : memref<8x128xi32, #tpu.memory_space<hbm>>) target(%dma_start3A_37 : memref<8x128xi32, #tpu.memory_space<vmem>>) target_semaphore(%dma_start3A_33 : memref<!tpu.dma_semaphore, #tpu.memory_space<semaphore_mem>>)
        %scan3A_42 = arith.constant 0 : i32
        %scan3A_43 = arith.constant 0 : i32
        %scan3A_44 = arith.constant 25 : i32
        %scan3A_45 = arith.addi %scan3A_43, %scan3A_44 : i32
        %scan3A_46 = arith.constant 1 : i32
        %scan3A_47 = scf.for %scan3A_124 = %scan3A_43 to %scan3A_45 step %scan3A_46 iter_args(%scan3A_125 = %scan3A_42) -> (i32)  : i32 {
          %and3A = arith.constant 1 : i32
          %and3A_126 = arith.andi %scan3A_124, %and3A : i32
          %rem3A = arith.constant 3 : i32
          %rem3A_127 = arith.remsi %scan3A_124, %rem3A : i32
          %dma_wait3A_128 = arith.constant 0 : i32
          %dma_wait3A_129 = arith.constant 0 : i32
          %dma_wait3A_130 = tpu.memref_slice %arg6[%and3A_126, %dma_wait3A_128, %dma_wait3A_129] : memref<2x8x128xi32, #tpu.memory_space<vmem>> -> memref<1x8x128xi32, #tpu.memory_space<vmem>>
          %dma_wait3A_131 = tpu.memref_squeeze %dma_wait3A_130 : memref<1x8x128xi32, #tpu.memory_space<vmem>> -> memref<8x128xi32, #tpu.memory_space<vmem>>
          %dma_wait3A_132 = arith.constant 0 : i32
          %dma_wait3A_133 = arith.constant 0 : i32
          %dma_wait3A_134 = tpu.memref_slice %arg2[%scan3A_124, %add3A_21, %dma_wait3A_132, %dma_wait3A_133] : memref<25x128x8x128xi32, #tpu.memory_space<hbm>> -> memref<1x1x8x128xi32, #tpu.memory_space<hbm>>
          %dma_wait3A_135 = tpu.memref_squeeze %dma_wait3A_134 : memref<1x1x8x128xi32, #tpu.memory_space<hbm>> -> memref<8x128xi32, #tpu.memory_space<hbm>>
          %dma_wait3A_136 = tpu.memref_slice %arg9[%and3A_126] : memref<2x!tpu.dma_semaphore, #tpu.memory_space<semaphore_mem>> -> memref<1x!tpu.dma_semaphore, #tpu.memory_space<semaphore_mem>>
          %dma_wait3A_137 = tpu.memref_squeeze %dma_wait3A_136 : memref<1x!tpu.dma_semaphore, #tpu.memory_space<semaphore_mem>> -> memref<!tpu.dma_semaphore, #tpu.memory_space<semaphore_mem>>
          %dma_wait3A_138 = arith.constant 0 : i32
          %dma_wait3A_139 = arith.constant 0 : i32
          %dma_wait3A_140 = tpu.memref_slice %arg6[%and3A_126, %dma_wait3A_138, %dma_wait3A_139] : memref<2x8x128xi32, #tpu.memory_space<vmem>> -> memref<1x8x128xi32, #tpu.memory_space<vmem>>
          %dma_wait3A_141 = tpu.memref_squeeze %dma_wait3A_140 : memref<1x8x128xi32, #tpu.memory_space<vmem>> -> memref<8x128xi32, #tpu.memory_space<vmem>>
          %dma_wait3A_142 = arith.constant 0 : i32
          %dma_wait3A_143 = arith.constant 0 : i32
          %dma_wait3A_144 = tpu.memref_slice %arg2[%scan3A_124, %add3A_21, %dma_wait3A_142, %dma_wait3A_143] : memref<25x128x8x128xi32, #tpu.memory_space<hbm>> -> memref<1x1x8x128xi32, #tpu.memory_space<hbm>>
          %dma_wait3A_145 = tpu.memref_squeeze %dma_wait3A_144 : memref<1x1x8x128xi32, #tpu.memory_space<hbm>> -> memref<8x128xi32, #tpu.memory_space<hbm>>
          tpu.wait_dma2 semaphore(%dma_wait3A_137 : memref<!tpu.dma_semaphore, #tpu.memory_space<semaphore_mem>>) src(%dma_wait3A_145 : memref<8x128xi32, #tpu.memory_space<hbm>>) dst(%dma_wait3A_141 : memref<8x128xi32, #tpu.memory_space<vmem>>)
          %add3A_146 = arith.constant 1 : i32
          %add3A_147 = arith.addi %scan3A_124, %add3A_146 : i32
          %lt3A = arith.constant 25 : i32
          %lt3A_148 = arith.cmpi slt, %add3A_147, %lt3A : i32
          %convert_element_type3A = arith.extui %lt3A_148 : i1 to i32
          %cond3A = arith.constant 0 : i32
          %cond3A_149 = arith.cmpi ne, %convert_element_type3A, %cond3A : i32
          scf.if %cond3A_149 {
            %add3A_179 = arith.constant 1 : i32
            %add3A_180 = arith.addi %scan3A_124, %add3A_179 : i32
            %sub3A = arith.constant 1 : i32
            %sub3A_181 = arith.subi %sub3A, %and3A_126 : i32
            %sub3A_182 = arith.constant 1 : i32
            %sub3A_183 = arith.subi %sub3A_182, %and3A_126 : i32
            %dma_start3A_184 = arith.constant 0 : i32
            %dma_start3A_185 = arith.constant 0 : i32
            %dma_start3A_186 = tpu.memref_slice %arg6[%sub3A_181, %dma_start3A_184, %dma_start3A_185] : memref<2x8x128xi32, #tpu.memory_space<vmem>> -> memref<1x8x128xi32, #tpu.memory_space<vmem>>
            %dma_start3A_187 = tpu.memref_squeeze %dma_start3A_186 : memref<1x8x128xi32, #tpu.memory_space<vmem>> -> memref<8x128xi32, #tpu.memory_space<vmem>>
            %dma_start3A_188 = arith.constant 0 : i32
            %dma_start3A_189 = arith.constant 0 : i32
            %dma_start3A_190 = tpu.memref_slice %arg2[%add3A_180, %add3A_21, %dma_start3A_188, %dma_start3A_189] : memref<25x128x8x128xi32, #tpu.memory_space<hbm>> -> memref<1x1x8x128xi32, #tpu.memory_space<hbm>>
            %dma_start3A_191 = tpu.memref_squeeze %dma_start3A_190 : memref<1x1x8x128xi32, #tpu.memory_space<hbm>> -> memref<8x128xi32, #tpu.memory_space<hbm>>
            %dma_start3A_192 = tpu.memref_slice %arg9[%sub3A_183] : memref<2x!tpu.dma_semaphore, #tpu.memory_space<semaphore_mem>> -> memref<1x!tpu.dma_semaphore, #tpu.memory_space<semaphore_mem>>
            %dma_start3A_193 = tpu.memref_squeeze %dma_start3A_192 : memref<1x!tpu.dma_semaphore, #tpu.memory_space<semaphore_mem>> -> memref<!tpu.dma_semaphore, #tpu.memory_space<semaphore_mem>>
            %dma_start3A_194 = arith.constant 0 : i32
            %dma_start3A_195 = arith.constant 0 : i32
            %dma_start3A_196 = tpu.memref_slice %arg6[%sub3A_181, %dma_start3A_194, %dma_start3A_195] : memref<2x8x128xi32, #tpu.memory_space<vmem>> -> memref<1x8x128xi32, #tpu.memory_space<vmem>>
            %dma_start3A_197 = tpu.memref_squeeze %dma_start3A_196 : memref<1x8x128xi32, #tpu.memory_space<vmem>> -> memref<8x128xi32, #tpu.memory_space<vmem>>
            %dma_start3A_198 = arith.constant 0 : i32
            %dma_start3A_199 = arith.constant 0 : i32
            %dma_start3A_200 = tpu.memref_slice %arg2[%add3A_180, %add3A_21, %dma_start3A_198, %dma_start3A_199] : memref<25x128x8x128xi32, #tpu.memory_space<hbm>> -> memref<1x1x8x128xi32, #tpu.memory_space<hbm>>
            %dma_start3A_201 = tpu.memref_squeeze %dma_start3A_200 : memref<1x1x8x128xi32, #tpu.memory_space<hbm>> -> memref<8x128xi32, #tpu.memory_space<hbm>>
            tpu.enqueue_dma source(%dma_start3A_201 : memref<8x128xi32, #tpu.memory_space<hbm>>) target(%dma_start3A_197 : memref<8x128xi32, #tpu.memory_space<vmem>>) target_semaphore(%dma_start3A_193 : memref<!tpu.dma_semaphore, #tpu.memory_space<semaphore_mem>>)
          } else {
          }
          %ge3A = arith.constant 3 : i32
          %ge3A_150 = arith.cmpi sge, %scan3A_124, %ge3A : i32
          %convert_element_type3A_151 = arith.extui %ge3A_150 : i1 to i32
          %cond3A_152 = arith.constant 0 : i32
          %cond3A_153 = arith.cmpi ne, %convert_element_type3A_151, %cond3A_152 : i32
          scf.if %cond3A_153 {
            %mul3A_179 = arith.constant 16 : i32
            %mul3A_180 = arith.muli %scan3A_7, %mul3A_179 : i32
            %dma_wait3A_181 = arith.constant 0 : i32
            %dma_wait3A_182 = arith.constant 0 : i32
            %dma_wait3A_183 = arith.constant 0 : i32
            %dma_wait3A_184 = tpu.memref_slice %arg7[%rem3A_127, %dma_wait3A_181, %dma_wait3A_182, %dma_wait3A_183] : memref<3x16x8x128xf32, #tpu.memory_space<vmem>> -> memref<1x16x8x128xf32, #tpu.memory_space<vmem>>
            %dma_wait3A_185 = tpu.memref_squeeze %dma_wait3A_184 : memref<1x16x8x128xf32, #tpu.memory_space<vmem>> -> memref<16x8x128xf32, #tpu.memory_space<vmem>>
            %dma_wait3A_186 = arith.constant 0 : i32
            %dma_wait3A_187 = arith.constant 0 : i32
            %dma_wait3A_188 = tpu.memref_slice %arg4[%mul3A_180, %scan3A_124, %add3A_21, %dma_wait3A_186, %dma_wait3A_187] : memref<64x25x128x8x128xf32, #tpu.memory_space<hbm>> -> memref<16x1x1x8x128xf32, #tpu.memory_space<hbm>>
            %dma_wait3A_189 = tpu.memref_squeeze %dma_wait3A_188 : memref<16x1x1x8x128xf32, #tpu.memory_space<hbm>> -> memref<16x8x128xf32, #tpu.memory_space<hbm>>
            %dma_wait3A_190 = tpu.memref_slice %arg8[%rem3A_127] : memref<3x!tpu.dma_semaphore, #tpu.memory_space<semaphore_mem>> -> memref<1x!tpu.dma_semaphore, #tpu.memory_space<semaphore_mem>>
            %dma_wait3A_191 = tpu.memref_squeeze %dma_wait3A_190 : memref<1x!tpu.dma_semaphore, #tpu.memory_space<semaphore_mem>> -> memref<!tpu.dma_semaphore, #tpu.memory_space<semaphore_mem>>
            %dma_wait3A_192 = arith.constant 0 : i32
            %dma_wait3A_193 = arith.constant 0 : i32
            %dma_wait3A_194 = tpu.memref_slice %arg4[%mul3A_180, %scan3A_124, %add3A_21, %dma_wait3A_192, %dma_wait3A_193] : memref<64x25x128x8x128xf32, #tpu.memory_space<hbm>> -> memref<16x1x1x8x128xf32, #tpu.memory_space<hbm>>
            %dma_wait3A_195 = tpu.memref_squeeze %dma_wait3A_194 : memref<16x1x1x8x128xf32, #tpu.memory_space<hbm>> -> memref<16x8x128xf32, #tpu.memory_space<hbm>>
            %dma_wait3A_196 = arith.constant 0 : i32
            %dma_wait3A_197 = arith.constant 0 : i32
            %dma_wait3A_198 = arith.constant 0 : i32
            %dma_wait3A_199 = tpu.memref_slice %arg7[%rem3A_127, %dma_wait3A_196, %dma_wait3A_197, %dma_wait3A_198] : memref<3x16x8x128xf32, #tpu.memory_space<vmem>> -> memref<1x16x8x128xf32, #tpu.memory_space<vmem>>
            %dma_wait3A_200 = tpu.memref_squeeze %dma_wait3A_199 : memref<1x16x8x128xf32, #tpu.memory_space<vmem>> -> memref<16x8x128xf32, #tpu.memory_space<vmem>>
            tpu.wait_dma2 semaphore(%dma_wait3A_191 : memref<!tpu.dma_semaphore, #tpu.memory_space<semaphore_mem>>) src(%dma_wait3A_200 : memref<16x8x128xf32, #tpu.memory_space<vmem>>) dst(%dma_wait3A_195 : memref<16x8x128xf32, #tpu.memory_space<hbm>>)
          } else {
          }
          %parallel_loop3A = arith.constant 0 : i32
          %parallel_loop3A_154 = arith.constant 8 : i32
          %parallel_loop3A_155 = arith.constant 1 : i32
          scf.for %parallel_loop3A_179 = %parallel_loop3A to %parallel_loop3A_154 step %parallel_loop3A_155  : i32 {
            %parallel_loop3A_180 = arith.index_cast %and3A_126 : i32 to index
            %parallel_loop3A_181 = arith.index_cast %parallel_loop3A_179 : i32 to index
            %parallel_loop3A_182 = arith.constant 0 : index
            %parallel_loop3A_183 = tpu.vector_load %arg6[%parallel_loop3A_180, %parallel_loop3A_181, %parallel_loop3A_182] {strides = array<i32>} : memref<2x8x128xi32, #tpu.memory_space<vmem>>, vector<16xi32>,
            %parallel_loop3A_184 = arith.constant 4 : i32
            %parallel_loop3A_185 = vector.broadcast %parallel_loop3A_184 : i32 to vector<16xi32>
            %parallel_loop3A_186 = arith.shli %parallel_loop3A_183, %parallel_loop3A_185 : vector<16xi32>
            %parallel_loop3A_187 = arith.addi %parallel_loop3A_186, %parallel_loop3A_183 : vector<16xi32>
            %parallel_loop3A_188 = arith.index_cast %and3A_126 : i32 to index
            %parallel_loop3A_189 = arith.index_cast %parallel_loop3A_179 : i32 to index
            %parallel_loop3A_190 = arith.constant 16 : index
            %parallel_loop3A_191 = tpu.vector_load %arg6[%parallel_loop3A_188, %parallel_loop3A_189, %parallel_loop3A_190] {strides = array<i32>} : memref<2x8x128xi32, #tpu.memory_space<vmem>>, vector<16xi32>,
            %parallel_loop3A_192 = arith.constant 4 : i32
            %parallel_loop3A_193 = vector.broadcast %parallel_loop3A_192 : i32 to vector<16xi32>
            %parallel_loop3A_194 = arith.shli %parallel_loop3A_191, %parallel_loop3A_193 : vector<16xi32>
            %parallel_loop3A_195 = arith.addi %parallel_loop3A_194, %parallel_loop3A_191 : vector<16xi32>
            %parallel_loop3A_196 = arith.index_cast %and3A_126 : i32 to index
            %parallel_loop3A_197 = arith.index_cast %parallel_loop3A_179 : i32 to index
            %parallel_loop3A_198 = arith.constant 32 : index
            %parallel_loop3A_199 = tpu.vector_load %arg6[%parallel_loop3A_196, %parallel_loop3A_197, %parallel_loop3A_198] {strides = array<i32>} : memref<2x8x128xi32, #tpu.memory_space<vmem>>, vector<16xi32>,
            %parallel_loop3A_200 = arith.constant 4 : i32
            %parallel_loop3A_201 = vector.broadcast %parallel_loop3A_200 : i32 to vector<16xi32>
            %parallel_loop3A_202 = arith.shli %parallel_loop3A_199, %parallel_loop3A_201 : vector<16xi32>
            %parallel_loop3A_203 = arith.addi %parallel_loop3A_202, %parallel_loop3A_199 : vector<16xi32>
            %parallel_loop3A_204 = arith.index_cast %and3A_126 : i32 to index
            %parallel_loop3A_205 = arith.index_cast %parallel_loop3A_179 : i32 to index
            %parallel_loop3A_206 = arith.constant 48 : index
            %parallel_loop3A_207 = tpu.vector_load %arg6[%parallel_loop3A_204, %parallel_loop3A_205, %parallel_loop3A_206] {strides = array<i32>} : memref<2x8x128xi32, #tpu.memory_space<vmem>>, vector<16xi32>,
            %parallel_loop3A_208 = arith.constant 4 : i32
            %parallel_loop3A_209 = vector.broadcast %parallel_loop3A_208 : i32 to vector<16xi32>
            %parallel_loop3A_210 = arith.shli %parallel_loop3A_207, %parallel_loop3A_209 : vector<16xi32>
            %parallel_loop3A_211 = arith.addi %parallel_loop3A_210, %parallel_loop3A_207 : vector<16xi32>
            %parallel_loop3A_212 = arith.index_cast %and3A_126 : i32 to index
            %parallel_loop3A_213 = arith.index_cast %parallel_loop3A_179 : i32 to index
            %parallel_loop3A_214 = arith.constant 64 : index
            %parallel_loop3A_215 = tpu.vector_load %arg6[%parallel_loop3A_212, %parallel_loop3A_213, %parallel_loop3A_214] {strides = array<i32>} : memref<2x8x128xi32, #tpu.memory_space<vmem>>, vector<16xi32>,
            %parallel_loop3A_216 = arith.constant 4 : i32
            %parallel_loop3A_217 = vector.broadcast %parallel_loop3A_216 : i32 to vector<16xi32>
            %parallel_loop3A_218 = arith.shli %parallel_loop3A_215, %parallel_loop3A_217 : vector<16xi32>
            %parallel_loop3A_219 = arith.addi %parallel_loop3A_218, %parallel_loop3A_215 : vector<16xi32>
            %parallel_loop3A_220 = arith.index_cast %and3A_126 : i32 to index
            %parallel_loop3A_221 = arith.index_cast %parallel_loop3A_179 : i32 to index
            %parallel_loop3A_222 = arith.constant 80 : index
            %parallel_loop3A_223 = tpu.vector_load %arg6[%parallel_loop3A_220, %parallel_loop3A_221, %parallel_loop3A_222] {strides = array<i32>} : memref<2x8x128xi32, #tpu.memory_space<vmem>>, vector<16xi32>,
            %parallel_loop3A_224 = arith.constant 4 : i32
            %parallel_loop3A_225 = vector.broadcast %parallel_loop3A_224 : i32 to vector<16xi32>
            %parallel_loop3A_226 = arith.shli %parallel_loop3A_223, %parallel_loop3A_225 : vector<16xi32>
            %parallel_loop3A_227 = arith.addi %parallel_loop3A_226, %parallel_loop3A_223 : vector<16xi32>
            %parallel_loop3A_228 = arith.index_cast %and3A_126 : i32 to index
            %parallel_loop3A_229 = arith.index_cast %parallel_loop3A_179 : i32 to index
            %parallel_loop3A_230 = arith.constant 96 : index
            %parallel_loop3A_231 = tpu.vector_load %arg6[%parallel_loop3A_228, %parallel_loop3A_229, %parallel_loop3A_230] {strides = array<i32>} : memref<2x8x128xi32, #tpu.memory_space<vmem>>, vector<16xi32>,
            %parallel_loop3A_232 = arith.constant 4 : i32
            %parallel_loop3A_233 = vector.broadcast %parallel_loop3A_232 : i32 to vector<16xi32>
            %parallel_loop3A_234 = arith.shli %parallel_loop3A_231, %parallel_loop3A_233 : vector<16xi32>
            %parallel_loop3A_235 = arith.addi %parallel_loop3A_234, %parallel_loop3A_231 : vector<16xi32>
            %parallel_loop3A_236 = arith.index_cast %and3A_126 : i32 to index
            %parallel_loop3A_237 = arith.index_cast %parallel_loop3A_179 : i32 to index
            %parallel_loop3A_238 = arith.constant 112 : index
            %parallel_loop3A_239 = tpu.vector_load %arg6[%parallel_loop3A_236, %parallel_loop3A_237, %parallel_loop3A_238] {strides = array<i32>} : memref<2x8x128xi32, #tpu.memory_space<vmem>>, vector<16xi32>,
            %parallel_loop3A_240 = arith.constant 4 : i32
            %parallel_loop3A_241 = vector.broadcast %parallel_loop3A_240 : i32 to vector<16xi32>
            %parallel_loop3A_242 = arith.shli %parallel_loop3A_239, %parallel_loop3A_241 : vector<16xi32>
            %parallel_loop3A_243 = arith.addi %parallel_loop3A_242, %parallel_loop3A_239 : vector<16xi32>
            %parallel_loop3A_244 = tpu.vector_load_idx %arg5[%parallel_loop3A_187] : memref<68000xf32, #tpu.memory_space<vmem>>[vector<16xi32>], vector<16xf32>,
            %parallel_loop3A_245 = tpu.vector_load_idx %arg5[%parallel_loop3A_195] : memref<68000xf32, #tpu.memory_space<vmem>>[vector<16xi32>], vector<16xf32>,
            %parallel_loop3A_246 = tpu.vector_load_idx %arg5[%parallel_loop3A_203] : memref<68000xf32, #tpu.memory_space<vmem>>[vector<16xi32>], vector<16xf32>,
            %parallel_loop3A_247 = tpu.vector_load_idx %arg5[%parallel_loop3A_211] : memref<68000xf32, #tpu.memory_space<vmem>>[vector<16xi32>], vector<16xf32>,
            %parallel_loop3A_248 = tpu.vector_load_idx %arg5[%parallel_loop3A_219] : memref<68000xf32, #tpu.memory_space<vmem>>[vector<16xi32>], vector<16xf32>,
            %parallel_loop3A_249 = tpu.vector_load_idx %arg5[%parallel_loop3A_227] : memref<68000xf32, #tpu.memory_space<vmem>>[vector<16xi32>], vector<16xf32>,
            %parallel_loop3A_250 = tpu.vector_load_idx %arg5[%parallel_loop3A_235] : memref<68000xf32, #tpu.memory_space<vmem>>[vector<16xi32>], vector<16xf32>,
            %parallel_loop3A_251 = tpu.vector_load_idx %arg5[%parallel_loop3A_243] : memref<68000xf32, #tpu.memory_space<vmem>>[vector<16xi32>], vector<16xf32>,
            %parallel_loop3A_252 = arith.constant 1 : i32
            %parallel_loop3A_253 = vector.broadcast %parallel_loop3A_252 : i32 to vector<16xi32>
            %parallel_loop3A_254 = arith.addi %parallel_loop3A_187, %parallel_loop3A_253 : vector<16xi32>
            %parallel_loop3A_255 = tpu.vector_load_idx %arg5[%parallel_loop3A_254] : memref<68000xf32, #tpu.memory_space<vmem>>[vector<16xi32>], vector<16xf32>,
            %parallel_loop3A_256 = arith.constant 0 : i32
            %parallel_loop3A_257 = arith.index_cast %rem3A_127 : i32 to index
            %parallel_loop3A_258 = arith.index_cast %parallel_loop3A_256 : i32 to index
            %parallel_loop3A_259 = arith.index_cast %parallel_loop3A_179 : i32 to index
            %parallel_loop3A_260 = arith.constant 0 : index
            %parallel_loop3A_261 = tpu.vector_load %arg7[%parallel_loop3A_257, %parallel_loop3A_258, %parallel_loop3A_259, %parallel_loop3A_260] {strides = array<i32>} : memref<3x16x8x128xf32, #tpu.memory_space<vmem>>, vector<16xf32>,
            tpu.vector_store %arg7[%parallel_loop3A_257, %parallel_loop3A_258, %parallel_loop3A_259, %parallel_loop3A_260], %parallel_loop3A_244 {strides = array<i32>} : memref<3x16x8x128xf32, #tpu.memory_space<vmem>>, vector<16xf32>,
            %parallel_loop3A_262 = arith.constant 1 : i32
            %parallel_loop3A_263 = vector.broadcast %parallel_loop3A_262 : i32 to vector<16xi32>
            %parallel_loop3A_264 = arith.addi %parallel_loop3A_195, %parallel_loop3A_263 : vector<16xi32>
            %parallel_loop3A_265 = tpu.vector_load_idx %arg5[%parallel_loop3A_264] : memref<68000xf32, #tpu.memory_space<vmem>>[vector<16xi32>], vector<16xf32>,
            %parallel_loop3A_266 = arith.constant 0 : i32
            %parallel_loop3A_267 = arith.index_cast %rem3A_127 : i32 to index
            %parallel_loop3A_268 = arith.index_cast %parallel_loop3A_266 : i32 to index
            %parallel_loop3A_269 = arith.index_cast %parallel_loop3A_179 : i32 to index
            %parallel_loop3A_270 = arith.constant 16 : index
            %parallel_loop3A_271 = tpu.vector_load %arg7[%parallel_loop3A_267, %parallel_loop3A_268, %parallel_loop3A_269, %parallel_loop3A_270] {strides = array<i32>} : memref<3x16x8x128xf32, #tpu.memory_space<vmem>>, vector<16xf32>,
            tpu.vector_store %arg7[%parallel_loop3A_267, %parallel_loop3A_268, %parallel_loop3A_269, %parallel_loop3A_270], %parallel_loop3A_245 {strides = array<i32>} : memref<3x16x8x128xf32, #tpu.memory_space<vmem>>, vector<16xf32>,
            %parallel_loop3A_272 = arith.constant 1 : i32
            %parallel_loop3A_273 = vector.broadcast %parallel_loop3A_272 : i32 to vector<16xi32>
            %parallel_loop3A_274 = arith.addi %parallel_loop3A_203, %parallel_loop3A_273 : vector<16xi32>
            %parallel_loop3A_275 = tpu.vector_load_idx %arg5[%parallel_loop3A_274] : memref<68000xf32, #tpu.memory_space<vmem>>[vector<16xi32>], vector<16xf32>,
            %parallel_loop3A_276 = arith.constant 0 : i32
            %parallel_loop3A_277 = arith.index_cast %rem3A_127 : i32 to index
            %parallel_loop3A_278 = arith.index_cast %parallel_loop3A_276 : i32 to index
            %parallel_loop3A_279 = arith.index_cast %parallel_loop3A_179 : i32 to index
            %parallel_loop3A_280 = arith.constant 32 : index
            %parallel_loop3A_281 = tpu.vector_load %arg7[%parallel_loop3A_277, %parallel_loop3A_278, %parallel_loop3A_279, %parallel_loop3A_280] {strides = array<i32>} : memref<3x16x8x128xf32, #tpu.memory_space<vmem>>, vector<16xf32>,
            tpu.vector_store %arg7[%parallel_loop3A_277, %parallel_loop3A_278, %parallel_loop3A_279, %parallel_loop3A_280], %parallel_loop3A_246 {strides = array<i32>} : memref<3x16x8x128xf32, #tpu.memory_space<vmem>>, vector<16xf32>,
            %parallel_loop3A_282 = arith.constant 1 : i32
            %parallel_loop3A_283 = vector.broadcast %parallel_loop3A_282 : i32 to vector<16xi32>
            %parallel_loop3A_284 = arith.addi %parallel_loop3A_211, %parallel_loop3A_283 : vector<16xi32>
            %parallel_loop3A_285 = tpu.vector_load_idx %arg5[%parallel_loop3A_284] : memref<68000xf32, #tpu.memory_space<vmem>>[vector<16xi32>], vector<16xf32>,
            %parallel_loop3A_286 = arith.constant 0 : i32
            %parallel_loop3A_287 = arith.index_cast %rem3A_127 : i32 to index
            %parallel_loop3A_288 = arith.index_cast %parallel_loop3A_286 : i32 to index
            %parallel_loop3A_289 = arith.index_cast %parallel_loop3A_179 : i32 to index
            %parallel_loop3A_290 = arith.constant 48 : index
            %parallel_loop3A_291 = tpu.vector_load %arg7[%parallel_loop3A_287, %parallel_loop3A_288, %parallel_loop3A_289, %parallel_loop3A_290] {strides = array<i32>} : memref<3x16x8x128xf32, #tpu.memory_space<vmem>>, vector<16xf32>,
            tpu.vector_store %arg7[%parallel_loop3A_287, %parallel_loop3A_288, %parallel_loop3A_289, %parallel_loop3A_290], %parallel_loop3A_247 {strides = array<i32>} : memref<3x16x8x128xf32, #tpu.memory_space<vmem>>, vector<16xf32>,
            %parallel_loop3A_292 = arith.constant 1 : i32
            %parallel_loop3A_293 = vector.broadcast %parallel_loop3A_292 : i32 to vector<16xi32>
            %parallel_loop3A_294 = arith.addi %parallel_loop3A_219, %parallel_loop3A_293 : vector<16xi32>
            %parallel_loop3A_295 = tpu.vector_load_idx %arg5[%parallel_loop3A_294] : memref<68000xf32, #tpu.memory_space<vmem>>[vector<16xi32>], vector<16xf32>,
            %parallel_loop3A_296 = arith.constant 0 : i32
            %parallel_loop3A_297 = arith.index_cast %rem3A_127 : i32 to index
            %parallel_loop3A_298 = arith.index_cast %parallel_loop3A_296 : i32 to index
            %parallel_loop3A_299 = arith.index_cast %parallel_loop3A_179 : i32 to index
            %parallel_loop3A_300 = arith.constant 64 : index
            %parallel_loop3A_301 = tpu.vector_load %arg7[%parallel_loop3A_297, %parallel_loop3A_298, %parallel_loop3A_299, %parallel_loop3A_300] {strides = array<i32>} : memref<3x16x8x128xf32, #tpu.memory_space<vmem>>, vector<16xf32>,
            tpu.vector_store %arg7[%parallel_loop3A_297, %parallel_loop3A_298, %parallel_loop3A_299, %parallel_loop3A_300], %parallel_loop3A_248 {strides = array<i32>} : memref<3x16x8x128xf32, #tpu.memory_space<vmem>>, vector<16xf32>,
            %parallel_loop3A_302 = arith.constant 1 : i32
            %parallel_loop3A_303 = vector.broadcast %parallel_loop3A_302 : i32 to vector<16xi32>
            %parallel_loop3A_304 = arith.addi %parallel_loop3A_227, %parallel_loop3A_303 : vector<16xi32>
            %parallel_loop3A_305 = tpu.vector_load_idx %arg5[%parallel_loop3A_304] : memref<68000xf32, #tpu.memory_space<vmem>>[vector<16xi32>], vector<16xf32>,
            %parallel_loop3A_306 = arith.constant 0 : i32
            %parallel_loop3A_307 = arith.index_cast %rem3A_127 : i32 to index
            %parallel_loop3A_308 = arith.index_cast %parallel_loop3A_306 : i32 to index
            %parallel_loop3A_309 = arith.index_cast %parallel_loop3A_179 : i32 to index
            %parallel_loop3A_310 = arith.constant 80 : index
            %parallel_loop3A_311 = tpu.vector_load %arg7[%parallel_loop3A_307, %parallel_loop3A_308, %parallel_loop3A_309, %parallel_loop3A_310] {strides = array<i32>} : memref<3x16x8x128xf32, #tpu.memory_space<vmem>>, vector<16xf32>,
            tpu.vector_store %arg7[%parallel_loop3A_307, %parallel_loop3A_308, %parallel_loop3A_309, %parallel_loop3A_310], %parallel_loop3A_249 {strides = array<i32>} : memref<3x16x8x128xf32, #tpu.memory_space<vmem>>, vector<16xf32>,
            %parallel_loop3A_312 = arith.constant 1 : i32
            %parallel_loop3A_313 = vector.broadcast %parallel_loop3A_312 : i32 to vector<16xi32>
            %parallel_loop3A_314 = arith.addi %parallel_loop3A_235, %parallel_loop3A_313 : vector<16xi32>
            %parallel_loop3A_315 = tpu.vector_load_idx %arg5[%parallel_loop3A_314] : memref<68000xf32, #tpu.memory_space<vmem>>[vector<16xi32>], vector<16xf32>,
            %parallel_loop3A_316 = arith.constant 0 : i32
            %parallel_loop3A_317 = arith.index_cast %rem3A_127 : i32 to index
            %parallel_loop3A_318 = arith.index_cast %parallel_loop3A_316 : i32 to index
            %parallel_loop3A_319 = arith.index_cast %parallel_loop3A_179 : i32 to index
            %parallel_loop3A_320 = arith.constant 96 : index
            %parallel_loop3A_321 = tpu.vector_load %arg7[%parallel_loop3A_317, %parallel_loop3A_318, %parallel_loop3A_319, %parallel_loop3A_320] {strides = array<i32>} : memref<3x16x8x128xf32, #tpu.memory_space<vmem>>, vector<16xf32>,
            tpu.vector_store %arg7[%parallel_loop3A_317, %parallel_loop3A_318, %parallel_loop3A_319, %parallel_loop3A_320], %parallel_loop3A_250 {strides = array<i32>} : memref<3x16x8x128xf32, #tpu.memory_space<vmem>>, vector<16xf32>,
            %parallel_loop3A_322 = arith.constant 1 : i32
            %parallel_loop3A_323 = vector.broadcast %parallel_loop3A_322 : i32 to vector<16xi32>
            %parallel_loop3A_324 = arith.addi %parallel_loop3A_243, %parallel_loop3A_323 : vector<16xi32>
            %parallel_loop3A_325 = tpu.vector_load_idx %arg5[%parallel_loop3A_324] : memref<68000xf32, #tpu.memory_space<vmem>>[vector<16xi32>], vector<16xf32>,
            %parallel_loop3A_326 = arith.constant 0 : i32
            %parallel_loop3A_327 = arith.index_cast %rem3A_127 : i32 to index
            %parallel_loop3A_328 = arith.index_cast %parallel_loop3A_326 : i32 to index
            %parallel_loop3A_329 = arith.index_cast %parallel_loop3A_179 : i32 to index
            %parallel_loop3A_330 = arith.constant 112 : index
            %parallel_loop3A_331 = tpu.vector_load %arg7[%parallel_loop3A_327, %parallel_loop3A_328, %parallel_loop3A_329, %parallel_loop3A_330] {strides = array<i32>} : memref<3x16x8x128xf32, #tpu.memory_space<vmem>>, vector<16xf32>,
            tpu.vector_store %arg7[%parallel_loop3A_327, %parallel_loop3A_328, %parallel_loop3A_329, %parallel_loop3A_330], %parallel_loop3A_251 {strides = array<i32>} : memref<3x16x8x128xf32, #tpu.memory_space<vmem>>, vector<16xf32>,
            %parallel_loop3A_332 = arith.constant 2 : i32
            %parallel_loop3A_333 = vector.broadcast %parallel_loop3A_332 : i32 to vector<16xi32>
            %parallel_loop3A_334 = arith.addi %parallel_loop3A_187, %parallel_loop3A_333 : vector<16xi32>
            %parallel_loop3A_335 = tpu.vector_load_idx %arg5[%parallel_loop3A_334] : memref<68000xf32, #tpu.memory_space<vmem>>[vector<16xi32>], vector<16xf32>,
            %parallel_loop3A_336 = arith.constant 1 : i32
            %parallel_loop3A_337 = arith.index_cast %rem3A_127 : i32 to index
            %parallel_loop3A_338 = arith.index_cast %parallel_loop3A_336 : i32 to index
            %parallel_loop3A_339 = arith.index_cast %parallel_loop3A_179 : i32 to index
            %parallel_loop3A_340 = arith.constant 0 : index
            %parallel_loop3A_341 = tpu.vector_load %arg7[%parallel_loop3A_337, %parallel_loop3A_338, %parallel_loop3A_339, %parallel_loop3A_340] {strides = array<i32>} : memref<3x16x8x128xf32, #tpu.memory_space<vmem>>, vector<16xf32>,
            tpu.vector_store %arg7[%parallel_loop3A_337, %parallel_loop3A_338, %parallel_loop3A_339, %parallel_loop3A_340], %parallel_loop3A_255 {strides = array<i32>} : memref<3x16x8x128xf32, #tpu.memory_space<vmem>>, vector<16xf32>,
            %parallel_loop3A_342 = arith.constant 2 : i32
            %parallel_loop3A_343 = vector.broadcast %parallel_loop3A_342 : i32 to vector<16xi32>
            %parallel_loop3A_344 = arith.addi %parallel_loop3A_195, %parallel_loop3A_343 : vector<16xi32>
            %parallel_loop3A_345 = tpu.vector_load_idx %arg5[%parallel_loop3A_344] : memref<68000xf32, #tpu.memory_space<vmem>>[vector<16xi32>], vector<16xf32>,
            %parallel_loop3A_346 = arith.constant 1 : i32
            %parallel_loop3A_347 = arith.index_cast %rem3A_127 : i32 to index
            %parallel_loop3A_348 = arith.index_cast %parallel_loop3A_346 : i32 to index
            %parallel_loop3A_349 = arith.index_cast %parallel_loop3A_179 : i32 to index
            %parallel_loop3A_350 = arith.constant 16 : index
            %parallel_loop3A_351 = tpu.vector_load %arg7[%parallel_loop3A_347, %parallel_loop3A_348, %parallel_loop3A_349, %parallel_loop3A_350] {strides = array<i32>} : memref<3x16x8x128xf32, #tpu.memory_space<vmem>>, vector<16xf32>,
            tpu.vector_store %arg7[%parallel_loop3A_347, %parallel_loop3A_348, %parallel_loop3A_349, %parallel_loop3A_350], %parallel_loop3A_265 {strides = array<i32>} : memref<3x16x8x128xf32, #tpu.memory_space<vmem>>, vector<16xf32>,
            %parallel_loop3A_352 = arith.constant 2 : i32
            %parallel_loop3A_353 = vector.broadcast %parallel_loop3A_352 : i32 to vector<16xi32>
            %parallel_loop3A_354 = arith.addi %parallel_loop3A_203, %parallel_loop3A_353 : vector<16xi32>
            %parallel_loop3A_355 = tpu.vector_load_idx %arg5[%parallel_loop3A_354] : memref<68000xf32, #tpu.memory_space<vmem>>[vector<16xi32>], vector<16xf32>,
            %parallel_loop3A_356 = arith.constant 1 : i32
            %parallel_loop3A_357 = arith.index_cast %rem3A_127 : i32 to index
            %parallel_loop3A_358 = arith.index_cast %parallel_loop3A_356 : i32 to index
            %parallel_loop3A_359 = arith.index_cast %parallel_loop3A_179 : i32 to index
            %parallel_loop3A_360 = arith.constant 32 : index
            %parallel_loop3A_361 = tpu.vector_load %arg7[%parallel_loop3A_357, %parallel_loop3A_358, %parallel_loop3A_359, %parallel_loop3A_360] {strides = array<i32>} : memref<3x16x8x128xf32, #tpu.memory_space<vmem>>, vector<16xf32>,
            tpu.vector_store %arg7[%parallel_loop3A_357, %parallel_loop3A_358, %parallel_loop3A_359, %parallel_loop3A_360], %parallel_loop3A_275 {strides = array<i32>} : memref<3x16x8x128xf32, #tpu.memory_space<vmem>>, vector<16xf32>,
            %parallel_loop3A_362 = arith.constant 2 : i32
            %parallel_loop3A_363 = vector.broadcast %parallel_loop3A_362 : i32 to vector<16xi32>
            %parallel_loop3A_364 = arith.addi %parallel_loop3A_211, %parallel_loop3A_363 : vector<16xi32>
            %parallel_loop3A_365 = tpu.vector_load_idx %arg5[%parallel_loop3A_364] : memref<68000xf32, #tpu.memory_space<vmem>>[vector<16xi32>], vector<16xf32>,
            %parallel_loop3A_366 = arith.constant 1 : i32
            %parallel_loop3A_367 = arith.index_cast %rem3A_127 : i32 to index
            %parallel_loop3A_368 = arith.index_cast %parallel_loop3A_366 : i32 to index
            %parallel_loop3A_369 = arith.index_cast %parallel_loop3A_179 : i32 to index
            %parallel_loop3A_370 = arith.constant 48 : index
            %parallel_loop3A_371 = tpu.vector_load %arg7[%parallel_loop3A_367, %parallel_loop3A_368, %parallel_loop3A_369, %parallel_loop3A_370] {strides = array<i32>} : memref<3x16x8x128xf32, #tpu.memory_space<vmem>>, vector<16xf32>,
            tpu.vector_store %arg7[%parallel_loop3A_367, %parallel_loop3A_368, %parallel_loop3A_369, %parallel_loop3A_370], %parallel_loop3A_285 {strides = array<i32>} : memref<3x16x8x128xf32, #tpu.memory_space<vmem>>, vector<16xf32>,
            %parallel_loop3A_372 = arith.constant 2 : i32
            %parallel_loop3A_373 = vector.broadcast %parallel_loop3A_372 : i32 to vector<16xi32>
            %parallel_loop3A_374 = arith.addi %parallel_loop3A_219, %parallel_loop3A_373 : vector<16xi32>
            %parallel_loop3A_375 = tpu.vector_load_idx %arg5[%parallel_loop3A_374] : memref<68000xf32, #tpu.memory_space<vmem>>[vector<16xi32>], vector<16xf32>,
            %parallel_loop3A_376 = arith.constant 1 : i32
            %parallel_loop3A_377 = arith.index_cast %rem3A_127 : i32 to index
            %parallel_loop3A_378 = arith.index_cast %parallel_loop3A_376 : i32 to index
            %parallel_loop3A_379 = arith.index_cast %parallel_loop3A_179 : i32 to index
            %parallel_loop3A_380 = arith.constant 64 : index
            %parallel_loop3A_381 = tpu.vector_load %arg7[%parallel_loop3A_377, %parallel_loop3A_378, %parallel_loop3A_379, %parallel_loop3A_380] {strides = array<i32>} : memref<3x16x8x128xf32, #tpu.memory_space<vmem>>, vector<16xf32>,
            tpu.vector_store %arg7[%parallel_loop3A_377, %parallel_loop3A_378, %parallel_loop3A_379, %parallel_loop3A_380], %parallel_loop3A_295 {strides = array<i32>} : memref<3x16x8x128xf32, #tpu.memory_space<vmem>>, vector<16xf32>,
            %parallel_loop3A_382 = arith.constant 2 : i32
            %parallel_loop3A_383 = vector.broadcast %parallel_loop3A_382 : i32 to vector<16xi32>
            %parallel_loop3A_384 = arith.addi %parallel_loop3A_227, %parallel_loop3A_383 : vector<16xi32>
            %parallel_loop3A_385 = tpu.vector_load_idx %arg5[%parallel_loop3A_384] : memref<68000xf32, #tpu.memory_space<vmem>>[vector<16xi32>], vector<16xf32>,
            %parallel_loop3A_386 = arith.constant 1 : i32
            %parallel_loop3A_387 = arith.index_cast %rem3A_127 : i32 to index
            %parallel_loop3A_388 = arith.index_cast %parallel_loop3A_386 : i32 to index
            %parallel_loop3A_389 = arith.index_cast %parallel_loop3A_179 : i32 to index
            %parallel_loop3A_390 = arith.constant 80 : index
            %parallel_loop3A_391 = tpu.vector_load %arg7[%parallel_loop3A_387, %parallel_loop3A_388, %parallel_loop3A_389, %parallel_loop3A_390] {strides = array<i32>} : memref<3x16x8x128xf32, #tpu.memory_space<vmem>>, vector<16xf32>,
            tpu.vector_store %arg7[%parallel_loop3A_387, %parallel_loop3A_388, %parallel_loop3A_389, %parallel_loop3A_390], %parallel_loop3A_305 {strides = array<i32>} : memref<3x16x8x128xf32, #tpu.memory_space<vmem>>, vector<16xf32>,
            %parallel_loop3A_392 = arith.constant 2 : i32
            %parallel_loop3A_393 = vector.broadcast %parallel_loop3A_392 : i32 to vector<16xi32>
            %parallel_loop3A_394 = arith.addi %parallel_loop3A_235, %parallel_loop3A_393 : vector<16xi32>
            %parallel_loop3A_395 = tpu.vector_load_idx %arg5[%parallel_loop3A_394] : memref<68000xf32, #tpu.memory_space<vmem>>[vector<16xi32>], vector<16xf32>,
            %parallel_loop3A_396 = arith.constant 1 : i32
            %parallel_loop3A_397 = arith.index_cast %rem3A_127 : i32 to index
            %parallel_loop3A_398 = arith.index_cast %parallel_loop3A_396 : i32 to index
            %parallel_loop3A_399 = arith.index_cast %parallel_loop3A_179 : i32 to index
            %parallel_loop3A_400 = arith.constant 96 : index
            %parallel_loop3A_401 = tpu.vector_load %arg7[%parallel_loop3A_397, %parallel_loop3A_398, %parallel_loop3A_399, %parallel_loop3A_400] {strides = array<i32>} : memref<3x16x8x128xf32, #tpu.memory_space<vmem>>, vector<16xf32>,
            tpu.vector_store %arg7[%parallel_loop3A_397, %parallel_loop3A_398, %parallel_loop3A_399, %parallel_loop3A_400], %parallel_loop3A_315 {strides = array<i32>} : memref<3x16x8x128xf32, #tpu.memory_space<vmem>>, vector<16xf32>,
            %parallel_loop3A_402 = arith.constant 2 : i32
            %parallel_loop3A_403 = vector.broadcast %parallel_loop3A_402 : i32 to vector<16xi32>
            %parallel_loop3A_404 = arith.addi %parallel_loop3A_243, %parallel_loop3A_403 : vector<16xi32>
            %parallel_loop3A_405 = tpu.vector_load_idx %arg5[%parallel_loop3A_404] : memref<68000xf32, #tpu.memory_space<vmem>>[vector<16xi32>], vector<16xf32>,
            %parallel_loop3A_406 = arith.constant 1 : i32
            %parallel_loop3A_407 = arith.index_cast %rem3A_127 : i32 to index
            %parallel_loop3A_408 = arith.index_cast %parallel_loop3A_406 : i32 to index
            %parallel_loop3A_409 = arith.index_cast %parallel_loop3A_179 : i32 to index
            %parallel_loop3A_410 = arith.constant 112 : index
            %parallel_loop3A_411 = tpu.vector_load %arg7[%parallel_loop3A_407, %parallel_loop3A_408, %parallel_loop3A_409, %parallel_loop3A_410] {strides = array<i32>} : memref<3x16x8x128xf32, #tpu.memory_space<vmem>>, vector<16xf32>,
            tpu.vector_store %arg7[%parallel_loop3A_407, %parallel_loop3A_408, %parallel_loop3A_409, %parallel_loop3A_410], %parallel_loop3A_325 {strides = array<i32>} : memref<3x16x8x128xf32, #tpu.memory_space<vmem>>, vector<16xf32>,
            %parallel_loop3A_412 = arith.constant 3 : i32
            %parallel_loop3A_413 = vector.broadcast %parallel_loop3A_412 : i32 to vector<16xi32>
            %parallel_loop3A_414 = arith.addi %parallel_loop3A_187, %parallel_loop3A_413 : vector<16xi32>
            %parallel_loop3A_415 = tpu.vector_load_idx %arg5[%parallel_loop3A_414] : memref<68000xf32, #tpu.memory_space<vmem>>[vector<16xi32>], vector<16xf32>,
            %parallel_loop3A_416 = arith.constant 2 : i32
            %parallel_loop3A_417 = arith.index_cast %rem3A_127 : i32 to index
            %parallel_loop3A_418 = arith.index_cast %parallel_loop3A_416 : i32 to index
            %parallel_loop3A_419 = arith.index_cast %parallel_loop3A_179 : i32 to index
            %parallel_loop3A_420 = arith.constant 0 : index
            %parallel_loop3A_421 = tpu.vector_load %arg7[%parallel_loop3A_417, %parallel_loop3A_418, %parallel_loop3A_419, %parallel_loop3A_420] {strides = array<i32>} : memref<3x16x8x128xf32, #tpu.memory_space<vmem>>, vector<16xf32>,
            tpu.vector_store %arg7[%parallel_loop3A_417, %parallel_loop3A_418, %parallel_loop3A_419, %parallel_loop3A_420], %parallel_loop3A_335 {strides = array<i32>} : memref<3x16x8x128xf32, #tpu.memory_space<vmem>>, vector<16xf32>,
            %parallel_loop3A_422 = arith.constant 3 : i32
            %parallel_loop3A_423 = vector.broadcast %parallel_loop3A_422 : i32 to vector<16xi32>
            %parallel_loop3A_424 = arith.addi %parallel_loop3A_195, %parallel_loop3A_423 : vector<16xi32>
            %parallel_loop3A_425 = tpu.vector_load_idx %arg5[%parallel_loop3A_424] : memref<68000xf32, #tpu.memory_space<vmem>>[vector<16xi32>], vector<16xf32>,
            %parallel_loop3A_426 = arith.constant 2 : i32
            %parallel_loop3A_427 = arith.index_cast %rem3A_127 : i32 to index
            %parallel_loop3A_428 = arith.index_cast %parallel_loop3A_426 : i32 to index
            %parallel_loop3A_429 = arith.index_cast %parallel_loop3A_179 : i32 to index
            %parallel_loop3A_430 = arith.constant 16 : index
            %parallel_loop3A_431 = tpu.vector_load %arg7[%parallel_loop3A_427, %parallel_loop3A_428, %parallel_loop3A_429, %parallel_loop3A_430] {strides = array<i32>} : memref<3x16x8x128xf32, #tpu.memory_space<vmem>>, vector<16xf32>,
            tpu.vector_store %arg7[%parallel_loop3A_427, %parallel_loop3A_428, %parallel_loop3A_429, %parallel_loop3A_430], %parallel_loop3A_345 {strides = array<i32>} : memref<3x16x8x128xf32, #tpu.memory_space<vmem>>, vector<16xf32>,
            %parallel_loop3A_432 = arith.constant 3 : i32
            %parallel_loop3A_433 = vector.broadcast %parallel_loop3A_432 : i32 to vector<16xi32>
            %parallel_loop3A_434 = arith.addi %parallel_loop3A_203, %parallel_loop3A_433 : vector<16xi32>
            %parallel_loop3A_435 = tpu.vector_load_idx %arg5[%parallel_loop3A_434] : memref<68000xf32, #tpu.memory_space<vmem>>[vector<16xi32>], vector<16xf32>,
            %parallel_loop3A_436 = arith.constant 2 : i32
            %parallel_loop3A_437 = arith.index_cast %rem3A_127 : i32 to index
            %parallel_loop3A_438 = arith.index_cast %parallel_loop3A_436 : i32 to index
            %parallel_loop3A_439 = arith.index_cast %parallel_loop3A_179 : i32 to index
            %parallel_loop3A_440 = arith.constant 32 : index
            %parallel_loop3A_441 = tpu.vector_load %arg7[%parallel_loop3A_437, %parallel_loop3A_438, %parallel_loop3A_439, %parallel_loop3A_440] {strides = array<i32>} : memref<3x16x8x128xf32, #tpu.memory_space<vmem>>, vector<16xf32>,
            tpu.vector_store %arg7[%parallel_loop3A_437, %parallel_loop3A_438, %parallel_loop3A_439, %parallel_loop3A_440], %parallel_loop3A_355 {strides = array<i32>} : memref<3x16x8x128xf32, #tpu.memory_space<vmem>>, vector<16xf32>,
            %parallel_loop3A_442 = arith.constant 3 : i32
            %parallel_loop3A_443 = vector.broadcast %parallel_loop3A_442 : i32 to vector<16xi32>
            %parallel_loop3A_444 = arith.addi %parallel_loop3A_211, %parallel_loop3A_443 : vector<16xi32>
            %parallel_loop3A_445 = tpu.vector_load_idx %arg5[%parallel_loop3A_444] : memref<68000xf32, #tpu.memory_space<vmem>>[vector<16xi32>], vector<16xf32>,
            %parallel_loop3A_446 = arith.constant 2 : i32
            %parallel_loop3A_447 = arith.index_cast %rem3A_127 : i32 to index
            %parallel_loop3A_448 = arith.index_cast %parallel_loop3A_446 : i32 to index
            %parallel_loop3A_449 = arith.index_cast %parallel_loop3A_179 : i32 to index
            %parallel_loop3A_450 = arith.constant 48 : index
            %parallel_loop3A_451 = tpu.vector_load %arg7[%parallel_loop3A_447, %parallel_loop3A_448, %parallel_loop3A_449, %parallel_loop3A_450] {strides = array<i32>} : memref<3x16x8x128xf32, #tpu.memory_space<vmem>>, vector<16xf32>,
            tpu.vector_store %arg7[%parallel_loop3A_447, %parallel_loop3A_448, %parallel_loop3A_449, %parallel_loop3A_450], %parallel_loop3A_365 {strides = array<i32>} : memref<3x16x8x128xf32, #tpu.memory_space<vmem>>, vector<16xf32>,
            %parallel_loop3A_452 = arith.constant 3 : i32
            %parallel_loop3A_453 = vector.broadcast %parallel_loop3A_452 : i32 to vector<16xi32>
            %parallel_loop3A_454 = arith.addi %parallel_loop3A_219, %parallel_loop3A_453 : vector<16xi32>
            %parallel_loop3A_455 = tpu.vector_load_idx %arg5[%parallel_loop3A_454] : memref<68000xf32, #tpu.memory_space<vmem>>[vector<16xi32>], vector<16xf32>,
            %parallel_loop3A_456 = arith.constant 2 : i32
            %parallel_loop3A_457 = arith.index_cast %rem3A_127 : i32 to index
            %parallel_loop3A_458 = arith.index_cast %parallel_loop3A_456 : i32 to index
            %parallel_loop3A_459 = arith.index_cast %parallel_loop3A_179 : i32 to index
            %parallel_loop3A_460 = arith.constant 64 : index
            %parallel_loop3A_461 = tpu.vector_load %arg7[%parallel_loop3A_457, %parallel_loop3A_458, %parallel_loop3A_459, %parallel_loop3A_460] {strides = array<i32>} : memref<3x16x8x128xf32, #tpu.memory_space<vmem>>, vector<16xf32>,
            tpu.vector_store %arg7[%parallel_loop3A_457, %parallel_loop3A_458, %parallel_loop3A_459, %parallel_loop3A_460], %parallel_loop3A_375 {strides = array<i32>} : memref<3x16x8x128xf32, #tpu.memory_space<vmem>>, vector<16xf32>,
            %parallel_loop3A_462 = arith.constant 3 : i32
            %parallel_loop3A_463 = vector.broadcast %parallel_loop3A_462 : i32 to vector<16xi32>
            %parallel_loop3A_464 = arith.addi %parallel_loop3A_227, %parallel_loop3A_463 : vector<16xi32>
            %parallel_loop3A_465 = tpu.vector_load_idx %arg5[%parallel_loop3A_464] : memref<68000xf32, #tpu.memory_space<vmem>>[vector<16xi32>], vector<16xf32>,
            %parallel_loop3A_466 = arith.constant 2 : i32
            %parallel_loop3A_467 = arith.index_cast %rem3A_127 : i32 to index
            %parallel_loop3A_468 = arith.index_cast %parallel_loop3A_466 : i32 to index
            %parallel_loop3A_469 = arith.index_cast %parallel_loop3A_179 : i32 to index
            %parallel_loop3A_470 = arith.constant 80 : index
            %parallel_loop3A_471 = tpu.vector_load %arg7[%parallel_loop3A_467, %parallel_loop3A_468, %parallel_loop3A_469, %parallel_loop3A_470] {strides = array<i32>} : memref<3x16x8x128xf32, #tpu.memory_space<vmem>>, vector<16xf32>,
            tpu.vector_store %arg7[%parallel_loop3A_467, %parallel_loop3A_468, %parallel_loop3A_469, %parallel_loop3A_470], %parallel_loop3A_385 {strides = array<i32>} : memref<3x16x8x128xf32, #tpu.memory_space<vmem>>, vector<16xf32>,
            %parallel_loop3A_472 = arith.constant 3 : i32
            %parallel_loop3A_473 = vector.broadcast %parallel_loop3A_472 : i32 to vector<16xi32>
            %parallel_loop3A_474 = arith.addi %parallel_loop3A_235, %parallel_loop3A_473 : vector<16xi32>
            %parallel_loop3A_475 = tpu.vector_load_idx %arg5[%parallel_loop3A_474] : memref<68000xf32, #tpu.memory_space<vmem>>[vector<16xi32>], vector<16xf32>,
            %parallel_loop3A_476 = arith.constant 2 : i32
            %parallel_loop3A_477 = arith.index_cast %rem3A_127 : i32 to index
            %parallel_loop3A_478 = arith.index_cast %parallel_loop3A_476 : i32 to index
            %parallel_loop3A_479 = arith.index_cast %parallel_loop3A_179 : i32 to index
            %parallel_loop3A_480 = arith.constant 96 : index
            %parallel_loop3A_481 = tpu.vector_load %arg7[%parallel_loop3A_477, %parallel_loop3A_478, %parallel_loop3A_479, %parallel_loop3A_480] {strides = array<i32>} : memref<3x16x8x128xf32, #tpu.memory_space<vmem>>, vector<16xf32>,
            tpu.vector_store %arg7[%parallel_loop3A_477, %parallel_loop3A_478, %parallel_loop3A_479, %parallel_loop3A_480], %parallel_loop3A_395 {strides = array<i32>} : memref<3x16x8x128xf32, #tpu.memory_space<vmem>>, vector<16xf32>,
            %parallel_loop3A_482 = arith.constant 3 : i32
            %parallel_loop3A_483 = vector.broadcast %parallel_loop3A_482 : i32 to vector<16xi32>
            %parallel_loop3A_484 = arith.addi %parallel_loop3A_243, %parallel_loop3A_483 : vector<16xi32>
            %parallel_loop3A_485 = tpu.vector_load_idx %arg5[%parallel_loop3A_484] : memref<68000xf32, #tpu.memory_space<vmem>>[vector<16xi32>], vector<16xf32>,
            %parallel_loop3A_486 = arith.constant 2 : i32
            %parallel_loop3A_487 = arith.index_cast %rem3A_127 : i32 to index
            %parallel_loop3A_488 = arith.index_cast %parallel_loop3A_486 : i32 to index
            %parallel_loop3A_489 = arith.index_cast %parallel_loop3A_179 : i32 to index
            %parallel_loop3A_490 = arith.constant 112 : index
            %parallel_loop3A_491 = tpu.vector_load %arg7[%parallel_loop3A_487, %parallel_loop3A_488, %parallel_loop3A_489, %parallel_loop3A_490] {strides = array<i32>} : memref<3x16x8x128xf32, #tpu.memory_space<vmem>>, vector<16xf32>,
            tpu.vector_store %arg7[%parallel_loop3A_487, %parallel_loop3A_488, %parallel_loop3A_489, %parallel_loop3A_490], %parallel_loop3A_405 {strides = array<i32>} : memref<3x16x8x128xf32, #tpu.memory_space<vmem>>, vector<16xf32>,
            %parallel_loop3A_492 = arith.constant 4 : i32
            %parallel_loop3A_493 = vector.broadcast %parallel_loop3A_492 : i32 to vector<16xi32>
            %parallel_loop3A_494 = arith.addi %parallel_loop3A_187, %parallel_loop3A_493 : vector<16xi32>
            %parallel_loop3A_495 = tpu.vector_load_idx %arg5[%parallel_loop3A_494] : memref<68000xf32, #tpu.memory_space<vmem>>[vector<16xi32>], vector<16xf32>,
            %parallel_loop3A_496 = arith.constant 3 : i32
            %parallel_loop3A_497 = arith.index_cast %rem3A_127 : i32 to index
            %parallel_loop3A_498 = arith.index_cast %parallel_loop3A_496 : i32 to index
            %parallel_loop3A_499 = arith.index_cast %parallel_loop3A_179 : i32 to index
            %parallel_loop3A_500 = arith.constant 0 : index
            %parallel_loop3A_501 = tpu.vector_load %arg7[%parallel_loop3A_497, %parallel_loop3A_498, %parallel_loop3A_499, %parallel_loop3A_500] {strides = array<i32>} : memref<3x16x8x128xf32, #tpu.memory_space<vmem>>, vector<16xf32>,
            tpu.vector_store %arg7[%parallel_loop3A_497, %parallel_loop3A_498, %parallel_loop3A_499, %parallel_loop3A_500], %parallel_loop3A_415 {strides = array<i32>} : memref<3x16x8x128xf32, #tpu.memory_space<vmem>>, vector<16xf32>,
            %parallel_loop3A_502 = arith.constant 4 : i32
            %parallel_loop3A_503 = vector.broadcast %parallel_loop3A_502 : i32 to vector<16xi32>
            %parallel_loop3A_504 = arith.addi %parallel_loop3A_195, %parallel_loop3A_503 : vector<16xi32>
            %parallel_loop3A_505 = tpu.vector_load_idx %arg5[%parallel_loop3A_504] : memref<68000xf32, #tpu.memory_space<vmem>>[vector<16xi32>], vector<16xf32>,
            %parallel_loop3A_506 = arith.constant 3 : i32
            %parallel_loop3A_507 = arith.index_cast %rem3A_127 : i32 to index
            %parallel_loop3A_508 = arith.index_cast %parallel_loop3A_506 : i32 to index
            %parallel_loop3A_509 = arith.index_cast %parallel_loop3A_179 : i32 to index
            %parallel_loop3A_510 = arith.constant 16 : index
            %parallel_loop3A_511 = tpu.vector_load %arg7[%parallel_loop3A_507, %parallel_loop3A_508, %parallel_loop3A_509, %parallel_loop3A_510] {strides = array<i32>} : memref<3x16x8x128xf32, #tpu.memory_space<vmem>>, vector<16xf32>,
            tpu.vector_store %arg7[%parallel_loop3A_507, %parallel_loop3A_508, %parallel_loop3A_509, %parallel_loop3A_510], %parallel_loop3A_425 {strides = array<i32>} : memref<3x16x8x128xf32, #tpu.memory_space<vmem>>, vector<16xf32>,
            %parallel_loop3A_512 = arith.constant 4 : i32
            %parallel_loop3A_513 = vector.broadcast %parallel_loop3A_512 : i32 to vector<16xi32>
            %parallel_loop3A_514 = arith.addi %parallel_loop3A_203, %parallel_loop3A_513 : vector<16xi32>
            %parallel_loop3A_515 = tpu.vector_load_idx %arg5[%parallel_loop3A_514] : memref<68000xf32, #tpu.memory_space<vmem>>[vector<16xi32>], vector<16xf32>,
            %parallel_loop3A_516 = arith.constant 3 : i32
            %parallel_loop3A_517 = arith.index_cast %rem3A_127 : i32 to index
            %parallel_loop3A_518 = arith.index_cast %parallel_loop3A_516 : i32 to index
            %parallel_loop3A_519 = arith.index_cast %parallel_loop3A_179 : i32 to index
            %parallel_loop3A_520 = arith.constant 32 : index
            %parallel_loop3A_521 = tpu.vector_load %arg7[%parallel_loop3A_517, %parallel_loop3A_518, %parallel_loop3A_519, %parallel_loop3A_520] {strides = array<i32>} : memref<3x16x8x128xf32, #tpu.memory_space<vmem>>, vector<16xf32>,
            tpu.vector_store %arg7[%parallel_loop3A_517, %parallel_loop3A_518, %parallel_loop3A_519, %parallel_loop3A_520], %parallel_loop3A_435 {strides = array<i32>} : memref<3x16x8x128xf32, #tpu.memory_space<vmem>>, vector<16xf32>,
            %parallel_loop3A_522 = arith.constant 4 : i32
            %parallel_loop3A_523 = vector.broadcast %parallel_loop3A_522 : i32 to vector<16xi32>
            %parallel_loop3A_524 = arith.addi %parallel_loop3A_211, %parallel_loop3A_523 : vector<16xi32>
            %parallel_loop3A_525 = tpu.vector_load_idx %arg5[%parallel_loop3A_524] : memref<68000xf32, #tpu.memory_space<vmem>>[vector<16xi32>], vector<16xf32>,
            %parallel_loop3A_526 = arith.constant 3 : i32
            %parallel_loop3A_527 = arith.index_cast %rem3A_127 : i32 to index
            %parallel_loop3A_528 = arith.index_cast %parallel_loop3A_526 : i32 to index
            %parallel_loop3A_529 = arith.index_cast %parallel_loop3A_179 : i32 to index
            %parallel_loop3A_530 = arith.constant 48 : index
            %parallel_loop3A_531 = tpu.vector_load %arg7[%parallel_loop3A_527, %parallel_loop3A_528, %parallel_loop3A_529, %parallel_loop3A_530] {strides = array<i32>} : memref<3x16x8x128xf32, #tpu.memory_space<vmem>>, vector<16xf32>,
            tpu.vector_store %arg7[%parallel_loop3A_527, %parallel_loop3A_528, %parallel_loop3A_529, %parallel_loop3A_530], %parallel_loop3A_445 {strides = array<i32>} : memref<3x16x8x128xf32, #tpu.memory_space<vmem>>, vector<16xf32>,
            %parallel_loop3A_532 = arith.constant 4 : i32
            %parallel_loop3A_533 = vector.broadcast %parallel_loop3A_532 : i32 to vector<16xi32>
            %parallel_loop3A_534 = arith.addi %parallel_loop3A_219, %parallel_loop3A_533 : vector<16xi32>
            %parallel_loop3A_535 = tpu.vector_load_idx %arg5[%parallel_loop3A_534] : memref<68000xf32, #tpu.memory_space<vmem>>[vector<16xi32>], vector<16xf32>,
            %parallel_loop3A_536 = arith.constant 3 : i32
            %parallel_loop3A_537 = arith.index_cast %rem3A_127 : i32 to index
            %parallel_loop3A_538 = arith.index_cast %parallel_loop3A_536 : i32 to index
            %parallel_loop3A_539 = arith.index_cast %parallel_loop3A_179 : i32 to index
            %parallel_loop3A_540 = arith.constant 64 : index
            %parallel_loop3A_541 = tpu.vector_load %arg7[%parallel_loop3A_537, %parallel_loop3A_538, %parallel_loop3A_539, %parallel_loop3A_540] {strides = array<i32>} : memref<3x16x8x128xf32, #tpu.memory_space<vmem>>, vector<16xf32>,
            tpu.vector_store %arg7[%parallel_loop3A_537, %parallel_loop3A_538, %parallel_loop3A_539, %parallel_loop3A_540], %parallel_loop3A_455 {strides = array<i32>} : memref<3x16x8x128xf32, #tpu.memory_space<vmem>>, vector<16xf32>,
            %parallel_loop3A_542 = arith.constant 4 : i32
            %parallel_loop3A_543 = vector.broadcast %parallel_loop3A_542 : i32 to vector<16xi32>
            %parallel_loop3A_544 = arith.addi %parallel_loop3A_227, %parallel_loop3A_543 : vector<16xi32>
            %parallel_loop3A_545 = tpu.vector_load_idx %arg5[%parallel_loop3A_544] : memref<68000xf32, #tpu.memory_space<vmem>>[vector<16xi32>], vector<16xf32>,
            %parallel_loop3A_546 = arith.constant 3 : i32
            %parallel_loop3A_547 = arith.index_cast %rem3A_127 : i32 to index
            %parallel_loop3A_548 = arith.index_cast %parallel_loop3A_546 : i32 to index
            %parallel_loop3A_549 = arith.index_cast %parallel_loop3A_179 : i32 to index
            %parallel_loop3A_550 = arith.constant 80 : index
            %parallel_loop3A_551 = tpu.vector_load %arg7[%parallel_loop3A_547, %parallel_loop3A_548, %parallel_loop3A_549, %parallel_loop3A_550] {strides = array<i32>} : memref<3x16x8x128xf32, #tpu.memory_space<vmem>>, vector<16xf32>,
            tpu.vector_store %arg7[%parallel_loop3A_547, %parallel_loop3A_548, %parallel_loop3A_549, %parallel_loop3A_550], %parallel_loop3A_465 {strides = array<i32>} : memref<3x16x8x128xf32, #tpu.memory_space<vmem>>, vector<16xf32>,
            %parallel_loop3A_552 = arith.constant 4 : i32
            %parallel_loop3A_553 = vector.broadcast %parallel_loop3A_552 : i32 to vector<16xi32>
            %parallel_loop3A_554 = arith.addi %parallel_loop3A_235, %parallel_loop3A_553 : vector<16xi32>
            %parallel_loop3A_555 = tpu.vector_load_idx %arg5[%parallel_loop3A_554] : memref<68000xf32, #tpu.memory_space<vmem>>[vector<16xi32>], vector<16xf32>,
            %parallel_loop3A_556 = arith.constant 3 : i32
            %parallel_loop3A_557 = arith.index_cast %rem3A_127 : i32 to index
            %parallel_loop3A_558 = arith.index_cast %parallel_loop3A_556 : i32 to index
            %parallel_loop3A_559 = arith.index_cast %parallel_loop3A_179 : i32 to index
            %parallel_loop3A_560 = arith.constant 96 : index
            %parallel_loop3A_561 = tpu.vector_load %arg7[%parallel_loop3A_557, %parallel_loop3A_558, %parallel_loop3A_559, %parallel_loop3A_560] {strides = array<i32>} : memref<3x16x8x128xf32, #tpu.memory_space<vmem>>, vector<16xf32>,
            tpu.vector_store %arg7[%parallel_loop3A_557, %parallel_loop3A_558, %parallel_loop3A_559, %parallel_loop3A_560], %parallel_loop3A_475 {strides = array<i32>} : memref<3x16x8x128xf32, #tpu.memory_space<vmem>>, vector<16xf32>,
            %parallel_loop3A_562 = arith.constant 4 : i32
            %parallel_loop3A_563 = vector.broadcast %parallel_loop3A_562 : i32 to vector<16xi32>
            %parallel_loop3A_564 = arith.addi %parallel_loop3A_243, %parallel_loop3A_563 : vector<16xi32>
            %parallel_loop3A_565 = tpu.vector_load_idx %arg5[%parallel_loop3A_564] : memref<68000xf32, #tpu.memory_space<vmem>>[vector<16xi32>], vector<16xf32>,
            %parallel_loop3A_566 = arith.constant 3 : i32
            %parallel_loop3A_567 = arith.index_cast %rem3A_127 : i32 to index
            %parallel_loop3A_568 = arith.index_cast %parallel_loop3A_566 : i32 to index
            %parallel_loop3A_569 = arith.index_cast %parallel_loop3A_179 : i32 to index
            %parallel_loop3A_570 = arith.constant 112 : index
            %parallel_loop3A_571 = tpu.vector_load %arg7[%parallel_loop3A_567, %parallel_loop3A_568, %parallel_loop3A_569, %parallel_loop3A_570] {strides = array<i32>} : memref<3x16x8x128xf32, #tpu.memory_space<vmem>>, vector<16xf32>,
            tpu.vector_store %arg7[%parallel_loop3A_567, %parallel_loop3A_568, %parallel_loop3A_569, %parallel_loop3A_570], %parallel_loop3A_485 {strides = array<i32>} : memref<3x16x8x128xf32, #tpu.memory_space<vmem>>, vector<16xf32>,
            %parallel_loop3A_572 = arith.constant 5 : i32
            %parallel_loop3A_573 = vector.broadcast %parallel_loop3A_572 : i32 to vector<16xi32>
            %parallel_loop3A_574 = arith.addi %parallel_loop3A_187, %parallel_loop3A_573 : vector<16xi32>
            %parallel_loop3A_575 = tpu.vector_load_idx %arg5[%parallel_loop3A_574] : memref<68000xf32, #tpu.memory_space<vmem>>[vector<16xi32>], vector<16xf32>,
            %parallel_loop3A_576 = arith.constant 4 : i32
            %parallel_loop3A_577 = arith.index_cast %rem3A_127 : i32 to index
            %parallel_loop3A_578 = arith.index_cast %parallel_loop3A_576 : i32 to index
            %parallel_loop3A_579 = arith.index_cast %parallel_loop3A_179 : i32 to index
            %parallel_loop3A_580 = arith.constant 0 : index
            %parallel_loop3A_581 = tpu.vector_load %arg7[%parallel_loop3A_577, %parallel_loop3A_578, %parallel_loop3A_579, %parallel_loop3A_580] {strides = array<i32>} : memref<3x16x8x128xf32, #tpu.memory_space<vmem>>, vector<16xf32>,
            tpu.vector_store %arg7[%parallel_loop3A_577, %parallel_loop3A_578, %parallel_loop3A_579, %parallel_loop3A_580], %parallel_loop3A_495 {strides = array<i32>} : memref<3x16x8x128xf32, #tpu.memory_space<vmem>>, vector<16xf32>,
            %parallel_loop3A_582 = arith.constant 5 : i32
            %parallel_loop3A_583 = vector.broadcast %parallel_loop3A_582 : i32 to vector<16xi32>
            %parallel_loop3A_584 = arith.addi %parallel_loop3A_195, %parallel_loop3A_583 : vector<16xi32>
            %parallel_loop3A_585 = tpu.vector_load_idx %arg5[%parallel_loop3A_584] : memref<68000xf32, #tpu.memory_space<vmem>>[vector<16xi32>], vector<16xf32>,
            %parallel_loop3A_586 = arith.constant 4 : i32
            %parallel_loop3A_587 = arith.index_cast %rem3A_127 : i32 to index
            %parallel_loop3A_588 = arith.index_cast %parallel_loop3A_586 : i32 to index
            %parallel_loop3A_589 = arith.index_cast %parallel_loop3A_179 : i32 to index
            %parallel_loop3A_590 = arith.constant 16 : index
            %parallel_loop3A_591 = tpu.vector_load %arg7[%parallel_loop3A_587, %parallel_loop3A_588, %parallel_loop3A_589, %parallel_loop3A_590] {strides = array<i32>} : memref<3x16x8x128xf32, #tpu.memory_space<vmem>>, vector<16xf32>,
            tpu.vector_store %arg7[%parallel_loop3A_587, %parallel_loop3A_588, %parallel_loop3A_589, %parallel_loop3A_590], %parallel_loop3A_505 {strides = array<i32>} : memref<3x16x8x128xf32, #tpu.memory_space<vmem>>, vector<16xf32>,
            %parallel_loop3A_592 = arith.constant 5 : i32
            %parallel_loop3A_593 = vector.broadcast %parallel_loop3A_592 : i32 to vector<16xi32>
            %parallel_loop3A_594 = arith.addi %parallel_loop3A_203, %parallel_loop3A_593 : vector<16xi32>
            %parallel_loop3A_595 = tpu.vector_load_idx %arg5[%parallel_loop3A_594] : memref<68000xf32, #tpu.memory_space<vmem>>[vector<16xi32>], vector<16xf32>,
            %parallel_loop3A_596 = arith.constant 4 : i32
            %parallel_loop3A_597 = arith.index_cast %rem3A_127 : i32 to index
            %parallel_loop3A_598 = arith.index_cast %parallel_loop3A_596 : i32 to index
            %parallel_loop3A_599 = arith.index_cast %parallel_loop3A_179 : i32 to index
            %parallel_loop3A_600 = arith.constant 32 : index
            %parallel_loop3A_601 = tpu.vector_load %arg7[%parallel_loop3A_597, %parallel_loop3A_598, %parallel_loop3A_599, %parallel_loop3A_600] {strides = array<i32>} : memref<3x16x8x128xf32, #tpu.memory_space<vmem>>, vector<16xf32>,
            tpu.vector_store %arg7[%parallel_loop3A_597, %parallel_loop3A_598, %parallel_loop3A_599, %parallel_loop3A_600], %parallel_loop3A_515 {strides = array<i32>} : memref<3x16x8x128xf32, #tpu.memory_space<vmem>>, vector<16xf32>,
            %parallel_loop3A_602 = arith.constant 5 : i32
            %parallel_loop3A_603 = vector.broadcast %parallel_loop3A_602 : i32 to vector<16xi32>
            %parallel_loop3A_604 = arith.addi %parallel_loop3A_211, %parallel_loop3A_603 : vector<16xi32>
            %parallel_loop3A_605 = tpu.vector_load_idx %arg5[%parallel_loop3A_604] : memref<68000xf32, #tpu.memory_space<vmem>>[vector<16xi32>], vector<16xf32>,
            %parallel_loop3A_606 = arith.constant 4 : i32
            %parallel_loop3A_607 = arith.index_cast %rem3A_127 : i32 to index
            %parallel_loop3A_608 = arith.index_cast %parallel_loop3A_606 : i32 to index
            %parallel_loop3A_609 = arith.index_cast %parallel_loop3A_179 : i32 to index
            %parallel_loop3A_610 = arith.constant 48 : index
            %parallel_loop3A_611 = tpu.vector_load %arg7[%parallel_loop3A_607, %parallel_loop3A_608, %parallel_loop3A_609, %parallel_loop3A_610] {strides = array<i32>} : memref<3x16x8x128xf32, #tpu.memory_space<vmem>>, vector<16xf32>,
            tpu.vector_store %arg7[%parallel_loop3A_607, %parallel_loop3A_608, %parallel_loop3A_609, %parallel_loop3A_610], %parallel_loop3A_525 {strides = array<i32>} : memref<3x16x8x128xf32, #tpu.memory_space<vmem>>, vector<16xf32>,
            %parallel_loop3A_612 = arith.constant 5 : i32
            %parallel_loop3A_613 = vector.broadcast %parallel_loop3A_612 : i32 to vector<16xi32>
            %parallel_loop3A_614 = arith.addi %parallel_loop3A_219, %parallel_loop3A_613 : vector<16xi32>
            %parallel_loop3A_615 = tpu.vector_load_idx %arg5[%parallel_loop3A_614] : memref<68000xf32, #tpu.memory_space<vmem>>[vector<16xi32>], vector<16xf32>,
            %parallel_loop3A_616 = arith.constant 4 : i32
            %parallel_loop3A_617 = arith.index_cast %rem3A_127 : i32 to index
            %parallel_loop3A_618 = arith.index_cast %parallel_loop3A_616 : i32 to index
            %parallel_loop3A_619 = arith.index_cast %parallel_loop3A_179 : i32 to index
            %parallel_loop3A_620 = arith.constant 64 : index
            %parallel_loop3A_621 = tpu.vector_load %arg7[%parallel_loop3A_617, %parallel_loop3A_618, %parallel_loop3A_619, %parallel_loop3A_620] {strides = array<i32>} : memref<3x16x8x128xf32, #tpu.memory_space<vmem>>, vector<16xf32>,
            tpu.vector_store %arg7[%parallel_loop3A_617, %parallel_loop3A_618, %parallel_loop3A_619, %parallel_loop3A_620], %parallel_loop3A_535 {strides = array<i32>} : memref<3x16x8x128xf32, #tpu.memory_space<vmem>>, vector<16xf32>,
            %parallel_loop3A_622 = arith.constant 5 : i32
            %parallel_loop3A_623 = vector.broadcast %parallel_loop3A_622 : i32 to vector<16xi32>
            %parallel_loop3A_624 = arith.addi %parallel_loop3A_227, %parallel_loop3A_623 : vector<16xi32>
            %parallel_loop3A_625 = tpu.vector_load_idx %arg5[%parallel_loop3A_624] : memref<68000xf32, #tpu.memory_space<vmem>>[vector<16xi32>], vector<16xf32>,
            %parallel_loop3A_626 = arith.constant 4 : i32
            %parallel_loop3A_627 = arith.index_cast %rem3A_127 : i32 to index
            %parallel_loop3A_628 = arith.index_cast %parallel_loop3A_626 : i32 to index
            %parallel_loop3A_629 = arith.index_cast %parallel_loop3A_179 : i32 to index
            %parallel_loop3A_630 = arith.constant 80 : index
            %parallel_loop3A_631 = tpu.vector_load %arg7[%parallel_loop3A_627, %parallel_loop3A_628, %parallel_loop3A_629, %parallel_loop3A_630] {strides = array<i32>} : memref<3x16x8x128xf32, #tpu.memory_space<vmem>>, vector<16xf32>,
            tpu.vector_store %arg7[%parallel_loop3A_627, %parallel_loop3A_628, %parallel_loop3A_629, %parallel_loop3A_630], %parallel_loop3A_545 {strides = array<i32>} : memref<3x16x8x128xf32, #tpu.memory_space<vmem>>, vector<16xf32>,
            %parallel_loop3A_632 = arith.constant 5 : i32
            %parallel_loop3A_633 = vector.broadcast %parallel_loop3A_632 : i32 to vector<16xi32>
            %parallel_loop3A_634 = arith.addi %parallel_loop3A_235, %parallel_loop3A_633 : vector<16xi32>
            %parallel_loop3A_635 = tpu.vector_load_idx %arg5[%parallel_loop3A_634] : memref<68000xf32, #tpu.memory_space<vmem>>[vector<16xi32>], vector<16xf32>,
            %parallel_loop3A_636 = arith.constant 4 : i32
            %parallel_loop3A_637 = arith.index_cast %rem3A_127 : i32 to index
            %parallel_loop3A_638 = arith.index_cast %parallel_loop3A_636 : i32 to index
            %parallel_loop3A_639 = arith.index_cast %parallel_loop3A_179 : i32 to index
            %parallel_loop3A_640 = arith.constant 96 : index
            %parallel_loop3A_641 = tpu.vector_load %arg7[%parallel_loop3A_637, %parallel_loop3A_638, %parallel_loop3A_639, %parallel_loop3A_640] {strides = array<i32>} : memref<3x16x8x128xf32, #tpu.memory_space<vmem>>, vector<16xf32>,
            tpu.vector_store %arg7[%parallel_loop3A_637, %parallel_loop3A_638, %parallel_loop3A_639, %parallel_loop3A_640], %parallel_loop3A_555 {strides = array<i32>} : memref<3x16x8x128xf32, #tpu.memory_space<vmem>>, vector<16xf32>,
            %parallel_loop3A_642 = arith.constant 5 : i32
            %parallel_loop3A_643 = vector.broadcast %parallel_loop3A_642 : i32 to vector<16xi32>
            %parallel_loop3A_644 = arith.addi %parallel_loop3A_243, %parallel_loop3A_643 : vector<16xi32>
            %parallel_loop3A_645 = tpu.vector_load_idx %arg5[%parallel_loop3A_644] : memref<68000xf32, #tpu.memory_space<vmem>>[vector<16xi32>], vector<16xf32>,
            %parallel_loop3A_646 = arith.constant 4 : i32
            %parallel_loop3A_647 = arith.index_cast %rem3A_127 : i32 to index
            %parallel_loop3A_648 = arith.index_cast %parallel_loop3A_646 : i32 to index
            %parallel_loop3A_649 = arith.index_cast %parallel_loop3A_179 : i32 to index
            %parallel_loop3A_650 = arith.constant 112 : index
            %parallel_loop3A_651 = tpu.vector_load %arg7[%parallel_loop3A_647, %parallel_loop3A_648, %parallel_loop3A_649, %parallel_loop3A_650] {strides = array<i32>} : memref<3x16x8x128xf32, #tpu.memory_space<vmem>>, vector<16xf32>,
            tpu.vector_store %arg7[%parallel_loop3A_647, %parallel_loop3A_648, %parallel_loop3A_649, %parallel_loop3A_650], %parallel_loop3A_565 {strides = array<i32>} : memref<3x16x8x128xf32, #tpu.memory_space<vmem>>, vector<16xf32>,
            %parallel_loop3A_652 = arith.constant 6 : i32
            %parallel_loop3A_653 = vector.broadcast %parallel_loop3A_652 : i32 to vector<16xi32>
            %parallel_loop3A_654 = arith.addi %parallel_loop3A_187, %parallel_loop3A_653 : vector<16xi32>
            %parallel_loop3A_655 = tpu.vector_load_idx %arg5[%parallel_loop3A_654] : memref<68000xf32, #tpu.memory_space<vmem>>[vector<16xi32>], vector<16xf32>,
            %parallel_loop3A_656 = arith.constant 5 : i32
            %parallel_loop3A_657 = arith.index_cast %rem3A_127 : i32 to index
            %parallel_loop3A_658 = arith.index_cast %parallel_loop3A_656 : i32 to index
            %parallel_loop3A_659 = arith.index_cast %parallel_loop3A_179 : i32 to index
            %parallel_loop3A_660 = arith.constant 0 : index
            %parallel_loop3A_661 = tpu.vector_load %arg7[%parallel_loop3A_657, %parallel_loop3A_658, %parallel_loop3A_659, %parallel_loop3A_660] {strides = array<i32>} : memref<3x16x8x128xf32, #tpu.memory_space<vmem>>, vector<16xf32>,
            tpu.vector_store %arg7[%parallel_loop3A_657, %parallel_loop3A_658, %parallel_loop3A_659, %parallel_loop3A_660], %parallel_loop3A_575 {strides = array<i32>} : memref<3x16x8x128xf32, #tpu.memory_space<vmem>>, vector<16xf32>,
            %parallel_loop3A_662 = arith.constant 6 : i32
            %parallel_loop3A_663 = vector.broadcast %parallel_loop3A_662 : i32 to vector<16xi32>
            %parallel_loop3A_664 = arith.addi %parallel_loop3A_195, %parallel_loop3A_663 : vector<16xi32>
            %parallel_loop3A_665 = tpu.vector_load_idx %arg5[%parallel_loop3A_664] : memref<68000xf32, #tpu.memory_space<vmem>>[vector<16xi32>], vector<16xf32>,
            %parallel_loop3A_666 = arith.constant 5 : i32
            %parallel_loop3A_667 = arith.index_cast %rem3A_127 : i32 to index
            %parallel_loop3A_668 = arith.index_cast %parallel_loop3A_666 : i32 to index
            %parallel_loop3A_669 = arith.index_cast %parallel_loop3A_179 : i32 to index
            %parallel_loop3A_670 = arith.constant 16 : index
            %parallel_loop3A_671 = tpu.vector_load %arg7[%parallel_loop3A_667, %parallel_loop3A_668, %parallel_loop3A_669, %parallel_loop3A_670] {strides = array<i32>} : memref<3x16x8x128xf32, #tpu.memory_space<vmem>>, vector<16xf32>,
            tpu.vector_store %arg7[%parallel_loop3A_667, %parallel_loop3A_668, %parallel_loop3A_669, %parallel_loop3A_670], %parallel_loop3A_585 {strides = array<i32>} : memref<3x16x8x128xf32, #tpu.memory_space<vmem>>, vector<16xf32>,
            %parallel_loop3A_672 = arith.constant 6 : i32
            %parallel_loop3A_673 = vector.broadcast %parallel_loop3A_672 : i32 to vector<16xi32>
            %parallel_loop3A_674 = arith.addi %parallel_loop3A_203, %parallel_loop3A_673 : vector<16xi32>
            %parallel_loop3A_675 = tpu.vector_load_idx %arg5[%parallel_loop3A_674] : memref<68000xf32, #tpu.memory_space<vmem>>[vector<16xi32>], vector<16xf32>,
            %parallel_loop3A_676 = arith.constant 5 : i32
            %parallel_loop3A_677 = arith.index_cast %rem3A_127 : i32 to index
            %parallel_loop3A_678 = arith.index_cast %parallel_loop3A_676 : i32 to index
            %parallel_loop3A_679 = arith.index_cast %parallel_loop3A_179 : i32 to index
            %parallel_loop3A_680 = arith.constant 32 : index
            %parallel_loop3A_681 = tpu.vector_load %arg7[%parallel_loop3A_677, %parallel_loop3A_678, %parallel_loop3A_679, %parallel_loop3A_680] {strides = array<i32>} : memref<3x16x8x128xf32, #tpu.memory_space<vmem>>, vector<16xf32>,
            tpu.vector_store %arg7[%parallel_loop3A_677, %parallel_loop3A_678, %parallel_loop3A_679, %parallel_loop3A_680], %parallel_loop3A_595 {strides = array<i32>} : memref<3x16x8x128xf32, #tpu.memory_space<vmem>>, vector<16xf32>,
            %parallel_loop3A_682 = arith.constant 6 : i32
            %parallel_loop3A_683 = vector.broadcast %parallel_loop3A_682 : i32 to vector<16xi32>
            %parallel_loop3A_684 = arith.addi %parallel_loop3A_211, %parallel_loop3A_683 : vector<16xi32>
            %parallel_loop3A_685 = tpu.vector_load_idx %arg5[%parallel_loop3A_684] : memref<68000xf32, #tpu.memory_space<vmem>>[vector<16xi32>], vector<16xf32>,
            %parallel_loop3A_686 = arith.constant 5 : i32
            %parallel_loop3A_687 = arith.index_cast %rem3A_127 : i32 to index
            %parallel_loop3A_688 = arith.index_cast %parallel_loop3A_686 : i32 to index
            %parallel_loop3A_689 = arith.index_cast %parallel_loop3A_179 : i32 to index
            %parallel_loop3A_690 = arith.constant 48 : index
            %parallel_loop3A_691 = tpu.vector_load %arg7[%parallel_loop3A_687, %parallel_loop3A_688, %parallel_loop3A_689, %parallel_loop3A_690] {strides = array<i32>} : memref<3x16x8x128xf32, #tpu.memory_space<vmem>>, vector<16xf32>,
            tpu.vector_store %arg7[%parallel_loop3A_687, %parallel_loop3A_688, %parallel_loop3A_689, %parallel_loop3A_690], %parallel_loop3A_605 {strides = array<i32>} : memref<3x16x8x128xf32, #tpu.memory_space<vmem>>, vector<16xf32>,
            %parallel_loop3A_692 = arith.constant 6 : i32
            %parallel_loop3A_693 = vector.broadcast %parallel_loop3A_692 : i32 to vector<16xi32>
            %parallel_loop3A_694 = arith.addi %parallel_loop3A_219, %parallel_loop3A_693 : vector<16xi32>
            %parallel_loop3A_695 = tpu.vector_load_idx %arg5[%parallel_loop3A_694] : memref<68000xf32, #tpu.memory_space<vmem>>[vector<16xi32>], vector<16xf32>,
            %parallel_loop3A_696 = arith.constant 5 : i32
            %parallel_loop3A_697 = arith.index_cast %rem3A_127 : i32 to index
            %parallel_loop3A_698 = arith.index_cast %parallel_loop3A_696 : i32 to index
            %parallel_loop3A_699 = arith.index_cast %parallel_loop3A_179 : i32 to index
            %parallel_loop3A_700 = arith.constant 64 : index
            %parallel_loop3A_701 = tpu.vector_load %arg7[%parallel_loop3A_697, %parallel_loop3A_698, %parallel_loop3A_699, %parallel_loop3A_700] {strides = array<i32>} : memref<3x16x8x128xf32, #tpu.memory_space<vmem>>, vector<16xf32>,
            tpu.vector_store %arg7[%parallel_loop3A_697, %parallel_loop3A_698, %parallel_loop3A_699, %parallel_loop3A_700], %parallel_loop3A_615 {strides = array<i32>} : memref<3x16x8x128xf32, #tpu.memory_space<vmem>>, vector<16xf32>,
            %parallel_loop3A_702 = arith.constant 6 : i32
            %parallel_loop3A_703 = vector.broadcast %parallel_loop3A_702 : i32 to vector<16xi32>
            %parallel_loop3A_704 = arith.addi %parallel_loop3A_227, %parallel_loop3A_703 : vector<16xi32>
            %parallel_loop3A_705 = tpu.vector_load_idx %arg5[%parallel_loop3A_704] : memref<68000xf32, #tpu.memory_space<vmem>>[vector<16xi32>], vector<16xf32>,
            %parallel_loop3A_706 = arith.constant 5 : i32
            %parallel_loop3A_707 = arith.index_cast %rem3A_127 : i32 to index
            %parallel_loop3A_708 = arith.index_cast %parallel_loop3A_706 : i32 to index
            %parallel_loop3A_709 = arith.index_cast %parallel_loop3A_179 : i32 to index
            %parallel_loop3A_710 = arith.constant 80 : index
            %parallel_loop3A_711 = tpu.vector_load %arg7[%parallel_loop3A_707, %parallel_loop3A_708, %parallel_loop3A_709, %parallel_loop3A_710] {strides = array<i32>} : memref<3x16x8x128xf32, #tpu.memory_space<vmem>>, vector<16xf32>,
            tpu.vector_store %arg7[%parallel_loop3A_707, %parallel_loop3A_708, %parallel_loop3A_709, %parallel_loop3A_710], %parallel_loop3A_625 {strides = array<i32>} : memref<3x16x8x128xf32, #tpu.memory_space<vmem>>, vector<16xf32>,
            %parallel_loop3A_712 = arith.constant 6 : i32
            %parallel_loop3A_713 = vector.broadcast %parallel_loop3A_712 : i32 to vector<16xi32>
            %parallel_loop3A_714 = arith.addi %parallel_loop3A_235, %parallel_loop3A_713 : vector<16xi32>
            %parallel_loop3A_715 = tpu.vector_load_idx %arg5[%parallel_loop3A_714] : memref<68000xf32, #tpu.memory_space<vmem>>[vector<16xi32>], vector<16xf32>,
            %parallel_loop3A_716 = arith.constant 5 : i32
            %parallel_loop3A_717 = arith.index_cast %rem3A_127 : i32 to index
            %parallel_loop3A_718 = arith.index_cast %parallel_loop3A_716 : i32 to index
            %parallel_loop3A_719 = arith.index_cast %parallel_loop3A_179 : i32 to index
            %parallel_loop3A_720 = arith.constant 96 : index
            %parallel_loop3A_721 = tpu.vector_load %arg7[%parallel_loop3A_717, %parallel_loop3A_718, %parallel_loop3A_719, %parallel_loop3A_720] {strides = array<i32>} : memref<3x16x8x128xf32, #tpu.memory_space<vmem>>, vector<16xf32>,
            tpu.vector_store %arg7[%parallel_loop3A_717, %parallel_loop3A_718, %parallel_loop3A_719, %parallel_loop3A_720], %parallel_loop3A_635 {strides = array<i32>} : memref<3x16x8x128xf32, #tpu.memory_space<vmem>>, vector<16xf32>,
            %parallel_loop3A_722 = arith.constant 6 : i32
            %parallel_loop3A_723 = vector.broadcast %parallel_loop3A_722 : i32 to vector<16xi32>
            %parallel_loop3A_724 = arith.addi %parallel_loop3A_243, %parallel_loop3A_723 : vector<16xi32>
            %parallel_loop3A_725 = tpu.vector_load_idx %arg5[%parallel_loop3A_724] : memref<68000xf32, #tpu.memory_space<vmem>>[vector<16xi32>], vector<16xf32>,
            %parallel_loop3A_726 = arith.constant 5 : i32
            %parallel_loop3A_727 = arith.index_cast %rem3A_127 : i32 to index
            %parallel_loop3A_728 = arith.index_cast %parallel_loop3A_726 : i32 to index
            %parallel_loop3A_729 = arith.index_cast %parallel_loop3A_179 : i32 to index
            %parallel_loop3A_730 = arith.constant 112 : index
            %parallel_loop3A_731 = tpu.vector_load %arg7[%parallel_loop3A_727, %parallel_loop3A_728, %parallel_loop3A_729, %parallel_loop3A_730] {strides = array<i32>} : memref<3x16x8x128xf32, #tpu.memory_space<vmem>>, vector<16xf32>,
            tpu.vector_store %arg7[%parallel_loop3A_727, %parallel_loop3A_728, %parallel_loop3A_729, %parallel_loop3A_730], %parallel_loop3A_645 {strides = array<i32>} : memref<3x16x8x128xf32, #tpu.memory_space<vmem>>, vector<16xf32>,
            %parallel_loop3A_732 = arith.constant 7 : i32
            %parallel_loop3A_733 = vector.broadcast %parallel_loop3A_732 : i32 to vector<16xi32>
            %parallel_loop3A_734 = arith.addi %parallel_loop3A_187, %parallel_loop3A_733 : vector<16xi32>
            %parallel_loop3A_735 = tpu.vector_load_idx %arg5[%parallel_loop3A_734] : memref<68000xf32, #tpu.memory_space<vmem>>[vector<16xi32>], vector<16xf32>,
            %parallel_loop3A_736 = arith.constant 6 : i32
            %parallel_loop3A_737 = arith.index_cast %rem3A_127 : i32 to index
            %parallel_loop3A_738 = arith.index_cast %parallel_loop3A_736 : i32 to index
            %parallel_loop3A_739 = arith.index_cast %parallel_loop3A_179 : i32 to index
            %parallel_loop3A_740 = arith.constant 0 : index
            %parallel_loop3A_741 = tpu.vector_load %arg7[%parallel_loop3A_737, %parallel_loop3A_738, %parallel_loop3A_739, %parallel_loop3A_740] {strides = array<i32>} : memref<3x16x8x128xf32, #tpu.memory_space<vmem>>, vector<16xf32>,
            tpu.vector_store %arg7[%parallel_loop3A_737, %parallel_loop3A_738, %parallel_loop3A_739, %parallel_loop3A_740], %parallel_loop3A_655 {strides = array<i32>} : memref<3x16x8x128xf32, #tpu.memory_space<vmem>>, vector<16xf32>,
            %parallel_loop3A_742 = arith.constant 7 : i32
            %parallel_loop3A_743 = vector.broadcast %parallel_loop3A_742 : i32 to vector<16xi32>
            %parallel_loop3A_744 = arith.addi %parallel_loop3A_195, %parallel_loop3A_743 : vector<16xi32>
            %parallel_loop3A_745 = tpu.vector_load_idx %arg5[%parallel_loop3A_744] : memref<68000xf32, #tpu.memory_space<vmem>>[vector<16xi32>], vector<16xf32>,
            %parallel_loop3A_746 = arith.constant 6 : i32
            %parallel_loop3A_747 = arith.index_cast %rem3A_127 : i32 to index
            %parallel_loop3A_748 = arith.index_cast %parallel_loop3A_746 : i32 to index
            %parallel_loop3A_749 = arith.index_cast %parallel_loop3A_179 : i32 to index
            %parallel_loop3A_750 = arith.constant 16 : index
            %parallel_loop3A_751 = tpu.vector_load %arg7[%parallel_loop3A_747, %parallel_loop3A_748, %parallel_loop3A_749, %parallel_loop3A_750] {strides = array<i32>} : memref<3x16x8x128xf32, #tpu.memory_space<vmem>>, vector<16xf32>,
            tpu.vector_store %arg7[%parallel_loop3A_747, %parallel_loop3A_748, %parallel_loop3A_749, %parallel_loop3A_750], %parallel_loop3A_665 {strides = array<i32>} : memref<3x16x8x128xf32, #tpu.memory_space<vmem>>, vector<16xf32>,
            %parallel_loop3A_752 = arith.constant 7 : i32
            %parallel_loop3A_753 = vector.broadcast %parallel_loop3A_752 : i32 to vector<16xi32>
            %parallel_loop3A_754 = arith.addi %parallel_loop3A_203, %parallel_loop3A_753 : vector<16xi32>
            %parallel_loop3A_755 = tpu.vector_load_idx %arg5[%parallel_loop3A_754] : memref<68000xf32, #tpu.memory_space<vmem>>[vector<16xi32>], vector<16xf32>,
            %parallel_loop3A_756 = arith.constant 6 : i32
            %parallel_loop3A_757 = arith.index_cast %rem3A_127 : i32 to index
            %parallel_loop3A_758 = arith.index_cast %parallel_loop3A_756 : i32 to index
            %parallel_loop3A_759 = arith.index_cast %parallel_loop3A_179 : i32 to index
            %parallel_loop3A_760 = arith.constant 32 : index
            %parallel_loop3A_761 = tpu.vector_load %arg7[%parallel_loop3A_757, %parallel_loop3A_758, %parallel_loop3A_759, %parallel_loop3A_760] {strides = array<i32>} : memref<3x16x8x128xf32, #tpu.memory_space<vmem>>, vector<16xf32>,
            tpu.vector_store %arg7[%parallel_loop3A_757, %parallel_loop3A_758, %parallel_loop3A_759, %parallel_loop3A_760], %parallel_loop3A_675 {strides = array<i32>} : memref<3x16x8x128xf32, #tpu.memory_space<vmem>>, vector<16xf32>,
            %parallel_loop3A_762 = arith.constant 7 : i32
            %parallel_loop3A_763 = vector.broadcast %parallel_loop3A_762 : i32 to vector<16xi32>
            %parallel_loop3A_764 = arith.addi %parallel_loop3A_211, %parallel_loop3A_763 : vector<16xi32>
            %parallel_loop3A_765 = tpu.vector_load_idx %arg5[%parallel_loop3A_764] : memref<68000xf32, #tpu.memory_space<vmem>>[vector<16xi32>], vector<16xf32>,
            %parallel_loop3A_766 = arith.constant 6 : i32
            %parallel_loop3A_767 = arith.index_cast %rem3A_127 : i32 to index
            %parallel_loop3A_768 = arith.index_cast %parallel_loop3A_766 : i32 to index
            %parallel_loop3A_769 = arith.index_cast %parallel_loop3A_179 : i32 to index
            %parallel_loop3A_770 = arith.constant 48 : index
            %parallel_loop3A_771 = tpu.vector_load %arg7[%parallel_loop3A_767, %parallel_loop3A_768, %parallel_loop3A_769, %parallel_loop3A_770] {strides = array<i32>} : memref<3x16x8x128xf32, #tpu.memory_space<vmem>>, vector<16xf32>,
            tpu.vector_store %arg7[%parallel_loop3A_767, %parallel_loop3A_768, %parallel_loop3A_769, %parallel_loop3A_770], %parallel_loop3A_685 {strides = array<i32>} : memref<3x16x8x128xf32, #tpu.memory_space<vmem>>, vector<16xf32>,
            %parallel_loop3A_772 = arith.constant 7 : i32
            %parallel_loop3A_773 = vector.broadcast %parallel_loop3A_772 : i32 to vector<16xi32>
            %parallel_loop3A_774 = arith.addi %parallel_loop3A_219, %parallel_loop3A_773 : vector<16xi32>
            %parallel_loop3A_775 = tpu.vector_load_idx %arg5[%parallel_loop3A_774] : memref<68000xf32, #tpu.memory_space<vmem>>[vector<16xi32>], vector<16xf32>,
            %parallel_loop3A_776 = arith.constant 6 : i32
            %parallel_loop3A_777 = arith.index_cast %rem3A_127 : i32 to index
            %parallel_loop3A_778 = arith.index_cast %parallel_loop3A_776 : i32 to index
            %parallel_loop3A_779 = arith.index_cast %parallel_loop3A_179 : i32 to index
            %parallel_loop3A_780 = arith.constant 64 : index
            %parallel_loop3A_781 = tpu.vector_load %arg7[%parallel_loop3A_777, %parallel_loop3A_778, %parallel_loop3A_779, %parallel_loop3A_780] {strides = array<i32>} : memref<3x16x8x128xf32, #tpu.memory_space<vmem>>, vector<16xf32>,
            tpu.vector_store %arg7[%parallel_loop3A_777, %parallel_loop3A_778, %parallel_loop3A_779, %parallel_loop3A_780], %parallel_loop3A_695 {strides = array<i32>} : memref<3x16x8x128xf32, #tpu.memory_space<vmem>>, vector<16xf32>,
            %parallel_loop3A_782 = arith.constant 7 : i32
            %parallel_loop3A_783 = vector.broadcast %parallel_loop3A_782 : i32 to vector<16xi32>
            %parallel_loop3A_784 = arith.addi %parallel_loop3A_227, %parallel_loop3A_783 : vector<16xi32>
            %parallel_loop3A_785 = tpu.vector_load_idx %arg5[%parallel_loop3A_784] : memref<68000xf32, #tpu.memory_space<vmem>>[vector<16xi32>], vector<16xf32>,
            %parallel_loop3A_786 = arith.constant 6 : i32
            %parallel_loop3A_787 = arith.index_cast %rem3A_127 : i32 to index
            %parallel_loop3A_788 = arith.index_cast %parallel_loop3A_786 : i32 to index
            %parallel_loop3A_789 = arith.index_cast %parallel_loop3A_179 : i32 to index
            %parallel_loop3A_790 = arith.constant 80 : index
            %parallel_loop3A_791 = tpu.vector_load %arg7[%parallel_loop3A_787, %parallel_loop3A_788, %parallel_loop3A_789, %parallel_loop3A_790] {strides = array<i32>} : memref<3x16x8x128xf32, #tpu.memory_space<vmem>>, vector<16xf32>,
            tpu.vector_store %arg7[%parallel_loop3A_787, %parallel_loop3A_788, %parallel_loop3A_789, %parallel_loop3A_790], %parallel_loop3A_705 {strides = array<i32>} : memref<3x16x8x128xf32, #tpu.memory_space<vmem>>, vector<16xf32>,
            %parallel_loop3A_792 = arith.constant 7 : i32
            %parallel_loop3A_793 = vector.broadcast %parallel_loop3A_792 : i32 to vector<16xi32>
            %parallel_loop3A_794 = arith.addi %parallel_loop3A_235, %parallel_loop3A_793 : vector<16xi32>
            %parallel_loop3A_795 = tpu.vector_load_idx %arg5[%parallel_loop3A_794] : memref<68000xf32, #tpu.memory_space<vmem>>[vector<16xi32>], vector<16xf32>,
            %parallel_loop3A_796 = arith.constant 6 : i32
            %parallel_loop3A_797 = arith.index_cast %rem3A_127 : i32 to index
            %parallel_loop3A_798 = arith.index_cast %parallel_loop3A_796 : i32 to index
            %parallel_loop3A_799 = arith.index_cast %parallel_loop3A_179 : i32 to index
            %parallel_loop3A_800 = arith.constant 96 : index
            %parallel_loop3A_801 = tpu.vector_load %arg7[%parallel_loop3A_797, %parallel_loop3A_798, %parallel_loop3A_799, %parallel_loop3A_800] {strides = array<i32>} : memref<3x16x8x128xf32, #tpu.memory_space<vmem>>, vector<16xf32>,
            tpu.vector_store %arg7[%parallel_loop3A_797, %parallel_loop3A_798, %parallel_loop3A_799, %parallel_loop3A_800], %parallel_loop3A_715 {strides = array<i32>} : memref<3x16x8x128xf32, #tpu.memory_space<vmem>>, vector<16xf32>,
            %parallel_loop3A_802 = arith.constant 7 : i32
            %parallel_loop3A_803 = vector.broadcast %parallel_loop3A_802 : i32 to vector<16xi32>
            %parallel_loop3A_804 = arith.addi %parallel_loop3A_243, %parallel_loop3A_803 : vector<16xi32>
            %parallel_loop3A_805 = tpu.vector_load_idx %arg5[%parallel_loop3A_804] : memref<68000xf32, #tpu.memory_space<vmem>>[vector<16xi32>], vector<16xf32>,
            %parallel_loop3A_806 = arith.constant 6 : i32
            %parallel_loop3A_807 = arith.index_cast %rem3A_127 : i32 to index
            %parallel_loop3A_808 = arith.index_cast %parallel_loop3A_806 : i32 to index
            %parallel_loop3A_809 = arith.index_cast %parallel_loop3A_179 : i32 to index
            %parallel_loop3A_810 = arith.constant 112 : index
            %parallel_loop3A_811 = tpu.vector_load %arg7[%parallel_loop3A_807, %parallel_loop3A_808, %parallel_loop3A_809, %parallel_loop3A_810] {strides = array<i32>} : memref<3x16x8x128xf32, #tpu.memory_space<vmem>>, vector<16xf32>,
            tpu.vector_store %arg7[%parallel_loop3A_807, %parallel_loop3A_808, %parallel_loop3A_809, %parallel_loop3A_810], %parallel_loop3A_725 {strides = array<i32>} : memref<3x16x8x128xf32, #tpu.memory_space<vmem>>, vector<16xf32>,
            %parallel_loop3A_812 = arith.constant 8 : i32
            %parallel_loop3A_813 = vector.broadcast %parallel_loop3A_812 : i32 to vector<16xi32>
            %parallel_loop3A_814 = arith.addi %parallel_loop3A_187, %parallel_loop3A_813 : vector<16xi32>
            %parallel_loop3A_815 = tpu.vector_load_idx %arg5[%parallel_loop3A_814] : memref<68000xf32, #tpu.memory_space<vmem>>[vector<16xi32>], vector<16xf32>,
            %parallel_loop3A_816 = arith.constant 7 : i32
            %parallel_loop3A_817 = arith.index_cast %rem3A_127 : i32 to index
            %parallel_loop3A_818 = arith.index_cast %parallel_loop3A_816 : i32 to index
            %parallel_loop3A_819 = arith.index_cast %parallel_loop3A_179 : i32 to index
            %parallel_loop3A_820 = arith.constant 0 : index
            %parallel_loop3A_821 = tpu.vector_load %arg7[%parallel_loop3A_817, %parallel_loop3A_818, %parallel_loop3A_819, %parallel_loop3A_820] {strides = array<i32>} : memref<3x16x8x128xf32, #tpu.memory_space<vmem>>, vector<16xf32>,
            tpu.vector_store %arg7[%parallel_loop3A_817, %parallel_loop3A_818, %parallel_loop3A_819, %parallel_loop3A_820], %parallel_loop3A_735 {strides = array<i32>} : memref<3x16x8x128xf32, #tpu.memory_space<vmem>>, vector<16xf32>,
            %parallel_loop3A_822 = arith.constant 8 : i32
            %parallel_loop3A_823 = vector.broadcast %parallel_loop3A_822 : i32 to vector<16xi32>
            %parallel_loop3A_824 = arith.addi %parallel_loop3A_195, %parallel_loop3A_823 : vector<16xi32>
            %parallel_loop3A_825 = tpu.vector_load_idx %arg5[%parallel_loop3A_824] : memref<68000xf32, #tpu.memory_space<vmem>>[vector<16xi32>], vector<16xf32>,
            %parallel_loop3A_826 = arith.constant 7 : i32
            %parallel_loop3A_827 = arith.index_cast %rem3A_127 : i32 to index
            %parallel_loop3A_828 = arith.index_cast %parallel_loop3A_826 : i32 to index
            %parallel_loop3A_829 = arith.index_cast %parallel_loop3A_179 : i32 to index
            %parallel_loop3A_830 = arith.constant 16 : index
            %parallel_loop3A_831 = tpu.vector_load %arg7[%parallel_loop3A_827, %parallel_loop3A_828, %parallel_loop3A_829, %parallel_loop3A_830] {strides = array<i32>} : memref<3x16x8x128xf32, #tpu.memory_space<vmem>>, vector<16xf32>,
            tpu.vector_store %arg7[%parallel_loop3A_827, %parallel_loop3A_828, %parallel_loop3A_829, %parallel_loop3A_830], %parallel_loop3A_745 {strides = array<i32>} : memref<3x16x8x128xf32, #tpu.memory_space<vmem>>, vector<16xf32>,
            %parallel_loop3A_832 = arith.constant 8 : i32
            %parallel_loop3A_833 = vector.broadcast %parallel_loop3A_832 : i32 to vector<16xi32>
            %parallel_loop3A_834 = arith.addi %parallel_loop3A_203, %parallel_loop3A_833 : vector<16xi32>
            %parallel_loop3A_835 = tpu.vector_load_idx %arg5[%parallel_loop3A_834] : memref<68000xf32, #tpu.memory_space<vmem>>[vector<16xi32>], vector<16xf32>,
            %parallel_loop3A_836 = arith.constant 7 : i32
            %parallel_loop3A_837 = arith.index_cast %rem3A_127 : i32 to index
            %parallel_loop3A_838 = arith.index_cast %parallel_loop3A_836 : i32 to index
            %parallel_loop3A_839 = arith.index_cast %parallel_loop3A_179 : i32 to index
            %parallel_loop3A_840 = arith.constant 32 : index
            %parallel_loop3A_841 = tpu.vector_load %arg7[%parallel_loop3A_837, %parallel_loop3A_838, %parallel_loop3A_839, %parallel_loop3A_840] {strides = array<i32>} : memref<3x16x8x128xf32, #tpu.memory_space<vmem>>, vector<16xf32>,
            tpu.vector_store %arg7[%parallel_loop3A_837, %parallel_loop3A_838, %parallel_loop3A_839, %parallel_loop3A_840], %parallel_loop3A_755 {strides = array<i32>} : memref<3x16x8x128xf32, #tpu.memory_space<vmem>>, vector<16xf32>,
            %parallel_loop3A_842 = arith.constant 8 : i32
            %parallel_loop3A_843 = vector.broadcast %parallel_loop3A_842 : i32 to vector<16xi32>
            %parallel_loop3A_844 = arith.addi %parallel_loop3A_211, %parallel_loop3A_843 : vector<16xi32>
            %parallel_loop3A_845 = tpu.vector_load_idx %arg5[%parallel_loop3A_844] : memref<68000xf32, #tpu.memory_space<vmem>>[vector<16xi32>], vector<16xf32>,
            %parallel_loop3A_846 = arith.constant 7 : i32
            %parallel_loop3A_847 = arith.index_cast %rem3A_127 : i32 to index
            %parallel_loop3A_848 = arith.index_cast %parallel_loop3A_846 : i32 to index
            %parallel_loop3A_849 = arith.index_cast %parallel_loop3A_179 : i32 to index
            %parallel_loop3A_850 = arith.constant 48 : index
            %parallel_loop3A_851 = tpu.vector_load %arg7[%parallel_loop3A_847, %parallel_loop3A_848, %parallel_loop3A_849, %parallel_loop3A_850] {strides = array<i32>} : memref<3x16x8x128xf32, #tpu.memory_space<vmem>>, vector<16xf32>,
            tpu.vector_store %arg7[%parallel_loop3A_847, %parallel_loop3A_848, %parallel_loop3A_849, %parallel_loop3A_850], %parallel_loop3A_765 {strides = array<i32>} : memref<3x16x8x128xf32, #tpu.memory_space<vmem>>, vector<16xf32>,
            %parallel_loop3A_852 = arith.constant 8 : i32
            %parallel_loop3A_853 = vector.broadcast %parallel_loop3A_852 : i32 to vector<16xi32>
            %parallel_loop3A_854 = arith.addi %parallel_loop3A_219, %parallel_loop3A_853 : vector<16xi32>
            %parallel_loop3A_855 = tpu.vector_load_idx %arg5[%parallel_loop3A_854] : memref<68000xf32, #tpu.memory_space<vmem>>[vector<16xi32>], vector<16xf32>,
            %parallel_loop3A_856 = arith.constant 7 : i32
            %parallel_loop3A_857 = arith.index_cast %rem3A_127 : i32 to index
            %parallel_loop3A_858 = arith.index_cast %parallel_loop3A_856 : i32 to index
            %parallel_loop3A_859 = arith.index_cast %parallel_loop3A_179 : i32 to index
            %parallel_loop3A_860 = arith.constant 64 : index
            %parallel_loop3A_861 = tpu.vector_load %arg7[%parallel_loop3A_857, %parallel_loop3A_858, %parallel_loop3A_859, %parallel_loop3A_860] {strides = array<i32>} : memref<3x16x8x128xf32, #tpu.memory_space<vmem>>, vector<16xf32>,
            tpu.vector_store %arg7[%parallel_loop3A_857, %parallel_loop3A_858, %parallel_loop3A_859, %parallel_loop3A_860], %parallel_loop3A_775 {strides = array<i32>} : memref<3x16x8x128xf32, #tpu.memory_space<vmem>>, vector<16xf32>,
            %parallel_loop3A_862 = arith.constant 8 : i32
            %parallel_loop3A_863 = vector.broadcast %parallel_loop3A_862 : i32 to vector<16xi32>
            %parallel_loop3A_864 = arith.addi %parallel_loop3A_227, %parallel_loop3A_863 : vector<16xi32>
            %parallel_loop3A_865 = tpu.vector_load_idx %arg5[%parallel_loop3A_864] : memref<68000xf32, #tpu.memory_space<vmem>>[vector<16xi32>], vector<16xf32>,
            %parallel_loop3A_866 = arith.constant 7 : i32
            %parallel_loop3A_867 = arith.index_cast %rem3A_127 : i32 to index
            %parallel_loop3A_868 = arith.index_cast %parallel_loop3A_866 : i32 to index
            %parallel_loop3A_869 = arith.index_cast %parallel_loop3A_179 : i32 to index
            %parallel_loop3A_870 = arith.constant 80 : index
            %parallel_loop3A_871 = tpu.vector_load %arg7[%parallel_loop3A_867, %parallel_loop3A_868, %parallel_loop3A_869, %parallel_loop3A_870] {strides = array<i32>} : memref<3x16x8x128xf32, #tpu.memory_space<vmem>>, vector<16xf32>,
            tpu.vector_store %arg7[%parallel_loop3A_867, %parallel_loop3A_868, %parallel_loop3A_869, %parallel_loop3A_870], %parallel_loop3A_785 {strides = array<i32>} : memref<3x16x8x128xf32, #tpu.memory_space<vmem>>, vector<16xf32>,
            %parallel_loop3A_872 = arith.constant 8 : i32
            %parallel_loop3A_873 = vector.broadcast %parallel_loop3A_872 : i32 to vector<16xi32>
            %parallel_loop3A_874 = arith.addi %parallel_loop3A_235, %parallel_loop3A_873 : vector<16xi32>
            %parallel_loop3A_875 = tpu.vector_load_idx %arg5[%parallel_loop3A_874] : memref<68000xf32, #tpu.memory_space<vmem>>[vector<16xi32>], vector<16xf32>,
            %parallel_loop3A_876 = arith.constant 7 : i32
            %parallel_loop3A_877 = arith.index_cast %rem3A_127 : i32 to index
            %parallel_loop3A_878 = arith.index_cast %parallel_loop3A_876 : i32 to index
            %parallel_loop3A_879 = arith.index_cast %parallel_loop3A_179 : i32 to index
            %parallel_loop3A_880 = arith.constant 96 : index
            %parallel_loop3A_881 = tpu.vector_load %arg7[%parallel_loop3A_877, %parallel_loop3A_878, %parallel_loop3A_879, %parallel_loop3A_880] {strides = array<i32>} : memref<3x16x8x128xf32, #tpu.memory_space<vmem>>, vector<16xf32>,
            tpu.vector_store %arg7[%parallel_loop3A_877, %parallel_loop3A_878, %parallel_loop3A_879, %parallel_loop3A_880], %parallel_loop3A_795 {strides = array<i32>} : memref<3x16x8x128xf32, #tpu.memory_space<vmem>>, vector<16xf32>,
            %parallel_loop3A_882 = arith.constant 8 : i32
            %parallel_loop3A_883 = vector.broadcast %parallel_loop3A_882 : i32 to vector<16xi32>
            %parallel_loop3A_884 = arith.addi %parallel_loop3A_243, %parallel_loop3A_883 : vector<16xi32>
            %parallel_loop3A_885 = tpu.vector_load_idx %arg5[%parallel_loop3A_884] : memref<68000xf32, #tpu.memory_space<vmem>>[vector<16xi32>], vector<16xf32>,
            %parallel_loop3A_886 = arith.constant 7 : i32
            %parallel_loop3A_887 = arith.index_cast %rem3A_127 : i32 to index
            %parallel_loop3A_888 = arith.index_cast %parallel_loop3A_886 : i32 to index
            %parallel_loop3A_889 = arith.index_cast %parallel_loop3A_179 : i32 to index
            %parallel_loop3A_890 = arith.constant 112 : index
            %parallel_loop3A_891 = tpu.vector_load %arg7[%parallel_loop3A_887, %parallel_loop3A_888, %parallel_loop3A_889, %parallel_loop3A_890] {strides = array<i32>} : memref<3x16x8x128xf32, #tpu.memory_space<vmem>>, vector<16xf32>,
            tpu.vector_store %arg7[%parallel_loop3A_887, %parallel_loop3A_888, %parallel_loop3A_889, %parallel_loop3A_890], %parallel_loop3A_805 {strides = array<i32>} : memref<3x16x8x128xf32, #tpu.memory_space<vmem>>, vector<16xf32>,
            %parallel_loop3A_892 = arith.constant 9 : i32
            %parallel_loop3A_893 = vector.broadcast %parallel_loop3A_892 : i32 to vector<16xi32>
            %parallel_loop3A_894 = arith.addi %parallel_loop3A_187, %parallel_loop3A_893 : vector<16xi32>
            %parallel_loop3A_895 = tpu.vector_load_idx %arg5[%parallel_loop3A_894] : memref<68000xf32, #tpu.memory_space<vmem>>[vector<16xi32>], vector<16xf32>,
            %parallel_loop3A_896 = arith.constant 8 : i32
            %parallel_loop3A_897 = arith.index_cast %rem3A_127 : i32 to index
            %parallel_loop3A_898 = arith.index_cast %parallel_loop3A_896 : i32 to index
            %parallel_loop3A_899 = arith.index_cast %parallel_loop3A_179 : i32 to index
            %parallel_loop3A_900 = arith.constant 0 : index
            %parallel_loop3A_901 = tpu.vector_load %arg7[%parallel_loop3A_897, %parallel_loop3A_898, %parallel_loop3A_899, %parallel_loop3A_900] {strides = array<i32>} : memref<3x16x8x128xf32, #tpu.memory_space<vmem>>, vector<16xf32>,
            tpu.vector_store %arg7[%parallel_loop3A_897, %parallel_loop3A_898, %parallel_loop3A_899, %parallel_loop3A_900], %parallel_loop3A_815 {strides = array<i32>} : memref<3x16x8x128xf32, #tpu.memory_space<vmem>>, vector<16xf32>,
            %parallel_loop3A_902 = arith.constant 9 : i32
            %parallel_loop3A_903 = vector.broadcast %parallel_loop3A_902 : i32 to vector<16xi32>
            %parallel_loop3A_904 = arith.addi %parallel_loop3A_195, %parallel_loop3A_903 : vector<16xi32>
            %parallel_loop3A_905 = tpu.vector_load_idx %arg5[%parallel_loop3A_904] : memref<68000xf32, #tpu.memory_space<vmem>>[vector<16xi32>], vector<16xf32>,
            %parallel_loop3A_906 = arith.constant 8 : i32
            %parallel_loop3A_907 = arith.index_cast %rem3A_127 : i32 to index
            %parallel_loop3A_908 = arith.index_cast %parallel_loop3A_906 : i32 to index
            %parallel_loop3A_909 = arith.index_cast %parallel_loop3A_179 : i32 to index
            %parallel_loop3A_910 = arith.constant 16 : index
            %parallel_loop3A_911 = tpu.vector_load %arg7[%parallel_loop3A_907, %parallel_loop3A_908, %parallel_loop3A_909, %parallel_loop3A_910] {strides = array<i32>} : memref<3x16x8x128xf32, #tpu.memory_space<vmem>>, vector<16xf32>,
            tpu.vector_store %arg7[%parallel_loop3A_907, %parallel_loop3A_908, %parallel_loop3A_909, %parallel_loop3A_910], %parallel_loop3A_825 {strides = array<i32>} : memref<3x16x8x128xf32, #tpu.memory_space<vmem>>, vector<16xf32>,
            %parallel_loop3A_912 = arith.constant 9 : i32
            %parallel_loop3A_913 = vector.broadcast %parallel_loop3A_912 : i32 to vector<16xi32>
            %parallel_loop3A_914 = arith.addi %parallel_loop3A_203, %parallel_loop3A_913 : vector<16xi32>
            %parallel_loop3A_915 = tpu.vector_load_idx %arg5[%parallel_loop3A_914] : memref<68000xf32, #tpu.memory_space<vmem>>[vector<16xi32>], vector<16xf32>,
            %parallel_loop3A_916 = arith.constant 8 : i32
            %parallel_loop3A_917 = arith.index_cast %rem3A_127 : i32 to index
            %parallel_loop3A_918 = arith.index_cast %parallel_loop3A_916 : i32 to index
            %parallel_loop3A_919 = arith.index_cast %parallel_loop3A_179 : i32 to index
            %parallel_loop3A_920 = arith.constant 32 : index
            %parallel_loop3A_921 = tpu.vector_load %arg7[%parallel_loop3A_917, %parallel_loop3A_918, %parallel_loop3A_919, %parallel_loop3A_920] {strides = array<i32>} : memref<3x16x8x128xf32, #tpu.memory_space<vmem>>, vector<16xf32>,
            tpu.vector_store %arg7[%parallel_loop3A_917, %parallel_loop3A_918, %parallel_loop3A_919, %parallel_loop3A_920], %parallel_loop3A_835 {strides = array<i32>} : memref<3x16x8x128xf32, #tpu.memory_space<vmem>>, vector<16xf32>,
            %parallel_loop3A_922 = arith.constant 9 : i32
            %parallel_loop3A_923 = vector.broadcast %parallel_loop3A_922 : i32 to vector<16xi32>
            %parallel_loop3A_924 = arith.addi %parallel_loop3A_211, %parallel_loop3A_923 : vector<16xi32>
            %parallel_loop3A_925 = tpu.vector_load_idx %arg5[%parallel_loop3A_924] : memref<68000xf32, #tpu.memory_space<vmem>>[vector<16xi32>], vector<16xf32>,
            %parallel_loop3A_926 = arith.constant 8 : i32
            %parallel_loop3A_927 = arith.index_cast %rem3A_127 : i32 to index
            %parallel_loop3A_928 = arith.index_cast %parallel_loop3A_926 : i32 to index
            %parallel_loop3A_929 = arith.index_cast %parallel_loop3A_179 : i32 to index
            %parallel_loop3A_930 = arith.constant 48 : index
            %parallel_loop3A_931 = tpu.vector_load %arg7[%parallel_loop3A_927, %parallel_loop3A_928, %parallel_loop3A_929, %parallel_loop3A_930] {strides = array<i32>} : memref<3x16x8x128xf32, #tpu.memory_space<vmem>>, vector<16xf32>,
            tpu.vector_store %arg7[%parallel_loop3A_927, %parallel_loop3A_928, %parallel_loop3A_929, %parallel_loop3A_930], %parallel_loop3A_845 {strides = array<i32>} : memref<3x16x8x128xf32, #tpu.memory_space<vmem>>, vector<16xf32>,
            %parallel_loop3A_932 = arith.constant 9 : i32
            %parallel_loop3A_933 = vector.broadcast %parallel_loop3A_932 : i32 to vector<16xi32>
            %parallel_loop3A_934 = arith.addi %parallel_loop3A_219, %parallel_loop3A_933 : vector<16xi32>
            %parallel_loop3A_935 = tpu.vector_load_idx %arg5[%parallel_loop3A_934] : memref<68000xf32, #tpu.memory_space<vmem>>[vector<16xi32>], vector<16xf32>,
            %parallel_loop3A_936 = arith.constant 8 : i32
            %parallel_loop3A_937 = arith.index_cast %rem3A_127 : i32 to index
            %parallel_loop3A_938 = arith.index_cast %parallel_loop3A_936 : i32 to index
            %parallel_loop3A_939 = arith.index_cast %parallel_loop3A_179 : i32 to index
            %parallel_loop3A_940 = arith.constant 64 : index
            %parallel_loop3A_941 = tpu.vector_load %arg7[%parallel_loop3A_937, %parallel_loop3A_938, %parallel_loop3A_939, %parallel_loop3A_940] {strides = array<i32>} : memref<3x16x8x128xf32, #tpu.memory_space<vmem>>, vector<16xf32>,
            tpu.vector_store %arg7[%parallel_loop3A_937, %parallel_loop3A_938, %parallel_loop3A_939, %parallel_loop3A_940], %parallel_loop3A_855 {strides = array<i32>} : memref<3x16x8x128xf32, #tpu.memory_space<vmem>>, vector<16xf32>,
            %parallel_loop3A_942 = arith.constant 9 : i32
            %parallel_loop3A_943 = vector.broadcast %parallel_loop3A_942 : i32 to vector<16xi32>
            %parallel_loop3A_944 = arith.addi %parallel_loop3A_227, %parallel_loop3A_943 : vector<16xi32>
            %parallel_loop3A_945 = tpu.vector_load_idx %arg5[%parallel_loop3A_944] : memref<68000xf32, #tpu.memory_space<vmem>>[vector<16xi32>], vector<16xf32>,
            %parallel_loop3A_946 = arith.constant 8 : i32
            %parallel_loop3A_947 = arith.index_cast %rem3A_127 : i32 to index
            %parallel_loop3A_948 = arith.index_cast %parallel_loop3A_946 : i32 to index
            %parallel_loop3A_949 = arith.index_cast %parallel_loop3A_179 : i32 to index
            %parallel_loop3A_950 = arith.constant 80 : index
            %parallel_loop3A_951 = tpu.vector_load %arg7[%parallel_loop3A_947, %parallel_loop3A_948, %parallel_loop3A_949, %parallel_loop3A_950] {strides = array<i32>} : memref<3x16x8x128xf32, #tpu.memory_space<vmem>>, vector<16xf32>,
            tpu.vector_store %arg7[%parallel_loop3A_947, %parallel_loop3A_948, %parallel_loop3A_949, %parallel_loop3A_950], %parallel_loop3A_865 {strides = array<i32>} : memref<3x16x8x128xf32, #tpu.memory_space<vmem>>, vector<16xf32>,
            %parallel_loop3A_952 = arith.constant 9 : i32
            %parallel_loop3A_953 = vector.broadcast %parallel_loop3A_952 : i32 to vector<16xi32>
            %parallel_loop3A_954 = arith.addi %parallel_loop3A_235, %parallel_loop3A_953 : vector<16xi32>
            %parallel_loop3A_955 = tpu.vector_load_idx %arg5[%parallel_loop3A_954] : memref<68000xf32, #tpu.memory_space<vmem>>[vector<16xi32>], vector<16xf32>,
            %parallel_loop3A_956 = arith.constant 8 : i32
            %parallel_loop3A_957 = arith.index_cast %rem3A_127 : i32 to index
            %parallel_loop3A_958 = arith.index_cast %parallel_loop3A_956 : i32 to index
            %parallel_loop3A_959 = arith.index_cast %parallel_loop3A_179 : i32 to index
            %parallel_loop3A_960 = arith.constant 96 : index
            %parallel_loop3A_961 = tpu.vector_load %arg7[%parallel_loop3A_957, %parallel_loop3A_958, %parallel_loop3A_959, %parallel_loop3A_960] {strides = array<i32>} : memref<3x16x8x128xf32, #tpu.memory_space<vmem>>, vector<16xf32>,
            tpu.vector_store %arg7[%parallel_loop3A_957, %parallel_loop3A_958, %parallel_loop3A_959, %parallel_loop3A_960], %parallel_loop3A_875 {strides = array<i32>} : memref<3x16x8x128xf32, #tpu.memory_space<vmem>>, vector<16xf32>,
            %parallel_loop3A_962 = arith.constant 9 : i32
            %parallel_loop3A_963 = vector.broadcast %parallel_loop3A_962 : i32 to vector<16xi32>
            %parallel_loop3A_964 = arith.addi %parallel_loop3A_243, %parallel_loop3A_963 : vector<16xi32>
            %parallel_loop3A_965 = tpu.vector_load_idx %arg5[%parallel_loop3A_964] : memref<68000xf32, #tpu.memory_space<vmem>>[vector<16xi32>], vector<16xf32>,
            %parallel_loop3A_966 = arith.constant 8 : i32
            %parallel_loop3A_967 = arith.index_cast %rem3A_127 : i32 to index
            %parallel_loop3A_968 = arith.index_cast %parallel_loop3A_966 : i32 to index
            %parallel_loop3A_969 = arith.index_cast %parallel_loop3A_179 : i32 to index
            %parallel_loop3A_970 = arith.constant 112 : index
            %parallel_loop3A_971 = tpu.vector_load %arg7[%parallel_loop3A_967, %parallel_loop3A_968, %parallel_loop3A_969, %parallel_loop3A_970] {strides = array<i32>} : memref<3x16x8x128xf32, #tpu.memory_space<vmem>>, vector<16xf32>,
            tpu.vector_store %arg7[%parallel_loop3A_967, %parallel_loop3A_968, %parallel_loop3A_969, %parallel_loop3A_970], %parallel_loop3A_885 {strides = array<i32>} : memref<3x16x8x128xf32, #tpu.memory_space<vmem>>, vector<16xf32>,
            %parallel_loop3A_972 = arith.constant 10 : i32
            %parallel_loop3A_973 = vector.broadcast %parallel_loop3A_972 : i32 to vector<16xi32>
            %parallel_loop3A_974 = arith.addi %parallel_loop3A_187, %parallel_loop3A_973 : vector<16xi32>
            %parallel_loop3A_975 = tpu.vector_load_idx %arg5[%parallel_loop3A_974] : memref<68000xf32, #tpu.memory_space<vmem>>[vector<16xi32>], vector<16xf32>,
            %parallel_loop3A_976 = arith.constant 9 : i32
            %parallel_loop3A_977 = arith.index_cast %rem3A_127 : i32 to index
            %parallel_loop3A_978 = arith.index_cast %parallel_loop3A_976 : i32 to index
            %parallel_loop3A_979 = arith.index_cast %parallel_loop3A_179 : i32 to index
            %parallel_loop3A_980 = arith.constant 0 : index
            %parallel_loop3A_981 = tpu.vector_load %arg7[%parallel_loop3A_977, %parallel_loop3A_978, %parallel_loop3A_979, %parallel_loop3A_980] {strides = array<i32>} : memref<3x16x8x128xf32, #tpu.memory_space<vmem>>, vector<16xf32>,
            tpu.vector_store %arg7[%parallel_loop3A_977, %parallel_loop3A_978, %parallel_loop3A_979, %parallel_loop3A_980], %parallel_loop3A_895 {strides = array<i32>} : memref<3x16x8x128xf32, #tpu.memory_space<vmem>>, vector<16xf32>,
            %parallel_loop3A_982 = arith.constant 10 : i32
            %parallel_loop3A_983 = vector.broadcast %parallel_loop3A_982 : i32 to vector<16xi32>
            %parallel_loop3A_984 = arith.addi %parallel_loop3A_195, %parallel_loop3A_983 : vector<16xi32>
            %parallel_loop3A_985 = tpu.vector_load_idx %arg5[%parallel_loop3A_984] : memref<68000xf32, #tpu.memory_space<vmem>>[vector<16xi32>], vector<16xf32>,
            %parallel_loop3A_986 = arith.constant 9 : i32
            %parallel_loop3A_987 = arith.index_cast %rem3A_127 : i32 to index
            %parallel_loop3A_988 = arith.index_cast %parallel_loop3A_986 : i32 to index
            %parallel_loop3A_989 = arith.index_cast %parallel_loop3A_179 : i32 to index
            %parallel_loop3A_990 = arith.constant 16 : index
            %parallel_loop3A_991 = tpu.vector_load %arg7[%parallel_loop3A_987, %parallel_loop3A_988, %parallel_loop3A_989, %parallel_loop3A_990] {strides = array<i32>} : memref<3x16x8x128xf32, #tpu.memory_space<vmem>>, vector<16xf32>,
            tpu.vector_store %arg7[%parallel_loop3A_987, %parallel_loop3A_988, %parallel_loop3A_989, %parallel_loop3A_990], %parallel_loop3A_905 {strides = array<i32>} : memref<3x16x8x128xf32, #tpu.memory_space<vmem>>, vector<16xf32>,
            %parallel_loop3A_992 = arith.constant 10 : i32
            %parallel_loop3A_993 = vector.broadcast %parallel_loop3A_992 : i32 to vector<16xi32>
            %parallel_loop3A_994 = arith.addi %parallel_loop3A_203, %parallel_loop3A_993 : vector<16xi32>
            %parallel_loop3A_995 = tpu.vector_load_idx %arg5[%parallel_loop3A_994] : memref<68000xf32, #tpu.memory_space<vmem>>[vector<16xi32>], vector<16xf32>,
            %parallel_loop3A_996 = arith.constant 9 : i32
            %parallel_loop3A_997 = arith.index_cast %rem3A_127 : i32 to index
            %parallel_loop3A_998 = arith.index_cast %parallel_loop3A_996 : i32 to index
            %parallel_loop3A_999 = arith.index_cast %parallel_loop3A_179 : i32 to index
            %parallel_loop3A_1000 = arith.constant 32 : index
            %parallel_loop3A_1001 = tpu.vector_load %arg7[%parallel_loop3A_997, %parallel_loop3A_998, %parallel_loop3A_999, %parallel_loop3A_1000] {strides = array<i32>} : memref<3x16x8x128xf32, #tpu.memory_space<vmem>>, vector<16xf32>,
            tpu.vector_store %arg7[%parallel_loop3A_997, %parallel_loop3A_998, %parallel_loop3A_999, %parallel_loop3A_1000], %parallel_loop3A_915 {strides = array<i32>} : memref<3x16x8x128xf32, #tpu.memory_space<vmem>>, vector<16xf32>,
            %parallel_loop3A_1002 = arith.constant 10 : i32
            %parallel_loop3A_1003 = vector.broadcast %parallel_loop3A_1002 : i32 to vector<16xi32>
            %parallel_loop3A_1004 = arith.addi %parallel_loop3A_211, %parallel_loop3A_1003 : vector<16xi32>
            %parallel_loop3A_1005 = tpu.vector_load_idx %arg5[%parallel_loop3A_1004] : memref<68000xf32, #tpu.memory_space<vmem>>[vector<16xi32>], vector<16xf32>,
            %parallel_loop3A_1006 = arith.constant 9 : i32
            %parallel_loop3A_1007 = arith.index_cast %rem3A_127 : i32 to index
            %parallel_loop3A_1008 = arith.index_cast %parallel_loop3A_1006 : i32 to index
            %parallel_loop3A_1009 = arith.index_cast %parallel_loop3A_179 : i32 to index
            %parallel_loop3A_1010 = arith.constant 48 : index
            %parallel_loop3A_1011 = tpu.vector_load %arg7[%parallel_loop3A_1007, %parallel_loop3A_1008, %parallel_loop3A_1009, %parallel_loop3A_1010] {strides = array<i32>} : memref<3x16x8x128xf32, #tpu.memory_space<vmem>>, vector<16xf32>,
            tpu.vector_store %arg7[%parallel_loop3A_1007, %parallel_loop3A_1008, %parallel_loop3A_1009, %parallel_loop3A_1010], %parallel_loop3A_925 {strides = array<i32>} : memref<3x16x8x128xf32, #tpu.memory_space<vmem>>, vector<16xf32>,
            %parallel_loop3A_1012 = arith.constant 10 : i32
            %parallel_loop3A_1013 = vector.broadcast %parallel_loop3A_1012 : i32 to vector<16xi32>
            %parallel_loop3A_1014 = arith.addi %parallel_loop3A_219, %parallel_loop3A_1013 : vector<16xi32>
            %parallel_loop3A_1015 = tpu.vector_load_idx %arg5[%parallel_loop3A_1014] : memref<68000xf32, #tpu.memory_space<vmem>>[vector<16xi32>], vector<16xf32>,
            %parallel_loop3A_1016 = arith.constant 9 : i32
            %parallel_loop3A_1017 = arith.index_cast %rem3A_127 : i32 to index
            %parallel_loop3A_1018 = arith.index_cast %parallel_loop3A_1016 : i32 to index
            %parallel_loop3A_1019 = arith.index_cast %parallel_loop3A_179 : i32 to index
            %parallel_loop3A_1020 = arith.constant 64 : index
            %parallel_loop3A_1021 = tpu.vector_load %arg7[%parallel_loop3A_1017, %parallel_loop3A_1018, %parallel_loop3A_1019, %parallel_loop3A_1020] {strides = array<i32>} : memref<3x16x8x128xf32, #tpu.memory_space<vmem>>, vector<16xf32>,
            tpu.vector_store %arg7[%parallel_loop3A_1017, %parallel_loop3A_1018, %parallel_loop3A_1019, %parallel_loop3A_1020], %parallel_loop3A_935 {strides = array<i32>} : memref<3x16x8x128xf32, #tpu.memory_space<vmem>>, vector<16xf32>,
            %parallel_loop3A_1022 = arith.constant 10 : i32
            %parallel_loop3A_1023 = vector.broadcast %parallel_loop3A_1022 : i32 to vector<16xi32>
            %parallel_loop3A_1024 = arith.addi %parallel_loop3A_227, %parallel_loop3A_1023 : vector<16xi32>
            %parallel_loop3A_1025 = tpu.vector_load_idx %arg5[%parallel_loop3A_1024] : memref<68000xf32, #tpu.memory_space<vmem>>[vector<16xi32>], vector<16xf32>,
            %parallel_loop3A_1026 = arith.constant 9 : i32
            %parallel_loop3A_1027 = arith.index_cast %rem3A_127 : i32 to index
            %parallel_loop3A_1028 = arith.index_cast %parallel_loop3A_1026 : i32 to index
            %parallel_loop3A_1029 = arith.index_cast %parallel_loop3A_179 : i32 to index
            %parallel_loop3A_1030 = arith.constant 80 : index
            %parallel_loop3A_1031 = tpu.vector_load %arg7[%parallel_loop3A_1027, %parallel_loop3A_1028, %parallel_loop3A_1029, %parallel_loop3A_1030] {strides = array<i32>} : memref<3x16x8x128xf32, #tpu.memory_space<vmem>>, vector<16xf32>,
            tpu.vector_store %arg7[%parallel_loop3A_1027, %parallel_loop3A_1028, %parallel_loop3A_1029, %parallel_loop3A_1030], %parallel_loop3A_945 {strides = array<i32>} : memref<3x16x8x128xf32, #tpu.memory_space<vmem>>, vector<16xf32>,
            %parallel_loop3A_1032 = arith.constant 10 : i32
            %parallel_loop3A_1033 = vector.broadcast %parallel_loop3A_1032 : i32 to vector<16xi32>
            %parallel_loop3A_1034 = arith.addi %parallel_loop3A_235, %parallel_loop3A_1033 : vector<16xi32>
            %parallel_loop3A_1035 = tpu.vector_load_idx %arg5[%parallel_loop3A_1034] : memref<68000xf32, #tpu.memory_space<vmem>>[vector<16xi32>], vector<16xf32>,
            %parallel_loop3A_1036 = arith.constant 9 : i32
            %parallel_loop3A_1037 = arith.index_cast %rem3A_127 : i32 to index
            %parallel_loop3A_1038 = arith.index_cast %parallel_loop3A_1036 : i32 to index
            %parallel_loop3A_1039 = arith.index_cast %parallel_loop3A_179 : i32 to index
            %parallel_loop3A_1040 = arith.constant 96 : index
            %parallel_loop3A_1041 = tpu.vector_load %arg7[%parallel_loop3A_1037, %parallel_loop3A_1038, %parallel_loop3A_1039, %parallel_loop3A_1040] {strides = array<i32>} : memref<3x16x8x128xf32, #tpu.memory_space<vmem>>, vector<16xf32>,
            tpu.vector_store %arg7[%parallel_loop3A_1037, %parallel_loop3A_1038, %parallel_loop3A_1039, %parallel_loop3A_1040], %parallel_loop3A_955 {strides = array<i32>} : memref<3x16x8x128xf32, #tpu.memory_space<vmem>>, vector<16xf32>,
            %parallel_loop3A_1042 = arith.constant 10 : i32
            %parallel_loop3A_1043 = vector.broadcast %parallel_loop3A_1042 : i32 to vector<16xi32>
            %parallel_loop3A_1044 = arith.addi %parallel_loop3A_243, %parallel_loop3A_1043 : vector<16xi32>
            %parallel_loop3A_1045 = tpu.vector_load_idx %arg5[%parallel_loop3A_1044] : memref<68000xf32, #tpu.memory_space<vmem>>[vector<16xi32>], vector<16xf32>,
            %parallel_loop3A_1046 = arith.constant 9 : i32
            %parallel_loop3A_1047 = arith.index_cast %rem3A_127 : i32 to index
            %parallel_loop3A_1048 = arith.index_cast %parallel_loop3A_1046 : i32 to index
            %parallel_loop3A_1049 = arith.index_cast %parallel_loop3A_179 : i32 to index
            %parallel_loop3A_1050 = arith.constant 112 : index
            %parallel_loop3A_1051 = tpu.vector_load %arg7[%parallel_loop3A_1047, %parallel_loop3A_1048, %parallel_loop3A_1049, %parallel_loop3A_1050] {strides = array<i32>} : memref<3x16x8x128xf32, #tpu.memory_space<vmem>>, vector<16xf32>,
            tpu.vector_store %arg7[%parallel_loop3A_1047, %parallel_loop3A_1048, %parallel_loop3A_1049, %parallel_loop3A_1050], %parallel_loop3A_965 {strides = array<i32>} : memref<3x16x8x128xf32, #tpu.memory_space<vmem>>, vector<16xf32>,
            %parallel_loop3A_1052 = arith.constant 11 : i32
            %parallel_loop3A_1053 = vector.broadcast %parallel_loop3A_1052 : i32 to vector<16xi32>
            %parallel_loop3A_1054 = arith.addi %parallel_loop3A_187, %parallel_loop3A_1053 : vector<16xi32>
            %parallel_loop3A_1055 = tpu.vector_load_idx %arg5[%parallel_loop3A_1054] : memref<68000xf32, #tpu.memory_space<vmem>>[vector<16xi32>], vector<16xf32>,
            %parallel_loop3A_1056 = arith.constant 10 : i32
            %parallel_loop3A_1057 = arith.index_cast %rem3A_127 : i32 to index
            %parallel_loop3A_1058 = arith.index_cast %parallel_loop3A_1056 : i32 to index
            %parallel_loop3A_1059 = arith.index_cast %parallel_loop3A_179 : i32 to index
            %parallel_loop3A_1060 = arith.constant 0 : index
            %parallel_loop3A_1061 = tpu.vector_load %arg7[%parallel_loop3A_1057, %parallel_loop3A_1058, %parallel_loop3A_1059, %parallel_loop3A_1060] {strides = array<i32>} : memref<3x16x8x128xf32, #tpu.memory_space<vmem>>, vector<16xf32>,
            tpu.vector_store %arg7[%parallel_loop3A_1057, %parallel_loop3A_1058, %parallel_loop3A_1059, %parallel_loop3A_1060], %parallel_loop3A_975 {strides = array<i32>} : memref<3x16x8x128xf32, #tpu.memory_space<vmem>>, vector<16xf32>,
            %parallel_loop3A_1062 = arith.constant 11 : i32
            %parallel_loop3A_1063 = vector.broadcast %parallel_loop3A_1062 : i32 to vector<16xi32>
            %parallel_loop3A_1064 = arith.addi %parallel_loop3A_195, %parallel_loop3A_1063 : vector<16xi32>
            %parallel_loop3A_1065 = tpu.vector_load_idx %arg5[%parallel_loop3A_1064] : memref<68000xf32, #tpu.memory_space<vmem>>[vector<16xi32>], vector<16xf32>,
            %parallel_loop3A_1066 = arith.constant 10 : i32
            %parallel_loop3A_1067 = arith.index_cast %rem3A_127 : i32 to index
            %parallel_loop3A_1068 = arith.index_cast %parallel_loop3A_1066 : i32 to index
            %parallel_loop3A_1069 = arith.index_cast %parallel_loop3A_179 : i32 to index
            %parallel_loop3A_1070 = arith.constant 16 : index
            %parallel_loop3A_1071 = tpu.vector_load %arg7[%parallel_loop3A_1067, %parallel_loop3A_1068, %parallel_loop3A_1069, %parallel_loop3A_1070] {strides = array<i32>} : memref<3x16x8x128xf32, #tpu.memory_space<vmem>>, vector<16xf32>,
            tpu.vector_store %arg7[%parallel_loop3A_1067, %parallel_loop3A_1068, %parallel_loop3A_1069, %parallel_loop3A_1070], %parallel_loop3A_985 {strides = array<i32>} : memref<3x16x8x128xf32, #tpu.memory_space<vmem>>, vector<16xf32>,
            %parallel_loop3A_1072 = arith.constant 11 : i32
            %parallel_loop3A_1073 = vector.broadcast %parallel_loop3A_1072 : i32 to vector<16xi32>
            %parallel_loop3A_1074 = arith.addi %parallel_loop3A_203, %parallel_loop3A_1073 : vector<16xi32>
            %parallel_loop3A_1075 = tpu.vector_load_idx %arg5[%parallel_loop3A_1074] : memref<68000xf32, #tpu.memory_space<vmem>>[vector<16xi32>], vector<16xf32>,
            %parallel_loop3A_1076 = arith.constant 10 : i32
            %parallel_loop3A_1077 = arith.index_cast %rem3A_127 : i32 to index
            %parallel_loop3A_1078 = arith.index_cast %parallel_loop3A_1076 : i32 to index
            %parallel_loop3A_1079 = arith.index_cast %parallel_loop3A_179 : i32 to index
            %parallel_loop3A_1080 = arith.constant 32 : index
            %parallel_loop3A_1081 = tpu.vector_load %arg7[%parallel_loop3A_1077, %parallel_loop3A_1078, %parallel_loop3A_1079, %parallel_loop3A_1080] {strides = array<i32>} : memref<3x16x8x128xf32, #tpu.memory_space<vmem>>, vector<16xf32>,
            tpu.vector_store %arg7[%parallel_loop3A_1077, %parallel_loop3A_1078, %parallel_loop3A_1079, %parallel_loop3A_1080], %parallel_loop3A_995 {strides = array<i32>} : memref<3x16x8x128xf32, #tpu.memory_space<vmem>>, vector<16xf32>,
            %parallel_loop3A_1082 = arith.constant 11 : i32
            %parallel_loop3A_1083 = vector.broadcast %parallel_loop3A_1082 : i32 to vector<16xi32>
            %parallel_loop3A_1084 = arith.addi %parallel_loop3A_211, %parallel_loop3A_1083 : vector<16xi32>
            %parallel_loop3A_1085 = tpu.vector_load_idx %arg5[%parallel_loop3A_1084] : memref<68000xf32, #tpu.memory_space<vmem>>[vector<16xi32>], vector<16xf32>,
            %parallel_loop3A_1086 = arith.constant 10 : i32
            %parallel_loop3A_1087 = arith.index_cast %rem3A_127 : i32 to index
            %parallel_loop3A_1088 = arith.index_cast %parallel_loop3A_1086 : i32 to index
            %parallel_loop3A_1089 = arith.index_cast %parallel_loop3A_179 : i32 to index
            %parallel_loop3A_1090 = arith.constant 48 : index
            %parallel_loop3A_1091 = tpu.vector_load %arg7[%parallel_loop3A_1087, %parallel_loop3A_1088, %parallel_loop3A_1089, %parallel_loop3A_1090] {strides = array<i32>} : memref<3x16x8x128xf32, #tpu.memory_space<vmem>>, vector<16xf32>,
            tpu.vector_store %arg7[%parallel_loop3A_1087, %parallel_loop3A_1088, %parallel_loop3A_1089, %parallel_loop3A_1090], %parallel_loop3A_1005 {strides = array<i32>} : memref<3x16x8x128xf32, #tpu.memory_space<vmem>>, vector<16xf32>,
            %parallel_loop3A_1092 = arith.constant 11 : i32
            %parallel_loop3A_1093 = vector.broadcast %parallel_loop3A_1092 : i32 to vector<16xi32>
            %parallel_loop3A_1094 = arith.addi %parallel_loop3A_219, %parallel_loop3A_1093 : vector<16xi32>
            %parallel_loop3A_1095 = tpu.vector_load_idx %arg5[%parallel_loop3A_1094] : memref<68000xf32, #tpu.memory_space<vmem>>[vector<16xi32>], vector<16xf32>,
            %parallel_loop3A_1096 = arith.constant 10 : i32
            %parallel_loop3A_1097 = arith.index_cast %rem3A_127 : i32 to index
            %parallel_loop3A_1098 = arith.index_cast %parallel_loop3A_1096 : i32 to index
            %parallel_loop3A_1099 = arith.index_cast %parallel_loop3A_179 : i32 to index
            %parallel_loop3A_1100 = arith.constant 64 : index
            %parallel_loop3A_1101 = tpu.vector_load %arg7[%parallel_loop3A_1097, %parallel_loop3A_1098, %parallel_loop3A_1099, %parallel_loop3A_1100] {strides = array<i32>} : memref<3x16x8x128xf32, #tpu.memory_space<vmem>>, vector<16xf32>,
            tpu.vector_store %arg7[%parallel_loop3A_1097, %parallel_loop3A_1098, %parallel_loop3A_1099, %parallel_loop3A_1100], %parallel_loop3A_1015 {strides = array<i32>} : memref<3x16x8x128xf32, #tpu.memory_space<vmem>>, vector<16xf32>,
            %parallel_loop3A_1102 = arith.constant 11 : i32
            %parallel_loop3A_1103 = vector.broadcast %parallel_loop3A_1102 : i32 to vector<16xi32>
            %parallel_loop3A_1104 = arith.addi %parallel_loop3A_227, %parallel_loop3A_1103 : vector<16xi32>
            %parallel_loop3A_1105 = tpu.vector_load_idx %arg5[%parallel_loop3A_1104] : memref<68000xf32, #tpu.memory_space<vmem>>[vector<16xi32>], vector<16xf32>,
            %parallel_loop3A_1106 = arith.constant 10 : i32
            %parallel_loop3A_1107 = arith.index_cast %rem3A_127 : i32 to index
            %parallel_loop3A_1108 = arith.index_cast %parallel_loop3A_1106 : i32 to index
            %parallel_loop3A_1109 = arith.index_cast %parallel_loop3A_179 : i32 to index
            %parallel_loop3A_1110 = arith.constant 80 : index
            %parallel_loop3A_1111 = tpu.vector_load %arg7[%parallel_loop3A_1107, %parallel_loop3A_1108, %parallel_loop3A_1109, %parallel_loop3A_1110] {strides = array<i32>} : memref<3x16x8x128xf32, #tpu.memory_space<vmem>>, vector<16xf32>,
            tpu.vector_store %arg7[%parallel_loop3A_1107, %parallel_loop3A_1108, %parallel_loop3A_1109, %parallel_loop3A_1110], %parallel_loop3A_1025 {strides = array<i32>} : memref<3x16x8x128xf32, #tpu.memory_space<vmem>>, vector<16xf32>,
            %parallel_loop3A_1112 = arith.constant 11 : i32
            %parallel_loop3A_1113 = vector.broadcast %parallel_loop3A_1112 : i32 to vector<16xi32>
            %parallel_loop3A_1114 = arith.addi %parallel_loop3A_235, %parallel_loop3A_1113 : vector<16xi32>
            %parallel_loop3A_1115 = tpu.vector_load_idx %arg5[%parallel_loop3A_1114] : memref<68000xf32, #tpu.memory_space<vmem>>[vector<16xi32>], vector<16xf32>,
            %parallel_loop3A_1116 = arith.constant 10 : i32
            %parallel_loop3A_1117 = arith.index_cast %rem3A_127 : i32 to index
            %parallel_loop3A_1118 = arith.index_cast %parallel_loop3A_1116 : i32 to index
            %parallel_loop3A_1119 = arith.index_cast %parallel_loop3A_179 : i32 to index
            %parallel_loop3A_1120 = arith.constant 96 : index
            %parallel_loop3A_1121 = tpu.vector_load %arg7[%parallel_loop3A_1117, %parallel_loop3A_1118, %parallel_loop3A_1119, %parallel_loop3A_1120] {strides = array<i32>} : memref<3x16x8x128xf32, #tpu.memory_space<vmem>>, vector<16xf32>,
            tpu.vector_store %arg7[%parallel_loop3A_1117, %parallel_loop3A_1118, %parallel_loop3A_1119, %parallel_loop3A_1120], %parallel_loop3A_1035 {strides = array<i32>} : memref<3x16x8x128xf32, #tpu.memory_space<vmem>>, vector<16xf32>,
            %parallel_loop3A_1122 = arith.constant 11 : i32
            %parallel_loop3A_1123 = vector.broadcast %parallel_loop3A_1122 : i32 to vector<16xi32>
            %parallel_loop3A_1124 = arith.addi %parallel_loop3A_243, %parallel_loop3A_1123 : vector<16xi32>
            %parallel_loop3A_1125 = tpu.vector_load_idx %arg5[%parallel_loop3A_1124] : memref<68000xf32, #tpu.memory_space<vmem>>[vector<16xi32>], vector<16xf32>,
            %parallel_loop3A_1126 = arith.constant 10 : i32
            %parallel_loop3A_1127 = arith.index_cast %rem3A_127 : i32 to index
            %parallel_loop3A_1128 = arith.index_cast %parallel_loop3A_1126 : i32 to index
            %parallel_loop3A_1129 = arith.index_cast %parallel_loop3A_179 : i32 to index
            %parallel_loop3A_1130 = arith.constant 112 : index
            %parallel_loop3A_1131 = tpu.vector_load %arg7[%parallel_loop3A_1127, %parallel_loop3A_1128, %parallel_loop3A_1129, %parallel_loop3A_1130] {strides = array<i32>} : memref<3x16x8x128xf32, #tpu.memory_space<vmem>>, vector<16xf32>,
            tpu.vector_store %arg7[%parallel_loop3A_1127, %parallel_loop3A_1128, %parallel_loop3A_1129, %parallel_loop3A_1130], %parallel_loop3A_1045 {strides = array<i32>} : memref<3x16x8x128xf32, #tpu.memory_space<vmem>>, vector<16xf32>,
            %parallel_loop3A_1132 = arith.constant 12 : i32
            %parallel_loop3A_1133 = vector.broadcast %parallel_loop3A_1132 : i32 to vector<16xi32>
            %parallel_loop3A_1134 = arith.addi %parallel_loop3A_187, %parallel_loop3A_1133 : vector<16xi32>
            %parallel_loop3A_1135 = tpu.vector_load_idx %arg5[%parallel_loop3A_1134] : memref<68000xf32, #tpu.memory_space<vmem>>[vector<16xi32>], vector<16xf32>,
            %parallel_loop3A_1136 = arith.constant 11 : i32
            %parallel_loop3A_1137 = arith.index_cast %rem3A_127 : i32 to index
            %parallel_loop3A_1138 = arith.index_cast %parallel_loop3A_1136 : i32 to index
            %parallel_loop3A_1139 = arith.index_cast %parallel_loop3A_179 : i32 to index
            %parallel_loop3A_1140 = arith.constant 0 : index
            %parallel_loop3A_1141 = tpu.vector_load %arg7[%parallel_loop3A_1137, %parallel_loop3A_1138, %parallel_loop3A_1139, %parallel_loop3A_1140] {strides = array<i32>} : memref<3x16x8x128xf32, #tpu.memory_space<vmem>>, vector<16xf32>,
            tpu.vector_store %arg7[%parallel_loop3A_1137, %parallel_loop3A_1138, %parallel_loop3A_1139, %parallel_loop3A_1140], %parallel_loop3A_1055 {strides = array<i32>} : memref<3x16x8x128xf32, #tpu.memory_space<vmem>>, vector<16xf32>,
            %parallel_loop3A_1142 = arith.constant 12 : i32
            %parallel_loop3A_1143 = vector.broadcast %parallel_loop3A_1142 : i32 to vector<16xi32>
            %parallel_loop3A_1144 = arith.addi %parallel_loop3A_195, %parallel_loop3A_1143 : vector<16xi32>
            %parallel_loop3A_1145 = tpu.vector_load_idx %arg5[%parallel_loop3A_1144] : memref<68000xf32, #tpu.memory_space<vmem>>[vector<16xi32>], vector<16xf32>,
            %parallel_loop3A_1146 = arith.constant 11 : i32
            %parallel_loop3A_1147 = arith.index_cast %rem3A_127 : i32 to index
            %parallel_loop3A_1148 = arith.index_cast %parallel_loop3A_1146 : i32 to index
            %parallel_loop3A_1149 = arith.index_cast %parallel_loop3A_179 : i32 to index
            %parallel_loop3A_1150 = arith.constant 16 : index
            %parallel_loop3A_1151 = tpu.vector_load %arg7[%parallel_loop3A_1147, %parallel_loop3A_1148, %parallel_loop3A_1149, %parallel_loop3A_1150] {strides = array<i32>} : memref<3x16x8x128xf32, #tpu.memory_space<vmem>>, vector<16xf32>,
            tpu.vector_store %arg7[%parallel_loop3A_1147, %parallel_loop3A_1148, %parallel_loop3A_1149, %parallel_loop3A_1150], %parallel_loop3A_1065 {strides = array<i32>} : memref<3x16x8x128xf32, #tpu.memory_space<vmem>>, vector<16xf32>,
            %parallel_loop3A_1152 = arith.constant 12 : i32
            %parallel_loop3A_1153 = vector.broadcast %parallel_loop3A_1152 : i32 to vector<16xi32>
            %parallel_loop3A_1154 = arith.addi %parallel_loop3A_203, %parallel_loop3A_1153 : vector<16xi32>
            %parallel_loop3A_1155 = tpu.vector_load_idx %arg5[%parallel_loop3A_1154] : memref<68000xf32, #tpu.memory_space<vmem>>[vector<16xi32>], vector<16xf32>,
            %parallel_loop3A_1156 = arith.constant 11 : i32
            %parallel_loop3A_1157 = arith.index_cast %rem3A_127 : i32 to index
            %parallel_loop3A_1158 = arith.index_cast %parallel_loop3A_1156 : i32 to index
            %parallel_loop3A_1159 = arith.index_cast %parallel_loop3A_179 : i32 to index
            %parallel_loop3A_1160 = arith.constant 32 : index
            %parallel_loop3A_1161 = tpu.vector_load %arg7[%parallel_loop3A_1157, %parallel_loop3A_1158, %parallel_loop3A_1159, %parallel_loop3A_1160] {strides = array<i32>} : memref<3x16x8x128xf32, #tpu.memory_space<vmem>>, vector<16xf32>,
            tpu.vector_store %arg7[%parallel_loop3A_1157, %parallel_loop3A_1158, %parallel_loop3A_1159, %parallel_loop3A_1160], %parallel_loop3A_1075 {strides = array<i32>} : memref<3x16x8x128xf32, #tpu.memory_space<vmem>>, vector<16xf32>,
            %parallel_loop3A_1162 = arith.constant 12 : i32
            %parallel_loop3A_1163 = vector.broadcast %parallel_loop3A_1162 : i32 to vector<16xi32>
            %parallel_loop3A_1164 = arith.addi %parallel_loop3A_211, %parallel_loop3A_1163 : vector<16xi32>
            %parallel_loop3A_1165 = tpu.vector_load_idx %arg5[%parallel_loop3A_1164] : memref<68000xf32, #tpu.memory_space<vmem>>[vector<16xi32>], vector<16xf32>,
            %parallel_loop3A_1166 = arith.constant 11 : i32
            %parallel_loop3A_1167 = arith.index_cast %rem3A_127 : i32 to index
            %parallel_loop3A_1168 = arith.index_cast %parallel_loop3A_1166 : i32 to index
            %parallel_loop3A_1169 = arith.index_cast %parallel_loop3A_179 : i32 to index
            %parallel_loop3A_1170 = arith.constant 48 : index
            %parallel_loop3A_1171 = tpu.vector_load %arg7[%parallel_loop3A_1167, %parallel_loop3A_1168, %parallel_loop3A_1169, %parallel_loop3A_1170] {strides = array<i32>} : memref<3x16x8x128xf32, #tpu.memory_space<vmem>>, vector<16xf32>,
            tpu.vector_store %arg7[%parallel_loop3A_1167, %parallel_loop3A_1168, %parallel_loop3A_1169, %parallel_loop3A_1170], %parallel_loop3A_1085 {strides = array<i32>} : memref<3x16x8x128xf32, #tpu.memory_space<vmem>>, vector<16xf32>,
            %parallel_loop3A_1172 = arith.constant 12 : i32
            %parallel_loop3A_1173 = vector.broadcast %parallel_loop3A_1172 : i32 to vector<16xi32>
            %parallel_loop3A_1174 = arith.addi %parallel_loop3A_219, %parallel_loop3A_1173 : vector<16xi32>
            %parallel_loop3A_1175 = tpu.vector_load_idx %arg5[%parallel_loop3A_1174] : memref<68000xf32, #tpu.memory_space<vmem>>[vector<16xi32>], vector<16xf32>,
            %parallel_loop3A_1176 = arith.constant 11 : i32
            %parallel_loop3A_1177 = arith.index_cast %rem3A_127 : i32 to index
            %parallel_loop3A_1178 = arith.index_cast %parallel_loop3A_1176 : i32 to index
            %parallel_loop3A_1179 = arith.index_cast %parallel_loop3A_179 : i32 to index
            %parallel_loop3A_1180 = arith.constant 64 : index
            %parallel_loop3A_1181 = tpu.vector_load %arg7[%parallel_loop3A_1177, %parallel_loop3A_1178, %parallel_loop3A_1179, %parallel_loop3A_1180] {strides = array<i32>} : memref<3x16x8x128xf32, #tpu.memory_space<vmem>>, vector<16xf32>,
            tpu.vector_store %arg7[%parallel_loop3A_1177, %parallel_loop3A_1178, %parallel_loop3A_1179, %parallel_loop3A_1180], %parallel_loop3A_1095 {strides = array<i32>} : memref<3x16x8x128xf32, #tpu.memory_space<vmem>>, vector<16xf32>,
            %parallel_loop3A_1182 = arith.constant 12 : i32
            %parallel_loop3A_1183 = vector.broadcast %parallel_loop3A_1182 : i32 to vector<16xi32>
            %parallel_loop3A_1184 = arith.addi %parallel_loop3A_227, %parallel_loop3A_1183 : vector<16xi32>
            %parallel_loop3A_1185 = tpu.vector_load_idx %arg5[%parallel_loop3A_1184] : memref<68000xf32, #tpu.memory_space<vmem>>[vector<16xi32>], vector<16xf32>,
            %parallel_loop3A_1186 = arith.constant 11 : i32
            %parallel_loop3A_1187 = arith.index_cast %rem3A_127 : i32 to index
            %parallel_loop3A_1188 = arith.index_cast %parallel_loop3A_1186 : i32 to index
            %parallel_loop3A_1189 = arith.index_cast %parallel_loop3A_179 : i32 to index
            %parallel_loop3A_1190 = arith.constant 80 : index
            %parallel_loop3A_1191 = tpu.vector_load %arg7[%parallel_loop3A_1187, %parallel_loop3A_1188, %parallel_loop3A_1189, %parallel_loop3A_1190] {strides = array<i32>} : memref<3x16x8x128xf32, #tpu.memory_space<vmem>>, vector<16xf32>,
            tpu.vector_store %arg7[%parallel_loop3A_1187, %parallel_loop3A_1188, %parallel_loop3A_1189, %parallel_loop3A_1190], %parallel_loop3A_1105 {strides = array<i32>} : memref<3x16x8x128xf32, #tpu.memory_space<vmem>>, vector<16xf32>,
            %parallel_loop3A_1192 = arith.constant 12 : i32
            %parallel_loop3A_1193 = vector.broadcast %parallel_loop3A_1192 : i32 to vector<16xi32>
            %parallel_loop3A_1194 = arith.addi %parallel_loop3A_235, %parallel_loop3A_1193 : vector<16xi32>
            %parallel_loop3A_1195 = tpu.vector_load_idx %arg5[%parallel_loop3A_1194] : memref<68000xf32, #tpu.memory_space<vmem>>[vector<16xi32>], vector<16xf32>,
            %parallel_loop3A_1196 = arith.constant 11 : i32
            %parallel_loop3A_1197 = arith.index_cast %rem3A_127 : i32 to index
            %parallel_loop3A_1198 = arith.index_cast %parallel_loop3A_1196 : i32 to index
            %parallel_loop3A_1199 = arith.index_cast %parallel_loop3A_179 : i32 to index
            %parallel_loop3A_1200 = arith.constant 96 : index
            %parallel_loop3A_1201 = tpu.vector_load %arg7[%parallel_loop3A_1197, %parallel_loop3A_1198, %parallel_loop3A_1199, %parallel_loop3A_1200] {strides = array<i32>} : memref<3x16x8x128xf32, #tpu.memory_space<vmem>>, vector<16xf32>,
            tpu.vector_store %arg7[%parallel_loop3A_1197, %parallel_loop3A_1198, %parallel_loop3A_1199, %parallel_loop3A_1200], %parallel_loop3A_1115 {strides = array<i32>} : memref<3x16x8x128xf32, #tpu.memory_space<vmem>>, vector<16xf32>,
            %parallel_loop3A_1202 = arith.constant 12 : i32
            %parallel_loop3A_1203 = vector.broadcast %parallel_loop3A_1202 : i32 to vector<16xi32>
            %parallel_loop3A_1204 = arith.addi %parallel_loop3A_243, %parallel_loop3A_1203 : vector<16xi32>
            %parallel_loop3A_1205 = tpu.vector_load_idx %arg5[%parallel_loop3A_1204] : memref<68000xf32, #tpu.memory_space<vmem>>[vector<16xi32>], vector<16xf32>,
            %parallel_loop3A_1206 = arith.constant 11 : i32
            %parallel_loop3A_1207 = arith.index_cast %rem3A_127 : i32 to index
            %parallel_loop3A_1208 = arith.index_cast %parallel_loop3A_1206 : i32 to index
            %parallel_loop3A_1209 = arith.index_cast %parallel_loop3A_179 : i32 to index
            %parallel_loop3A_1210 = arith.constant 112 : index
            %parallel_loop3A_1211 = tpu.vector_load %arg7[%parallel_loop3A_1207, %parallel_loop3A_1208, %parallel_loop3A_1209, %parallel_loop3A_1210] {strides = array<i32>} : memref<3x16x8x128xf32, #tpu.memory_space<vmem>>, vector<16xf32>,
            tpu.vector_store %arg7[%parallel_loop3A_1207, %parallel_loop3A_1208, %parallel_loop3A_1209, %parallel_loop3A_1210], %parallel_loop3A_1125 {strides = array<i32>} : memref<3x16x8x128xf32, #tpu.memory_space<vmem>>, vector<16xf32>,
            %parallel_loop3A_1212 = arith.constant 13 : i32
            %parallel_loop3A_1213 = vector.broadcast %parallel_loop3A_1212 : i32 to vector<16xi32>
            %parallel_loop3A_1214 = arith.addi %parallel_loop3A_187, %parallel_loop3A_1213 : vector<16xi32>
            %parallel_loop3A_1215 = tpu.vector_load_idx %arg5[%parallel_loop3A_1214] : memref<68000xf32, #tpu.memory_space<vmem>>[vector<16xi32>], vector<16xf32>,
            %parallel_loop3A_1216 = arith.constant 12 : i32
            %parallel_loop3A_1217 = arith.index_cast %rem3A_127 : i32 to index
            %parallel_loop3A_1218 = arith.index_cast %parallel_loop3A_1216 : i32 to index
            %parallel_loop3A_1219 = arith.index_cast %parallel_loop3A_179 : i32 to index
            %parallel_loop3A_1220 = arith.constant 0 : index
            %parallel_loop3A_1221 = tpu.vector_load %arg7[%parallel_loop3A_1217, %parallel_loop3A_1218, %parallel_loop3A_1219, %parallel_loop3A_1220] {strides = array<i32>} : memref<3x16x8x128xf32, #tpu.memory_space<vmem>>, vector<16xf32>,
            tpu.vector_store %arg7[%parallel_loop3A_1217, %parallel_loop3A_1218, %parallel_loop3A_1219, %parallel_loop3A_1220], %parallel_loop3A_1135 {strides = array<i32>} : memref<3x16x8x128xf32, #tpu.memory_space<vmem>>, vector<16xf32>,
            %parallel_loop3A_1222 = arith.constant 13 : i32
            %parallel_loop3A_1223 = vector.broadcast %parallel_loop3A_1222 : i32 to vector<16xi32>
            %parallel_loop3A_1224 = arith.addi %parallel_loop3A_195, %parallel_loop3A_1223 : vector<16xi32>
            %parallel_loop3A_1225 = tpu.vector_load_idx %arg5[%parallel_loop3A_1224] : memref<68000xf32, #tpu.memory_space<vmem>>[vector<16xi32>], vector<16xf32>,
            %parallel_loop3A_1226 = arith.constant 12 : i32
            %parallel_loop3A_1227 = arith.index_cast %rem3A_127 : i32 to index
            %parallel_loop3A_1228 = arith.index_cast %parallel_loop3A_1226 : i32 to index
            %parallel_loop3A_1229 = arith.index_cast %parallel_loop3A_179 : i32 to index
            %parallel_loop3A_1230 = arith.constant 16 : index
            %parallel_loop3A_1231 = tpu.vector_load %arg7[%parallel_loop3A_1227, %parallel_loop3A_1228, %parallel_loop3A_1229, %parallel_loop3A_1230] {strides = array<i32>} : memref<3x16x8x128xf32, #tpu.memory_space<vmem>>, vector<16xf32>,
            tpu.vector_store %arg7[%parallel_loop3A_1227, %parallel_loop3A_1228, %parallel_loop3A_1229, %parallel_loop3A_1230], %parallel_loop3A_1145 {strides = array<i32>} : memref<3x16x8x128xf32, #tpu.memory_space<vmem>>, vector<16xf32>,
            %parallel_loop3A_1232 = arith.constant 13 : i32
            %parallel_loop3A_1233 = vector.broadcast %parallel_loop3A_1232 : i32 to vector<16xi32>
            %parallel_loop3A_1234 = arith.addi %parallel_loop3A_203, %parallel_loop3A_1233 : vector<16xi32>
            %parallel_loop3A_1235 = tpu.vector_load_idx %arg5[%parallel_loop3A_1234] : memref<68000xf32, #tpu.memory_space<vmem>>[vector<16xi32>], vector<16xf32>,
            %parallel_loop3A_1236 = arith.constant 12 : i32
            %parallel_loop3A_1237 = arith.index_cast %rem3A_127 : i32 to index
            %parallel_loop3A_1238 = arith.index_cast %parallel_loop3A_1236 : i32 to index
            %parallel_loop3A_1239 = arith.index_cast %parallel_loop3A_179 : i32 to index
            %parallel_loop3A_1240 = arith.constant 32 : index
            %parallel_loop3A_1241 = tpu.vector_load %arg7[%parallel_loop3A_1237, %parallel_loop3A_1238, %parallel_loop3A_1239, %parallel_loop3A_1240] {strides = array<i32>} : memref<3x16x8x128xf32, #tpu.memory_space<vmem>>, vector<16xf32>,
            tpu.vector_store %arg7[%parallel_loop3A_1237, %parallel_loop3A_1238, %parallel_loop3A_1239, %parallel_loop3A_1240], %parallel_loop3A_1155 {strides = array<i32>} : memref<3x16x8x128xf32, #tpu.memory_space<vmem>>, vector<16xf32>,
            %parallel_loop3A_1242 = arith.constant 13 : i32
            %parallel_loop3A_1243 = vector.broadcast %parallel_loop3A_1242 : i32 to vector<16xi32>
            %parallel_loop3A_1244 = arith.addi %parallel_loop3A_211, %parallel_loop3A_1243 : vector<16xi32>
            %parallel_loop3A_1245 = tpu.vector_load_idx %arg5[%parallel_loop3A_1244] : memref<68000xf32, #tpu.memory_space<vmem>>[vector<16xi32>], vector<16xf32>,
            %parallel_loop3A_1246 = arith.constant 12 : i32
            %parallel_loop3A_1247 = arith.index_cast %rem3A_127 : i32 to index
            %parallel_loop3A_1248 = arith.index_cast %parallel_loop3A_1246 : i32 to index
            %parallel_loop3A_1249 = arith.index_cast %parallel_loop3A_179 : i32 to index
            %parallel_loop3A_1250 = arith.constant 48 : index
            %parallel_loop3A_1251 = tpu.vector_load %arg7[%parallel_loop3A_1247, %parallel_loop3A_1248, %parallel_loop3A_1249, %parallel_loop3A_1250] {strides = array<i32>} : memref<3x16x8x128xf32, #tpu.memory_space<vmem>>, vector<16xf32>,
            tpu.vector_store %arg7[%parallel_loop3A_1247, %parallel_loop3A_1248, %parallel_loop3A_1249, %parallel_loop3A_1250], %parallel_loop3A_1165 {strides = array<i32>} : memref<3x16x8x128xf32, #tpu.memory_space<vmem>>, vector<16xf32>,
            %parallel_loop3A_1252 = arith.constant 13 : i32
            %parallel_loop3A_1253 = vector.broadcast %parallel_loop3A_1252 : i32 to vector<16xi32>
            %parallel_loop3A_1254 = arith.addi %parallel_loop3A_219, %parallel_loop3A_1253 : vector<16xi32>
            %parallel_loop3A_1255 = tpu.vector_load_idx %arg5[%parallel_loop3A_1254] : memref<68000xf32, #tpu.memory_space<vmem>>[vector<16xi32>], vector<16xf32>,
            %parallel_loop3A_1256 = arith.constant 12 : i32
            %parallel_loop3A_1257 = arith.index_cast %rem3A_127 : i32 to index
            %parallel_loop3A_1258 = arith.index_cast %parallel_loop3A_1256 : i32 to index
            %parallel_loop3A_1259 = arith.index_cast %parallel_loop3A_179 : i32 to index
            %parallel_loop3A_1260 = arith.constant 64 : index
            %parallel_loop3A_1261 = tpu.vector_load %arg7[%parallel_loop3A_1257, %parallel_loop3A_1258, %parallel_loop3A_1259, %parallel_loop3A_1260] {strides = array<i32>} : memref<3x16x8x128xf32, #tpu.memory_space<vmem>>, vector<16xf32>,
            tpu.vector_store %arg7[%parallel_loop3A_1257, %parallel_loop3A_1258, %parallel_loop3A_1259, %parallel_loop3A_1260], %parallel_loop3A_1175 {strides = array<i32>} : memref<3x16x8x128xf32, #tpu.memory_space<vmem>>, vector<16xf32>,
            %parallel_loop3A_1262 = arith.constant 13 : i32
            %parallel_loop3A_1263 = vector.broadcast %parallel_loop3A_1262 : i32 to vector<16xi32>
            %parallel_loop3A_1264 = arith.addi %parallel_loop3A_227, %parallel_loop3A_1263 : vector<16xi32>
            %parallel_loop3A_1265 = tpu.vector_load_idx %arg5[%parallel_loop3A_1264] : memref<68000xf32, #tpu.memory_space<vmem>>[vector<16xi32>], vector<16xf32>,
            %parallel_loop3A_1266 = arith.constant 12 : i32
            %parallel_loop3A_1267 = arith.index_cast %rem3A_127 : i32 to index
            %parallel_loop3A_1268 = arith.index_cast %parallel_loop3A_1266 : i32 to index
            %parallel_loop3A_1269 = arith.index_cast %parallel_loop3A_179 : i32 to index
            %parallel_loop3A_1270 = arith.constant 80 : index
            %parallel_loop3A_1271 = tpu.vector_load %arg7[%parallel_loop3A_1267, %parallel_loop3A_1268, %parallel_loop3A_1269, %parallel_loop3A_1270] {strides = array<i32>} : memref<3x16x8x128xf32, #tpu.memory_space<vmem>>, vector<16xf32>,
            tpu.vector_store %arg7[%parallel_loop3A_1267, %parallel_loop3A_1268, %parallel_loop3A_1269, %parallel_loop3A_1270], %parallel_loop3A_1185 {strides = array<i32>} : memref<3x16x8x128xf32, #tpu.memory_space<vmem>>, vector<16xf32>,
            %parallel_loop3A_1272 = arith.constant 13 : i32
            %parallel_loop3A_1273 = vector.broadcast %parallel_loop3A_1272 : i32 to vector<16xi32>
            %parallel_loop3A_1274 = arith.addi %parallel_loop3A_235, %parallel_loop3A_1273 : vector<16xi32>
            %parallel_loop3A_1275 = tpu.vector_load_idx %arg5[%parallel_loop3A_1274] : memref<68000xf32, #tpu.memory_space<vmem>>[vector<16xi32>], vector<16xf32>,
            %parallel_loop3A_1276 = arith.constant 12 : i32
            %parallel_loop3A_1277 = arith.index_cast %rem3A_127 : i32 to index
            %parallel_loop3A_1278 = arith.index_cast %parallel_loop3A_1276 : i32 to index
            %parallel_loop3A_1279 = arith.index_cast %parallel_loop3A_179 : i32 to index
            %parallel_loop3A_1280 = arith.constant 96 : index
            %parallel_loop3A_1281 = tpu.vector_load %arg7[%parallel_loop3A_1277, %parallel_loop3A_1278, %parallel_loop3A_1279, %parallel_loop3A_1280] {strides = array<i32>} : memref<3x16x8x128xf32, #tpu.memory_space<vmem>>, vector<16xf32>,
            tpu.vector_store %arg7[%parallel_loop3A_1277, %parallel_loop3A_1278, %parallel_loop3A_1279, %parallel_loop3A_1280], %parallel_loop3A_1195 {strides = array<i32>} : memref<3x16x8x128xf32, #tpu.memory_space<vmem>>, vector<16xf32>,
            %parallel_loop3A_1282 = arith.constant 13 : i32
            %parallel_loop3A_1283 = vector.broadcast %parallel_loop3A_1282 : i32 to vector<16xi32>
            %parallel_loop3A_1284 = arith.addi %parallel_loop3A_243, %parallel_loop3A_1283 : vector<16xi32>
            %parallel_loop3A_1285 = tpu.vector_load_idx %arg5[%parallel_loop3A_1284] : memref<68000xf32, #tpu.memory_space<vmem>>[vector<16xi32>], vector<16xf32>,
            %parallel_loop3A_1286 = arith.constant 12 : i32
            %parallel_loop3A_1287 = arith.index_cast %rem3A_127 : i32 to index
            %parallel_loop3A_1288 = arith.index_cast %parallel_loop3A_1286 : i32 to index
            %parallel_loop3A_1289 = arith.index_cast %parallel_loop3A_179 : i32 to index
            %parallel_loop3A_1290 = arith.constant 112 : index
            %parallel_loop3A_1291 = tpu.vector_load %arg7[%parallel_loop3A_1287, %parallel_loop3A_1288, %parallel_loop3A_1289, %parallel_loop3A_1290] {strides = array<i32>} : memref<3x16x8x128xf32, #tpu.memory_space<vmem>>, vector<16xf32>,
            tpu.vector_store %arg7[%parallel_loop3A_1287, %parallel_loop3A_1288, %parallel_loop3A_1289, %parallel_loop3A_1290], %parallel_loop3A_1205 {strides = array<i32>} : memref<3x16x8x128xf32, #tpu.memory_space<vmem>>, vector<16xf32>,
            %parallel_loop3A_1292 = arith.constant 14 : i32
            %parallel_loop3A_1293 = vector.broadcast %parallel_loop3A_1292 : i32 to vector<16xi32>
            %parallel_loop3A_1294 = arith.addi %parallel_loop3A_187, %parallel_loop3A_1293 : vector<16xi32>
            %parallel_loop3A_1295 = tpu.vector_load_idx %arg5[%parallel_loop3A_1294] : memref<68000xf32, #tpu.memory_space<vmem>>[vector<16xi32>], vector<16xf32>,
            %parallel_loop3A_1296 = arith.constant 13 : i32
            %parallel_loop3A_1297 = arith.index_cast %rem3A_127 : i32 to index
            %parallel_loop3A_1298 = arith.index_cast %parallel_loop3A_1296 : i32 to index
            %parallel_loop3A_1299 = arith.index_cast %parallel_loop3A_179 : i32 to index
            %parallel_loop3A_1300 = arith.constant 0 : index
            %parallel_loop3A_1301 = tpu.vector_load %arg7[%parallel_loop3A_1297, %parallel_loop3A_1298, %parallel_loop3A_1299, %parallel_loop3A_1300] {strides = array<i32>} : memref<3x16x8x128xf32, #tpu.memory_space<vmem>>, vector<16xf32>,
            tpu.vector_store %arg7[%parallel_loop3A_1297, %parallel_loop3A_1298, %parallel_loop3A_1299, %parallel_loop3A_1300], %parallel_loop3A_1215 {strides = array<i32>} : memref<3x16x8x128xf32, #tpu.memory_space<vmem>>, vector<16xf32>,
            %parallel_loop3A_1302 = arith.constant 14 : i32
            %parallel_loop3A_1303 = vector.broadcast %parallel_loop3A_1302 : i32 to vector<16xi32>
            %parallel_loop3A_1304 = arith.addi %parallel_loop3A_195, %parallel_loop3A_1303 : vector<16xi32>
            %parallel_loop3A_1305 = tpu.vector_load_idx %arg5[%parallel_loop3A_1304] : memref<68000xf32, #tpu.memory_space<vmem>>[vector<16xi32>], vector<16xf32>,
            %parallel_loop3A_1306 = arith.constant 13 : i32
            %parallel_loop3A_1307 = arith.index_cast %rem3A_127 : i32 to index
            %parallel_loop3A_1308 = arith.index_cast %parallel_loop3A_1306 : i32 to index
            %parallel_loop3A_1309 = arith.index_cast %parallel_loop3A_179 : i32 to index
            %parallel_loop3A_1310 = arith.constant 16 : index
            %parallel_loop3A_1311 = tpu.vector_load %arg7[%parallel_loop3A_1307, %parallel_loop3A_1308, %parallel_loop3A_1309, %parallel_loop3A_1310] {strides = array<i32>} : memref<3x16x8x128xf32, #tpu.memory_space<vmem>>, vector<16xf32>,
            tpu.vector_store %arg7[%parallel_loop3A_1307, %parallel_loop3A_1308, %parallel_loop3A_1309, %parallel_loop3A_1310], %parallel_loop3A_1225 {strides = array<i32>} : memref<3x16x8x128xf32, #tpu.memory_space<vmem>>, vector<16xf32>,
            %parallel_loop3A_1312 = arith.constant 14 : i32
            %parallel_loop3A_1313 = vector.broadcast %parallel_loop3A_1312 : i32 to vector<16xi32>
            %parallel_loop3A_1314 = arith.addi %parallel_loop3A_203, %parallel_loop3A_1313 : vector<16xi32>
            %parallel_loop3A_1315 = tpu.vector_load_idx %arg5[%parallel_loop3A_1314] : memref<68000xf32, #tpu.memory_space<vmem>>[vector<16xi32>], vector<16xf32>,
            %parallel_loop3A_1316 = arith.constant 13 : i32
            %parallel_loop3A_1317 = arith.index_cast %rem3A_127 : i32 to index
            %parallel_loop3A_1318 = arith.index_cast %parallel_loop3A_1316 : i32 to index
            %parallel_loop3A_1319 = arith.index_cast %parallel_loop3A_179 : i32 to index
            %parallel_loop3A_1320 = arith.constant 32 : index
            %parallel_loop3A_1321 = tpu.vector_load %arg7[%parallel_loop3A_1317, %parallel_loop3A_1318, %parallel_loop3A_1319, %parallel_loop3A_1320] {strides = array<i32>} : memref<3x16x8x128xf32, #tpu.memory_space<vmem>>, vector<16xf32>,
            tpu.vector_store %arg7[%parallel_loop3A_1317, %parallel_loop3A_1318, %parallel_loop3A_1319, %parallel_loop3A_1320], %parallel_loop3A_1235 {strides = array<i32>} : memref<3x16x8x128xf32, #tpu.memory_space<vmem>>, vector<16xf32>,
            %parallel_loop3A_1322 = arith.constant 14 : i32
            %parallel_loop3A_1323 = vector.broadcast %parallel_loop3A_1322 : i32 to vector<16xi32>
            %parallel_loop3A_1324 = arith.addi %parallel_loop3A_211, %parallel_loop3A_1323 : vector<16xi32>
            %parallel_loop3A_1325 = tpu.vector_load_idx %arg5[%parallel_loop3A_1324] : memref<68000xf32, #tpu.memory_space<vmem>>[vector<16xi32>], vector<16xf32>,
            %parallel_loop3A_1326 = arith.constant 13 : i32
            %parallel_loop3A_1327 = arith.index_cast %rem3A_127 : i32 to index
            %parallel_loop3A_1328 = arith.index_cast %parallel_loop3A_1326 : i32 to index
            %parallel_loop3A_1329 = arith.index_cast %parallel_loop3A_179 : i32 to index
            %parallel_loop3A_1330 = arith.constant 48 : index
            %parallel_loop3A_1331 = tpu.vector_load %arg7[%parallel_loop3A_1327, %parallel_loop3A_1328, %parallel_loop3A_1329, %parallel_loop3A_1330] {strides = array<i32>} : memref<3x16x8x128xf32, #tpu.memory_space<vmem>>, vector<16xf32>,
            tpu.vector_store %arg7[%parallel_loop3A_1327, %parallel_loop3A_1328, %parallel_loop3A_1329, %parallel_loop3A_1330], %parallel_loop3A_1245 {strides = array<i32>} : memref<3x16x8x128xf32, #tpu.memory_space<vmem>>, vector<16xf32>,
            %parallel_loop3A_1332 = arith.constant 14 : i32
            %parallel_loop3A_1333 = vector.broadcast %parallel_loop3A_1332 : i32 to vector<16xi32>
            %parallel_loop3A_1334 = arith.addi %parallel_loop3A_219, %parallel_loop3A_1333 : vector<16xi32>
            %parallel_loop3A_1335 = tpu.vector_load_idx %arg5[%parallel_loop3A_1334] : memref<68000xf32, #tpu.memory_space<vmem>>[vector<16xi32>], vector<16xf32>,
            %parallel_loop3A_1336 = arith.constant 13 : i32
            %parallel_loop3A_1337 = arith.index_cast %rem3A_127 : i32 to index
            %parallel_loop3A_1338 = arith.index_cast %parallel_loop3A_1336 : i32 to index
            %parallel_loop3A_1339 = arith.index_cast %parallel_loop3A_179 : i32 to index
            %parallel_loop3A_1340 = arith.constant 64 : index
            %parallel_loop3A_1341 = tpu.vector_load %arg7[%parallel_loop3A_1337, %parallel_loop3A_1338, %parallel_loop3A_1339, %parallel_loop3A_1340] {strides = array<i32>} : memref<3x16x8x128xf32, #tpu.memory_space<vmem>>, vector<16xf32>,
            tpu.vector_store %arg7[%parallel_loop3A_1337, %parallel_loop3A_1338, %parallel_loop3A_1339, %parallel_loop3A_1340], %parallel_loop3A_1255 {strides = array<i32>} : memref<3x16x8x128xf32, #tpu.memory_space<vmem>>, vector<16xf32>,
            %parallel_loop3A_1342 = arith.constant 14 : i32
            %parallel_loop3A_1343 = vector.broadcast %parallel_loop3A_1342 : i32 to vector<16xi32>
            %parallel_loop3A_1344 = arith.addi %parallel_loop3A_227, %parallel_loop3A_1343 : vector<16xi32>
            %parallel_loop3A_1345 = tpu.vector_load_idx %arg5[%parallel_loop3A_1344] : memref<68000xf32, #tpu.memory_space<vmem>>[vector<16xi32>], vector<16xf32>,
            %parallel_loop3A_1346 = arith.constant 13 : i32
            %parallel_loop3A_1347 = arith.index_cast %rem3A_127 : i32 to index
            %parallel_loop3A_1348 = arith.index_cast %parallel_loop3A_1346 : i32 to index
            %parallel_loop3A_1349 = arith.index_cast %parallel_loop3A_179 : i32 to index
            %parallel_loop3A_1350 = arith.constant 80 : index
            %parallel_loop3A_1351 = tpu.vector_load %arg7[%parallel_loop3A_1347, %parallel_loop3A_1348, %parallel_loop3A_1349, %parallel_loop3A_1350] {strides = array<i32>} : memref<3x16x8x128xf32, #tpu.memory_space<vmem>>, vector<16xf32>,
            tpu.vector_store %arg7[%parallel_loop3A_1347, %parallel_loop3A_1348, %parallel_loop3A_1349, %parallel_loop3A_1350], %parallel_loop3A_1265 {strides = array<i32>} : memref<3x16x8x128xf32, #tpu.memory_space<vmem>>, vector<16xf32>,
            %parallel_loop3A_1352 = arith.constant 14 : i32
            %parallel_loop3A_1353 = vector.broadcast %parallel_loop3A_1352 : i32 to vector<16xi32>
            %parallel_loop3A_1354 = arith.addi %parallel_loop3A_235, %parallel_loop3A_1353 : vector<16xi32>
            %parallel_loop3A_1355 = tpu.vector_load_idx %arg5[%parallel_loop3A_1354] : memref<68000xf32, #tpu.memory_space<vmem>>[vector<16xi32>], vector<16xf32>,
            %parallel_loop3A_1356 = arith.constant 13 : i32
            %parallel_loop3A_1357 = arith.index_cast %rem3A_127 : i32 to index
            %parallel_loop3A_1358 = arith.index_cast %parallel_loop3A_1356 : i32 to index
            %parallel_loop3A_1359 = arith.index_cast %parallel_loop3A_179 : i32 to index
            %parallel_loop3A_1360 = arith.constant 96 : index
            %parallel_loop3A_1361 = tpu.vector_load %arg7[%parallel_loop3A_1357, %parallel_loop3A_1358, %parallel_loop3A_1359, %parallel_loop3A_1360] {strides = array<i32>} : memref<3x16x8x128xf32, #tpu.memory_space<vmem>>, vector<16xf32>,
            tpu.vector_store %arg7[%parallel_loop3A_1357, %parallel_loop3A_1358, %parallel_loop3A_1359, %parallel_loop3A_1360], %parallel_loop3A_1275 {strides = array<i32>} : memref<3x16x8x128xf32, #tpu.memory_space<vmem>>, vector<16xf32>,
            %parallel_loop3A_1362 = arith.constant 14 : i32
            %parallel_loop3A_1363 = vector.broadcast %parallel_loop3A_1362 : i32 to vector<16xi32>
            %parallel_loop3A_1364 = arith.addi %parallel_loop3A_243, %parallel_loop3A_1363 : vector<16xi32>
            %parallel_loop3A_1365 = tpu.vector_load_idx %arg5[%parallel_loop3A_1364] : memref<68000xf32, #tpu.memory_space<vmem>>[vector<16xi32>], vector<16xf32>,
            %parallel_loop3A_1366 = arith.constant 13 : i32
            %parallel_loop3A_1367 = arith.index_cast %rem3A_127 : i32 to index
            %parallel_loop3A_1368 = arith.index_cast %parallel_loop3A_1366 : i32 to index
            %parallel_loop3A_1369 = arith.index_cast %parallel_loop3A_179 : i32 to index
            %parallel_loop3A_1370 = arith.constant 112 : index
            %parallel_loop3A_1371 = tpu.vector_load %arg7[%parallel_loop3A_1367, %parallel_loop3A_1368, %parallel_loop3A_1369, %parallel_loop3A_1370] {strides = array<i32>} : memref<3x16x8x128xf32, #tpu.memory_space<vmem>>, vector<16xf32>,
            tpu.vector_store %arg7[%parallel_loop3A_1367, %parallel_loop3A_1368, %parallel_loop3A_1369, %parallel_loop3A_1370], %parallel_loop3A_1285 {strides = array<i32>} : memref<3x16x8x128xf32, #tpu.memory_space<vmem>>, vector<16xf32>,
            %parallel_loop3A_1372 = arith.constant 15 : i32
            %parallel_loop3A_1373 = vector.broadcast %parallel_loop3A_1372 : i32 to vector<16xi32>
            %parallel_loop3A_1374 = arith.addi %parallel_loop3A_187, %parallel_loop3A_1373 : vector<16xi32>
            %parallel_loop3A_1375 = tpu.vector_load_idx %arg5[%parallel_loop3A_1374] : memref<68000xf32, #tpu.memory_space<vmem>>[vector<16xi32>], vector<16xf32>,
            %parallel_loop3A_1376 = arith.constant 14 : i32
            %parallel_loop3A_1377 = arith.index_cast %rem3A_127 : i32 to index
            %parallel_loop3A_1378 = arith.index_cast %parallel_loop3A_1376 : i32 to index
            %parallel_loop3A_1379 = arith.index_cast %parallel_loop3A_179 : i32 to index
            %parallel_loop3A_1380 = arith.constant 0 : index
            %parallel_loop3A_1381 = tpu.vector_load %arg7[%parallel_loop3A_1377, %parallel_loop3A_1378, %parallel_loop3A_1379, %parallel_loop3A_1380] {strides = array<i32>} : memref<3x16x8x128xf32, #tpu.memory_space<vmem>>, vector<16xf32>,
            tpu.vector_store %arg7[%parallel_loop3A_1377, %parallel_loop3A_1378, %parallel_loop3A_1379, %parallel_loop3A_1380], %parallel_loop3A_1295 {strides = array<i32>} : memref<3x16x8x128xf32, #tpu.memory_space<vmem>>, vector<16xf32>,
            %parallel_loop3A_1382 = arith.constant 15 : i32
            %parallel_loop3A_1383 = vector.broadcast %parallel_loop3A_1382 : i32 to vector<16xi32>
            %parallel_loop3A_1384 = arith.addi %parallel_loop3A_195, %parallel_loop3A_1383 : vector<16xi32>
            %parallel_loop3A_1385 = tpu.vector_load_idx %arg5[%parallel_loop3A_1384] : memref<68000xf32, #tpu.memory_space<vmem>>[vector<16xi32>], vector<16xf32>,
            %parallel_loop3A_1386 = arith.constant 14 : i32
            %parallel_loop3A_1387 = arith.index_cast %rem3A_127 : i32 to index
            %parallel_loop3A_1388 = arith.index_cast %parallel_loop3A_1386 : i32 to index
            %parallel_loop3A_1389 = arith.index_cast %parallel_loop3A_179 : i32 to index
            %parallel_loop3A_1390 = arith.constant 16 : index
            %parallel_loop3A_1391 = tpu.vector_load %arg7[%parallel_loop3A_1387, %parallel_loop3A_1388, %parallel_loop3A_1389, %parallel_loop3A_1390] {strides = array<i32>} : memref<3x16x8x128xf32, #tpu.memory_space<vmem>>, vector<16xf32>,
            tpu.vector_store %arg7[%parallel_loop3A_1387, %parallel_loop3A_1388, %parallel_loop3A_1389, %parallel_loop3A_1390], %parallel_loop3A_1305 {strides = array<i32>} : memref<3x16x8x128xf32, #tpu.memory_space<vmem>>, vector<16xf32>,
            %parallel_loop3A_1392 = arith.constant 15 : i32
            %parallel_loop3A_1393 = vector.broadcast %parallel_loop3A_1392 : i32 to vector<16xi32>
            %parallel_loop3A_1394 = arith.addi %parallel_loop3A_203, %parallel_loop3A_1393 : vector<16xi32>
            %parallel_loop3A_1395 = tpu.vector_load_idx %arg5[%parallel_loop3A_1394] : memref<68000xf32, #tpu.memory_space<vmem>>[vector<16xi32>], vector<16xf32>,
            %parallel_loop3A_1396 = arith.constant 14 : i32
            %parallel_loop3A_1397 = arith.index_cast %rem3A_127 : i32 to index
            %parallel_loop3A_1398 = arith.index_cast %parallel_loop3A_1396 : i32 to index
            %parallel_loop3A_1399 = arith.index_cast %parallel_loop3A_179 : i32 to index
            %parallel_loop3A_1400 = arith.constant 32 : index
            %parallel_loop3A_1401 = tpu.vector_load %arg7[%parallel_loop3A_1397, %parallel_loop3A_1398, %parallel_loop3A_1399, %parallel_loop3A_1400] {strides = array<i32>} : memref<3x16x8x128xf32, #tpu.memory_space<vmem>>, vector<16xf32>,
            tpu.vector_store %arg7[%parallel_loop3A_1397, %parallel_loop3A_1398, %parallel_loop3A_1399, %parallel_loop3A_1400], %parallel_loop3A_1315 {strides = array<i32>} : memref<3x16x8x128xf32, #tpu.memory_space<vmem>>, vector<16xf32>,
            %parallel_loop3A_1402 = arith.constant 15 : i32
            %parallel_loop3A_1403 = vector.broadcast %parallel_loop3A_1402 : i32 to vector<16xi32>
            %parallel_loop3A_1404 = arith.addi %parallel_loop3A_211, %parallel_loop3A_1403 : vector<16xi32>
            %parallel_loop3A_1405 = tpu.vector_load_idx %arg5[%parallel_loop3A_1404] : memref<68000xf32, #tpu.memory_space<vmem>>[vector<16xi32>], vector<16xf32>,
            %parallel_loop3A_1406 = arith.constant 14 : i32
            %parallel_loop3A_1407 = arith.index_cast %rem3A_127 : i32 to index
            %parallel_loop3A_1408 = arith.index_cast %parallel_loop3A_1406 : i32 to index
            %parallel_loop3A_1409 = arith.index_cast %parallel_loop3A_179 : i32 to index
            %parallel_loop3A_1410 = arith.constant 48 : index
            %parallel_loop3A_1411 = tpu.vector_load %arg7[%parallel_loop3A_1407, %parallel_loop3A_1408, %parallel_loop3A_1409, %parallel_loop3A_1410] {strides = array<i32>} : memref<3x16x8x128xf32, #tpu.memory_space<vmem>>, vector<16xf32>,
            tpu.vector_store %arg7[%parallel_loop3A_1407, %parallel_loop3A_1408, %parallel_loop3A_1409, %parallel_loop3A_1410], %parallel_loop3A_1325 {strides = array<i32>} : memref<3x16x8x128xf32, #tpu.memory_space<vmem>>, vector<16xf32>,
            %parallel_loop3A_1412 = arith.constant 15 : i32
            %parallel_loop3A_1413 = vector.broadcast %parallel_loop3A_1412 : i32 to vector<16xi32>
            %parallel_loop3A_1414 = arith.addi %parallel_loop3A_219, %parallel_loop3A_1413 : vector<16xi32>
            %parallel_loop3A_1415 = tpu.vector_load_idx %arg5[%parallel_loop3A_1414] : memref<68000xf32, #tpu.memory_space<vmem>>[vector<16xi32>], vector<16xf32>,
            %parallel_loop3A_1416 = arith.constant 14 : i32
            %parallel_loop3A_1417 = arith.index_cast %rem3A_127 : i32 to index
            %parallel_loop3A_1418 = arith.index_cast %parallel_loop3A_1416 : i32 to index
            %parallel_loop3A_1419 = arith.index_cast %parallel_loop3A_179 : i32 to index
            %parallel_loop3A_1420 = arith.constant 64 : index
            %parallel_loop3A_1421 = tpu.vector_load %arg7[%parallel_loop3A_1417, %parallel_loop3A_1418, %parallel_loop3A_1419, %parallel_loop3A_1420] {strides = array<i32>} : memref<3x16x8x128xf32, #tpu.memory_space<vmem>>, vector<16xf32>,
            tpu.vector_store %arg7[%parallel_loop3A_1417, %parallel_loop3A_1418, %parallel_loop3A_1419, %parallel_loop3A_1420], %parallel_loop3A_1335 {strides = array<i32>} : memref<3x16x8x128xf32, #tpu.memory_space<vmem>>, vector<16xf32>,
            %parallel_loop3A_1422 = arith.constant 15 : i32
            %parallel_loop3A_1423 = vector.broadcast %parallel_loop3A_1422 : i32 to vector<16xi32>
            %parallel_loop3A_1424 = arith.addi %parallel_loop3A_227, %parallel_loop3A_1423 : vector<16xi32>
            %parallel_loop3A_1425 = tpu.vector_load_idx %arg5[%parallel_loop3A_1424] : memref<68000xf32, #tpu.memory_space<vmem>>[vector<16xi32>], vector<16xf32>,
            %parallel_loop3A_1426 = arith.constant 14 : i32
            %parallel_loop3A_1427 = arith.index_cast %rem3A_127 : i32 to index
            %parallel_loop3A_1428 = arith.index_cast %parallel_loop3A_1426 : i32 to index
            %parallel_loop3A_1429 = arith.index_cast %parallel_loop3A_179 : i32 to index
            %parallel_loop3A_1430 = arith.constant 80 : index
            %parallel_loop3A_1431 = tpu.vector_load %arg7[%parallel_loop3A_1427, %parallel_loop3A_1428, %parallel_loop3A_1429, %parallel_loop3A_1430] {strides = array<i32>} : memref<3x16x8x128xf32, #tpu.memory_space<vmem>>, vector<16xf32>,
            tpu.vector_store %arg7[%parallel_loop3A_1427, %parallel_loop3A_1428, %parallel_loop3A_1429, %parallel_loop3A_1430], %parallel_loop3A_1345 {strides = array<i32>} : memref<3x16x8x128xf32, #tpu.memory_space<vmem>>, vector<16xf32>,
            %parallel_loop3A_1432 = arith.constant 15 : i32
            %parallel_loop3A_1433 = vector.broadcast %parallel_loop3A_1432 : i32 to vector<16xi32>
            %parallel_loop3A_1434 = arith.addi %parallel_loop3A_235, %parallel_loop3A_1433 : vector<16xi32>
            %parallel_loop3A_1435 = tpu.vector_load_idx %arg5[%parallel_loop3A_1434] : memref<68000xf32, #tpu.memory_space<vmem>>[vector<16xi32>], vector<16xf32>,
            %parallel_loop3A_1436 = arith.constant 14 : i32
            %parallel_loop3A_1437 = arith.index_cast %rem3A_127 : i32 to index
            %parallel_loop3A_1438 = arith.index_cast %parallel_loop3A_1436 : i32 to index
            %parallel_loop3A_1439 = arith.index_cast %parallel_loop3A_179 : i32 to index
            %parallel_loop3A_1440 = arith.constant 96 : index
            %parallel_loop3A_1441 = tpu.vector_load %arg7[%parallel_loop3A_1437, %parallel_loop3A_1438, %parallel_loop3A_1439, %parallel_loop3A_1440] {strides = array<i32>} : memref<3x16x8x128xf32, #tpu.memory_space<vmem>>, vector<16xf32>,
            tpu.vector_store %arg7[%parallel_loop3A_1437, %parallel_loop3A_1438, %parallel_loop3A_1439, %parallel_loop3A_1440], %parallel_loop3A_1355 {strides = array<i32>} : memref<3x16x8x128xf32, #tpu.memory_space<vmem>>, vector<16xf32>,
            %parallel_loop3A_1442 = arith.constant 15 : i32
            %parallel_loop3A_1443 = vector.broadcast %parallel_loop3A_1442 : i32 to vector<16xi32>
            %parallel_loop3A_1444 = arith.addi %parallel_loop3A_243, %parallel_loop3A_1443 : vector<16xi32>
            %parallel_loop3A_1445 = tpu.vector_load_idx %arg5[%parallel_loop3A_1444] : memref<68000xf32, #tpu.memory_space<vmem>>[vector<16xi32>], vector<16xf32>,
            %parallel_loop3A_1446 = arith.constant 14 : i32
            %parallel_loop3A_1447 = arith.index_cast %rem3A_127 : i32 to index
            %parallel_loop3A_1448 = arith.index_cast %parallel_loop3A_1446 : i32 to index
            %parallel_loop3A_1449 = arith.index_cast %parallel_loop3A_179 : i32 to index
            %parallel_loop3A_1450 = arith.constant 112 : index
            %parallel_loop3A_1451 = tpu.vector_load %arg7[%parallel_loop3A_1447, %parallel_loop3A_1448, %parallel_loop3A_1449, %parallel_loop3A_1450] {strides = array<i32>} : memref<3x16x8x128xf32, #tpu.memory_space<vmem>>, vector<16xf32>,
            tpu.vector_store %arg7[%parallel_loop3A_1447, %parallel_loop3A_1448, %parallel_loop3A_1449, %parallel_loop3A_1450], %parallel_loop3A_1365 {strides = array<i32>} : memref<3x16x8x128xf32, #tpu.memory_space<vmem>>, vector<16xf32>,
            %parallel_loop3A_1452 = arith.constant 15 : i32
            %parallel_loop3A_1453 = arith.index_cast %rem3A_127 : i32 to index
            %parallel_loop3A_1454 = arith.index_cast %parallel_loop3A_1452 : i32 to index
            %parallel_loop3A_1455 = arith.index_cast %parallel_loop3A_179 : i32 to index
            %parallel_loop3A_1456 = arith.constant 0 : index
            %parallel_loop3A_1457 = tpu.vector_load %arg7[%parallel_loop3A_1453, %parallel_loop3A_1454, %parallel_loop3A_1455, %parallel_loop3A_1456] {strides = array<i32>} : memref<3x16x8x128xf32, #tpu.memory_space<vmem>>, vector<16xf32>,
            tpu.vector_store %arg7[%parallel_loop3A_1453, %parallel_loop3A_1454, %parallel_loop3A_1455, %parallel_loop3A_1456], %parallel_loop3A_1375 {strides = array<i32>} : memref<3x16x8x128xf32, #tpu.memory_space<vmem>>, vector<16xf32>,
            %parallel_loop3A_1458 = arith.constant 15 : i32
            %parallel_loop3A_1459 = arith.index_cast %rem3A_127 : i32 to index
            %parallel_loop3A_1460 = arith.index_cast %parallel_loop3A_1458 : i32 to index
            %parallel_loop3A_1461 = arith.index_cast %parallel_loop3A_179 : i32 to index
            %parallel_loop3A_1462 = arith.constant 16 : index
            %parallel_loop3A_1463 = tpu.vector_load %arg7[%parallel_loop3A_1459, %parallel_loop3A_1460, %parallel_loop3A_1461, %parallel_loop3A_1462] {strides = array<i32>} : memref<3x16x8x128xf32, #tpu.memory_space<vmem>>, vector<16xf32>,
            tpu.vector_store %arg7[%parallel_loop3A_1459, %parallel_loop3A_1460, %parallel_loop3A_1461, %parallel_loop3A_1462], %parallel_loop3A_1385 {strides = array<i32>} : memref<3x16x8x128xf32, #tpu.memory_space<vmem>>, vector<16xf32>,
            %parallel_loop3A_1464 = arith.constant 15 : i32
            %parallel_loop3A_1465 = arith.index_cast %rem3A_127 : i32 to index
            %parallel_loop3A_1466 = arith.index_cast %parallel_loop3A_1464 : i32 to index
            %parallel_loop3A_1467 = arith.index_cast %parallel_loop3A_179 : i32 to index
            %parallel_loop3A_1468 = arith.constant 32 : index
            %parallel_loop3A_1469 = tpu.vector_load %arg7[%parallel_loop3A_1465, %parallel_loop3A_1466, %parallel_loop3A_1467, %parallel_loop3A_1468] {strides = array<i32>} : memref<3x16x8x128xf32, #tpu.memory_space<vmem>>, vector<16xf32>,
            tpu.vector_store %arg7[%parallel_loop3A_1465, %parallel_loop3A_1466, %parallel_loop3A_1467, %parallel_loop3A_1468], %parallel_loop3A_1395 {strides = array<i32>} : memref<3x16x8x128xf32, #tpu.memory_space<vmem>>, vector<16xf32>,
            %parallel_loop3A_1470 = arith.constant 15 : i32
            %parallel_loop3A_1471 = arith.index_cast %rem3A_127 : i32 to index
            %parallel_loop3A_1472 = arith.index_cast %parallel_loop3A_1470 : i32 to index
            %parallel_loop3A_1473 = arith.index_cast %parallel_loop3A_179 : i32 to index
            %parallel_loop3A_1474 = arith.constant 48 : index
            %parallel_loop3A_1475 = tpu.vector_load %arg7[%parallel_loop3A_1471, %parallel_loop3A_1472, %parallel_loop3A_1473, %parallel_loop3A_1474] {strides = array<i32>} : memref<3x16x8x128xf32, #tpu.memory_space<vmem>>, vector<16xf32>,
            tpu.vector_store %arg7[%parallel_loop3A_1471, %parallel_loop3A_1472, %parallel_loop3A_1473, %parallel_loop3A_1474], %parallel_loop3A_1405 {strides = array<i32>} : memref<3x16x8x128xf32, #tpu.memory_space<vmem>>, vector<16xf32>,
            %parallel_loop3A_1476 = arith.constant 15 : i32
            %parallel_loop3A_1477 = arith.index_cast %rem3A_127 : i32 to index
            %parallel_loop3A_1478 = arith.index_cast %parallel_loop3A_1476 : i32 to index
            %parallel_loop3A_1479 = arith.index_cast %parallel_loop3A_179 : i32 to index
            %parallel_loop3A_1480 = arith.constant 64 : index
            %parallel_loop3A_1481 = tpu.vector_load %arg7[%parallel_loop3A_1477, %parallel_loop3A_1478, %parallel_loop3A_1479, %parallel_loop3A_1480] {strides = array<i32>} : memref<3x16x8x128xf32, #tpu.memory_space<vmem>>, vector<16xf32>,
            tpu.vector_store %arg7[%parallel_loop3A_1477, %parallel_loop3A_1478, %parallel_loop3A_1479, %parallel_loop3A_1480], %parallel_loop3A_1415 {strides = array<i32>} : memref<3x16x8x128xf32, #tpu.memory_space<vmem>>, vector<16xf32>,
            %parallel_loop3A_1482 = arith.constant 15 : i32
            %parallel_loop3A_1483 = arith.index_cast %rem3A_127 : i32 to index
            %parallel_loop3A_1484 = arith.index_cast %parallel_loop3A_1482 : i32 to index
            %parallel_loop3A_1485 = arith.index_cast %parallel_loop3A_179 : i32 to index
            %parallel_loop3A_1486 = arith.constant 80 : index
            %parallel_loop3A_1487 = tpu.vector_load %arg7[%parallel_loop3A_1483, %parallel_loop3A_1484, %parallel_loop3A_1485, %parallel_loop3A_1486] {strides = array<i32>} : memref<3x16x8x128xf32, #tpu.memory_space<vmem>>, vector<16xf32>,
            tpu.vector_store %arg7[%parallel_loop3A_1483, %parallel_loop3A_1484, %parallel_loop3A_1485, %parallel_loop3A_1486], %parallel_loop3A_1425 {strides = array<i32>} : memref<3x16x8x128xf32, #tpu.memory_space<vmem>>, vector<16xf32>,
            %parallel_loop3A_1488 = arith.constant 15 : i32
            %parallel_loop3A_1489 = arith.index_cast %rem3A_127 : i32 to index
            %parallel_loop3A_1490 = arith.index_cast %parallel_loop3A_1488 : i32 to index
            %parallel_loop3A_1491 = arith.index_cast %parallel_loop3A_179 : i32 to index
            %parallel_loop3A_1492 = arith.constant 96 : index
            %parallel_loop3A_1493 = tpu.vector_load %arg7[%parallel_loop3A_1489, %parallel_loop3A_1490, %parallel_loop3A_1491, %parallel_loop3A_1492] {strides = array<i32>} : memref<3x16x8x128xf32, #tpu.memory_space<vmem>>, vector<16xf32>,
            tpu.vector_store %arg7[%parallel_loop3A_1489, %parallel_loop3A_1490, %parallel_loop3A_1491, %parallel_loop3A_1492], %parallel_loop3A_1435 {strides = array<i32>} : memref<3x16x8x128xf32, #tpu.memory_space<vmem>>, vector<16xf32>,
            %parallel_loop3A_1494 = arith.constant 15 : i32
            %parallel_loop3A_1495 = arith.index_cast %rem3A_127 : i32 to index
            %parallel_loop3A_1496 = arith.index_cast %parallel_loop3A_1494 : i32 to index
            %parallel_loop3A_1497 = arith.index_cast %parallel_loop3A_179 : i32 to index
            %parallel_loop3A_1498 = arith.constant 112 : index
            %parallel_loop3A_1499 = tpu.vector_load %arg7[%parallel_loop3A_1495, %parallel_loop3A_1496, %parallel_loop3A_1497, %parallel_loop3A_1498] {strides = array<i32>} : memref<3x16x8x128xf32, #tpu.memory_space<vmem>>, vector<16xf32>,
            tpu.vector_store %arg7[%parallel_loop3A_1495, %parallel_loop3A_1496, %parallel_loop3A_1497, %parallel_loop3A_1498], %parallel_loop3A_1445 {strides = array<i32>} : memref<3x16x8x128xf32, #tpu.memory_space<vmem>>, vector<16xf32>,
          } {sc.loop_unroll_factor = 2 : i64, sc.parallel_access}
          %mul3A_156 = arith.constant 16 : i32
          %mul3A_157 = arith.muli %scan3A_7, %mul3A_156 : i32
          %dma_start3A_158 = arith.constant 0 : i32
          %dma_start3A_159 = arith.constant 0 : i32
          %dma_start3A_160 = arith.constant 0 : i32
          %dma_start3A_161 = tpu.memref_slice %arg7[%rem3A_127, %dma_start3A_158, %dma_start3A_159, %dma_start3A_160] : memref<3x16x8x128xf32, #tpu.memory_space<vmem>> -> memref<1x16x8x128xf32, #tpu.memory_space<vmem>>
          %dma_start3A_162 = tpu.memref_squeeze %dma_start3A_161 : memref<1x16x8x128xf32, #tpu.memory_space<vmem>> -> memref<16x8x128xf32, #tpu.memory_space<vmem>>
          %dma_start3A_163 = arith.constant 0 : i32
          %dma_start3A_164 = arith.constant 0 : i32
          %dma_start3A_165 = tpu.memref_slice %arg4[%mul3A_157, %scan3A_124, %add3A_21, %dma_start3A_163, %dma_start3A_164] : memref<64x25x128x8x128xf32, #tpu.memory_space<hbm>> -> memref<16x1x1x8x128xf32, #tpu.memory_space<hbm>>
          %dma_start3A_166 = tpu.memref_squeeze %dma_start3A_165 : memref<16x1x1x8x128xf32, #tpu.memory_space<hbm>> -> memref<16x8x128xf32, #tpu.memory_space<hbm>>
          %dma_start3A_167 = tpu.memref_slice %arg8[%rem3A_127] : memref<3x!tpu.dma_semaphore, #tpu.memory_space<semaphore_mem>> -> memref<1x!tpu.dma_semaphore, #tpu.memory_space<semaphore_mem>>
          %dma_start3A_168 = tpu.memref_squeeze %dma_start3A_167 : memref<1x!tpu.dma_semaphore, #tpu.memory_space<semaphore_mem>> -> memref<!tpu.dma_semaphore, #tpu.memory_space<semaphore_mem>>
          %dma_start3A_169 = arith.constant 0 : i32
          %dma_start3A_170 = arith.constant 0 : i32
          %dma_start3A_171 = tpu.memref_slice %arg4[%mul3A_157, %scan3A_124, %add3A_21, %dma_start3A_169, %dma_start3A_170] : memref<64x25x128x8x128xf32, #tpu.memory_space<hbm>> -> memref<16x1x1x8x128xf32, #tpu.memory_space<hbm>>
          %dma_start3A_172 = tpu.memref_squeeze %dma_start3A_171 : memref<16x1x1x8x128xf32, #tpu.memory_space<hbm>> -> memref<16x8x128xf32, #tpu.memory_space<hbm>>
          %dma_start3A_173 = arith.constant 0 : i32
          %dma_start3A_174 = arith.constant 0 : i32
          %dma_start3A_175 = arith.constant 0 : i32
          %dma_start3A_176 = tpu.memref_slice %arg7[%rem3A_127, %dma_start3A_173, %dma_start3A_174, %dma_start3A_175] : memref<3x16x8x128xf32, #tpu.memory_space<vmem>> -> memref<1x16x8x128xf32, #tpu.memory_space<vmem>>
          %dma_start3A_177 = tpu.memref_squeeze %dma_start3A_176 : memref<1x16x8x128xf32, #tpu.memory_space<vmem>> -> memref<16x8x128xf32, #tpu.memory_space<vmem>>
          tpu.enqueue_dma source(%dma_start3A_177 : memref<16x8x128xf32, #tpu.memory_space<vmem>>) target(%dma_start3A_172 : memref<16x8x128xf32, #tpu.memory_space<hbm>>) target_semaphore(%dma_start3A_168 : memref<!tpu.dma_semaphore, #tpu.memory_space<semaphore_mem>>)
          %scan3A_178 = arith.constant 0 : i32
          scf.yield %scan3A_178 : i32
        }
        %scan3A_48 = arith.constant 25 : i32
        %mul3A_49 = arith.constant 16 : i32
        %mul3A_50 = arith.muli %scan3A_7, %mul3A_49 : i32
        %dma_wait3A = arith.constant 0 : i32
        %dma_wait3A_51 = arith.constant 0 : i32
        %dma_wait3A_52 = arith.constant 0 : i32
        %dma_wait3A_53 = arith.constant 0 : i32
        %dma_wait3A_54 = arith.constant 0 : i32
        %dma_wait3A_55 = arith.constant 0 : i32
        %dma_wait3A_56 = tpu.memref_slice %arg7[%dma_wait3A, %dma_wait3A_53, %dma_wait3A_54, %dma_wait3A_55] : memref<3x16x8x128xf32, #tpu.memory_space<vmem>> -> memref<1x16x8x128xf32, #tpu.memory_space<vmem>>
        %dma_wait3A_57 = tpu.memref_squeeze %dma_wait3A_56 : memref<1x16x8x128xf32, #tpu.memory_space<vmem>> -> memref<16x8x128xf32, #tpu.memory_space<vmem>>
        %dma_wait3A_58 = arith.constant 0 : i32
        %dma_wait3A_59 = arith.constant 0 : i32
        %dma_wait3A_60 = tpu.memref_slice %arg4[%mul3A_50, %dma_wait3A_51, %add3A_21, %dma_wait3A_58, %dma_wait3A_59] : memref<64x25x128x8x128xf32, #tpu.memory_space<hbm>> -> memref<16x1x1x8x128xf32, #tpu.memory_space<hbm>>
        %dma_wait3A_61 = tpu.memref_squeeze %dma_wait3A_60 : memref<16x1x1x8x128xf32, #tpu.memory_space<hbm>> -> memref<16x8x128xf32, #tpu.memory_space<hbm>>
        %dma_wait3A_62 = tpu.memref_slice %arg8[%dma_wait3A_52] : memref<3x!tpu.dma_semaphore, #tpu.memory_space<semaphore_mem>> -> memref<1x!tpu.dma_semaphore, #tpu.memory_space<semaphore_mem>>
        %dma_wait3A_63 = tpu.memref_squeeze %dma_wait3A_62 : memref<1x!tpu.dma_semaphore, #tpu.memory_space<semaphore_mem>> -> memref<!tpu.dma_semaphore, #tpu.memory_space<semaphore_mem>>
        %dma_wait3A_64 = arith.constant 0 : i32
        %dma_wait3A_65 = arith.constant 0 : i32
        %dma_wait3A_66 = tpu.memref_slice %arg4[%mul3A_50, %dma_wait3A_51, %add3A_21, %dma_wait3A_64, %dma_wait3A_65] : memref<64x25x128x8x128xf32, #tpu.memory_space<hbm>> -> memref<16x1x1x8x128xf32, #tpu.memory_space<hbm>>
        %dma_wait3A_67 = tpu.memref_squeeze %dma_wait3A_66 : memref<16x1x1x8x128xf32, #tpu.memory_space<hbm>> -> memref<16x8x128xf32, #tpu.memory_space<hbm>>
        %dma_wait3A_68 = arith.constant 0 : i32
        %dma_wait3A_69 = arith.constant 0 : i32
        %dma_wait3A_70 = arith.constant 0 : i32
        %dma_wait3A_71 = tpu.memref_slice %arg7[%dma_wait3A, %dma_wait3A_68, %dma_wait3A_69, %dma_wait3A_70] : memref<3x16x8x128xf32, #tpu.memory_space<vmem>> -> memref<1x16x8x128xf32, #tpu.memory_space<vmem>>
        %dma_wait3A_72 = tpu.memref_squeeze %dma_wait3A_71 : memref<1x16x8x128xf32, #tpu.memory_space<vmem>> -> memref<16x8x128xf32, #tpu.memory_space<vmem>>
        tpu.wait_dma2 semaphore(%dma_wait3A_63 : memref<!tpu.dma_semaphore, #tpu.memory_space<semaphore_mem>>) src(%dma_wait3A_72 : memref<16x8x128xf32, #tpu.memory_space<vmem>>) dst(%dma_wait3A_67 : memref<16x8x128xf32, #tpu.memory_space<hbm>>)
        %mul3A_73 = arith.constant 16 : i32
        %mul3A_74 = arith.muli %scan3A_7, %mul3A_73 : i32
        %dma_wait3A_75 = arith.constant 1 : i32
        %dma_wait3A_76 = arith.constant 0 : i32
        %dma_wait3A_77 = arith.constant 1 : i32
        %dma_wait3A_78 = arith.constant 0 : i32
        %dma_wait3A_79 = arith.constant 0 : i32
        %dma_wait3A_80 = arith.constant 0 : i32
        %dma_wait3A_81 = tpu.memref_slice %arg7[%dma_wait3A_75, %dma_wait3A_78, %dma_wait3A_79, %dma_wait3A_80] : memref<3x16x8x128xf32, #tpu.memory_space<vmem>> -> memref<1x16x8x128xf32, #tpu.memory_space<vmem>>
        %dma_wait3A_82 = tpu.memref_squeeze %dma_wait3A_81 : memref<1x16x8x128xf32, #tpu.memory_space<vmem>> -> memref<16x8x128xf32, #tpu.memory_space<vmem>>
        %dma_wait3A_83 = arith.constant 0 : i32
        %dma_wait3A_84 = arith.constant 0 : i32
        %dma_wait3A_85 = tpu.memref_slice %arg4[%mul3A_74, %dma_wait3A_76, %add3A_21, %dma_wait3A_83, %dma_wait3A_84] : memref<64x25x128x8x128xf32, #tpu.memory_space<hbm>> -> memref<16x1x1x8x128xf32, #tpu.memory_space<hbm>>
        %dma_wait3A_86 = tpu.memref_squeeze %dma_wait3A_85 : memref<16x1x1x8x128xf32, #tpu.memory_space<hbm>> -> memref<16x8x128xf32, #tpu.memory_space<hbm>>
        %dma_wait3A_87 = tpu.memref_slice %arg8[%dma_wait3A_77] : memref<3x!tpu.dma_semaphore, #tpu.memory_space<semaphore_mem>> -> memref<1x!tpu.dma_semaphore, #tpu.memory_space<semaphore_mem>>
        %dma_wait3A_88 = tpu.memref_squeeze %dma_wait3A_87 : memref<1x!tpu.dma_semaphore, #tpu.memory_space<semaphore_mem>> -> memref<!tpu.dma_semaphore, #tpu.memory_space<semaphore_mem>>
        %dma_wait3A_89 = arith.constant 0 : i32
        %dma_wait3A_90 = arith.constant 0 : i32
        %dma_wait3A_91 = tpu.memref_slice %arg4[%mul3A_74, %dma_wait3A_76, %add3A_21, %dma_wait3A_89, %dma_wait3A_90] : memref<64x25x128x8x128xf32, #tpu.memory_space<hbm>> -> memref<16x1x1x8x128xf32, #tpu.memory_space<hbm>>
        %dma_wait3A_92 = tpu.memref_squeeze %dma_wait3A_91 : memref<16x1x1x8x128xf32, #tpu.memory_space<hbm>> -> memref<16x8x128xf32, #tpu.memory_space<hbm>>
        %dma_wait3A_93 = arith.constant 0 : i32
        %dma_wait3A_94 = arith.constant 0 : i32
        %dma_wait3A_95 = arith.constant 0 : i32
        %dma_wait3A_96 = tpu.memref_slice %arg7[%dma_wait3A_75, %dma_wait3A_93, %dma_wait3A_94, %dma_wait3A_95] : memref<3x16x8x128xf32, #tpu.memory_space<vmem>> -> memref<1x16x8x128xf32, #tpu.memory_space<vmem>>
        %dma_wait3A_97 = tpu.memref_squeeze %dma_wait3A_96 : memref<1x16x8x128xf32, #tpu.memory_space<vmem>> -> memref<16x8x128xf32, #tpu.memory_space<vmem>>
        tpu.wait_dma2 semaphore(%dma_wait3A_88 : memref<!tpu.dma_semaphore, #tpu.memory_space<semaphore_mem>>) src(%dma_wait3A_97 : memref<16x8x128xf32, #tpu.memory_space<vmem>>) dst(%dma_wait3A_92 : memref<16x8x128xf32, #tpu.memory_space<hbm>>)
        %mul3A_98 = arith.constant 16 : i32
        %mul3A_99 = arith.muli %scan3A_7, %mul3A_98 : i32
        %dma_wait3A_100 = arith.constant 2 : i32
        %dma_wait3A_101 = arith.constant 0 : i32
        %dma_wait3A_102 = arith.constant 2 : i32
        %dma_wait3A_103 = arith.constant 0 : i32
        %dma_wait3A_104 = arith.constant 0 : i32
        %dma_wait3A_105 = arith.constant 0 : i32
        %dma_wait3A_106 = tpu.memref_slice %arg7[%dma_wait3A_100, %dma_wait3A_103, %dma_wait3A_104, %dma_wait3A_105] : memref<3x16x8x128xf32, #tpu.memory_space<vmem>> -> memref<1x16x8x128xf32, #tpu.memory_space<vmem>>
        %dma_wait3A_107 = tpu.memref_squeeze %dma_wait3A_106 : memref<1x16x8x128xf32, #tpu.memory_space<vmem>> -> memref<16x8x128xf32, #tpu.memory_space<vmem>>
        %dma_wait3A_108 = arith.constant 0 : i32
        %dma_wait3A_109 = arith.constant 0 : i32
        %dma_wait3A_110 = tpu.memref_slice %arg4[%mul3A_99, %dma_wait3A_101, %add3A_21, %dma_wait3A_108, %dma_wait3A_109] : memref<64x25x128x8x128xf32, #tpu.memory_space<hbm>> -> memref<16x1x1x8x128xf32, #tpu.memory_space<hbm>>
        %dma_wait3A_111 = tpu.memref_squeeze %dma_wait3A_110 : memref<16x1x1x8x128xf32, #tpu.memory_space<hbm>> -> memref<16x8x128xf32, #tpu.memory_space<hbm>>
        %dma_wait3A_112 = tpu.memref_slice %arg8[%dma_wait3A_102] : memref<3x!tpu.dma_semaphore, #tpu.memory_space<semaphore_mem>> -> memref<1x!tpu.dma_semaphore, #tpu.memory_space<semaphore_mem>>
        %dma_wait3A_113 = tpu.memref_squeeze %dma_wait3A_112 : memref<1x!tpu.dma_semaphore, #tpu.memory_space<semaphore_mem>> -> memref<!tpu.dma_semaphore, #tpu.memory_space<semaphore_mem>>
        %dma_wait3A_114 = arith.constant 0 : i32
        %dma_wait3A_115 = arith.constant 0 : i32
        %dma_wait3A_116 = tpu.memref_slice %arg4[%mul3A_99, %dma_wait3A_101, %add3A_21, %dma_wait3A_114, %dma_wait3A_115] : memref<64x25x128x8x128xf32, #tpu.memory_space<hbm>> -> memref<16x1x1x8x128xf32, #tpu.memory_space<hbm>>
        %dma_wait3A_117 = tpu.memref_squeeze %dma_wait3A_116 : memref<16x1x1x8x128xf32, #tpu.memory_space<hbm>> -> memref<16x8x128xf32, #tpu.memory_space<hbm>>
        %dma_wait3A_118 = arith.constant 0 : i32
        %dma_wait3A_119 = arith.constant 0 : i32
        %dma_wait3A_120 = arith.constant 0 : i32
        %dma_wait3A_121 = tpu.memref_slice %arg7[%dma_wait3A_100, %dma_wait3A_118, %dma_wait3A_119, %dma_wait3A_120] : memref<3x16x8x128xf32, #tpu.memory_space<vmem>> -> memref<1x16x8x128xf32, #tpu.memory_space<vmem>>
        %dma_wait3A_122 = tpu.memref_squeeze %dma_wait3A_121 : memref<1x16x8x128xf32, #tpu.memory_space<vmem>> -> memref<16x8x128xf32, #tpu.memory_space<vmem>>
        tpu.wait_dma2 semaphore(%dma_wait3A_113 : memref<!tpu.dma_semaphore, #tpu.memory_space<semaphore_mem>>) src(%dma_wait3A_122 : memref<16x8x128xf32, #tpu.memory_space<vmem>>) dst(%dma_wait3A_117 : memref<16x8x128xf32, #tpu.memory_space<hbm>>)
        %scan3A_123 = arith.constant 0 : i32
        scf.yield %scan3A_123 : i32
      }
      %scan3A_15 = arith.constant 4 : i32
      %scan3A_16 = arith.constant 0 : i32
      scf.yield %scan3A_16 : i32
    }
    %scan3A_6 = arith.constant 4 : i32
    return
  }
}

</mosaic_0001>

<sc_bundles>
// kernel: kernel.3.cloned.1.call-start
scs
__scs_entry_jumppad:
0x0: {  	(pc) =	sbr.rel $0x88, $3  }
0x1: {  	(tag) =	ssettag $0x0;
	lr =	simm.s32 $0x1  }
0x2: {  	[smem:$0x3F9F] =	sst lr;
	_ =	strace $0xD0000000  }
0x3: {  	_ = 	snop  }
0x4: {  	_ = 	snop  }
0x5: {  	_ = 	snop  }
0x6: {  	_ = 	snop  }
0x7: {  	_ = 	snop  }
__scs_overlays_trampoline_lowered:
0x8: {  	[smem:$0x3FAE] =	sst s0  }
0x9: {  	[smem:$0x3FAF] =	sst s1  }
0xa: {  	[smem:$0x3FB0] =	sst s2  }
0xb: {  	[smem:$0x3FB1] =	sst s3  }
0xc: {  	[smem:$0x3FB2] =	sst s4  }
0xd: {  	[smem:$0x3FB3] =	sst s5  }
0xe: {  	[smem:$0x3FB4] =	sst s6  }
0xf: {  	[smem:$0x3FB5] =	sst s7  }
0x10: {  	[smem:$0x3FB6] =	sst s8  }
0x11: {  	[smem:$0x3FB7] =	sst s9;
	s0 =	simm.s32 @!p0 $0x0  }
0x12: {  	s1 =	sld [smem:$0x3F9D];
	s0 =	simm.s32 @p0 $0x1  }
0x13: {  	[smem:$0x3FB8] =	sst s0;
	s0 =	simm.s32 @!p1 $0x0  }
0x14: {  	s2 =	sld [smem:$0x3F9C];
	s0 =	simm.s32 @p1 $0x1  }
0x15: {  	[smem:$0x3FB9] =	sst s0;
	s0 =	simm.s32 @!p2 $0x0  }
0x16: {  	s3 =	sld [smem:$0x3FDB];
	s0 =	simm.s32 @p2 $0x1  }
0x17: {  	s4 =	simm.s32 $0x1BF5;
	[smem:$0x3FBB] =	sst s0  }
0x18: {  	s0 =	sld [smem:$0x3F9E];
	_ =	swait.ge [sflag:s4], $0x0  }
0x19: {  	s7 =	sld [smem:$0x3F9F]  }
0x1a: {  	s8 =	sadd.s32 $0xFFFFE003, lr  }
0x1b: {  	s9 =	sadd.s32 $0xFFFFFEF7, lr;
	s5 =	simm.s32 $0xFFFFFFFF;
	p2 =	slt.u32 s8, $0xFFFFF086  }
0x1c: {  	p1 =	slt.u32 s9, $0xF7A;
	s5 =	simm.s32 @!p2 $0x0  }
0x1d: {  	s5 =	simm.s32 @p1 $0x1;
	p0 =	seq.s32 s7, s2  }
0x1e: {  	s7 =	smul.u32 @!p0 $0xF7A, s2;
	p2 =	seq.s32 @!p0 s5, $0x0  }
0x1f: {  	s9 =	smul.u32 $0xF7A, s1;
	s8 =	simm.s32 @!p0 $0x1BF5;
	p2 =	por !p2, p0  }
0x20: {  	[sflag:s8] =	ssyncset.s32 @!p0 $0xFFFFF086;
	s6 =	sadd.s32 @!p0 s3, s7;
	s7 =	simm.s32 @!p0 $0x108  }
0x21: {  	s3 =	sadd.s32 s3, s9;
	s6 =	sadd.s32 @!p0 $0x88, s6;
	s7 =	simm.s32 @p2 $0x1082  }
0x22: {  	[simem:s7], [sflag:s8] =	dma.local @!p0 [hbm:s6], $0xF7A  }
0x23: {  	s9 =	sor.u32 $0xD0000000, s2;
	s6 =	simm.s32 $0x108;
	_ =	swait.ge @!p0 [sflag:s8], $0x0  }
0x24: {  	s3 =	sadd.s32 $0x88, s3;
	s6 =	simm.s32 @!p1 $0x1082;
	[sflag:s4] =	ssyncset.s32 $0xFFFFF086  }
0x25: {  	[simem:s6], [sflag:s4] =	dma.local [hbm:s3], $0xF7A  }
0x26: {  	[smem:$0x3F9F] =	sst s1;
	(tag) =	ssettag s2;
	_ =	strace s9  }
0x27: {  	s1 =	sld [smem:$0x3FAF]  }
0x28: {  	s2 =	sld [smem:$0x3FB0]  }
0x29: {  	s4 =	sld [smem:$0x3FB2]  }
0x2a: {  	p0 =	seq.s32 s5, $0x0;
	s5 =	sld [smem:$0x3FB3]  }
0x2b: {  	s6 =	sld [smem:$0x3FB4]  }
0x2c: {  	s7 =	sld [smem:$0x3FB5]  }
0x2d: {  	s3 =	simm.s32 $0x108;
	s8 =	sld [smem:$0x3FB6]  }
0x2e: {  	s3 =	simm.s32 @!p0 $0x1082;
	s9 =	sld [smem:$0x3FB7]  }
0x2f: {  	lr =	sadd.s32 s0, s3;
	s0 =	sld [smem:$0x3FAE]  }
0x30: {  	s3 =	sld [smem:$0x3FB1]  }
0x31: {  	[smem:$0x3FBA] =	sst s10  }
0x32: {  	s10 =	sld [smem:$0x3FB8];
	_ =	sdelay $0x3  }
0x33: {  	p0 =	seq.s32 s10, $0x1;
	s10 =	sld [smem:$0x3FBA];
	_ =	sdelay $0x3  }
0x34: {  	[smem:$0x3FBA] =	sst s10  }
0x35: {  	s10 =	sld [smem:$0x3FB9];
	_ =	sdelay $0x3  }
0x36: {  	p1 =	seq.s32 s10, $0x1;
	s10 =	sld [smem:$0x3FBA];
	_ =	sdelay $0x3  }
0x37: {  	[smem:$0x3FBA] =	sst s10  }
0x38: {  	s10 =	sld [smem:$0x3FBB]  }
0x39: {  	_ = 	snop;
	(pc) =	sbr.ind lr, $3  }
0x3a: {  	_ = 	snop  }
0x3b: {  	_ = 	snop  }
0x3c: {  	p2 =	seq.s32 s10, $0x1;
	s10 =	sld [smem:$0x3FBA]  }
0x3d: {  	_ =	shalt  }
0x3e: {  	_ =	shalt  }
0x3f: {  	_ =	shalt  }
0x40: {  	_ =	shalt  }
0x41: {  	_ =	shalt  }
0x42: {  	_ =	shalt  }
0x43: {  	_ =	shalt  }
0x44: {  	_ =	shalt  }
0x45: {  	_ =	shalt  }
0x46: {  	_ =	shalt  }
0x47: {  	_ =	shalt  }
0x48: {  	_ =	shalt  }
0x49: {  	_ =	shalt  }
0x4a: {  	_ =	shalt  }
0x4b: {  	_ =	shalt  }
0x4c: {  	_ =	shalt  }
0x4d: {  	_ =	shalt  }
0x4e: {  	_ =	shalt  }
0x4f: {  	_ =	shalt  }
0x50: {  	_ =	shalt  }
0x51: {  	_ =	shalt  }
0x52: {  	_ =	shalt  }
0x53: {  	_ =	shalt  }
0x54: {  	_ =	shalt  }
0x55: {  	_ =	shalt  }
0x56: {  	_ =	shalt  }
0x57: {  	_ =	shalt  }
0x58: {  	_ =	shalt  }
0x59: {  	_ =	shalt  }
0x5a: {  	_ =	shalt  }
0x5b: {  	_ =	shalt  }
0x5c: {  	_ =	shalt  }
0x5d: {  	_ =	shalt  }
0x5e: {  	_ =	shalt  }
0x5f: {  	_ =	shalt  }
0x60: {  	_ =	shalt  }
0x61: {  	_ =	shalt  }
0x62: {  	_ =	shalt  }
0x63: {  	_ =	shalt  }
0x64: {  	_ =	shalt  }
0x65: {  	_ =	shalt  }
0x66: {  	_ =	shalt  }
0x67: {  	_ =	shalt  }
0x68: {  	_ =	shalt  }
0x69: {  	_ =	shalt  }
0x6a: {  	_ =	shalt  }
0x6b: {  	_ =	shalt  }
0x6c: {  	_ =	shalt  }
0x6d: {  	_ =	shalt  }
0x6e: {  	_ =	shalt  }
0x6f: {  	_ =	shalt  }
0x70: {  	_ =	shalt  }
0x71: {  	_ =	shalt  }
0x72: {  	_ =	shalt  }
0x73: {  	_ =	shalt  }
0x74: {  	_ =	shalt  }
0x75: {  	_ =	shalt  }
0x76: {  	_ =	shalt  }
0x77: {  	_ =	shalt  }
0x78: {  	_ =	shalt  }
0x79: {  	_ =	shalt  }
0x7a: {  	_ =	shalt  }
0x7b: {  	_ =	shalt  }
0x7c: {  	_ =	shalt  }
0x7d: {  	_ =	shalt  }
0x7e: {  	_ =	shalt  }
0x7f: {  	_ =	shalt  }
0x80: {  	_ =	shalt  }
0x81: {  	_ =	shalt  }
0x82: {  	_ =	shalt  }
0x83: {  	_ =	shalt  }
0x84: {  	_ =	shalt  }
0x85: {  	_ =	shalt  }
0x86: {  	_ =	shalt  }
0x87: {  	_ =	shalt  }
.Lfunc_end0:
.L_simem_size_0:
called_computation_lowered:
.L_overlay_start_0:
0x88: {  	s2 =	sld [smem:$0x3FD9]  }
0x89: {  	s3 =	sld [smem:$0x3FFE];
	_ =	sdelay $0x1  }
0x8a: {  	s1 =	srdreg.scid  }
0x8b: {  	s0 =	sand.u32 $0x1, s1  }
0x8c: {  	s17 =	sshll.u32 s0, $0xA;
	s2 =	sadd.s32 s3, s2  }
0x8d: {  	s2 =	sadd.s32 s2, s17  }
0x8e: {  	[smem:$0x3FC6] =	sst s2  }
0x8f: {  	_ = 	snop  }
0x90: {  	s2 =	sld [smem:$0x3FC9]  }
0x91: {  	s18 =	sld [smem:$0x3FD0];
	(tm) =	ssettm $0x1  }
0x92: {  	s4 =	sld [smem:$0x3FFB];
	_ =	sdelay $0x3  }
0x93: {  	_ =	strace s4  }
0x94: {  	s4 =	sld [smem:$0x3FFC];
	_ =	sdelay $0x3  }
0x95: {  	_ =	strace s4  }
0x96: {  	s4 =	sld [smem:$0x3FFD];
	_ =	sdelay $0x3  }
0x97: {  	_ =	strace s4  }
0x98: {  	_ =	strace $0x8FFFFFFF  }
0x99: {  	s19 =	sld [smem:$0x3FDB];
	_ =	sdelay $0x1  }
0x9a: {  	s5 =	simm.s32 $_scs_section_size  }
0x9b: {  	s6 =	simm.s32 $_size__tile_overlayer_lowered;
	s7 =	simm.s32 $_tile_overlayer_lowered  }
0x9c: {  	s22 =	simm.s32 $0x1BFF;
	s21 =	sshll.u32 s7, $0x1;
	s4 =	sadd.s32 s5, s19  }
0x9d: {  	s8 =	simm.s32 $0x0;
	s20 =	sshll.u32 s6, $0x1;
	s6 =	sadd.s32 s21, s4  }
0x9e: {  	[timem:s8], [sflag:s22] =	dma.local [hbm:s6], s20  }
0x9f: {  	_ =	swait.ge [sflag:s22], s20  }
0xa0: {  	s5 =	ssub.s32 $0x0, s20;
	[sflag:s22] =	ssyncset.done $0x0  }
0xa1: {  	[sflag:s22] =	ssyncadd.s32 s5;
	_ =	sdelay $0x1  }
0xa2: {  	s23 =	simm.s32 $0x1B8B  }
0xa3: {  	_ =	swait.ge [sflag:s23], $0x1  }
0xa4: {  	[sflag:s23] =	ssyncset.done $0x0  }
0xa5: {  	s25 =	simm.s32 $0x1B8E;
	s24 =	sld [smem:$0x3FFE];
	[sflag:s23] =	ssyncadd.s32 $0xFFFFFFFF  }
0xa6: {  	s26 =	simm.s32 $execute0_lowered;
	[smem:$0x3FD2] =	sst s25  }
0xa7: {  	s6 =	sshll.u32 s26, $0x1;
	_ =	strace $0x80000046;
	[dreg:$0x1] =	wrdreg $0xFFFFFFFF  }
0xa8: {  	s28 =	simm.s32 $_size_execute0_lowered;
	s4 =	sadd.s32 s4, s6;
	[dreg:$0x0] =	wrdreg $0x0  }
0xa9: {  	s6 =	sshll.u32 s28, $0x1;
	[dreg:$0x2] =	wrdreg s4  }
0xaa: {  	[dreg:$0x3] =	wrdreg s6  }
0xab: {  	[dreg:$0x4] =	wrdreg $0xC0  }
0xac: {  	_ =	task [dreg:s8], $0x5FFFF  }
0xad: {  	[dreg:$0x1] =	wrdreg $0xFFFFFFFF  }
0xae: {  	[dreg:$0x0] =	wrdreg $0x60  }
0xaf: {  	[dreg:$0x2] =	wrdreg s2  }
0xb0: {  	[dreg:$0x3] =	wrdreg s24  }
0xb1: {  	[dreg:$0x4] =	wrdreg s18  }
0xb2: {  	[dreg:$0x5] =	wrdreg $0x9  }
0xb3: {  	_ =	task.clear_ibuf [dreg:s8], $0x6FFFF;
	_ =	strace $0x90000046  }
0xb4: {  	s29 =	simm.s32 $0x9;
	_ =	strace $0x80000048  }
0xb5: {  	_ =	swait.ge [sflag:s29], $0x1  }
0xb6: {  	[sflag:s29] =	ssyncadd.s32 $0xFFFFFFFF  }
0xb7: {  	_ =	strace $0x90000048  }
0xb8: {  	_ =	sfence  }
0xb9: {  	s30 =	sld [smem:$0x0];
	_ =	sdelay $0x2  }
0xba: {  	s31 =	sshll.u32 s1, $0xD;
	s1 =	sshrl.u32 s1, $0x2  }
0xbb: {  	s3 =	sand.u32 $0x4000, s31;
	s1 =	sadd.s32 s1, s30  }
0xbc: {  	s0 =	sor.u32 s3, s0;
	s1 =	sshll.u32 s1, $0x11  }
0xbd: {  	s0 =	sor.u32 s1, s0  }
0xbe: {  	s0 =	sadd.s32 $0x8F2B, s0  }
0xbf: {  	[sflag:s0] =	ssyncadd.remote.s32 $0x1  }
0xc0: {  	_ =	sfence.sel $0xFFFF  }
0xc1: {  	[dreg:$0x0] =	wrdreg $0xFFFFFFFF;
	(pc) =	sbr.abs _section_cstart, $3  }
0xc2: {  	[dreg:$0x1] =	wrdreg $0xFFFFFFFF  }
0xc3: {  	_ =	task.clear_ibuf [dreg:s8], $0x2FFFF;
	_ =	strace $0x9FFFFFFF  }
0xc4: {  	(tm) =	ssettm $0x7FFFFFFF  }
0xc5: {  	_ =	shalt  }
tec
execute0_lowered:
.L_overlay_start_1:
0x0: {  	(tag) =	ssettag $0x1  }
0x1: {  	s1 =	rddreg [dreg:$0x0]  }
0x2: {  	s5 =	rddreg [dreg:$0x1]  }
0x3: {  	s2 =	rddreg [dreg:$0x2]  }
0x4: {  	s0 =	rddreg [dreg:$0x3];
	s3 =	simm.s32 $0x0  }
0x5: {  	s4 =	srdreg.scid;
	s10 =	simm.s32 $0x400;
	s11 =	simm.s32 $0x320000  }
0x6: {  	s12 =	simm.s32 $0x1;
	s13 =	simm.s32 $0x2;
	s14 =	simm.s32 $0x3  }
0x7: {  	s15 =	simm.s32 $0x0;
	[smem:$0x7FF] =	sst s3;
	s6 =	sand.u32 $0x1, s4  }
0x8: {  	s4 =	stileid.u32;
	s5 =	sadd.s32 $0x400, s5;
	s7 =	ssub.s32 $0x2, s6  }
0x9: {  	s9 =	sshll.u32 s4, $0x3;
	s6 =	sshll.u32 s6, $0x2;
	s8 =	sshrl.u32 s7, $0x1  }
0xa: {  	_ =	strace $0x80000047;
	s6 =	sor.u32 s6, s9;
	s7 =	ssub.s32 s7, s8  }
0xb: {  	s9 =	simm.s32 $0x109A0;
	s8 =	simm.s32 $0x6;
	s7 =	smax.u32 s7, $0x1  }
.LBB2_1:
0xc: {  	s16 =	simm.s32 $0x0  }
.LBB2_2:
0xd: {  	s17 =	smul.u32 $0x2134, s16;
	_ =	sdelay $0x1  }
0xe: {  	s18 =	sadd.s32 s5, s17;
	s17 =	simm.s32 $0x0  }
0xf: {  	[tilespmem:s17], [sflag:$0x6] =	stream.linear.gather [hbm4b:s18+s17], $0x109A0, $0x38;
	[tilespmem:$0x1D1A0] =	vst v63  }
0x10: {  	_ =	swait.ge [sflag:s8], $0x109A0  }
0x11: {  	[sflag:s8] =	ssyncset.done $0x0  }
0x12: {  	s19 =	simm.s32 $0x0;
	s18 =	smul.u32 $0x3200000, s16;
	[sflag:s8] =	ssyncadd.s32 $0xFFFEF660  }
.LBB2_3:
0x13: {  	s20 =	sadd.s32 s6, s19  }
0x14: {  	s21 =	sshll.u32 s20, $0x7  }
0x15: {  	s20 =	sshll.u32 s20, $0xA;
	s21 =	sadd.s32 s1, s21  }
0x16: {  	[tilespmem:s9], [sflag:$0x4] =	stream.linear.gather [hbm4b:s21+s17], $0x400, $0x38;
	[tilespmem:$0x1D1A0] =	vst v63  }
0x17: {  	s22 =	simm.s32 $0x0;
	s21 =	sadd.s32 s20, s18  }
.LBB2_4:
0x18: {  	s23 =	smul.u32 $0xAB, s22;
	s25 =	sand.u32 $0x1, s22  }
0x19: {  	p0 =	seq.s32 s22, $0x18;
	s26 =	sor.u32 $0x4, s25  }
0x1a: {  	s29 =	sxor.u32 @!p0 $0x1, s25;
	p1 =	slt.u32 @!p0 s22, $0x3;
	s23 =	sshrl.u32 s23, $0x9  }
0x1b: {  	s25 =	sshll.u32 s25, $0xA;
	_ =	swait.ge [sflag:s26], $0x400;
	s23 =	sand.u32 $0x7F, s23  }
0x1c: {  	s30 =	sshll.u32 @!p0 s29, $0xA;
	s24 =	smul.u32 $0x3, s23;
	s23 =	sadd.s32 $0x1, s22  }
0x1d: {  	s29 =	sor.u32 @!p0 $0x4, s29;
	[sflag:s26] =	ssyncset.done $0x0;
	s28 =	sshll.u32 @!p0 s23, $0x11  }
0x1e: {  	s25 =	sor.u32 $0x109A0, s25;
	[sflag:s26] =	ssyncadd.s32 $0xFFFFFC00;
	s28 =	sadd.s32 @!p0 s20, s28  }
0x1f: {  	s26 =	sor.u32 @!p0 $0x109A0, s30;
	s24 =	ssub.s32 s22, s24;
	s28 =	sshrl.u32 @!p0 s28, $0x3  }
0x20: {  	s30 =	simm.s32 @!p0 $0x0;
	s31 =	sand.u32 $0xFF, s24;
	s28 =	sadd.s32 @!p0 s1, s28  }
0x21: {  	v0 =	vmov s25;
	[tilespmem:s26], [sflag:s29] =	stream.linear.gather @!p0 [hbm4b:s28+s30], $0x400, $0x38;
	[tilespmem:$0x1D1A0] =	vst v63  }
0x22: {  	s24 =	sadd.s32 $0x1, s31;
	p0 =	por p0, !p1  }
0x23: {  	_ =	swait.ge @p0 [sflag:s24], $0x4000  }
0x24: {  	[sflag:s24] =	ssyncset.done @p0 $0x0  }
0x25: {  	s25 =	simm.s32 $0x0;
	[sflag:s24] =	ssyncadd.s32 @p0 $0xFFFFC000  }
0x26: {  	v1 =	vld.idx.msk [tilespmem:v0+s25+$0x10 ss:$0x1], $0xffff  }
0x27: {  	v2 =	vld.idx.msk [tilespmem:v0+s25+$0x20 ss:$0x1], $0xffff  }
0x28: {  	v3 =	vld.idx.msk [tilespmem:v0+s25+$0x50 ss:$0x1], $0xffff  }
0x29: {  	v4 =	vld.idx.msk [tilespmem:v0+s25+$0x0 ss:$0x1], $0xffff  }
0x2a: {  	v5 =	vld.idx.msk [tilespmem:v0+s25+$0x70 ss:$0x1], $0xffff  }
0x2b: {  	v27 =	vmul.u32 $0x11, v1  }
0x2c: {  	v1 =	vld.idx.msk [tilespmem:v0+s25+$0x40 ss:$0x1], $0xffff;
	v24 =	vmul.u32 $0x11, v2  }
0x2d: {  	v17 =	vmul.u32 $0x11, v3;
	v2 =	vld.idx.msk [tilespmem:v0+s25+$0x30 ss:$0x1], $0xffff  }
0x2e: {  	v3 =	vld.idx.msk [tilespmem:v0+s25+$0x60 ss:$0x1], $0xffff;
	v15 =	vmul.u32 $0x11, v4  }
0x2f: {  	v16 =	vmul.u32 $0x11, v5;
	_ =	sdelay $0x1  }
0x30: {  	v4 =	vadd.s32 $0x1, v15;
	v21 =	vmul.u32 $0x11, v1;
	v5 =	vld.idx.msk [tilespmem:v27+s3+$0x0], $0xffff  }
0x31: {  	s29 =	sshll.u32 s31, $0xE;
	v28 =	vmul.u32 $0x11, v2;
	v6 =	vld.idx.msk [tilespmem:v24+s3+$0x0], $0xffff  }
0x32: {  	s26 =	sadd.s32 $0x111A0, s29;
	v19 =	vmul.u32 $0x11, v3;
	v2 =	vld.idx.msk [tilespmem:v17+s3+$0x0], $0xffff  }
0x33: {  	v1 =	vmov s26;
	v3 =	vld.idx.msk [tilespmem:v15+s3+$0x0], $0xffff  }
0x34: {  	v7 =	vld.idx.msk [tilespmem:v16+s3+$0x0], $0xffff  }
0x35: {  	v8 =	vadd.s32 $0x1, v27;
	v4 =	vld.idx.msk [tilespmem:v4+s3+$0x0], $0xffff  }
0x36: {  	v11 =	vadd.s32 $0x1, v24;
	v9 =	vld.idx.msk [tilespmem:v21+s3+$0x0], $0xffff  }
0x37: {  	v10 =	vld.idx.msk [tilespmem:v28+s3+$0x0], $0xffff  }
0x38: {  	v12 =	vld.idx.msk [tilespmem:v19+s3+$0x0], $0xffff;
	[tilespmem:v1+s25+$0x0 ss:$0x1] =	vst.idx.msk $0xffff, v3;
	v3 =	vadd.s32 $0x1, v28;
	_ =	sdelay $0x1  }
0x39: {  	v8 =	vld.idx.msk [tilespmem:v8+s3+$0x0], $0xffff;
	[tilespmem:v1+s25+$0x10 ss:$0x1] =	vst.idx.msk $0xffff, v5;
	v5 =	vadd.s32 $0x1, v21  }
0x3a: {  	v11 =	vld.idx.msk [tilespmem:v11+s3+$0x0], $0xffff;
	[tilespmem:v1+s25+$0x20 ss:$0x1] =	vst.idx.msk $0xffff, v6;
	v6 =	vadd.s32 $0x1, v17;
	_ =	sdelay $0x1  }
0x3b: {  	s30 =	sor.u32 $0x80, s25;
	v13 =	vadd.s32 $0x1, v19;
	v3 =	vld.idx.msk [tilespmem:v3+s3+$0x0], $0xffff  }
0x3c: {  	[tilespmem:v1+s25+$0x30 ss:$0x1] =	vst.idx.msk $0xffff, v10;
	v10 =	vld.idx.msk [tilespmem:v0+s30+$0x0 ss:$0x1], $0xffff  }
0x3d: {  	v5 =	vld.idx.msk [tilespmem:v5+s3+$0x0], $0xffff;
	[tilespmem:v1+s25+$0x40 ss:$0x1] =	vst.idx.msk $0xffff, v9  }
0x3e: {  	v6 =	vld.idx.msk [tilespmem:v6+s3+$0x0], $0xffff  }
0x3f: {  	[tilespmem:v1+s25+$0x50 ss:$0x1] =	vst.idx.msk $0xffff, v2;
	v2 =	vld.idx.msk [tilespmem:v0+s30+$0x10 ss:$0x1], $0xffff  }
0x40: {  	v9 =	vld.idx.msk [tilespmem:v13+s3+$0x0], $0xffff  }
0x41: {  	v13 =	vld.idx.msk [tilespmem:v0+s30+$0x20 ss:$0x1], $0xffff  }
0x42: {  	v14 =	vld.idx.msk [tilespmem:v0+s30+$0x30 ss:$0x1], $0xffff  }
0x43: {  	v18 =	vld.idx.msk [tilespmem:v0+s30+$0x40 ss:$0x1], $0xffff  }
0x44: {  	v32 =	vadd.s32 $0x1, v16;
	v20 =	vld.idx.msk [tilespmem:v0+s30+$0x50 ss:$0x1], $0xffff;
	v30 =	vmul.u32 $0x11, v10  }
0x45: {  	v29 =	vmul.u32 $0x11, v2  }
0x46: {  	v2 =	vld.idx.msk [tilespmem:v0+s30+$0x70 ss:$0x1], $0xffff;
	v26 =	vmul.u32 $0x11, v13  }
0x47: {  	v25 =	vmul.u32 $0x11, v14;
	v13 =	vld.idx.msk [tilespmem:v0+s30+$0x60 ss:$0x1], $0xffff  }
0x48: {  	[tilespmem:v1+s25+$0x60 ss:$0x1] =	vst.idx.msk $0xffff, v12;
	v23 =	vmul.u32 $0x11, v18  }
0x49: {  	v32 =	vld.idx.msk [tilespmem:v32+s3+$0x0], $0xffff;
	v22 =	vmul.u32 $0x11, v20  }
0x4a: {  	v33 =	vld.idx.msk [tilespmem:v30+s3+$0x0], $0xffff  }
0x4b: {  	v18 =	vmul.u32 $0x11, v2;
	v2 =	vadd.s32 $0x1, v30;
	v10 =	vld.idx.msk [tilespmem:v29+s3+$0x0], $0xffff  }
0x4c: {  	v20 =	vmul.u32 $0x11, v13;
	v14 =	vld.idx.msk [tilespmem:v26+s3+$0x0], $0xffff  }
0x4d: {  	v31 =	vld.idx.msk [tilespmem:v25+s3+$0x0], $0xffff  }
0x4e: {  	v35 =	vadd.s32 $0x1, v29;
	v13 =	vld.idx.msk [tilespmem:v23+s3+$0x0], $0xffff  }
0x4f: {  	s28 =	sadd.s32 $0x115A0, s29;
	v39 =	vadd.s32 $0x1, v26;
	v34 =	vld.idx.msk [tilespmem:v22+s3+$0x0], $0xffff  }
0x50: {  	v36 =	vadd.s32 $0x2, v15;
	v37 =	vld.idx.msk [tilespmem:v2+s3+$0x0], $0xffff;
	v2 =	vmov s28  }
0x51: {  	[tilespmem:v1+s25+$0x70 ss:$0x1] =	vst.idx.msk $0xffff, v7;
	v45 =	vadd.s32 $0x1, v25;
	v38 =	vld.idx.msk [tilespmem:v18+s3+$0x0], $0xffff  }
0x52: {  	v12 =	vadd.s32 $0x2, v27;
	v40 =	vld.idx.msk [tilespmem:v20+s3+$0x0], $0xffff;
	[tilespmem:v1+s30+$0x0 ss:$0x1] =	vst.idx.msk $0xffff, v33  }
0x53: {  	v7 =	vadd.s32 $0x2, v24;
	v35 =	vld.idx.msk [tilespmem:v35+s3+$0x0], $0xffff;
	[tilespmem:v1+s30+$0x10 ss:$0x1] =	vst.idx.msk $0xffff, v10  }
0x54: {  	v10 =	vadd.s32 $0x1, v23;
	v39 =	vld.idx.msk [tilespmem:v39+s3+$0x0], $0xffff;
	[tilespmem:v1+s30+$0x20 ss:$0x1] =	vst.idx.msk $0xffff, v14  }
0x55: {  	v36 =	vld.idx.msk [tilespmem:v36+s3+$0x0], $0xffff;
	v14 =	vadd.s32 $0x1, v22;
	[tilespmem:v2+s25+$0x0 ss:$0x1] =	vst.idx.msk $0xffff, v4  }
0x56: {  	v4 =	vadd.s32 $0x2, v28;
	v33 =	vld.idx.msk [tilespmem:v45+s3+$0x0], $0xffff;
	[tilespmem:v1+s30+$0x30 ss:$0x1] =	vst.idx.msk $0xffff, v31  }
0x57: {  	v31 =	vadd.s32 $0x1, v20;
	v12 =	vld.idx.msk [tilespmem:v12+s3+$0x0], $0xffff;
	[tilespmem:v2+s25+$0x10 ss:$0x1] =	vst.idx.msk $0xffff, v8  }
0x58: {  	v8 =	vadd.s32 $0x2, v21;
	v7 =	vld.idx.msk [tilespmem:v7+s3+$0x0], $0xffff;
	[tilespmem:v2+s25+$0x20 ss:$0x1] =	vst.idx.msk $0xffff, v11  }
0x59: {  	v11 =	vadd.s32 $0x2, v17;
	v10 =	vld.idx.msk [tilespmem:v10+s3+$0x0], $0xffff;
	[tilespmem:v1+s30+$0x40 ss:$0x1] =	vst.idx.msk $0xffff, v13  }
0x5a: {  	v13 =	vadd.s32 $0x1, v18;
	v14 =	vld.idx.msk [tilespmem:v14+s3+$0x0], $0xffff;
	[tilespmem:v1+s30+$0x50 ss:$0x1] =	vst.idx.msk $0xffff, v34  }
0x5b: {  	v41 =	vadd.s32 $0x2, v19;
	v4 =	vld.idx.msk [tilespmem:v4+s3+$0x0], $0xffff;
	[tilespmem:v2+s25+$0x30 ss:$0x1] =	vst.idx.msk $0xffff, v3  }
0x5c: {  	v46 =	vadd.s32 $0x2, v30;
	v31 =	vld.idx.msk [tilespmem:v31+s3+$0x0], $0xffff;
	[tilespmem:v1+s30+$0x60 ss:$0x1] =	vst.idx.msk $0xffff, v40  }
0x5d: {  	v47 =	vadd.s32 $0x2, v29;
	v8 =	vld.idx.msk [tilespmem:v8+s3+$0x0], $0xffff;
	[tilespmem:v2+s25+$0x40 ss:$0x1] =	vst.idx.msk $0xffff, v5  }
0x5e: {  	v5 =	vadd.s32 $0x2, v16;
	v11 =	vld.idx.msk [tilespmem:v11+s3+$0x0], $0xffff;
	[tilespmem:v2+s25+$0x50 ss:$0x1] =	vst.idx.msk $0xffff, v6  }
0x5f: {  	v48 =	vadd.s32 $0x2, v26;
	s28 =	sadd.s32 $0x119A0, s29;
	v13 =	vld.idx.msk [tilespmem:v13+s3+$0x0], $0xffff;
	[tilespmem:v1+s30+$0x70 ss:$0x1] =	vst.idx.msk $0xffff, v38  }
0x60: {  	v3 =	vmov s28;
	v6 =	vadd.s32 $0x3, v15;
	v41 =	vld.idx.msk [tilespmem:v41+s3+$0x0], $0xffff;
	[tilespmem:v2+s25+$0x60 ss:$0x1] =	vst.idx.msk $0xffff, v9  }
0x61: {  	v49 =	vadd.s32 $0x2, v25;
	v34 =	vld.idx.msk [tilespmem:v46+s3+$0x0], $0xffff;
	[tilespmem:v2+s30+$0x0 ss:$0x1] =	vst.idx.msk $0xffff, v37  }
0x62: {  	v9 =	vadd.s32 $0x3, v27;
	v40 =	vld.idx.msk [tilespmem:v47+s3+$0x0], $0xffff;
	[tilespmem:v2+s30+$0x10 ss:$0x1] =	vst.idx.msk $0xffff, v35  }
0x63: {  	v51 =	vadd.s32 $0x2, v23;
	v5 =	vld.idx.msk [tilespmem:v5+s3+$0x0], $0xffff;
	[tilespmem:v2+s25+$0x70 ss:$0x1] =	vst.idx.msk $0xffff, v32  }
0x64: {  	v50 =	vadd.s32 $0x3, v24;
	v38 =	vld.idx.msk [tilespmem:v48+s3+$0x0], $0xffff;
	[tilespmem:v2+s30+$0x20 ss:$0x1] =	vst.idx.msk $0xffff, v39  }
0x65: {  	v53 =	vadd.s32 $0x2, v22;
	v6 =	vld.idx.msk [tilespmem:v6+s3+$0x0], $0xffff;
	[tilespmem:v3+s25+$0x0 ss:$0x1] =	vst.idx.msk $0xffff, v36  }
0x66: {  	v52 =	vadd.s32 $0x3, v28;
	v37 =	vld.idx.msk [tilespmem:v49+s3+$0x0], $0xffff;
	[tilespmem:v2+s30+$0x30 ss:$0x1] =	vst.idx.msk $0xffff, v33  }
0x67: {  	v54 =	vadd.s32 $0x2, v20;
	v9 =	vld.idx.msk [tilespmem:v9+s3+$0x0], $0xffff;
	[tilespmem:v3+s25+$0x10 ss:$0x1] =	vst.idx.msk $0xffff, v12  }
0x68: {  	v12 =	vadd.s32 $0x3, v21;
	v35 =	vld.idx.msk [tilespmem:v51+s3+$0x0], $0xffff;
	[tilespmem:v2+s30+$0x40 ss:$0x1] =	vst.idx.msk $0xffff, v10  }
0x69: {  	v10 =	vadd.s32 $0x2, v18;
	v32 =	vld.idx.msk [tilespmem:v50+s3+$0x0], $0xffff;
	[tilespmem:v3+s25+$0x20 ss:$0x1] =	vst.idx.msk $0xffff, v7  }
0x6a: {  	v7 =	vadd.s32 $0x3, v17;
	v39 =	vld.idx.msk [tilespmem:v53+s3+$0x0], $0xffff;
	[tilespmem:v2+s30+$0x50 ss:$0x1] =	vst.idx.msk $0xffff, v14  }
0x6b: {  	v14 =	vadd.s32 $0x3, v30;
	v36 =	vld.idx.msk [tilespmem:v52+s3+$0x0], $0xffff;
	[tilespmem:v3+s25+$0x30 ss:$0x1] =	vst.idx.msk $0xffff, v4  }
0x6c: {  	v42 =	vadd.s32 $0x3, v19;
	v33 =	vld.idx.msk [tilespmem:v54+s3+$0x0], $0xffff;
	[tilespmem:v2+s30+$0x60 ss:$0x1] =	vst.idx.msk $0xffff, v31  }
0x6d: {  	v31 =	vadd.s32 $0x3, v29;
	v12 =	vld.idx.msk [tilespmem:v12+s3+$0x0], $0xffff;
	[tilespmem:v3+s25+$0x40 ss:$0x1] =	vst.idx.msk $0xffff, v8  }
0x6e: {  	v8 =	vadd.s32 $0x3, v16;
	v10 =	vld.idx.msk [tilespmem:v10+s3+$0x0], $0xffff;
	[tilespmem:v2+s30+$0x70 ss:$0x1] =	vst.idx.msk $0xffff, v13  }
0x6f: {  	s28 =	sadd.s32 $0x11DA0, s29;
	v13 =	vadd.s32 $0x3, v26;
	v7 =	vld.idx.msk [tilespmem:v7+s3+$0x0], $0xffff;
	[tilespmem:v3+s25+$0x50 ss:$0x1] =	vst.idx.msk $0xffff, v11  }
0x70: {  	v4 =	vmov s28;
	v11 =	vadd.s32 $0x4, v15;
	v14 =	vld.idx.msk [tilespmem:v14+s3+$0x0], $0xffff;
	[tilespmem:v3+s30+$0x0 ss:$0x1] =	vst.idx.msk $0xffff, v34  }
0x71: {  	v56 =	vadd.s32 $0x3, v25;
	v42 =	vld.idx.msk [tilespmem:v42+s3+$0x0], $0xffff;
	[tilespmem:v3+s25+$0x60 ss:$0x1] =	vst.idx.msk $0xffff, v41  }
0x72: {  	v55 =	vadd.s32 $0x4, v27;
	v31 =	vld.idx.msk [tilespmem:v31+s3+$0x0], $0xffff;
	[tilespmem:v3+s30+$0x10 ss:$0x1] =	vst.idx.msk $0xffff, v40  }
0x73: {  	v57 =	vadd.s32 $0x3, v23;
	v8 =	vld.idx.msk [tilespmem:v8+s3+$0x0], $0xffff;
	[tilespmem:v3+s25+$0x70 ss:$0x1] =	vst.idx.msk $0xffff, v5  }
0x74: {  	v58 =	vadd.s32 $0x3, v22;
	v13 =	vld.idx.msk [tilespmem:v13+s3+$0x0], $0xffff;
	[tilespmem:v3+s30+$0x20 ss:$0x1] =	vst.idx.msk $0xffff, v38  }
0x75: {  	v5 =	vadd.s32 $0x4, v24;
	v11 =	vld.idx.msk [tilespmem:v11+s3+$0x0], $0xffff;
	[tilespmem:v4+s25+$0x0 ss:$0x1] =	vst.idx.msk $0xffff, v6  }
0x76: {  	v6 =	vadd.s32 $0x4, v28;
	v34 =	vld.idx.msk [tilespmem:v56+s3+$0x0], $0xffff;
	[tilespmem:v3+s30+$0x30 ss:$0x1] =	vst.idx.msk $0xffff, v37  }
0x77: {  	v41 =	vld.idx.msk [tilespmem:v55+s3+$0x0], $0xffff;
	[tilespmem:v4+s25+$0x10 ss:$0x1] =	vst.idx.msk $0xffff, v9;
	v9 =	vadd.s32 $0x4, v21  }
0x78: {  	v59 =	vadd.s32 $0x4, v17;
	v37 =	vld.idx.msk [tilespmem:v57+s3+$0x0], $0xffff;
	[tilespmem:v3+s30+$0x40 ss:$0x1] =	vst.idx.msk $0xffff, v35  }
0x79: {  	v61 =	vadd.s32 $0x4, v19;
	v38 =	vld.idx.msk [tilespmem:v58+s3+$0x0], $0xffff  }
0x7a: {  	v43 =	vld.idx.msk [tilespmem:v5+s3+$0x0], $0xffff;
	v5 =	vadd.s32 $0x3, v20;
	[tilespmem:v4+s25+$0x20 ss:$0x1] =	vst.idx.msk $0xffff, v32  }
0x7b: {  	v60 =	vadd.s32 $0x3, v18;
	v6 =	vld.idx.msk [tilespmem:v6+s3+$0x0], $0xffff;
	[tilespmem:v4+s25+$0x30 ss:$0x1] =	vst.idx.msk $0xffff, v36  }
0x7c: {  	v62 =	vadd.s32 $0x4, v30;
	v9 =	vld.idx.msk [tilespmem:v9+s3+$0x0], $0xffff;
	[tilespmem:v4+s25+$0x40 ss:$0x1] =	vst.idx.msk $0xffff, v12  }
0x7d: {  	v12 =	vadd.s32 $0x4, v16;
	v32 =	vld.idx.msk [tilespmem:v59+s3+$0x0], $0xffff;
	[tilespmem:v4+s25+$0x50 ss:$0x1] =	vst.idx.msk $0xffff, v7  }
0x7e: {  	v47 =	vadd.s32 $0x4, v29;
	[tilespmem:v3+s30+$0x50 ss:$0x1] =	vst.idx.msk $0xffff, v39;
	v36 =	vld.idx.msk [tilespmem:v61+s3+$0x0], $0xffff  }
0x7f: {  	s28 =	sadd.s32 $0x121A0, s29;
	v7 =	vadd.s32 $0x5, v15;
	v63 =	vld.idx.msk [tilespmem:v5+s3+$0x0], $0xffff;
	[tilespmem:v3+s30+$0x60 ss:$0x1] =	vst.idx.msk $0xffff, v33  }
0x80: {  	v5 =	vmov s28;
	v35 =	vld.idx.msk [tilespmem:v60+s3+$0x0], $0xffff;
	[tilespmem:v3+s30+$0x70 ss:$0x1] =	vst.idx.msk $0xffff, v10;
	v10 =	vadd.s32 $0x4, v26  }
0x81: {  	v48 =	vadd.s32 $0x5, v27;
	[tilespmem:v4+s25+$0x60 ss:$0x1] =	vst.idx.msk $0xffff, v42;
	v39 =	vld.idx.msk [tilespmem:v62+s3+$0x0], $0xffff  }
0x82: {  	v12 =	vld.idx.msk [tilespmem:v12+s3+$0x0], $0xffff;
	[tilespmem:v4+s30+$0x0 ss:$0x1] =	vst.idx.msk $0xffff, v14;
	v14 =	vadd.s32 $0x4, v25  }
0x83: {  	[tilespmem:v4+s25+$0x70 ss:$0x1] =	vst.idx.msk $0xffff, v8;
	v8 =	vadd.s32 $0x5, v24;
	v33 =	vld.idx.msk [tilespmem:v47+s3+$0x0], $0xffff  }
0x84: {  	v7 =	vld.idx.msk [tilespmem:v7+s3+$0x0], $0xffff;
	[tilespmem:v4+s30+$0x10 ss:$0x1] =	vst.idx.msk $0xffff, v31;
	v31 =	vadd.s32 $0x4, v23  }
0x85: {  	[tilespmem:v5+s25+$0x0 ss:$0x1] =	vst.idx.msk $0xffff, v11;
	v11 =	vadd.s32 $0x5, v28;
	v10 =	vld.idx.msk [tilespmem:v10+s3+$0x0], $0xffff  }
0x86: {  	v42 =	vld.idx.msk [tilespmem:v48+s3+$0x0], $0xffff;
	[tilespmem:v4+s30+$0x20 ss:$0x1] =	vst.idx.msk $0xffff, v13;
	v13 =	vadd.s32 $0x4, v22  }
0x87: {  	v49 =	vadd.s32 $0x5, v21;
	[tilespmem:v5+s25+$0x10 ss:$0x1] =	vst.idx.msk $0xffff, v41;
	v14 =	vld.idx.msk [tilespmem:v14+s3+$0x0], $0xffff  }
0x88: {  	v50 =	vadd.s32 $0x4, v20;
	v8 =	vld.idx.msk [tilespmem:v8+s3+$0x0], $0xffff;
	[tilespmem:v4+s30+$0x30 ss:$0x1] =	vst.idx.msk $0xffff, v34  }
0x89: {  	v51 =	vadd.s32 $0x5, v17;
	[tilespmem:v5+s25+$0x20 ss:$0x1] =	vst.idx.msk $0xffff, v43;
	v31 =	vld.idx.msk [tilespmem:v31+s3+$0x0], $0xffff  }
0x8a: {  	v52 =	vadd.s32 $0x4, v18;
	[tilespmem:v4+s30+$0x40 ss:$0x1] =	vst.idx.msk $0xffff, v37;
	v11 =	vld.idx.msk [tilespmem:v11+s3+$0x0], $0xffff  }
0x8b: {  	v44 =	vadd.s32 $0x5, v19;
	[tilespmem:v5+s25+$0x30 ss:$0x1] =	vst.idx.msk $0xffff, v6;
	v13 =	vld.idx.msk [tilespmem:v13+s3+$0x0], $0xffff  }
0x8c: {  	v53 =	vadd.s32 $0x5, v30;
	v41 =	vld.idx.msk [tilespmem:v49+s3+$0x0], $0xffff;
	[tilespmem:v4+s30+$0x50 ss:$0x1] =	vst.idx.msk $0xffff, v38  }
0x8d: {  	v54 =	vadd.s32 $0x5, v29;
	[tilespmem:v5+s25+$0x40 ss:$0x1] =	vst.idx.msk $0xffff, v9;
	v34 =	vld.idx.msk [tilespmem:v50+s3+$0x0], $0xffff  }
0x8e: {  	v9 =	vadd.s32 $0x5, v16;
	v43 =	vld.idx.msk [tilespmem:v51+s3+$0x0], $0xffff;
	[tilespmem:v4+s30+$0x60 ss:$0x1] =	vst.idx.msk $0xffff, v63  }
0x8f: {  	v56 =	vadd.s32 $0x5, v26;
	[tilespmem:v5+s25+$0x50 ss:$0x1] =	vst.idx.msk $0xffff, v32;
	v37 =	vld.idx.msk [tilespmem:v52+s3+$0x0], $0xffff  }
0x90: {  	v55 =	vadd.s32 $0x6, v15;
	s28 =	sadd.s32 $0x125A0, s29;
	v44 =	vld.idx.msk [tilespmem:v44+s3+$0x0], $0xffff;
	[tilespmem:v4+s30+$0x70 ss:$0x1] =	vst.idx.msk $0xffff, v35  }
0x91: {  	v58 =	vadd.s32 $0x5, v25;
	v6 =	vmov s28;
	v38 =	vld.idx.msk [tilespmem:v53+s3+$0x0], $0xffff;
	[tilespmem:v5+s30+$0x0 ss:$0x1] =	vst.idx.msk $0xffff, v39  }
0x92: {  	v57 =	vadd.s32 $0x6, v27;
	[tilespmem:v5+s25+$0x60 ss:$0x1] =	vst.idx.msk $0xffff, v36;
	v40 =	vld.idx.msk [tilespmem:v54+s3+$0x0], $0xffff  }
0x93: {  	v59 =	vadd.s32 $0x5, v23;
	[tilespmem:v5+s30+$0x10 ss:$0x1] =	vst.idx.msk $0xffff, v33;
	v9 =	vld.idx.msk [tilespmem:v9+s3+$0x0], $0xffff  }
0x94: {  	[tilespmem:v5+s25+$0x70 ss:$0x1] =	vst.idx.msk $0xffff, v12;
	v12 =	vadd.s32 $0x6, v24;
	v35 =	vld.idx.msk [tilespmem:v56+s3+$0x0], $0xffff  }
0x95: {  	[tilespmem:v5+s30+$0x20 ss:$0x1] =	vst.idx.msk $0xffff, v10;
	v10 =	vadd.s32 $0x5, v22;
	v32 =	vld.idx.msk [tilespmem:v55+s3+$0x0], $0xffff  }
0x96: {  	[tilespmem:v6+s25+$0x0 ss:$0x1] =	vst.idx.msk $0xffff, v7;
	v7 =	vadd.s32 $0x6, v28;
	v39 =	vld.idx.msk [tilespmem:v58+s3+$0x0], $0xffff  }
0x97: {  	[tilespmem:v5+s30+$0x30 ss:$0x1] =	vst.idx.msk $0xffff, v14;
	v36 =	vld.idx.msk [tilespmem:v57+s3+$0x0], $0xffff  }
0x98: {  	v14 =	vadd.s32 $0x5, v20;
	[tilespmem:v6+s25+$0x10 ss:$0x1] =	vst.idx.msk $0xffff, v42;
	v33 =	vld.idx.msk [tilespmem:v59+s3+$0x0], $0xffff  }
0x99: {  	v60 =	vadd.s32 $0x6, v21;
	[tilespmem:v5+s30+$0x40 ss:$0x1] =	vst.idx.msk $0xffff, v31;
	v12 =	vld.idx.msk [tilespmem:v12+s3+$0x0], $0xffff  }
0x9a: {  	[tilespmem:v6+s25+$0x20 ss:$0x1] =	vst.idx.msk $0xffff, v8;
	v8 =	vadd.s32 $0x6, v17;
	v10 =	vld.idx.msk [tilespmem:v10+s3+$0x0], $0xffff  }
0x9b: {  	[tilespmem:v5+s30+$0x50 ss:$0x1] =	vst.idx.msk $0xffff, v13;
	v45 =	vld.idx.msk [tilespmem:v7+s3+$0x0], $0xffff;
	v7 =	vadd.s32 $0x5, v18  }
0x9c: {  	[tilespmem:v6+s25+$0x30 ss:$0x1] =	vst.idx.msk $0xffff, v11;
	v11 =	vadd.s32 $0x6, v19  }
0x9d: {  	v13 =	vadd.s32 $0x6, v30;
	v14 =	vld.idx.msk [tilespmem:v14+s3+$0x0], $0xffff;
	[tilespmem:v5+s30+$0x60 ss:$0x1] =	vst.idx.msk $0xffff, v34  }
0x9e: {  	v61 =	vadd.s32 $0x6, v16;
	v31 =	vld.idx.msk [tilespmem:v60+s3+$0x0], $0xffff;
	[tilespmem:v6+s25+$0x40 ss:$0x1] =	vst.idx.msk $0xffff, v41  }
0x9f: {  	v62 =	vadd.s32 $0x6, v29;
	v8 =	vld.idx.msk [tilespmem:v8+s3+$0x0], $0xffff;
	[tilespmem:v6+s25+$0x50 ss:$0x1] =	vst.idx.msk $0xffff, v43  }
0xa0: {  	v49 =	vadd.s32 $0x6, v26;
	v48 =	vld.idx.msk [tilespmem:v7+s3+$0x0], $0xffff;
	[tilespmem:v5+s30+$0x70 ss:$0x1] =	vst.idx.msk $0xffff, v37  }
0xa1: {  	s28 =	sadd.s32 $0x129A0, s29;
	v51 =	vadd.s32 $0x6, v25;
	v11 =	vld.idx.msk [tilespmem:v11+s3+$0x0], $0xffff;
	[tilespmem:v6+s25+$0x60 ss:$0x1] =	vst.idx.msk $0xffff, v44  }
0xa2: {  	v63 =	vadd.s32 $0x7, v15;
	v7 =	vmov s28;
	v13 =	vld.idx.msk [tilespmem:v13+s3+$0x0], $0xffff;
	[tilespmem:v6+s30+$0x0 ss:$0x1] =	vst.idx.msk $0xffff, v38  }
0xa3: {  	v52 =	vadd.s32 $0x6, v23;
	v41 =	vld.idx.msk [tilespmem:v61+s3+$0x0], $0xffff;
	[tilespmem:v6+s25+$0x70 ss:$0x1] =	vst.idx.msk $0xffff, v9  }
0xa4: {  	v50 =	vadd.s32 $0x7, v27;
	v34 =	vld.idx.msk [tilespmem:v62+s3+$0x0], $0xffff;
	[tilespmem:v6+s30+$0x10 ss:$0x1] =	vst.idx.msk $0xffff, v40  }
0xa5: {  	v54 =	vadd.s32 $0x6, v22;
	v37 =	vld.idx.msk [tilespmem:v49+s3+$0x0], $0xffff;
	[tilespmem:v6+s30+$0x20 ss:$0x1] =	vst.idx.msk $0xffff, v35  }
0xa6: {  	v9 =	vadd.s32 $0x7, v24;
	v38 =	vld.idx.msk [tilespmem:v51+s3+$0x0], $0xffff;
	[tilespmem:v6+s30+$0x30 ss:$0x1] =	vst.idx.msk $0xffff, v39  }
0xa7: {  	v56 =	vadd.s32 $0x6, v20;
	v42 =	vld.idx.msk [tilespmem:v63+s3+$0x0], $0xffff;
	[tilespmem:v7+s25+$0x0 ss:$0x1] =	vst.idx.msk $0xffff, v32  }
0xa8: {  	v53 =	vadd.s32 $0x7, v28;
	v40 =	vld.idx.msk [tilespmem:v52+s3+$0x0], $0xffff;
	[tilespmem:v6+s30+$0x40 ss:$0x1] =	vst.idx.msk $0xffff, v33  }
0xa9: {  	v57 =	vadd.s32 $0x6, v18;
	v44 =	vld.idx.msk [tilespmem:v50+s3+$0x0], $0xffff;
	[tilespmem:v7+s25+$0x10 ss:$0x1] =	vst.idx.msk $0xffff, v36  }
0xaa: {  	v55 =	vadd.s32 $0x7, v21;
	v35 =	vld.idx.msk [tilespmem:v54+s3+$0x0], $0xffff;
	[tilespmem:v6+s30+$0x50 ss:$0x1] =	vst.idx.msk $0xffff, v10  }
0xab: {  	v10 =	vadd.s32 $0x7, v30;
	v9 =	vld.idx.msk [tilespmem:v9+s3+$0x0], $0xffff;
	[tilespmem:v7+s25+$0x20 ss:$0x1] =	vst.idx.msk $0xffff, v12  }
0xac: {  	v12 =	vadd.s32 $0x7, v17;
	v39 =	vld.idx.msk [tilespmem:v56+s3+$0x0], $0xffff;
	[tilespmem:v6+s30+$0x60 ss:$0x1] =	vst.idx.msk $0xffff, v14  }
0xad: {  	v14 =	vadd.s32 $0x7, v29;
	v32 =	vld.idx.msk [tilespmem:v53+s3+$0x0], $0xffff;
	[tilespmem:v7+s25+$0x30 ss:$0x1] =	vst.idx.msk $0xffff, v45  }
0xae: {  	v58 =	vadd.s32 $0x7, v19;
	v33 =	vld.idx.msk [tilespmem:v57+s3+$0x0], $0xffff;
	[tilespmem:v6+s30+$0x70 ss:$0x1] =	vst.idx.msk $0xffff, v48  }
0xaf: {  	v59 =	vadd.s32 $0x7, v26;
	v36 =	vld.idx.msk [tilespmem:v55+s3+$0x0], $0xffff;
	[tilespmem:v7+s25+$0x40 ss:$0x1] =	vst.idx.msk $0xffff, v31  }
0xb0: {  	v31 =	vadd.s32 $0x7, v16;
	v10 =	vld.idx.msk [tilespmem:v10+s3+$0x0], $0xffff;
	[tilespmem:v7+s30+$0x0 ss:$0x1] =	vst.idx.msk $0xffff, v13  }
0xb1: {  	s28 =	sadd.s32 $0x12DA0, s29;
	v13 =	vadd.s32 $0x7, v25;
	v12 =	vld.idx.msk [tilespmem:v12+s3+$0x0], $0xffff;
	[tilespmem:v7+s25+$0x50 ss:$0x1] =	vst.idx.msk $0xffff, v8  }
0xb2: {  	v46 =	vadd.s32 $0x8, v15;
	v8 =	vmov s28;
	v14 =	vld.idx.msk [tilespmem:v14+s3+$0x0], $0xffff;
	[tilespmem:v7+s30+$0x10 ss:$0x1] =	vst.idx.msk $0xffff, v34  }
0xb3: {  	v61 =	vadd.s32 $0x7, v23;
	v45 =	vld.idx.msk [tilespmem:v58+s3+$0x0], $0xffff;
	[tilespmem:v7+s25+$0x60 ss:$0x1] =	vst.idx.msk $0xffff, v11  }
0xb4: {  	v11 =	vadd.s32 $0x8, v27;
	v43 =	vld.idx.msk [tilespmem:v59+s3+$0x0], $0xffff;
	[tilespmem:v7+s30+$0x20 ss:$0x1] =	vst.idx.msk $0xffff, v37  }
0xb5: {  	v63 =	vadd.s32 $0x7, v22;
	v31 =	vld.idx.msk [tilespmem:v31+s3+$0x0], $0xffff;
	[tilespmem:v7+s25+$0x70 ss:$0x1] =	vst.idx.msk $0xffff, v41  }
0xb6: {  	v60 =	vadd.s32 $0x8, v24;
	v13 =	vld.idx.msk [tilespmem:v13+s3+$0x0], $0xffff;
	[tilespmem:v7+s30+$0x30 ss:$0x1] =	vst.idx.msk $0xffff, v38  }
0xb7: {  	v49 =	vadd.s32 $0x7, v20;
	v46 =	vld.idx.msk [tilespmem:v46+s3+$0x0], $0xffff;
	[tilespmem:v8+s25+$0x0 ss:$0x1] =	vst.idx.msk $0xffff, v42  }
0xb8: {  	v62 =	vadd.s32 $0x8, v28;
	v34 =	vld.idx.msk [tilespmem:v61+s3+$0x0], $0xffff;
	[tilespmem:v7+s30+$0x40 ss:$0x1] =	vst.idx.msk $0xffff, v40  }
0xb9: {  	v50 =	vadd.s32 $0x7, v18;
	v11 =	vld.idx.msk [tilespmem:v11+s3+$0x0], $0xffff;
	[tilespmem:v8+s25+$0x10 ss:$0x1] =	vst.idx.msk $0xffff, v44  }
0xba: {  	v48 =	vadd.s32 $0x8, v21;
	v37 =	vld.idx.msk [tilespmem:v63+s3+$0x0], $0xffff;
	[tilespmem:v7+s30+$0x50 ss:$0x1] =	vst.idx.msk $0xffff, v35  }
0xbb: {  	v52 =	vadd.s32 $0x8, v30;
	v41 =	vld.idx.msk [tilespmem:v60+s3+$0x0], $0xffff;
	[tilespmem:v8+s25+$0x20 ss:$0x1] =	vst.idx.msk $0xffff, v9  }
0xbc: {  	v54 =	vadd.s32 $0x8, v29;
	v38 =	vld.idx.msk [tilespmem:v49+s3+$0x0], $0xffff;
	[tilespmem:v7+s30+$0x60 ss:$0x1] =	vst.idx.msk $0xffff, v39  }
0xbd: {  	v55 =	vadd.s32 $0x8, v26;
	v42 =	vld.idx.msk [tilespmem:v62+s3+$0x0], $0xffff;
	[tilespmem:v8+s25+$0x30 ss:$0x1] =	vst.idx.msk $0xffff, v32  }
0xbe: {  	v9 =	vadd.s32 $0x8, v17;
	v40 =	vld.idx.msk [tilespmem:v50+s3+$0x0], $0xffff;
	[tilespmem:v7+s30+$0x70 ss:$0x1] =	vst.idx.msk $0xffff, v33  }
0xbf: {  	v51 =	vadd.s32 $0x8, v19;
	v44 =	vld.idx.msk [tilespmem:v48+s3+$0x0], $0xffff;
	[tilespmem:v8+s25+$0x40 ss:$0x1] =	vst.idx.msk $0xffff, v36  }
0xc0: {  	v53 =	vadd.s32 $0x8, v16;
	v35 =	vld.idx.msk [tilespmem:v52+s3+$0x0], $0xffff;
	[tilespmem:v8+s30+$0x0 ss:$0x1] =	vst.idx.msk $0xffff, v10  }
0xc1: {  	v10 =	vadd.s32 $0x8, v25;
	v39 =	vld.idx.msk [tilespmem:v54+s3+$0x0], $0xffff;
	[tilespmem:v8+s30+$0x10 ss:$0x1] =	vst.idx.msk $0xffff, v14  }
0xc2: {  	v14 =	vadd.s32 $0x8, v23;
	v33 =	vld.idx.msk [tilespmem:v55+s3+$0x0], $0xffff;
	[tilespmem:v8+s30+$0x20 ss:$0x1] =	vst.idx.msk $0xffff, v43  }
0xc3: {  	s28 =	sadd.s32 $0x131A0, s29;
	v58 =	vadd.s32 $0x8, v22;
	v47 =	vld.idx.msk [tilespmem:v9+s3+$0x0], $0xffff;
	[tilespmem:v8+s25+$0x50 ss:$0x1] =	vst.idx.msk $0xffff, v12  }
0xc4: {  	v12 =	vadd.s32 $0x9, v15;
	v9 =	vmov s28;
	v32 =	vld.idx.msk [tilespmem:v51+s3+$0x0], $0xffff;
	[tilespmem:v8+s25+$0x60 ss:$0x1] =	vst.idx.msk $0xffff, v45  }
0xc5: {  	v56 =	vadd.s32 $0x9, v27;
	v36 =	vld.idx.msk [tilespmem:v53+s3+$0x0], $0xffff;
	[tilespmem:v8+s25+$0x70 ss:$0x1] =	vst.idx.msk $0xffff, v31  }
0xc6: {  	v31 =	vadd.s32 $0x9, v24;
	v48 =	vld.idx.msk [tilespmem:v10+s3+$0x0], $0xffff;
	[tilespmem:v8+s30+$0x30 ss:$0x1] =	vst.idx.msk $0xffff, v13  }
0xc7: {  	v10 =	vadd.s32 $0x8, v20;
	v14 =	vld.idx.msk [tilespmem:v14+s3+$0x0], $0xffff;
	[tilespmem:v8+s30+$0x40 ss:$0x1] =	vst.idx.msk $0xffff, v34  }
0xc8: {  	v57 =	vadd.s32 $0x9, v28;
	v43 =	vld.idx.msk [tilespmem:v58+s3+$0x0], $0xffff;
	[tilespmem:v8+s30+$0x50 ss:$0x1] =	vst.idx.msk $0xffff, v37  }
0xc9: {  	v59 =	vadd.s32 $0x8, v18;
	v12 =	vld.idx.msk [tilespmem:v12+s3+$0x0], $0xffff;
	[tilespmem:v9+s25+$0x0 ss:$0x1] =	vst.idx.msk $0xffff, v46  }
0xca: {  	v61 =	vadd.s32 $0x9, v30;
	v45 =	vld.idx.msk [tilespmem:v56+s3+$0x0], $0xffff;
	[tilespmem:v9+s25+$0x10 ss:$0x1] =	vst.idx.msk $0xffff, v11  }
0xcb: {  	v50 =	vadd.s32 $0x9, v29;
	v31 =	vld.idx.msk [tilespmem:v31+s3+$0x0], $0xffff;
	[tilespmem:v9+s25+$0x20 ss:$0x1] =	vst.idx.msk $0xffff, v41  }
0xcc: {  	v11 =	vadd.s32 $0x9, v21;
	v63 =	vld.idx.msk [tilespmem:v10+s3+$0x0], $0xffff;
	[tilespmem:v8+s30+$0x60 ss:$0x1] =	vst.idx.msk $0xffff, v38  }
0xcd: {  	v52 =	vadd.s32 $0x9, v26;
	v41 =	vld.idx.msk [tilespmem:v57+s3+$0x0], $0xffff;
	[tilespmem:v9+s25+$0x30 ss:$0x1] =	vst.idx.msk $0xffff, v42  }
0xce: {  	v13 =	vadd.s32 $0x9, v17;
	v34 =	vld.idx.msk [tilespmem:v59+s3+$0x0], $0xffff;
	[tilespmem:v8+s30+$0x70 ss:$0x1] =	vst.idx.msk $0xffff, v40  }
0xcf: {  	v54 =	vadd.s32 $0x9, v25;
	v37 =	vld.idx.msk [tilespmem:v61+s3+$0x0], $0xffff;
	[tilespmem:v9+s30+$0x0 ss:$0x1] =	vst.idx.msk $0xffff, v35  }
0xd0: {  	v60 =	vadd.s32 $0x9, v19;
	v38 =	vld.idx.msk [tilespmem:v50+s3+$0x0], $0xffff;
	[tilespmem:v9+s30+$0x10 ss:$0x1] =	vst.idx.msk $0xffff, v39  }
0xd1: {  	v56 =	vadd.s32 $0x9, v23;
	v11 =	vld.idx.msk [tilespmem:v11+s3+$0x0], $0xffff;
	[tilespmem:v9+s25+$0x40 ss:$0x1] =	vst.idx.msk $0xffff, v44  }
0xd2: {  	v62 =	vadd.s32 $0x9, v16;
	v40 =	vld.idx.msk [tilespmem:v52+s3+$0x0], $0xffff;
	[tilespmem:v9+s30+$0x20 ss:$0x1] =	vst.idx.msk $0xffff, v33  }
0xd3: {  	s28 =	sadd.s32 $0x135A0, s29;
	v57 =	vadd.s32 $0x9, v22;
	v13 =	vld.idx.msk [tilespmem:v13+s3+$0x0], $0xffff;
	[tilespmem:v9+s25+$0x50 ss:$0x1] =	vst.idx.msk $0xffff, v47  }
0xd4: {  	v51 =	vadd.s32 $0xA, v15;
	v10 =	vmov s28;
	v35 =	vld.idx.msk [tilespmem:v54+s3+$0x0], $0xffff;
	[tilespmem:v9+s30+$0x30 ss:$0x1] =	vst.idx.msk $0xffff, v48  }
0xd5: {  	v59 =	vadd.s32 $0x9, v20;
	v42 =	vld.idx.msk [tilespmem:v60+s3+$0x0], $0xffff;
	[tilespmem:v9+s25+$0x60 ss:$0x1] =	vst.idx.msk $0xffff, v32  }
0xd6: {  	v53 =	vadd.s32 $0xA, v27;
	v39 =	vld.idx.msk [tilespmem:v56+s3+$0x0], $0xffff;
	[tilespmem:v9+s30+$0x40 ss:$0x1] =	vst.idx.msk $0xffff, v14  }
0xd7: {  	v55 =	vadd.s32 $0xA, v24;
	v44 =	vld.idx.msk [tilespmem:v62+s3+$0x0], $0xffff;
	[tilespmem:v9+s25+$0x70 ss:$0x1] =	vst.idx.msk $0xffff, v36  }
0xd8: {  	v14 =	vadd.s32 $0x9, v18;
	v33 =	vld.idx.msk [tilespmem:v57+s3+$0x0], $0xffff;
	[tilespmem:v9+s30+$0x50 ss:$0x1] =	vst.idx.msk $0xffff, v43  }
0xd9: {  	v61 =	vadd.s32 $0xA, v30;
	v47 =	vld.idx.msk [tilespmem:v51+s3+$0x0], $0xffff;
	[tilespmem:v10+s25+$0x0 ss:$0x1] =	vst.idx.msk $0xffff, v12  }
0xda: {  	v12 =	vadd.s32 $0xA, v28;
	v48 =	vld.idx.msk [tilespmem:v59+s3+$0x0], $0xffff;
	[tilespmem:v9+s30+$0x60 ss:$0x1] =	vst.idx.msk $0xffff, v63  }
0xdb: {  	v62 =	vadd.s32 $0xA, v29;
	v32 =	vld.idx.msk [tilespmem:v53+s3+$0x0], $0xffff;
	[tilespmem:v10+s25+$0x10 ss:$0x1] =	vst.idx.msk $0xffff, v45  }
0xdc: {  	v58 =	vadd.s32 $0xA, v21;
	v36 =	vld.idx.msk [tilespmem:v55+s3+$0x0], $0xffff;
	[tilespmem:v10+s25+$0x20 ss:$0x1] =	vst.idx.msk $0xffff, v31  }
0xdd: {  	v63 =	vadd.s32 $0xA, v26;
	v14 =	vld.idx.msk [tilespmem:v14+s3+$0x0], $0xffff;
	[tilespmem:v9+s30+$0x70 ss:$0x1] =	vst.idx.msk $0xffff, v34  }
0xde: {  	v31 =	vadd.s32 $0xA, v17;
	v43 =	vld.idx.msk [tilespmem:v61+s3+$0x0], $0xffff;
	[tilespmem:v10+s30+$0x0 ss:$0x1] =	vst.idx.msk $0xffff, v37  }
0xdf: {  	v53 =	vadd.s32 $0xA, v25;
	v12 =	vld.idx.msk [tilespmem:v12+s3+$0x0], $0xffff;
	[tilespmem:v10+s25+$0x30 ss:$0x1] =	vst.idx.msk $0xffff, v41  }
0xe0: {  	v60 =	vadd.s32 $0xA, v19;
	v46 =	vld.idx.msk [tilespmem:v62+s3+$0x0], $0xffff;
	[tilespmem:v10+s30+$0x10 ss:$0x1] =	vst.idx.msk $0xffff, v38  }
0xe1: {  	v55 =	vadd.s32 $0xA, v23;
	v45 =	vld.idx.msk [tilespmem:v58+s3+$0x0], $0xffff;
	[tilespmem:v10+s25+$0x40 ss:$0x1] =	vst.idx.msk $0xffff, v11  }
0xe2: {  	v49 =	vadd.s32 $0xA, v16;
	v34 =	vld.idx.msk [tilespmem:v63+s3+$0x0], $0xffff;
	[tilespmem:v10+s30+$0x20 ss:$0x1] =	vst.idx.msk $0xffff, v40  }
0xe3: {  	v57 =	vadd.s32 $0xA, v22;
	v31 =	vld.idx.msk [tilespmem:v31+s3+$0x0], $0xffff;
	[tilespmem:v10+s25+$0x50 ss:$0x1] =	vst.idx.msk $0xffff, v13  }
0xe4: {  	v59 =	vadd.s32 $0xA, v20;
	v37 =	vld.idx.msk [tilespmem:v53+s3+$0x0], $0xffff;
	[tilespmem:v10+s30+$0x30 ss:$0x1] =	vst.idx.msk $0xffff, v35  }
0xe5: {  	s28 =	sadd.s32 $0x139A0, s29;
	v61 =	vadd.s32 $0xA, v18;
	v41 =	vld.idx.msk [tilespmem:v60+s3+$0x0], $0xffff;
	[tilespmem:v10+s25+$0x60 ss:$0x1] =	vst.idx.msk $0xffff, v42  }
0xe6: {  	v11 =	vmov s28;
	v13 =	vadd.s32 $0xB, v15;
	v38 =	vld.idx.msk [tilespmem:v55+s3+$0x0], $0xffff;
	[tilespmem:v10+s30+$0x40 ss:$0x1] =	vst.idx.msk $0xffff, v39  }
0xe7: {  	v62 =	vadd.s32 $0xB, v30;
	v49 =	vld.idx.msk [tilespmem:v49+s3+$0x0], $0xffff;
	[tilespmem:v10+s25+$0x70 ss:$0x1] =	vst.idx.msk $0xffff, v44  }
0xe8: {  	v52 =	vadd.s32 $0xB, v27;
	v40 =	vld.idx.msk [tilespmem:v57+s3+$0x0], $0xffff;
	[tilespmem:v10+s30+$0x50 ss:$0x1] =	vst.idx.msk $0xffff, v33  }
0xe9: {  	v54 =	vadd.s32 $0xB, v24;
	v35 =	vld.idx.msk [tilespmem:v59+s3+$0x0], $0xffff;
	[tilespmem:v10+s30+$0x60 ss:$0x1] =	vst.idx.msk $0xffff, v48  }
0xea: {  	v56 =	vadd.s32 $0xB, v28;
	v39 =	vld.idx.msk [tilespmem:v61+s3+$0x0], $0xffff;
	[tilespmem:v10+s30+$0x70 ss:$0x1] =	vst.idx.msk $0xffff, v14  }
0xeb: {  	v58 =	vadd.s32 $0xB, v21;
	v13 =	vld.idx.msk [tilespmem:v13+s3+$0x0], $0xffff;
	[tilespmem:v11+s25+$0x0 ss:$0x1] =	vst.idx.msk $0xffff, v47  }
0xec: {  	v60 =	vadd.s32 $0xB, v17;
	v33 =	vld.idx.msk [tilespmem:v62+s3+$0x0], $0xffff;
	[tilespmem:v11+s30+$0x0 ss:$0x1] =	vst.idx.msk $0xffff, v43  }
0xed: {  	v50 =	vadd.s32 $0xB, v19;
	v42 =	vld.idx.msk [tilespmem:v52+s3+$0x0], $0xffff;
	[tilespmem:v11+s25+$0x10 ss:$0x1] =	vst.idx.msk $0xffff, v32  }
0xee: {  	v52 =	vadd.s32 $0xB, v29;
	v44 =	vld.idx.msk [tilespmem:v54+s3+$0x0], $0xffff;
	[tilespmem:v11+s25+$0x20 ss:$0x1] =	vst.idx.msk $0xffff, v36  }
0xef: {  	v63 =	vadd.s32 $0xB, v16;
	v47 =	vld.idx.msk [tilespmem:v56+s3+$0x0], $0xffff;
	[tilespmem:v11+s25+$0x30 ss:$0x1] =	vst.idx.msk $0xffff, v12  }
0xf0: {  	v14 =	vadd.s32 $0xB, v26;
	v32 =	vld.idx.msk [tilespmem:v58+s3+$0x0], $0xffff;
	[tilespmem:v11+s25+$0x40 ss:$0x1] =	vst.idx.msk $0xffff, v45  }
0xf1: {  	v54 =	vadd.s32 $0xB, v25;
	v36 =	vld.idx.msk [tilespmem:v60+s3+$0x0], $0xffff;
	[tilespmem:v11+s25+$0x50 ss:$0x1] =	vst.idx.msk $0xffff, v31  }
0xf2: {  	s28 =	sadd.s32 $0x13DA0, s29;
	v56 =	vadd.s32 $0xB, v23;
	v50 =	vld.idx.msk [tilespmem:v50+s3+$0x0], $0xffff;
	[tilespmem:v11+s25+$0x60 ss:$0x1] =	vst.idx.msk $0xffff, v41  }
0xf3: {  	v12 =	vmov s28;
	v31 =	vadd.s32 $0xC, v15;
	v48 =	vld.idx.msk [tilespmem:v52+s3+$0x0], $0xffff;
	[tilespmem:v11+s30+$0x10 ss:$0x1] =	vst.idx.msk $0xffff, v46  }
0xf4: {  	v57 =	vadd.s32 $0xB, v22;
	v45 =	vld.idx.msk [tilespmem:v63+s3+$0x0], $0xffff;
	[tilespmem:v11+s25+$0x70 ss:$0x1] =	vst.idx.msk $0xffff, v49  }
0xf5: {  	v53 =	vadd.s32 $0xC, v27;
	v14 =	vld.idx.msk [tilespmem:v14+s3+$0x0], $0xffff;
	[tilespmem:v11+s30+$0x20 ss:$0x1] =	vst.idx.msk $0xffff, v34  }
0xf6: {  	v59 =	vadd.s32 $0xB, v20;
	v43 =	vld.idx.msk [tilespmem:v54+s3+$0x0], $0xffff;
	[tilespmem:v11+s30+$0x30 ss:$0x1] =	vst.idx.msk $0xffff, v37  }
0xf7: {  	v55 =	vadd.s32 $0xC, v24;
	v46 =	vld.idx.msk [tilespmem:v56+s3+$0x0], $0xffff;
	[tilespmem:v11+s30+$0x40 ss:$0x1] =	vst.idx.msk $0xffff, v38  }
0xf8: {  	v31 =	vld.idx.msk [tilespmem:v31+s3+$0x0], $0xffff;
	[tilespmem:v12+s25+$0x0 ss:$0x1] =	vst.idx.msk $0xffff, v13;
	v13 =	vadd.s32 $0xC, v28  }
0xf9: {  	v58 =	vadd.s32 $0xC, v21;
	v34 =	vld.idx.msk [tilespmem:v57+s3+$0x0], $0xffff  }
0xfa: {  	v60 =	vadd.s32 $0xC, v17;
	[tilespmem:v11+s30+$0x50 ss:$0x1] =	vst.idx.msk $0xffff, v40;
	v41 =	vld.idx.msk [tilespmem:v53+s3+$0x0], $0xffff  }
0xfb: {  	v61 =	vadd.s32 $0xC, v19;
	[tilespmem:v12+s25+$0x10 ss:$0x1] =	vst.idx.msk $0xffff, v42;
	v37 =	vld.idx.msk [tilespmem:v59+s3+$0x0], $0xffff  }
0xfc: {  	v63 =	vadd.s32 $0xC, v16;
	v49 =	vld.idx.msk [tilespmem:v55+s3+$0x0], $0xffff;
	[tilespmem:v12+s25+$0x20 ss:$0x1] =	vst.idx.msk $0xffff, v44  }
0xfd: {  	v51 =	vld.idx.msk [tilespmem:v13+s3+$0x0], $0xffff;
	v13 =	vadd.s32 $0xB, v18;
	[tilespmem:v12+s25+$0x30 ss:$0x1] =	vst.idx.msk $0xffff, v47  }
0xfe: {  	v53 =	vadd.s32 $0xD, v15;
	v42 =	vld.idx.msk [tilespmem:v58+s3+$0x0], $0xffff;
	[tilespmem:v12+s25+$0x40 ss:$0x1] =	vst.idx.msk $0xffff, v32  }
0xff: {  	v62 =	vadd.s32 $0xC, v30;
	v44 =	vld.idx.msk [tilespmem:v60+s3+$0x0], $0xffff;
	[tilespmem:v12+s25+$0x50 ss:$0x1] =	vst.idx.msk $0xffff, v36  }
0x100: {  	v52 =	vadd.s32 $0xC, v29;
	v38 =	vld.idx.msk [tilespmem:v61+s3+$0x0], $0xffff;
	[tilespmem:v12+s25+$0x60 ss:$0x1] =	vst.idx.msk $0xffff, v50  }
0x101: {  	v54 =	vadd.s32 $0xC, v26;
	[tilespmem:v11+s30+$0x60 ss:$0x1] =	vst.idx.msk $0xffff, v35;
	v32 =	vld.idx.msk [tilespmem:v63+s3+$0x0], $0xffff  }
0x102: {  	s28 =	sadd.s32 $0x141A0, s29;
	v56 =	vadd.s32 $0xC, v25;
	[tilespmem:v12+s25+$0x70 ss:$0x1] =	vst.idx.msk $0xffff, v45;
	v47 =	vld.idx.msk [tilespmem:v13+s3+$0x0], $0xffff  }
0x103: {  	v58 =	vadd.s32 $0xC, v23;
	v13 =	vmov s28;
	[tilespmem:v11+s30+$0x70 ss:$0x1] =	vst.idx.msk $0xffff, v39;
	v36 =	vld.idx.msk [tilespmem:v53+s3+$0x0], $0xffff  }
0x104: {  	v55 =	vadd.s32 $0xD, v27;
	v40 =	vld.idx.msk [tilespmem:v62+s3+$0x0], $0xffff;
	[tilespmem:v12+s30+$0x0 ss:$0x1] =	vst.idx.msk $0xffff, v33  }
0x105: {  	v57 =	vadd.s32 $0xD, v24;
	v35 =	vld.idx.msk [tilespmem:v52+s3+$0x0], $0xffff;
	[tilespmem:v12+s30+$0x10 ss:$0x1] =	vst.idx.msk $0xffff, v48  }
0x106: {  	v39 =	vld.idx.msk [tilespmem:v54+s3+$0x0], $0xffff;
	[tilespmem:v12+s30+$0x20 ss:$0x1] =	vst.idx.msk $0xffff, v14;
	v14 =	vadd.s32 $0xC, v22  }
0x107: {  	v60 =	vadd.s32 $0xC, v20;
	v33 =	vld.idx.msk [tilespmem:v56+s3+$0x0], $0xffff;
	[tilespmem:v12+s30+$0x30 ss:$0x1] =	vst.idx.msk $0xffff, v43  }
0x108: {  	[tilespmem:v13+s25+$0x0 ss:$0x1] =	vst.idx.msk $0xffff, v31;
	v31 =	vadd.s32 $0xD, v28;
	v48 =	vld.idx.msk [tilespmem:v58+s3+$0x0], $0xffff  }
0x109: {  	v62 =	vadd.s32 $0xC, v18;
	v50 =	vld.idx.msk [tilespmem:v55+s3+$0x0], $0xffff;
	[tilespmem:v13+s25+$0x10 ss:$0x1] =	vst.idx.msk $0xffff, v41  }
0x10a: {  	v59 =	vadd.s32 $0xD, v21;
	[tilespmem:v12+s30+$0x40 ss:$0x1] =	vst.idx.msk $0xffff, v46;
	v45 =	vld.idx.msk [tilespmem:v57+s3+$0x0], $0xffff  }
0x10b: {  	v55 =	vadd.s32 $0xD, v30;
	v52 =	vld.idx.msk [tilespmem:v14+s3+$0x0], $0xffff;
	[tilespmem:v12+s30+$0x50 ss:$0x1] =	vst.idx.msk $0xffff, v34  }
0x10c: {  	v61 =	vadd.s32 $0xD, v17;
	[tilespmem:v13+s25+$0x20 ss:$0x1] =	vst.idx.msk $0xffff, v49;
	v43 =	vld.idx.msk [tilespmem:v60+s3+$0x0], $0xffff  }
0x10d: {  	v57 =	vadd.s32 $0xD, v29;
	[tilespmem:v12+s30+$0x60 ss:$0x1] =	vst.idx.msk $0xffff, v37;
	v31 =	vld.idx.msk [tilespmem:v31+s3+$0x0], $0xffff  }
0x10e: {  	v63 =	vadd.s32 $0xD, v19;
	[tilespmem:v13+s25+$0x30 ss:$0x1] =	vst.idx.msk $0xffff, v51;
	v46 =	vld.idx.msk [tilespmem:v62+s3+$0x0], $0xffff  }
0x10f: {  	v56 =	vadd.s32 $0xD, v16;
	[tilespmem:v12+s30+$0x70 ss:$0x1] =	vst.idx.msk $0xffff, v47;
	v41 =	vld.idx.msk [tilespmem:v59+s3+$0x0], $0xffff  }
0x110: {  	s28 =	sadd.s32 $0x145A0, s29;
	v58 =	vadd.s32 $0xE, v15;
	[tilespmem:v13+s25+$0x40 ss:$0x1] =	vst.idx.msk $0xffff, v42;
	v34 =	vld.idx.msk [tilespmem:v55+s3+$0x0], $0xffff  }
0x111: {  	v14 =	vmov s28;
	v59 =	vadd.s32 $0xD, v26;
	[tilespmem:v13+s30+$0x0 ss:$0x1] =	vst.idx.msk $0xffff, v40;
	v49 =	vld.idx.msk [tilespmem:v61+s3+$0x0], $0xffff  }
0x112: {  	v60 =	vadd.s32 $0xE, v27;
	[tilespmem:v13+s25+$0x50 ss:$0x1] =	vst.idx.msk $0xffff, v44;
	v37 =	vld.idx.msk [tilespmem:v57+s3+$0x0], $0xffff  }
0x113: {  	v61 =	vadd.s32 $0xD, v25;
	v51 =	vld.idx.msk [tilespmem:v63+s3+$0x0], $0xffff;
	[tilespmem:v13+s25+$0x60 ss:$0x1] =	vst.idx.msk $0xffff, v38  }
0x114: {  	v62 =	vadd.s32 $0xE, v24;
	v42 =	vld.idx.msk [tilespmem:v56+s3+$0x0], $0xffff;
	[tilespmem:v13+s25+$0x70 ss:$0x1] =	vst.idx.msk $0xffff, v32  }
0x115: {  	[tilespmem:v13+s30+$0x10 ss:$0x1] =	vst.idx.msk $0xffff, v35;
	v63 =	vadd.s32 $0xD, v23;
	v44 =	vld.idx.msk [tilespmem:v58+s3+$0x0], $0xffff  }
0x116: {  	v53 =	vadd.s32 $0xE, v28;
	[tilespmem:v14+s25+$0x0 ss:$0x1] =	vst.idx.msk $0xffff, v36;
	v47 =	vld.idx.msk [tilespmem:v59+s3+$0x0], $0xffff  }
0x117: {  	v54 =	vadd.s32 $0xD, v22;
	v38 =	vld.idx.msk [tilespmem:v60+s3+$0x0], $0xffff;
	[tilespmem:v13+s30+$0x20 ss:$0x1] =	vst.idx.msk $0xffff, v39  }
0x118: {  	v55 =	vadd.s32 $0xE, v21;
	[tilespmem:v14+s25+$0x10 ss:$0x1] =	vst.idx.msk $0xffff, v50;
	v40 =	vld.idx.msk [tilespmem:v61+s3+$0x0], $0xffff  }
0x119: {  	v32 =	vld.idx.msk [tilespmem:v62+s3+$0x0], $0xffff;
	[tilespmem:v13+s30+$0x30 ss:$0x1] =	vst.idx.msk $0xffff, v33  }
0x11a: {  	v56 =	vadd.s32 $0xD, v20;
	[tilespmem:v14+s25+$0x20 ss:$0x1] =	vst.idx.msk $0xffff, v45;
	v35 =	vld.idx.msk [tilespmem:v63+s3+$0x0], $0xffff  }
0x11b: {  	v57 =	vadd.s32 $0xE, v17;
	v36 =	vld.idx.msk [tilespmem:v53+s3+$0x0], $0xffff;
	[tilespmem:v13+s30+$0x40 ss:$0x1] =	vst.idx.msk $0xffff, v48  }
0x11c: {  	s28 =	sadd.s32 $0x149A0, s29;
	v58 =	vadd.s32 $0xD, v18;
	[tilespmem:v14+s25+$0x30 ss:$0x1] =	vst.idx.msk $0xffff, v31;
	v39 =	vld.idx.msk [tilespmem:v54+s3+$0x0], $0xffff  }
0x11d: {  	v59 =	vadd.s32 $0xE, v30;
	v62 =	vadd.s32 $0xF, v15;
	v15 =	vmov s28;
	s28 =	simm.s32 $0x100;
	v50 =	vld.idx.msk [tilespmem:v55+s3+$0x0], $0xffff  }
0x11e: {  	v31 =	vadd.s32 $0xE, v19;
	[tilespmem:v13+s30+$0x50 ss:$0x1] =	vst.idx.msk $0xffff, v52;
	v52 =	vld.idx.msk [tilespmem:v0+s28+$0x40 ss:$0x1], $0xffff  }
0x11f: {  	v61 =	vadd.s32 $0xE, v29;
	[tilespmem:v14+s25+$0x40 ss:$0x1] =	vst.idx.msk $0xffff, v41;
	v33 =	vld.idx.msk [tilespmem:v56+s3+$0x0], $0xffff  }
0x120: {  	v45 =	vld.idx.msk [tilespmem:v57+s3+$0x0], $0xffff;
	[tilespmem:v13+s30+$0x60 ss:$0x1] =	vst.idx.msk $0xffff, v43  }
0x121: {  	v60 =	vadd.s32 $0xE, v16;
	v48 =	vld.idx.msk [tilespmem:v58+s3+$0x0], $0xffff;
	[tilespmem:v13+s30+$0x70 ss:$0x1] =	vst.idx.msk $0xffff, v46  }
0x122: {  	v63 =	vadd.s32 $0xE, v26;
	[tilespmem:v14+s25+$0x50 ss:$0x1] =	vst.idx.msk $0xffff, v49;
	v54 =	vld.idx.msk [tilespmem:v59+s3+$0x0], $0xffff  }
0x123: {  	[tilespmem:v14+s30+$0x0 ss:$0x1] =	vst.idx.msk $0xffff, v34;
	v31 =	vld.idx.msk [tilespmem:v31+s3+$0x0], $0xffff  }
0x124: {  	v55 =	vadd.s32 $0xE, v25;
	v56 =	vld.idx.msk [tilespmem:v61+s3+$0x0], $0xffff  }
0x125: {  	v27 =	vadd.s32 $0xF, v27;
	[tilespmem:v14+s25+$0x60 ss:$0x1] =	vst.idx.msk $0xffff, v51;
	v51 =	vld.idx.msk [tilespmem:v0+s28+$0x0 ss:$0x1], $0xffff  }
0x126: {  	v58 =	vadd.s32 $0xE, v23;
	[tilespmem:v14+s30+$0x10 ss:$0x1] =	vst.idx.msk $0xffff, v37;
	v41 =	vld.idx.msk [tilespmem:v60+s3+$0x0], $0xffff  }
0x127: {  	v24 =	vadd.s32 $0xF, v24;
	[tilespmem:v14+s25+$0x70 ss:$0x1] =	vst.idx.msk $0xffff, v42;
	v59 =	vld.idx.msk [tilespmem:v63+s3+$0x0], $0xffff  }
0x128: {  	v28 =	vadd.s32 $0xF, v28;
	[tilespmem:v14+s30+$0x20 ss:$0x1] =	vst.idx.msk $0xffff, v47;
	v57 =	vld.idx.msk [tilespmem:v62+s3+$0x0], $0xffff  }
0x129: {  	v21 =	vadd.s32 $0xF, v21;
	[tilespmem:v15+s25+$0x0 ss:$0x1] =	vst.idx.msk $0xffff, v44;
	v61 =	vld.idx.msk [tilespmem:v55+s3+$0x0], $0xffff  }
0x12a: {  	v17 =	vadd.s32 $0xF, v17;
	[tilespmem:v14+s30+$0x30 ss:$0x1] =	vst.idx.msk $0xffff, v40;
	v60 =	vld.idx.msk [tilespmem:v27+s3+$0x0], $0xffff  }
0x12b: {  	v27 =	vadd.s32 $0xE, v22;
	[tilespmem:v15+s25+$0x10 ss:$0x1] =	vst.idx.msk $0xffff, v38;
	v63 =	vld.idx.msk [tilespmem:v58+s3+$0x0], $0xffff  }
0x12c: {  	v19 =	vadd.s32 $0xF, v19;
	v62 =	vld.idx.msk [tilespmem:v24+s3+$0x0], $0xffff;
	[tilespmem:v15+s25+$0x20 ss:$0x1] =	vst.idx.msk $0xffff, v32  }
0x12d: {  	v28 =	vld.idx.msk [tilespmem:v28+s3+$0x0], $0xffff;
	[tilespmem:v15+s25+$0x30 ss:$0x1] =	vst.idx.msk $0xffff, v36  }
0x12e: {  	v24 =	vadd.s32 $0xE, v20;
	v21 =	vld.idx.msk [tilespmem:v21+s3+$0x0], $0xffff;
	[tilespmem:v15+s25+$0x40 ss:$0x1] =	vst.idx.msk $0xffff, v50  }
0x12f: {  	v16 =	vadd.s32 $0xF, v16;
	[tilespmem:v14+s30+$0x40 ss:$0x1] =	vst.idx.msk $0xffff, v35;
	v34 =	vld.idx.msk [tilespmem:v17+s3+$0x0], $0xffff  }
0x130: {  	[tilespmem:v15+s25+$0x50 ss:$0x1] =	vst.idx.msk $0xffff, v45;
	v49 =	vld.idx.msk [tilespmem:v27+s3+$0x0], $0xffff  }
0x131: {  	[tilespmem:v14+s30+$0x50 ss:$0x1] =	vst.idx.msk $0xffff, v39;
	v35 =	vld.idx.msk [tilespmem:v19+s3+$0x0], $0xffff  }
0x132: {  	v40 =	vadd.s32 $0xE, v18;
	[tilespmem:v15+s25+$0x60 ss:$0x1] =	vst.idx.msk $0xffff, v31;
	v31 =	vld.idx.msk [tilespmem:v0+s28+$0x50 ss:$0x1], $0xffff  }
0x133: {  	v27 =	vadd.s32 $0xF, v30;
	v30 =	vld.idx.msk [tilespmem:v24+s3+$0x0], $0xffff  }
0x134: {  	v24 =	vadd.s32 $0xF, v29;
	v17 =	vld.idx.msk [tilespmem:v16+s3+$0x0], $0xffff  }
0x135: {  	v29 =	vld.idx.msk [tilespmem:v0+s28+$0x70 ss:$0x1], $0xffff  }
0x136: {  	[tilespmem:v14+s30+$0x60 ss:$0x1] =	vst.idx.msk $0xffff, v33;
	v16 =	vadd.s32 $0xF, v26;
	v26 =	vld.idx.msk [tilespmem:v0+s28+$0x20 ss:$0x1], $0xffff  }
0x137: {  	v25 =	vadd.s32 $0xF, v25;
	v33 =	vld.idx.msk [tilespmem:v40+s3+$0x0], $0xffff;
	[tilespmem:v14+s30+$0x70 ss:$0x1] =	vst.idx.msk $0xffff, v48  }
0x138: {  	v23 =	vadd.s32 $0xF, v23;
	v19 =	vld.idx.msk [tilespmem:v27+s3+$0x0], $0xffff;
	[tilespmem:v15+s30+$0x0 ss:$0x1] =	vst.idx.msk $0xffff, v54  }
0x139: {  	v22 =	vadd.s32 $0xF, v22;
	[tilespmem:v15+s25+$0x70 ss:$0x1] =	vst.idx.msk $0xffff, v41;
	v50 =	vld.idx.msk [tilespmem:v24+s3+$0x0], $0xffff  }
0x13a: {  	s29 =	sadd.s32 $0x14DA0, s29;
	v20 =	vadd.s32 $0xF, v20;
	v24 =	vld.idx.msk [tilespmem:v0+s28+$0x10 ss:$0x1], $0xffff;
	[tilespmem:v15+s30+$0x10 ss:$0x1] =	vst.idx.msk $0xffff, v56  }
0x13b: {  	v39 =	vld.idx.msk [tilespmem:v16+s3+$0x0], $0xffff;
	v16 =	vmov s29;
	[tilespmem:v15+s30+$0x20 ss:$0x1] =	vst.idx.msk $0xffff, v59  }
0x13c: {  	v18 =	vadd.s32 $0xF, v18;
	v42 =	vld.idx.msk [tilespmem:v25+s3+$0x0], $0xffff;
	[tilespmem:v15+s30+$0x30 ss:$0x1] =	vst.idx.msk $0xffff, v61  }
0x13d: {  	v26 =	vmul.u32 $0x11, v26;
	v23 =	vld.idx.msk [tilespmem:v23+s3+$0x0], $0xffff;
	[tilespmem:v15+s30+$0x40 ss:$0x1] =	vst.idx.msk $0xffff, v63  }
0x13e: {  	v32 =	vmul.u32 $0x11, v51;
	v41 =	vld.idx.msk [tilespmem:v22+s3+$0x0], $0xffff;
	[tilespmem:v15+s30+$0x50 ss:$0x1] =	vst.idx.msk $0xffff, v49  }
0x13f: {  	v45 =	vld.idx.msk [tilespmem:v20+s3+$0x0], $0xffff;
	[tilespmem:v15+s30+$0x60 ss:$0x1] =	vst.idx.msk $0xffff, v30  }
0x140: {  	v53 =	vld.idx.msk [tilespmem:v0+s28+$0x60 ss:$0x1], $0xffff;
	v56 =	vadd.s32 $0x1, v32;
	v27 =	vmul.u32 $0x11, v24;
	[tilespmem:v16+s25+$0x0 ss:$0x1] =	vst.idx.msk $0xffff, v57  }
0x141: {  	v24 =	vmul.u32 $0x11, v31;
	v44 =	vld.idx.msk [tilespmem:v18+s3+$0x0], $0xffff;
	[tilespmem:v15+s30+$0x70 ss:$0x1] =	vst.idx.msk $0xffff, v33  }
0x142: {  	v25 =	vmul.u32 $0x11, v29;
	v22 =	vld.idx.msk [tilespmem:v0+s28+$0x30 ss:$0x1], $0xffff;
	[tilespmem:v16+s25+$0x10 ss:$0x1] =	vst.idx.msk $0xffff, v60  }
0x143: {  	v29 =	vmul.u32 $0x11, v52;
	v55 =	vld.idx.msk [tilespmem:v26+s3+$0x0], $0xffff;
	[tilespmem:v16+s30+$0x0 ss:$0x1] =	vst.idx.msk $0xffff, v19  }
0x144: {  	v18 =	vld.idx.msk [tilespmem:v32+s3+$0x0], $0xffff;
	[tilespmem:v16+s25+$0x20 ss:$0x1] =	vst.idx.msk $0xffff, v62  }
0x145: {  	v19 =	vld.idx.msk [tilespmem:v56+s3+$0x0], $0xffff;
	[tilespmem:v16+s25+$0x30 ss:$0x1] =	vst.idx.msk $0xffff, v28  }
0x146: {  	[tilespmem:v16+s25+$0x40 ss:$0x1] =	vst.idx.msk $0xffff, v21;
	v54 =	vld.idx.msk [tilespmem:v27+s3+$0x0], $0xffff  }
0x147: {  	v31 =	vmul.u32 $0x11, v22;
	v20 =	vld.idx.msk [tilespmem:v24+s3+$0x0], $0xffff;
	[tilespmem:v16+s30+$0x10 ss:$0x1] =	vst.idx.msk $0xffff, v50  }
0x148: {  	v28 =	vmul.u32 $0x11, v53;
	v21 =	vld.idx.msk [tilespmem:v25+s3+$0x0], $0xffff  }
0x149: {  	s29 =	sor.u32 $0x80, s28;
	v30 =	vld.idx.msk [tilespmem:v29+s3+$0x0], $0xffff  }
0x14a: {  	v22 =	vadd.s32 $0x1, v27;
	v60 =	vld.idx.msk [tilespmem:v0+s29+$0x0 ss:$0x1], $0xffff  }
0x14b: {  	v58 =	vadd.s32 $0x1, v26;
	v62 =	vld.idx.msk [tilespmem:v0+s29+$0x30 ss:$0x1], $0xffff  }
0x14c: {  	v63 =	vld.idx.msk [tilespmem:v0+s29+$0x40 ss:$0x1], $0xffff  }
0x14d: {  	v57 =	vld.idx.msk [tilespmem:v31+s3+$0x0], $0xffff  }
0x14e: {  	v38 =	vld.idx.msk [tilespmem:v28+s3+$0x0], $0xffff;
	[tilespmem:v1+s28+$0x0 ss:$0x1] =	vst.idx.msk $0xffff, v18;
	v18 =	vadd.s32 $0x1, v31  }
0x14f: {  	v43 =	vld.idx.msk [tilespmem:v22+s3+$0x0], $0xffff;
	[tilespmem:v1+s28+$0x10 ss:$0x1] =	vst.idx.msk $0xffff, v54;
	v22 =	vadd.s32 $0x1, v29  }
0x150: {  	v59 =	vadd.s32 $0x1, v24;
	[tilespmem:v16+s30+$0x20 ss:$0x1] =	vst.idx.msk $0xffff, v39;
	v37 =	vld.idx.msk [tilespmem:v58+s3+$0x0], $0xffff;
	v33 =	vmul.u32 $0x11, v60  }
0x151: {  	[tilespmem:v16+s30+$0x30 ss:$0x1] =	vst.idx.msk $0xffff, v42;
	v58 =	vld.idx.msk [tilespmem:v0+s29+$0x60 ss:$0x1], $0xffff  }
0x152: {  	v56 =	vld.idx.msk [tilespmem:v0+s29+$0x50 ss:$0x1], $0xffff;
	[tilespmem:v1+s28+$0x20 ss:$0x1] =	vst.idx.msk $0xffff, v55;
	v53 =	vadd.s32 $0x1, v33  }
0x153: {  	v40 =	vld.idx.msk [tilespmem:v18+s3+$0x0], $0xffff;
	v18 =	vadd.s32 $0x1, v28;
	[tilespmem:v1+s28+$0x30 ss:$0x1] =	vst.idx.msk $0xffff, v57  }
0x154: {  	v46 =	vld.idx.msk [tilespmem:v22+s3+$0x0], $0xffff;
	[tilespmem:v1+s28+$0x40 ss:$0x1] =	vst.idx.msk $0xffff, v30  }
0x155: {  	v36 =	vld.idx.msk [tilespmem:v59+s3+$0x0], $0xffff;
	[tilespmem:v1+s28+$0x50 ss:$0x1] =	vst.idx.msk $0xffff, v20;
	v20 =	vadd.s32 $0x1, v25  }
0x156: {  	v61 =	vadd.s32 $0x2, v32;
	[tilespmem:v16+s30+$0x40 ss:$0x1] =	vst.idx.msk $0xffff, v23;
	v22 =	vld.idx.msk [tilespmem:v0+s29+$0x20 ss:$0x1], $0xffff;
	v23 =	vmul.u32 $0x11, v58  }
0x157: {  	v53 =	vld.idx.msk [tilespmem:v53+s3+$0x0], $0xffff  }
0x158: {  	v57 =	vadd.s32 $0x2, v27;
	v47 =	vld.idx.msk [tilespmem:v18+s3+$0x0], $0xffff  }
0x159: {  	v18 =	vld.idx.msk [tilespmem:v0+s29+$0x10 ss:$0x1], $0xffff;
	[tilespmem:v1+s28+$0x60 ss:$0x1] =	vst.idx.msk $0xffff, v38  }
0x15a: {  	v51 =	vld.idx.msk [tilespmem:v20+s3+$0x0], $0xffff;
	[tilespmem:v1+s28+$0x70 ss:$0x1] =	vst.idx.msk $0xffff, v21  }
0x15b: {  	v59 =	vadd.s32 $0x2, v26;
	v48 =	vld.idx.msk [tilespmem:v61+s3+$0x0], $0xffff  }
0x15c: {  	v60 =	vadd.s32 $0x2, v31;
	v22 =	vmul.u32 $0x11, v22;
	[tilespmem:v2+s28+$0x0 ss:$0x1] =	vst.idx.msk $0xffff, v19;
	v19 =	vmul.u32 $0x11, v56;
	v56 =	vld.idx.msk [tilespmem:v23+s3+$0x0], $0xffff  }
0x15d: {  	v49 =	vld.idx.msk [tilespmem:v57+s3+$0x0], $0xffff  }
0x15e: {  	v21 =	vmul.u32 $0x11, v62;
	v62 =	vadd.s32 $0x2, v29;
	[tilespmem:v2+s28+$0x10 ss:$0x1] =	vst.idx.msk $0xffff, v43;
	v43 =	vld.idx.msk [tilespmem:v33+s3+$0x0], $0xffff  }
0x15f: {  	[tilespmem:v16+s25+$0x50 ss:$0x1] =	vst.idx.msk $0xffff, v34;
	v20 =	vmul.u32 $0x11, v63;
	v30 =	vmul.u32 $0x11, v18;
	v18 =	vld.idx.msk [tilespmem:v0+s29+$0x70 ss:$0x1], $0xffff  }
0x160: {  	v42 =	vld.idx.msk [tilespmem:v59+s3+$0x0], $0xffff;
	[tilespmem:v2+s28+$0x20 ss:$0x1] =	vst.idx.msk $0xffff, v37  }
0x161: {  	[tilespmem:v16+s25+$0x60 ss:$0x1] =	vst.idx.msk $0xffff, v35;
	v35 =	vld.idx.msk [tilespmem:v60+s3+$0x0], $0xffff  }
0x162: {  	v63 =	vadd.s32 $0x2, v24;
	[tilespmem:v2+s28+$0x30 ss:$0x1] =	vst.idx.msk $0xffff, v40;
	v50 =	vld.idx.msk [tilespmem:v22+s3+$0x0], $0xffff  }
0x163: {  	v37 =	vld.idx.msk [tilespmem:v62+s3+$0x0], $0xffff  }
0x164: {  	[tilespmem:v16+s30+$0x50 ss:$0x1] =	vst.idx.msk $0xffff, v41;
	v59 =	vadd.s32 $0x2, v28;
	v52 =	vld.idx.msk [tilespmem:v21+s3+$0x0], $0xffff;
	v18 =	vmul.u32 $0x11, v18  }
0x165: {  	[tilespmem:v16+s30+$0x60 ss:$0x1] =	vst.idx.msk $0xffff, v45;
	v41 =	vld.idx.msk [tilespmem:v20+s3+$0x0], $0xffff  }
0x166: {  	v61 =	vadd.s32 $0x1, v30;
	[tilespmem:v2+s28+$0x40 ss:$0x1] =	vst.idx.msk $0xffff, v46;
	v39 =	vld.idx.msk [tilespmem:v30+s3+$0x0], $0xffff  }
0x167: {  	[tilespmem:v16+s30+$0x70 ss:$0x1] =	vst.idx.msk $0xffff, v44;
	v55 =	vadd.s32 $0x1, v22;
	v34 =	vld.idx.msk [tilespmem:v63+s3+$0x0], $0xffff  }
0x168: {  	v58 =	vadd.s32 $0x1, v21;
	[tilespmem:v2+s28+$0x50 ss:$0x1] =	vst.idx.msk $0xffff, v36;
	v38 =	vld.idx.msk [tilespmem:v19+s3+$0x0], $0xffff  }
0x169: {  	v60 =	vadd.s32 $0x1, v20;
	v40 =	vld.idx.msk [tilespmem:v59+s3+$0x0], $0xffff;
	[tilespmem:v2+s28+$0x60 ss:$0x1] =	vst.idx.msk $0xffff, v47  }
0x16a: {  	v62 =	vadd.s32 $0x1, v19;
	v54 =	vld.idx.msk [tilespmem:v18+s3+$0x0], $0xffff;
	[tilespmem:v1+s29+$0x0 ss:$0x1] =	vst.idx.msk $0xffff, v43  }
0x16b: {  	v44 =	vld.idx.msk [tilespmem:v61+s3+$0x0], $0xffff;
	[tilespmem:v1+s29+$0x10 ss:$0x1] =	vst.idx.msk $0xffff, v39;
	v61 =	vadd.s32 $0x2, v25  }
0x16c: {  	v57 =	vadd.s32 $0x1, v23;
	v46 =	vld.idx.msk [tilespmem:v55+s3+$0x0], $0xffff;
	[tilespmem:v1+s29+$0x20 ss:$0x1] =	vst.idx.msk $0xffff, v50  }
0x16d: {  	v63 =	vadd.s32 $0x3, v32;
	v43 =	vld.idx.msk [tilespmem:v58+s3+$0x0], $0xffff;
	[tilespmem:v1+s29+$0x30 ss:$0x1] =	vst.idx.msk $0xffff, v52  }
0x16e: {  	v59 =	vadd.s32 $0x1, v18;
	v39 =	vld.idx.msk [tilespmem:v60+s3+$0x0], $0xffff;
	[tilespmem:v1+s29+$0x40 ss:$0x1] =	vst.idx.msk $0xffff, v41  }
0x16f: {  	v58 =	vadd.s32 $0x3, v27;
	v50 =	vld.idx.msk [tilespmem:v62+s3+$0x0], $0xffff;
	[tilespmem:v1+s29+$0x50 ss:$0x1] =	vst.idx.msk $0xffff, v38  }
0x170: {  	v60 =	vadd.s32 $0x3, v26;
	v45 =	vld.idx.msk [tilespmem:v61+s3+$0x0], $0xffff;
	[tilespmem:v2+s28+$0x70 ss:$0x1] =	vst.idx.msk $0xffff, v51  }
0x171: {  	v62 =	vadd.s32 $0x3, v31;
	v52 =	vld.idx.msk [tilespmem:v57+s3+$0x0], $0xffff;
	[tilespmem:v1+s29+$0x60 ss:$0x1] =	vst.idx.msk $0xffff, v56  }
0x172: {  	v61 =	vadd.s32 $0x2, v33;
	v36 =	vld.idx.msk [tilespmem:v63+s3+$0x0], $0xffff;
	[tilespmem:v3+s28+$0x0 ss:$0x1] =	vst.idx.msk $0xffff, v48  }
0x173: {  	v57 =	vadd.s32 $0x3, v29;
	v41 =	vld.idx.msk [tilespmem:v59+s3+$0x0], $0xffff;
	[tilespmem:v1+s29+$0x70 ss:$0x1] =	vst.idx.msk $0xffff, v54  }
0x174: {  	v63 =	vadd.s32 $0x2, v30;
	v47 =	vld.idx.msk [tilespmem:v58+s3+$0x0], $0xffff;
	[tilespmem:v3+s28+$0x10 ss:$0x1] =	vst.idx.msk $0xffff, v49  }
0x175: {  	v59 =	vadd.s32 $0x3, v24;
	v51 =	vld.idx.msk [tilespmem:v60+s3+$0x0], $0xffff;
	[tilespmem:v3+s28+$0x20 ss:$0x1] =	vst.idx.msk $0xffff, v42  }
0x176: {  	v58 =	vadd.s32 $0x2, v22;
	v48 =	vld.idx.msk [tilespmem:v62+s3+$0x0], $0xffff;
	[tilespmem:v3+s28+$0x30 ss:$0x1] =	vst.idx.msk $0xffff, v35  }
0x177: {  	v60 =	vadd.s32 $0x2, v21;
	v38 =	vld.idx.msk [tilespmem:v61+s3+$0x0], $0xffff;
	[tilespmem:v2+s29+$0x0 ss:$0x1] =	vst.idx.msk $0xffff, v53  }
0x178: {  	v62 =	vadd.s32 $0x2, v20;
	v49 =	vld.idx.msk [tilespmem:v57+s3+$0x0], $0xffff;
	[tilespmem:v3+s28+$0x40 ss:$0x1] =	vst.idx.msk $0xffff, v37  }
0x179: {  	v61 =	vadd.s32 $0x3, v28;
	v55 =	vld.idx.msk [tilespmem:v63+s3+$0x0], $0xffff;
	[tilespmem:v2+s29+$0x10 ss:$0x1] =	vst.idx.msk $0xffff, v44  }
0x17a: {  	v57 =	vadd.s32 $0x2, v19;
	v42 =	vld.idx.msk [tilespmem:v59+s3+$0x0], $0xffff;
	[tilespmem:v3+s28+$0x50 ss:$0x1] =	vst.idx.msk $0xffff, v34  }
0x17b: {  	v63 =	vadd.s32 $0x3, v25;
	v54 =	vld.idx.msk [tilespmem:v58+s3+$0x0], $0xffff;
	[tilespmem:v2+s29+$0x20 ss:$0x1] =	vst.idx.msk $0xffff, v46  }
0x17c: {  	v59 =	vadd.s32 $0x2, v23;
	v53 =	vld.idx.msk [tilespmem:v60+s3+$0x0], $0xffff;
	[tilespmem:v2+s29+$0x30 ss:$0x1] =	vst.idx.msk $0xffff, v43  }
0x17d: {  	v58 =	vadd.s32 $0x4, v32;
	v44 =	vld.idx.msk [tilespmem:v62+s3+$0x0], $0xffff;
	[tilespmem:v2+s29+$0x40 ss:$0x1] =	vst.idx.msk $0xffff, v39  }
0x17e: {  	v60 =	vadd.s32 $0x4, v27;
	v35 =	vld.idx.msk [tilespmem:v61+s3+$0x0], $0xffff;
	[tilespmem:v3+s28+$0x60 ss:$0x1] =	vst.idx.msk $0xffff, v40  }
0x17f: {  	v62 =	vadd.s32 $0x4, v26;
	v46 =	vld.idx.msk [tilespmem:v57+s3+$0x0], $0xffff;
	[tilespmem:v2+s29+$0x50 ss:$0x1] =	vst.idx.msk $0xffff, v50  }
0x180: {  	v61 =	vadd.s32 $0x2, v18;
	v37 =	vld.idx.msk [tilespmem:v63+s3+$0x0], $0xffff;
	[tilespmem:v3+s28+$0x70 ss:$0x1] =	vst.idx.msk $0xffff, v45  }
0x181: {  	v56 =	vadd.s32 $0x4, v31;
	v43 =	vld.idx.msk [tilespmem:v59+s3+$0x0], $0xffff;
	[tilespmem:v2+s29+$0x60 ss:$0x1] =	vst.idx.msk $0xffff, v52  }
0x182: {  	v63 =	vadd.s32 $0x3, v33;
	v34 =	vld.idx.msk [tilespmem:v58+s3+$0x0], $0xffff;
	[tilespmem:v4+s28+$0x0 ss:$0x1] =	vst.idx.msk $0xffff, v36  }
0x183: {  	v57 =	vadd.s32 $0x3, v30;
	v40 =	vld.idx.msk [tilespmem:v60+s3+$0x0], $0xffff;
	[tilespmem:v4+s28+$0x10 ss:$0x1] =	vst.idx.msk $0xffff, v47  }
0x184: {  	v58 =	vadd.s32 $0x4, v29;
	v45 =	vld.idx.msk [tilespmem:v62+s3+$0x0], $0xffff;
	[tilespmem:v4+s28+$0x20 ss:$0x1] =	vst.idx.msk $0xffff, v51  }
0x185: {  	v59 =	vadd.s32 $0x3, v22;
	v39 =	vld.idx.msk [tilespmem:v61+s3+$0x0], $0xffff;
	[tilespmem:v2+s29+$0x70 ss:$0x1] =	vst.idx.msk $0xffff, v41  }
0x186: {  	v60 =	vadd.s32 $0x4, v24;
	v36 =	vld.idx.msk [tilespmem:v56+s3+$0x0], $0xffff;
	[tilespmem:v4+s28+$0x30 ss:$0x1] =	vst.idx.msk $0xffff, v48  }
0x187: {  	v62 =	vadd.s32 $0x4, v28;
	v50 =	vld.idx.msk [tilespmem:v63+s3+$0x0], $0xffff;
	[tilespmem:v3+s29+$0x0 ss:$0x1] =	vst.idx.msk $0xffff, v38  }
0x188: {  	v61 =	vadd.s32 $0x3, v21;
	v52 =	vld.idx.msk [tilespmem:v57+s3+$0x0], $0xffff;
	[tilespmem:v3+s29+$0x10 ss:$0x1] =	vst.idx.msk $0xffff, v55  }
0x189: {  	v63 =	vadd.s32 $0x3, v20;
	v47 =	vld.idx.msk [tilespmem:v58+s3+$0x0], $0xffff;
	[tilespmem:v4+s28+$0x40 ss:$0x1] =	vst.idx.msk $0xffff, v49  }
0x18a: {  	v57 =	vadd.s32 $0x4, v25;
	v41 =	vld.idx.msk [tilespmem:v59+s3+$0x0], $0xffff;
	[tilespmem:v3+s29+$0x20 ss:$0x1] =	vst.idx.msk $0xffff, v54  }
0x18b: {  	v58 =	vadd.s32 $0x3, v19;
	v51 =	vld.idx.msk [tilespmem:v60+s3+$0x0], $0xffff;
	[tilespmem:v4+s28+$0x50 ss:$0x1] =	vst.idx.msk $0xffff, v42  }
0x18c: {  	v59 =	vadd.s32 $0x5, v32;
	v48 =	vld.idx.msk [tilespmem:v62+s3+$0x0], $0xffff;
	[tilespmem:v4+s28+$0x60 ss:$0x1] =	vst.idx.msk $0xffff, v35  }
0x18d: {  	v60 =	vadd.s32 $0x3, v23;
	v38 =	vld.idx.msk [tilespmem:v61+s3+$0x0], $0xffff;
	[tilespmem:v3+s29+$0x30 ss:$0x1] =	vst.idx.msk $0xffff, v53  }
0x18e: {  	v62 =	vadd.s32 $0x3, v18;
	v55 =	vld.idx.msk [tilespmem:v63+s3+$0x0], $0xffff;
	[tilespmem:v3+s29+$0x40 ss:$0x1] =	vst.idx.msk $0xffff, v44  }
0x18f: {  	v61 =	vadd.s32 $0x5, v27;
	v49 =	vld.idx.msk [tilespmem:v57+s3+$0x0], $0xffff;
	[tilespmem:v4+s28+$0x70 ss:$0x1] =	vst.idx.msk $0xffff, v37  }
0x190: {  	v63 =	vadd.s32 $0x5, v26;
	v54 =	vld.idx.msk [tilespmem:v58+s3+$0x0], $0xffff;
	[tilespmem:v3+s29+$0x50 ss:$0x1] =	vst.idx.msk $0xffff, v46  }
0x191: {  	v57 =	vadd.s32 $0x4, v33;
	v42 =	vld.idx.msk [tilespmem:v59+s3+$0x0], $0xffff;
	[tilespmem:v5+s28+$0x0 ss:$0x1] =	vst.idx.msk $0xffff, v34  }
0x192: {  	v58 =	vadd.s32 $0x5, v31;
	v53 =	vld.idx.msk [tilespmem:v60+s3+$0x0], $0xffff;
	[tilespmem:v3+s29+$0x60 ss:$0x1] =	vst.idx.msk $0xffff, v43  }
0x193: {  	v59 =	vadd.s32 $0x4, v30;
	v44 =	vld.idx.msk [tilespmem:v62+s3+$0x0], $0xffff;
	[tilespmem:v3+s29+$0x70 ss:$0x1] =	vst.idx.msk $0xffff, v39  }
0x194: {  	v60 =	vadd.s32 $0x5, v29;
	v35 =	vld.idx.msk [tilespmem:v61+s3+$0x0], $0xffff;
	[tilespmem:v5+s28+$0x10 ss:$0x1] =	vst.idx.msk $0xffff, v40  }
0x195: {  	v62 =	vadd.s32 $0x5, v24;
	v37 =	vld.idx.msk [tilespmem:v63+s3+$0x0], $0xffff;
	[tilespmem:v5+s28+$0x20 ss:$0x1] =	vst.idx.msk $0xffff, v45  }
0x196: {  	v61 =	vadd.s32 $0x4, v22;
	v46 =	vld.idx.msk [tilespmem:v57+s3+$0x0], $0xffff;
	[tilespmem:v4+s29+$0x0 ss:$0x1] =	vst.idx.msk $0xffff, v50  }
0x197: {  	v56 =	vadd.s32 $0x5, v28;
	v34 =	vld.idx.msk [tilespmem:v58+s3+$0x0], $0xffff;
	[tilespmem:v5+s28+$0x30 ss:$0x1] =	vst.idx.msk $0xffff, v36  }
0x198: {  	v63 =	vadd.s32 $0x4, v21;
	v43 =	vld.idx.msk [tilespmem:v59+s3+$0x0], $0xffff;
	[tilespmem:v4+s29+$0x10 ss:$0x1] =	vst.idx.msk $0xffff, v52  }
0x199: {  	v57 =	vadd.s32 $0x4, v20;
	v40 =	vld.idx.msk [tilespmem:v60+s3+$0x0], $0xffff;
	[tilespmem:v5+s28+$0x40 ss:$0x1] =	vst.idx.msk $0xffff, v47  }
0x19a: {  	v58 =	vadd.s32 $0x5, v25;
	v45 =	vld.idx.msk [tilespmem:v62+s3+$0x0], $0xffff;
	[tilespmem:v5+s28+$0x50 ss:$0x1] =	vst.idx.msk $0xffff, v51  }
0x19b: {  	v59 =	vadd.s32 $0x4, v19;
	v39 =	vld.idx.msk [tilespmem:v61+s3+$0x0], $0xffff;
	[tilespmem:v4+s29+$0x20 ss:$0x1] =	vst.idx.msk $0xffff, v41  }
0x19c: {  	v60 =	vadd.s32 $0x6, v32;
	v36 =	vld.idx.msk [tilespmem:v56+s3+$0x0], $0xffff;
	[tilespmem:v5+s28+$0x60 ss:$0x1] =	vst.idx.msk $0xffff, v48  }
0x19d: {  	v62 =	vadd.s32 $0x6, v27;
	v50 =	vld.idx.msk [tilespmem:v63+s3+$0x0], $0xffff;
	[tilespmem:v4+s29+$0x30 ss:$0x1] =	vst.idx.msk $0xffff, v38  }
0x19e: {  	v61 =	vadd.s32 $0x4, v23;
	v52 =	vld.idx.msk [tilespmem:v57+s3+$0x0], $0xffff;
	[tilespmem:v4+s29+$0x40 ss:$0x1] =	vst.idx.msk $0xffff, v55  }
0x19f: {  	v63 =	vadd.s32 $0x4, v18;
	v47 =	vld.idx.msk [tilespmem:v58+s3+$0x0], $0xffff;
	[tilespmem:v5+s28+$0x70 ss:$0x1] =	vst.idx.msk $0xffff, v49  }
0x1a0: {  	v57 =	vadd.s32 $0x6, v26;
	v41 =	vld.idx.msk [tilespmem:v59+s3+$0x0], $0xffff;
	[tilespmem:v4+s29+$0x50 ss:$0x1] =	vst.idx.msk $0xffff, v54  }
0x1a1: {  	v58 =	vadd.s32 $0x5, v33;
	v51 =	vld.idx.msk [tilespmem:v60+s3+$0x0], $0xffff;
	[tilespmem:v6+s28+$0x0 ss:$0x1] =	vst.idx.msk $0xffff, v42  }
0x1a2: {  	v59 =	vadd.s32 $0x6, v31;
	v48 =	vld.idx.msk [tilespmem:v62+s3+$0x0], $0xffff;
	[tilespmem:v6+s28+$0x10 ss:$0x1] =	vst.idx.msk $0xffff, v35  }
0x1a3: {  	v60 =	vadd.s32 $0x5, v30;
	v38 =	vld.idx.msk [tilespmem:v61+s3+$0x0], $0xffff;
	[tilespmem:v4+s29+$0x60 ss:$0x1] =	vst.idx.msk $0xffff, v53  }
0x1a4: {  	v62 =	vadd.s32 $0x5, v22;
	v55 =	vld.idx.msk [tilespmem:v63+s3+$0x0], $0xffff;
	[tilespmem:v4+s29+$0x70 ss:$0x1] =	vst.idx.msk $0xffff, v44  }
0x1a5: {  	v61 =	vadd.s32 $0x6, v29;
	v49 =	vld.idx.msk [tilespmem:v57+s3+$0x0], $0xffff;
	[tilespmem:v6+s28+$0x20 ss:$0x1] =	vst.idx.msk $0xffff, v37  }
0x1a6: {  	v63 =	vadd.s32 $0x6, v24;
	v54 =	vld.idx.msk [tilespmem:v58+s3+$0x0], $0xffff;
	[tilespmem:v5+s29+$0x0 ss:$0x1] =	vst.idx.msk $0xffff, v46  }
0x1a7: {  	v57 =	vadd.s32 $0x5, v21;
	v42 =	vld.idx.msk [tilespmem:v59+s3+$0x0], $0xffff;
	[tilespmem:v6+s28+$0x30 ss:$0x1] =	vst.idx.msk $0xffff, v34  }
0x1a8: {  	v58 =	vadd.s32 $0x6, v28;
	v53 =	vld.idx.msk [tilespmem:v60+s3+$0x0], $0xffff;
	[tilespmem:v5+s29+$0x10 ss:$0x1] =	vst.idx.msk $0xffff, v43  }
0x1a9: {  	v59 =	vadd.s32 $0x5, v20;
	v44 =	vld.idx.msk [tilespmem:v62+s3+$0x0], $0xffff;
	[tilespmem:v5+s29+$0x20 ss:$0x1] =	vst.idx.msk $0xffff, v39  }
0x1aa: {  	v60 =	vadd.s32 $0x6, v25;
	v35 =	vld.idx.msk [tilespmem:v61+s3+$0x0], $0xffff;
	[tilespmem:v6+s28+$0x40 ss:$0x1] =	vst.idx.msk $0xffff, v40  }
0x1ab: {  	v62 =	vadd.s32 $0x7, v32;
	v37 =	vld.idx.msk [tilespmem:v63+s3+$0x0], $0xffff;
	[tilespmem:v6+s28+$0x50 ss:$0x1] =	vst.idx.msk $0xffff, v45  }
0x1ac: {  	v61 =	vadd.s32 $0x5, v19;
	v46 =	vld.idx.msk [tilespmem:v57+s3+$0x0], $0xffff;
	[tilespmem:v5+s29+$0x30 ss:$0x1] =	vst.idx.msk $0xffff, v50  }
0x1ad: {  	v56 =	vadd.s32 $0x7, v27;
	v34 =	vld.idx.msk [tilespmem:v58+s3+$0x0], $0xffff;
	[tilespmem:v6+s28+$0x60 ss:$0x1] =	vst.idx.msk $0xffff, v36  }
0x1ae: {  	v63 =	vadd.s32 $0x5, v23;
	v43 =	vld.idx.msk [tilespmem:v59+s3+$0x0], $0xffff;
	[tilespmem:v5+s29+$0x40 ss:$0x1] =	vst.idx.msk $0xffff, v52  }
0x1af: {  	v57 =	vadd.s32 $0x5, v18;
	v40 =	vld.idx.msk [tilespmem:v60+s3+$0x0], $0xffff;
	[tilespmem:v6+s28+$0x70 ss:$0x1] =	vst.idx.msk $0xffff, v47  }
0x1b0: {  	v58 =	vadd.s32 $0x7, v26;
	v45 =	vld.idx.msk [tilespmem:v62+s3+$0x0], $0xffff;
	[tilespmem:v7+s28+$0x0 ss:$0x1] =	vst.idx.msk $0xffff, v51  }
0x1b1: {  	v59 =	vadd.s32 $0x6, v33;
	v39 =	vld.idx.msk [tilespmem:v61+s3+$0x0], $0xffff;
	[tilespmem:v5+s29+$0x50 ss:$0x1] =	vst.idx.msk $0xffff, v41  }
0x1b2: {  	v60 =	vadd.s32 $0x7, v31;
	v36 =	vld.idx.msk [tilespmem:v56+s3+$0x0], $0xffff;
	[tilespmem:v7+s28+$0x10 ss:$0x1] =	vst.idx.msk $0xffff, v48  }
0x1b3: {  	v62 =	vadd.s32 $0x7, v29;
	v50 =	vld.idx.msk [tilespmem:v63+s3+$0x0], $0xffff;
	[tilespmem:v5+s29+$0x60 ss:$0x1] =	vst.idx.msk $0xffff, v38  }
0x1b4: {  	v61 =	vadd.s32 $0x6, v30;
	v52 =	vld.idx.msk [tilespmem:v57+s3+$0x0], $0xffff;
	[tilespmem:v5+s29+$0x70 ss:$0x1] =	vst.idx.msk $0xffff, v55  }
0x1b5: {  	v63 =	vadd.s32 $0x6, v22;
	v47 =	vld.idx.msk [tilespmem:v58+s3+$0x0], $0xffff;
	[tilespmem:v7+s28+$0x20 ss:$0x1] =	vst.idx.msk $0xffff, v49  }
0x1b6: {  	v57 =	vadd.s32 $0x7, v24;
	v41 =	vld.idx.msk [tilespmem:v59+s3+$0x0], $0xffff;
	[tilespmem:v6+s29+$0x0 ss:$0x1] =	vst.idx.msk $0xffff, v54  }
0x1b7: {  	v58 =	vadd.s32 $0x6, v21;
	v51 =	vld.idx.msk [tilespmem:v60+s3+$0x0], $0xffff;
	[tilespmem:v7+s28+$0x30 ss:$0x1] =	vst.idx.msk $0xffff, v42  }
0x1b8: {  	v59 =	vadd.s32 $0x7, v28;
	v48 =	vld.idx.msk [tilespmem:v62+s3+$0x0], $0xffff;
	[tilespmem:v7+s28+$0x40 ss:$0x1] =	vst.idx.msk $0xffff, v35  }
0x1b9: {  	v60 =	vadd.s32 $0x6, v20;
	v38 =	vld.idx.msk [tilespmem:v61+s3+$0x0], $0xffff;
	[tilespmem:v6+s29+$0x10 ss:$0x1] =	vst.idx.msk $0xffff, v53  }
0x1ba: {  	v62 =	vadd.s32 $0x6, v19;
	v55 =	vld.idx.msk [tilespmem:v63+s3+$0x0], $0xffff;
	[tilespmem:v6+s29+$0x20 ss:$0x1] =	vst.idx.msk $0xffff, v44  }
0x1bb: {  	v61 =	vadd.s32 $0x7, v25;
	v49 =	vld.idx.msk [tilespmem:v57+s3+$0x0], $0xffff;
	[tilespmem:v7+s28+$0x50 ss:$0x1] =	vst.idx.msk $0xffff, v37  }
0x1bc: {  	v63 =	vadd.s32 $0x8, v32;
	v54 =	vld.idx.msk [tilespmem:v58+s3+$0x0], $0xffff;
	[tilespmem:v6+s29+$0x30 ss:$0x1] =	vst.idx.msk $0xffff, v46  }
0x1bd: {  	v57 =	vadd.s32 $0x6, v23;
	v42 =	vld.idx.msk [tilespmem:v59+s3+$0x0], $0xffff;
	[tilespmem:v7+s28+$0x60 ss:$0x1] =	vst.idx.msk $0xffff, v34  }
0x1be: {  	v58 =	vadd.s32 $0x8, v27;
	v53 =	vld.idx.msk [tilespmem:v60+s3+$0x0], $0xffff;
	[tilespmem:v6+s29+$0x40 ss:$0x1] =	vst.idx.msk $0xffff, v43  }
0x1bf: {  	v59 =	vadd.s32 $0x6, v18;
	v44 =	vld.idx.msk [tilespmem:v62+s3+$0x0], $0xffff;
	[tilespmem:v6+s29+$0x50 ss:$0x1] =	vst.idx.msk $0xffff, v39  }
0x1c0: {  	v60 =	vadd.s32 $0x8, v26;
	v35 =	vld.idx.msk [tilespmem:v61+s3+$0x0], $0xffff;
	[tilespmem:v7+s28+$0x70 ss:$0x1] =	vst.idx.msk $0xffff, v40  }
0x1c1: {  	v62 =	vadd.s32 $0x8, v31;
	v37 =	vld.idx.msk [tilespmem:v63+s3+$0x0], $0xffff;
	[tilespmem:v8+s28+$0x0 ss:$0x1] =	vst.idx.msk $0xffff, v45  }
0x1c2: {  	v61 =	vadd.s32 $0x7, v33;
	v46 =	vld.idx.msk [tilespmem:v57+s3+$0x0], $0xffff;
	[tilespmem:v6+s29+$0x60 ss:$0x1] =	vst.idx.msk $0xffff, v50  }
0x1c3: {  	v56 =	vadd.s32 $0x8, v29;
	v34 =	vld.idx.msk [tilespmem:v58+s3+$0x0], $0xffff;
	[tilespmem:v8+s28+$0x10 ss:$0x1] =	vst.idx.msk $0xffff, v36  }
0x1c4: {  	v63 =	vadd.s32 $0x7, v30;
	v43 =	vld.idx.msk [tilespmem:v59+s3+$0x0], $0xffff;
	[tilespmem:v6+s29+$0x70 ss:$0x1] =	vst.idx.msk $0xffff, v52  }
0x1c5: {  	v57 =	vadd.s32 $0x7, v22;
	v40 =	vld.idx.msk [tilespmem:v60+s3+$0x0], $0xffff;
	[tilespmem:v8+s28+$0x20 ss:$0x1] =	vst.idx.msk $0xffff, v47  }
0x1c6: {  	v58 =	vadd.s32 $0x8, v24;
	v45 =	vld.idx.msk [tilespmem:v62+s3+$0x0], $0xffff;
	[tilespmem:v8+s28+$0x30 ss:$0x1] =	vst.idx.msk $0xffff, v51  }
0x1c7: {  	v59 =	vadd.s32 $0x7, v21;
	v39 =	vld.idx.msk [tilespmem:v61+s3+$0x0], $0xffff;
	[tilespmem:v7+s29+$0x0 ss:$0x1] =	vst.idx.msk $0xffff, v41  }
0x1c8: {  	v60 =	vadd.s32 $0x8, v28;
	v36 =	vld.idx.msk [tilespmem:v56+s3+$0x0], $0xffff;
	[tilespmem:v8+s28+$0x40 ss:$0x1] =	vst.idx.msk $0xffff, v48  }
0x1c9: {  	v62 =	vadd.s32 $0x8, v25;
	v50 =	vld.idx.msk [tilespmem:v63+s3+$0x0], $0xffff;
	[tilespmem:v7+s29+$0x10 ss:$0x1] =	vst.idx.msk $0xffff, v38  }
0x1ca: {  	v61 =	vadd.s32 $0x7, v20;
	v52 =	vld.idx.msk [tilespmem:v57+s3+$0x0], $0xffff;
	[tilespmem:v7+s29+$0x20 ss:$0x1] =	vst.idx.msk $0xffff, v55  }
0x1cb: {  	v63 =	vadd.s32 $0x7, v19;
	v47 =	vld.idx.msk [tilespmem:v58+s3+$0x0], $0xffff;
	[tilespmem:v8+s28+$0x50 ss:$0x1] =	vst.idx.msk $0xffff, v49  }
0x1cc: {  	v57 =	vadd.s32 $0x9, v32;
	v41 =	vld.idx.msk [tilespmem:v59+s3+$0x0], $0xffff;
	[tilespmem:v7+s29+$0x30 ss:$0x1] =	vst.idx.msk $0xffff, v54  }
0x1cd: {  	v58 =	vadd.s32 $0x7, v23;
	v51 =	vld.idx.msk [tilespmem:v60+s3+$0x0], $0xffff;
	[tilespmem:v8+s28+$0x60 ss:$0x1] =	vst.idx.msk $0xffff, v42  }
0x1ce: {  	v59 =	vadd.s32 $0x9, v27;
	v48 =	vld.idx.msk [tilespmem:v62+s3+$0x0], $0xffff;
	[tilespmem:v8+s28+$0x70 ss:$0x1] =	vst.idx.msk $0xffff, v35  }
0x1cf: {  	v60 =	vadd.s32 $0x7, v18;
	v38 =	vld.idx.msk [tilespmem:v61+s3+$0x0], $0xffff;
	[tilespmem:v7+s29+$0x40 ss:$0x1] =	vst.idx.msk $0xffff, v53  }
0x1d0: {  	v62 =	vadd.s32 $0x8, v33;
	v55 =	vld.idx.msk [tilespmem:v63+s3+$0x0], $0xffff;
	[tilespmem:v7+s29+$0x50 ss:$0x1] =	vst.idx.msk $0xffff, v44  }
0x1d1: {  	v61 =	vadd.s32 $0x9, v26;
	v49 =	vld.idx.msk [tilespmem:v57+s3+$0x0], $0xffff;
	[tilespmem:v9+s28+$0x0 ss:$0x1] =	vst.idx.msk $0xffff, v37  }
0x1d2: {  	v63 =	vadd.s32 $0x9, v31;
	v54 =	vld.idx.msk [tilespmem:v58+s3+$0x0], $0xffff;
	[tilespmem:v7+s29+$0x60 ss:$0x1] =	vst.idx.msk $0xffff, v46  }
0x1d3: {  	v57 =	vadd.s32 $0x8, v30;
	v42 =	vld.idx.msk [tilespmem:v59+s3+$0x0], $0xffff;
	[tilespmem:v9+s28+$0x10 ss:$0x1] =	vst.idx.msk $0xffff, v34  }
0x1d4: {  	v58 =	vadd.s32 $0x9, v29;
	v53 =	vld.idx.msk [tilespmem:v60+s3+$0x0], $0xffff;
	[tilespmem:v7+s29+$0x70 ss:$0x1] =	vst.idx.msk $0xffff, v43  }
0x1d5: {  	v59 =	vadd.s32 $0x8, v22;
	v44 =	vld.idx.msk [tilespmem:v62+s3+$0x0], $0xffff;
	[tilespmem:v8+s29+$0x0 ss:$0x1] =	vst.idx.msk $0xffff, v39  }
0x1d6: {  	v60 =	vadd.s32 $0x9, v24;
	v35 =	vld.idx.msk [tilespmem:v61+s3+$0x0], $0xffff;
	[tilespmem:v9+s28+$0x20 ss:$0x1] =	vst.idx.msk $0xffff, v40  }
0x1d7: {  	v62 =	vadd.s32 $0x9, v28;
	v37 =	vld.idx.msk [tilespmem:v63+s3+$0x0], $0xffff;
	[tilespmem:v9+s28+$0x30 ss:$0x1] =	vst.idx.msk $0xffff, v45  }
0x1d8: {  	v61 =	vadd.s32 $0x8, v21;
	v46 =	vld.idx.msk [tilespmem:v57+s3+$0x0], $0xffff;
	[tilespmem:v8+s29+$0x10 ss:$0x1] =	vst.idx.msk $0xffff, v50  }
0x1d9: {  	v56 =	vadd.s32 $0x9, v25;
	v34 =	vld.idx.msk [tilespmem:v58+s3+$0x0], $0xffff;
	[tilespmem:v9+s28+$0x40 ss:$0x1] =	vst.idx.msk $0xffff, v36  }
0x1da: {  	v63 =	vadd.s32 $0x8, v20;
	v43 =	vld.idx.msk [tilespmem:v59+s3+$0x0], $0xffff;
	[tilespmem:v8+s29+$0x20 ss:$0x1] =	vst.idx.msk $0xffff, v52  }
0x1db: {  	v57 =	vadd.s32 $0x8, v19;
	v40 =	vld.idx.msk [tilespmem:v60+s3+$0x0], $0xffff;
	[tilespmem:v9+s28+$0x50 ss:$0x1] =	vst.idx.msk $0xffff, v47  }
0x1dc: {  	v58 =	vadd.s32 $0xA, v32;
	v45 =	vld.idx.msk [tilespmem:v62+s3+$0x0], $0xffff;
	[tilespmem:v9+s28+$0x60 ss:$0x1] =	vst.idx.msk $0xffff, v51  }
0x1dd: {  	v59 =	vadd.s32 $0x8, v23;
	v39 =	vld.idx.msk [tilespmem:v61+s3+$0x0], $0xffff;
	[tilespmem:v8+s29+$0x30 ss:$0x1] =	vst.idx.msk $0xffff, v41  }
0x1de: {  	v60 =	vadd.s32 $0xA, v27;
	v36 =	vld.idx.msk [tilespmem:v56+s3+$0x0], $0xffff;
	[tilespmem:v9+s28+$0x70 ss:$0x1] =	vst.idx.msk $0xffff, v48  }
0x1df: {  	v62 =	vadd.s32 $0xA, v26;
	v50 =	vld.idx.msk [tilespmem:v63+s3+$0x0], $0xffff;
	[tilespmem:v8+s29+$0x40 ss:$0x1] =	vst.idx.msk $0xffff, v38  }
0x1e0: {  	v61 =	vadd.s32 $0x8, v18;
	v52 =	vld.idx.msk [tilespmem:v57+s3+$0x0], $0xffff;
	[tilespmem:v8+s29+$0x50 ss:$0x1] =	vst.idx.msk $0xffff, v55  }
0x1e1: {  	v63 =	vadd.s32 $0x9, v33;
	v47 =	vld.idx.msk [tilespmem:v58+s3+$0x0], $0xffff;
	[tilespmem:v10+s28+$0x0 ss:$0x1] =	vst.idx.msk $0xffff, v49  }
0x1e2: {  	v57 =	vadd.s32 $0xA, v31;
	v41 =	vld.idx.msk [tilespmem:v59+s3+$0x0], $0xffff;
	[tilespmem:v8+s29+$0x60 ss:$0x1] =	vst.idx.msk $0xffff, v54  }
0x1e3: {  	v58 =	vadd.s32 $0x9, v30;
	v51 =	vld.idx.msk [tilespmem:v60+s3+$0x0], $0xffff;
	[tilespmem:v10+s28+$0x10 ss:$0x1] =	vst.idx.msk $0xffff, v42  }
0x1e4: {  	v59 =	vadd.s32 $0xA, v29;
	v48 =	vld.idx.msk [tilespmem:v62+s3+$0x0], $0xffff;
	[tilespmem:v10+s28+$0x20 ss:$0x1] =	vst.idx.msk $0xffff, v35  }
0x1e5: {  	v60 =	vadd.s32 $0x9, v22;
	v38 =	vld.idx.msk [tilespmem:v61+s3+$0x0], $0xffff;
	[tilespmem:v8+s29+$0x70 ss:$0x1] =	vst.idx.msk $0xffff, v53  }
0x1e6: {  	v62 =	vadd.s32 $0x9, v21;
	v55 =	vld.idx.msk [tilespmem:v63+s3+$0x0], $0xffff;
	[tilespmem:v9+s29+$0x0 ss:$0x1] =	vst.idx.msk $0xffff, v44  }
0x1e7: {  	v61 =	vadd.s32 $0xA, v24;
	v49 =	vld.idx.msk [tilespmem:v57+s3+$0x0], $0xffff;
	[tilespmem:v10+s28+$0x30 ss:$0x1] =	vst.idx.msk $0xffff, v37  }
0x1e8: {  	v63 =	vadd.s32 $0xA, v28;
	v54 =	vld.idx.msk [tilespmem:v58+s3+$0x0], $0xffff;
	[tilespmem:v9+s29+$0x10 ss:$0x1] =	vst.idx.msk $0xffff, v46  }
0x1e9: {  	v57 =	vadd.s32 $0x9, v20;
	v42 =	vld.idx.msk [tilespmem:v59+s3+$0x0], $0xffff;
	[tilespmem:v10+s28+$0x40 ss:$0x1] =	vst.idx.msk $0xffff, v34  }
0x1ea: {  	v58 =	vadd.s32 $0xA, v25;
	v53 =	vld.idx.msk [tilespmem:v60+s3+$0x0], $0xffff;
	[tilespmem:v9+s29+$0x20 ss:$0x1] =	vst.idx.msk $0xffff, v43  }
0x1eb: {  	v59 =	vadd.s32 $0x9, v19;
	v44 =	vld.idx.msk [tilespmem:v62+s3+$0x0], $0xffff;
	[tilespmem:v9+s29+$0x30 ss:$0x1] =	vst.idx.msk $0xffff, v39  }
0x1ec: {  	v60 =	vadd.s32 $0xB, v32;
	v35 =	vld.idx.msk [tilespmem:v61+s3+$0x0], $0xffff;
	[tilespmem:v10+s28+$0x50 ss:$0x1] =	vst.idx.msk $0xffff, v40  }
0x1ed: {  	v62 =	vadd.s32 $0xB, v27;
	v37 =	vld.idx.msk [tilespmem:v63+s3+$0x0], $0xffff;
	[tilespmem:v10+s28+$0x60 ss:$0x1] =	vst.idx.msk $0xffff, v45  }
0x1ee: {  	v61 =	vadd.s32 $0x9, v23;
	v46 =	vld.idx.msk [tilespmem:v57+s3+$0x0], $0xffff;
	[tilespmem:v9+s29+$0x40 ss:$0x1] =	vst.idx.msk $0xffff, v50  }
0x1ef: {  	v56 =	vadd.s32 $0xB, v26;
	v34 =	vld.idx.msk [tilespmem:v58+s3+$0x0], $0xffff;
	[tilespmem:v10+s28+$0x70 ss:$0x1] =	vst.idx.msk $0xffff, v36  }
0x1f0: {  	v63 =	vadd.s32 $0x9, v18;
	v43 =	vld.idx.msk [tilespmem:v59+s3+$0x0], $0xffff;
	[tilespmem:v9+s29+$0x50 ss:$0x1] =	vst.idx.msk $0xffff, v52  }
0x1f1: {  	v57 =	vadd.s32 $0xA, v33;
	v40 =	vld.idx.msk [tilespmem:v60+s3+$0x0], $0xffff;
	[tilespmem:v11+s28+$0x0 ss:$0x1] =	vst.idx.msk $0xffff, v47  }
0x1f2: {  	v58 =	vadd.s32 $0xB, v31;
	v45 =	vld.idx.msk [tilespmem:v62+s3+$0x0], $0xffff;
	[tilespmem:v11+s28+$0x10 ss:$0x1] =	vst.idx.msk $0xffff, v51  }
0x1f3: {  	v59 =	vadd.s32 $0xA, v30;
	v39 =	vld.idx.msk [tilespmem:v61+s3+$0x0], $0xffff;
	[tilespmem:v9+s29+$0x60 ss:$0x1] =	vst.idx.msk $0xffff, v41  }
0x1f4: {  	v60 =	vadd.s32 $0xB, v29;
	v36 =	vld.idx.msk [tilespmem:v56+s3+$0x0], $0xffff;
	[tilespmem:v11+s28+$0x20 ss:$0x1] =	vst.idx.msk $0xffff, v48  }
0x1f5: {  	v62 =	vadd.s32 $0xB, v24;
	v50 =	vld.idx.msk [tilespmem:v63+s3+$0x0], $0xffff;
	[tilespmem:v9+s29+$0x70 ss:$0x1] =	vst.idx.msk $0xffff, v38  }
0x1f6: {  	v61 =	vadd.s32 $0xA, v22;
	v52 =	vld.idx.msk [tilespmem:v57+s3+$0x0], $0xffff;
	[tilespmem:v10+s29+$0x0 ss:$0x1] =	vst.idx.msk $0xffff, v55  }
0x1f7: {  	v63 =	vadd.s32 $0xA, v21;
	v47 =	vld.idx.msk [tilespmem:v58+s3+$0x0], $0xffff;
	[tilespmem:v11+s28+$0x30 ss:$0x1] =	vst.idx.msk $0xffff, v49  }
0x1f8: {  	v57 =	vadd.s32 $0xB, v28;
	v41 =	vld.idx.msk [tilespmem:v59+s3+$0x0], $0xffff;
	[tilespmem:v10+s29+$0x10 ss:$0x1] =	vst.idx.msk $0xffff, v54  }
0x1f9: {  	v58 =	vadd.s32 $0xA, v20;
	v51 =	vld.idx.msk [tilespmem:v60+s3+$0x0], $0xffff;
	[tilespmem:v11+s28+$0x40 ss:$0x1] =	vst.idx.msk $0xffff, v42  }
0x1fa: {  	v59 =	vadd.s32 $0xB, v25;
	v48 =	vld.idx.msk [tilespmem:v62+s3+$0x0], $0xffff;
	[tilespmem:v11+s28+$0x50 ss:$0x1] =	vst.idx.msk $0xffff, v35  }
0x1fb: {  	v60 =	vadd.s32 $0xA, v19;
	v38 =	vld.idx.msk [tilespmem:v61+s3+$0x0], $0xffff;
	[tilespmem:v10+s29+$0x20 ss:$0x1] =	vst.idx.msk $0xffff, v53  }
0x1fc: {  	v62 =	vadd.s32 $0xA, v23;
	v55 =	vld.idx.msk [tilespmem:v63+s3+$0x0], $0xffff;
	[tilespmem:v10+s29+$0x30 ss:$0x1] =	vst.idx.msk $0xffff, v44  }
0x1fd: {  	v61 =	vadd.s32 $0xC, v32;
	v49 =	vld.idx.msk [tilespmem:v57+s3+$0x0], $0xffff;
	[tilespmem:v11+s28+$0x60 ss:$0x1] =	vst.idx.msk $0xffff, v37  }
0x1fe: {  	v56 =	vadd.s32 $0xA, v18;
	v54 =	vld.idx.msk [tilespmem:v58+s3+$0x0], $0xffff;
	[tilespmem:v10+s29+$0x40 ss:$0x1] =	vst.idx.msk $0xffff, v46  }
0x1ff: {  	v63 =	vadd.s32 $0xC, v27;
	v42 =	vld.idx.msk [tilespmem:v59+s3+$0x0], $0xffff;
	[tilespmem:v11+s28+$0x70 ss:$0x1] =	vst.idx.msk $0xffff, v34  }
0x200: {  	v57 =	vadd.s32 $0xC, v26;
	v53 =	vld.idx.msk [tilespmem:v60+s3+$0x0], $0xffff;
	[tilespmem:v10+s29+$0x50 ss:$0x1] =	vst.idx.msk $0xffff, v43  }
0x201: {  	v58 =	vadd.s32 $0xB, v33;
	v44 =	vld.idx.msk [tilespmem:v62+s3+$0x0], $0xffff;
	[tilespmem:v10+s29+$0x60 ss:$0x1] =	vst.idx.msk $0xffff, v39  }
0x202: {  	v59 =	vadd.s32 $0xC, v31;
	v35 =	vld.idx.msk [tilespmem:v61+s3+$0x0], $0xffff;
	[tilespmem:v12+s28+$0x0 ss:$0x1] =	vst.idx.msk $0xffff, v40  }
0x203: {  	v60 =	vadd.s32 $0xB, v30;
	v46 =	vld.idx.msk [tilespmem:v56+s3+$0x0], $0xffff;
	[tilespmem:v10+s29+$0x70 ss:$0x1] =	vst.idx.msk $0xffff, v50  }
0x204: {  	v62 =	vadd.s32 $0xB, v22;
	v37 =	vld.idx.msk [tilespmem:v63+s3+$0x0], $0xffff;
	[tilespmem:v12+s28+$0x10 ss:$0x1] =	vst.idx.msk $0xffff, v45  }
0x205: {  	v61 =	vadd.s32 $0xC, v29;
	v34 =	vld.idx.msk [tilespmem:v57+s3+$0x0], $0xffff;
	[tilespmem:v12+s28+$0x20 ss:$0x1] =	vst.idx.msk $0xffff, v36  }
0x206: {  	v56 =	vadd.s32 $0xB, v21;
	v43 =	vld.idx.msk [tilespmem:v58+s3+$0x0], $0xffff;
	[tilespmem:v11+s29+$0x0 ss:$0x1] =	vst.idx.msk $0xffff, v52  }
0x207: {  	v63 =	vadd.s32 $0xC, v24;
	v40 =	vld.idx.msk [tilespmem:v59+s3+$0x0], $0xffff;
	[tilespmem:v12+s28+$0x30 ss:$0x1] =	vst.idx.msk $0xffff, v47  }
0x208: {  	v57 =	vadd.s32 $0xC, v28;
	v39 =	vld.idx.msk [tilespmem:v60+s3+$0x0], $0xffff;
	[tilespmem:v11+s29+$0x10 ss:$0x1] =	vst.idx.msk $0xffff, v41  }
0x209: {  	v58 =	vadd.s32 $0xB, v20;
	v50 =	vld.idx.msk [tilespmem:v62+s3+$0x0], $0xffff;
	[tilespmem:v11+s29+$0x20 ss:$0x1] =	vst.idx.msk $0xffff, v38  }
0x20a: {  	v59 =	vadd.s32 $0xC, v25;
	v45 =	vld.idx.msk [tilespmem:v61+s3+$0x0], $0xffff;
	[tilespmem:v12+s28+$0x40 ss:$0x1] =	vst.idx.msk $0xffff, v51  }
0x20b: {  	v60 =	vadd.s32 $0xB, v19;
	v52 =	vld.idx.msk [tilespmem:v56+s3+$0x0], $0xffff;
	[tilespmem:v11+s29+$0x30 ss:$0x1] =	vst.idx.msk $0xffff, v55  }
0x20c: {  	v62 =	vadd.s32 $0xB, v23;
	v36 =	vld.idx.msk [tilespmem:v63+s3+$0x0], $0xffff;
	[tilespmem:v12+s28+$0x50 ss:$0x1] =	vst.idx.msk $0xffff, v48  }
0x20d: {  	v61 =	vadd.s32 $0xD, v32;
	v47 =	vld.idx.msk [tilespmem:v57+s3+$0x0], $0xffff;
	[tilespmem:v12+s28+$0x60 ss:$0x1] =	vst.idx.msk $0xffff, v49  }
0x20e: {  	v63 =	vadd.s32 $0xD, v27;
	v41 =	vld.idx.msk [tilespmem:v58+s3+$0x0], $0xffff;
	[tilespmem:v11+s29+$0x40 ss:$0x1] =	vst.idx.msk $0xffff, v54  }
0x20f: {  	v57 =	vadd.s32 $0xB, v18;
	v51 =	vld.idx.msk [tilespmem:v59+s3+$0x0], $0xffff;
	[tilespmem:v12+s28+$0x70 ss:$0x1] =	vst.idx.msk $0xffff, v42  }
0x210: {  	v58 =	vadd.s32 $0xD, v26;
	v38 =	vld.idx.msk [tilespmem:v60+s3+$0x0], $0xffff;
	[tilespmem:v11+s29+$0x50 ss:$0x1] =	vst.idx.msk $0xffff, v53  }
0x211: {  	v59 =	vadd.s32 $0xC, v33;
	v55 =	vld.idx.msk [tilespmem:v62+s3+$0x0], $0xffff;
	[tilespmem:v11+s29+$0x60 ss:$0x1] =	vst.idx.msk $0xffff, v44  }
0x212: {  	v60 =	vadd.s32 $0xD, v31;
	v48 =	vld.idx.msk [tilespmem:v61+s3+$0x0], $0xffff;
	[tilespmem:v13+s28+$0x0 ss:$0x1] =	vst.idx.msk $0xffff, v35  }
0x213: {  	v62 =	vadd.s32 $0xD, v29;
	v49 =	vld.idx.msk [tilespmem:v63+s3+$0x0], $0xffff;
	[tilespmem:v13+s28+$0x10 ss:$0x1] =	vst.idx.msk $0xffff, v37  }
0x214: {  	v61 =	vadd.s32 $0xC, v30;
	v54 =	vld.idx.msk [tilespmem:v57+s3+$0x0], $0xffff;
	[tilespmem:v11+s29+$0x70 ss:$0x1] =	vst.idx.msk $0xffff, v46  }
0x215: {  	v56 =	vadd.s32 $0xD, v24;
	v42 =	vld.idx.msk [tilespmem:v58+s3+$0x0], $0xffff;
	[tilespmem:v13+s28+$0x20 ss:$0x1] =	vst.idx.msk $0xffff, v34  }
0x216: {  	v63 =	vadd.s32 $0xC, v22;
	v53 =	vld.idx.msk [tilespmem:v59+s3+$0x0], $0xffff;
	[tilespmem:v12+s29+$0x0 ss:$0x1] =	vst.idx.msk $0xffff, v43  }
0x217: {  	v57 =	vadd.s32 $0xC, v21;
	v35 =	vld.idx.msk [tilespmem:v60+s3+$0x0], $0xffff;
	[tilespmem:v13+s28+$0x30 ss:$0x1] =	vst.idx.msk $0xffff, v40  }
0x218: {  	v58 =	vadd.s32 $0xD, v28;
	v37 =	vld.idx.msk [tilespmem:v62+s3+$0x0], $0xffff;
	[tilespmem:v13+s28+$0x40 ss:$0x1] =	vst.idx.msk $0xffff, v45  }
0x219: {  	v59 =	vadd.s32 $0xC, v20;
	v44 =	vld.idx.msk [tilespmem:v61+s3+$0x0], $0xffff;
	[tilespmem:v12+s29+$0x10 ss:$0x1] =	vst.idx.msk $0xffff, v39  }
0x21a: {  	v60 =	vadd.s32 $0xD, v25;
	v34 =	vld.idx.msk [tilespmem:v56+s3+$0x0], $0xffff;
	[tilespmem:v13+s28+$0x50 ss:$0x1] =	vst.idx.msk $0xffff, v36  }
0x21b: {  	v62 =	vadd.s32 $0xE, v32;
	v46 =	vld.idx.msk [tilespmem:v63+s3+$0x0], $0xffff;
	[tilespmem:v12+s29+$0x20 ss:$0x1] =	vst.idx.msk $0xffff, v50  }
0x21c: {  	v61 =	vadd.s32 $0xC, v19;
	v43 =	vld.idx.msk [tilespmem:v57+s3+$0x0], $0xffff;
	[tilespmem:v12+s29+$0x30 ss:$0x1] =	vst.idx.msk $0xffff, v52  }
0x21d: {  	v56 =	vadd.s32 $0xE, v27;
	v40 =	vld.idx.msk [tilespmem:v58+s3+$0x0], $0xffff;
	[tilespmem:v13+s28+$0x60 ss:$0x1] =	vst.idx.msk $0xffff, v47  }
0x21e: {  	v63 =	vadd.s32 $0xC, v23;
	v39 =	vld.idx.msk [tilespmem:v59+s3+$0x0], $0xffff;
	[tilespmem:v12+s29+$0x40 ss:$0x1] =	vst.idx.msk $0xffff, v41  }
0x21f: {  	v57 =	vadd.s32 $0xC, v18;
	v45 =	vld.idx.msk [tilespmem:v60+s3+$0x0], $0xffff;
	[tilespmem:v13+s28+$0x70 ss:$0x1] =	vst.idx.msk $0xffff, v51  }
0x220: {  	v58 =	vadd.s32 $0xE, v26;
	v36 =	vld.idx.msk [tilespmem:v62+s3+$0x0], $0xffff;
	[tilespmem:v14+s28+$0x0 ss:$0x1] =	vst.idx.msk $0xffff, v48  }
0x221: {  	v59 =	vadd.s32 $0xD, v33;
	v50 =	vld.idx.msk [tilespmem:v61+s3+$0x0], $0xffff;
	[tilespmem:v12+s29+$0x50 ss:$0x1] =	vst.idx.msk $0xffff, v38  }
0x222: {  	v60 =	vadd.s32 $0xE, v31;
	v47 =	vld.idx.msk [tilespmem:v56+s3+$0x0], $0xffff;
	[tilespmem:v14+s28+$0x10 ss:$0x1] =	vst.idx.msk $0xffff, v49  }
0x223: {  	v61 =	vadd.s32 $0xD, v30;
	v52 =	vld.idx.msk [tilespmem:v63+s3+$0x0], $0xffff;
	[tilespmem:v12+s29+$0x60 ss:$0x1] =	vst.idx.msk $0xffff, v55  }
0x224: {  	v63 =	vadd.s32 $0xE, v29;
	v41 =	vld.idx.msk [tilespmem:v57+s3+$0x0], $0xffff;
	[tilespmem:v12+s29+$0x70 ss:$0x1] =	vst.idx.msk $0xffff, v54  }
0x225: {  	v51 =	vld.idx.msk [tilespmem:v58+s3+$0x0], $0xffff;
	v57 =	vadd.s32 $0xD, v22;
	[tilespmem:v14+s28+$0x20 ss:$0x1] =	vst.idx.msk $0xffff, v42  }
0x226: {  	v58 =	vadd.s32 $0xE, v24;
	v38 =	vld.idx.msk [tilespmem:v59+s3+$0x0], $0xffff;
	[tilespmem:v13+s29+$0x0 ss:$0x1] =	vst.idx.msk $0xffff, v53  }
0x227: {  	v48 =	vld.idx.msk [tilespmem:v60+s3+$0x0], $0xffff;
	v59 =	vadd.s32 $0xD, v21;
	[tilespmem:v14+s28+$0x30 ss:$0x1] =	vst.idx.msk $0xffff, v35  }
0x228: {  	v62 =	vadd.s32 $0xE, v28;
	v55 =	vld.idx.msk [tilespmem:v61+s3+$0x0], $0xffff;
	[tilespmem:v13+s29+$0x10 ss:$0x1] =	vst.idx.msk $0xffff, v44  }
0x229: {  	v60 =	vadd.s32 $0xE, v25;
	v49 =	vld.idx.msk [tilespmem:v63+s3+$0x0], $0xffff;
	[tilespmem:v14+s28+$0x40 ss:$0x1] =	vst.idx.msk $0xffff, v37  }
0x22a: {  	v32 =	vadd.s32 $0xF, v32;
	v54 =	vld.idx.msk [tilespmem:v57+s3+$0x0], $0xffff;
	[tilespmem:v13+s29+$0x20 ss:$0x1] =	vst.idx.msk $0xffff, v46  }
0x22b: {  	v63 =	vadd.s32 $0xD, v20;
	v42 =	vld.idx.msk [tilespmem:v58+s3+$0x0], $0xffff;
	[tilespmem:v14+s28+$0x50 ss:$0x1] =	vst.idx.msk $0xffff, v34  }
0x22c: {  	v27 =	vadd.s32 $0xF, v27;
	v53 =	vld.idx.msk [tilespmem:v59+s3+$0x0], $0xffff;
	[tilespmem:v13+s29+$0x30 ss:$0x1] =	vst.idx.msk $0xffff, v43  }
0x22d: {  	v61 =	vadd.s32 $0xD, v19;
	v56 =	vld.idx.msk [tilespmem:v62+s3+$0x0], $0xffff;
	[tilespmem:v14+s28+$0x60 ss:$0x1] =	vst.idx.msk $0xffff, v40  }
0x22e: {  	v26 =	vadd.s32 $0xF, v26;
	v37 =	vld.idx.msk [tilespmem:v60+s3+$0x0], $0xffff;
	[tilespmem:v14+s28+$0x70 ss:$0x1] =	vst.idx.msk $0xffff, v45  }
0x22f: {  	v62 =	vadd.s32 $0xD, v23;
	v32 =	vld.idx.msk [tilespmem:v32+s3+$0x0], $0xffff;
	[tilespmem:v15+s28+$0x0 ss:$0x1] =	vst.idx.msk $0xffff, v36  }
0x230: {  	v31 =	vadd.s32 $0xF, v31;
	v40 =	vld.idx.msk [tilespmem:v63+s3+$0x0], $0xffff;
	[tilespmem:v13+s29+$0x40 ss:$0x1] =	vst.idx.msk $0xffff, v39  }
0x231: {  	v29 =	vadd.s32 $0xF, v29;
	v45 =	vld.idx.msk [tilespmem:v27+s3+$0x0], $0xffff;
	[tilespmem:v15+s28+$0x10 ss:$0x1] =	vst.idx.msk $0xffff, v47  }
0x232: {  	v24 =	vadd.s32 $0xF, v24;
	v39 =	vld.idx.msk [tilespmem:v61+s3+$0x0], $0xffff;
	[tilespmem:v13+s29+$0x50 ss:$0x1] =	vst.idx.msk $0xffff, v50  }
0x233: {  	v63 =	vadd.s32 $0xD, v18;
	v47 =	vld.idx.msk [tilespmem:v26+s3+$0x0], $0xffff;
	[tilespmem:v15+s28+$0x20 ss:$0x1] =	vst.idx.msk $0xffff, v51  }
0x234: {  	v28 =	vadd.s32 $0xF, v28;
	v44 =	vld.idx.msk [tilespmem:v62+s3+$0x0], $0xffff;
	[tilespmem:v13+s29+$0x60 ss:$0x1] =	vst.idx.msk $0xffff, v52  }
0x235: {  	v50 =	vadd.s32 $0xE, v33;
	v59 =	vld.idx.msk [tilespmem:v31+s3+$0x0], $0xffff;
	[tilespmem:v15+s28+$0x30 ss:$0x1] =	vst.idx.msk $0xffff, v48  }
0x236: {  	v61 =	vadd.s32 $0xF, v25;
	v60 =	vld.idx.msk [tilespmem:v29+s3+$0x0], $0xffff;
	[tilespmem:v15+s28+$0x40 ss:$0x1] =	vst.idx.msk $0xffff, v49  }
0x237: {  	v27 =	vadd.s32 $0xE, v30;
	v34 =	vld.idx.msk [tilespmem:v24+s3+$0x0], $0xffff;
	[tilespmem:v15+s28+$0x50 ss:$0x1] =	vst.idx.msk $0xffff, v42  }
0x238: {  	v57 =	vld.idx.msk [tilespmem:v63+s3+$0x0], $0xffff;
	[tilespmem:v13+s29+$0x70 ss:$0x1] =	vst.idx.msk $0xffff, v41  }
0x239: {  	v58 =	vadd.s32 $0xE, v22;
	v35 =	vld.idx.msk [tilespmem:v28+s3+$0x0], $0xffff;
	[tilespmem:v15+s28+$0x60 ss:$0x1] =	vst.idx.msk $0xffff, v56  }
0x23a: {  	v41 =	vld.idx.msk [tilespmem:v50+s3+$0x0], $0xffff;
	[tilespmem:v14+s29+$0x0 ss:$0x1] =	vst.idx.msk $0xffff, v38  }
0x23b: {  	v31 =	vadd.s32 $0xE, v21;
	v24 =	vld.idx.msk [tilespmem:v61+s3+$0x0], $0xffff;
	[tilespmem:v15+s28+$0x70 ss:$0x1] =	vst.idx.msk $0xffff, v37  }
0x23c: {  	v26 =	vld.idx.msk [tilespmem:v27+s3+$0x0], $0xffff;
	[tilespmem:v14+s29+$0x10 ss:$0x1] =	vst.idx.msk $0xffff, v55;
	v27 =	vadd.s32 $0xE, v20  }
0x23d: {  	v62 =	vadd.s32 $0xE, v19;
	[tilespmem:v16+s28+$0x0 ss:$0x1] =	vst.idx.msk $0xffff, v32  }
0x23e: {  	v28 =	vadd.s32 $0xE, v23;
	v25 =	vld.idx.msk [tilespmem:v58+s3+$0x0], $0xffff;
	[tilespmem:v14+s29+$0x20 ss:$0x1] =	vst.idx.msk $0xffff, v54  }
0x23f: {  	[tilespmem:v16+s28+$0x10 ss:$0x1] =	vst.idx.msk $0xffff, v45  }
0x240: {  	v29 =	vld.idx.msk [tilespmem:v31+s3+$0x0], $0xffff;
	[tilespmem:v14+s29+$0x30 ss:$0x1] =	vst.idx.msk $0xffff, v53  }
0x241: {  	v63 =	vadd.s32 $0xE, v18;
	v31 =	vld.idx.msk [tilespmem:v27+s3+$0x0], $0xffff;
	[tilespmem:v14+s29+$0x40 ss:$0x1] =	vst.idx.msk $0xffff, v40  }
0x242: {  	v33 =	vadd.s32 $0xF, v33;
	v36 =	vld.idx.msk [tilespmem:v62+s3+$0x0], $0xffff;
	[tilespmem:v14+s29+$0x50 ss:$0x1] =	vst.idx.msk $0xffff, v39  }
0x243: {  	[tilespmem:v16+s28+$0x20 ss:$0x1] =	vst.idx.msk $0xffff, v47;
	v27 =	vld.idx.msk [tilespmem:v28+s3+$0x0], $0xffff;
	v28 =	vadd.s32 $0xF, v30  }
0x244: {  	[tilespmem:v16+s28+$0x30 ss:$0x1] =	vst.idx.msk $0xffff, v59  }
0x245: {  	[tilespmem:v14+s29+$0x60 ss:$0x1] =	vst.idx.msk $0xffff, v44  }
0x246: {  	v32 =	vld.idx.msk [tilespmem:v63+s3+$0x0], $0xffff;
	[tilespmem:v14+s29+$0x70 ss:$0x1] =	vst.idx.msk $0xffff, v57  }
0x247: {  	v33 =	vld.idx.msk [tilespmem:v33+s3+$0x0], $0xffff;
	[tilespmem:v15+s29+$0x0 ss:$0x1] =	vst.idx.msk $0xffff, v41  }
0x248: {  	s30 =	simm.s32 $0x4;
	[tilespmem:v16+s28+$0x40 ss:$0x1] =	vst.idx.msk $0xffff, v60;
	v37 =	vld.idx.msk [tilespmem:v28+s3+$0x0], $0xffff  }
.LBB2_5:
0x249: {  	s31 =	sshll.u32 s30, $0x7;
	p0 =	slt.u32 s30, $0x6;
	s30 =	sadd.s32 $0x2, s30;
	[tilespmem:v16+s25+$0x70 ss:$0x1] =	vst.idx.msk $0xffff, v17;
	v17 =	vmov v24  }
0x24a: {  	s25 =	smov.u32 s28;
	v24 =	vld.idx.msk [tilespmem:v0+s31+$0x70 ss:$0x1], $0xffff;
	s28 =	smov.u32 s31  }
0x24b: {  	v38 =	vld.idx.msk [tilespmem:v0+s28+$0x40 ss:$0x1], $0xffff  }
0x24c: {  	v22 =	vadd.s32 $0xF, v22;
	v28 =	vld.idx.msk [tilespmem:v0+s28+$0x10 ss:$0x1], $0xffff  }
0x24d: {  	v39 =	vld.idx.msk [tilespmem:v0+s28+$0x60 ss:$0x1], $0xffff  }
0x24e: {  	v21 =	vadd.s32 $0xF, v21;
	v30 =	vld.idx.msk [tilespmem:v0+s28+$0x20 ss:$0x1], $0xffff  }
0x24f: {  	v40 =	vld.idx.msk [tilespmem:v0+s28+$0x50 ss:$0x1], $0xffff  }
0x250: {  	v20 =	vadd.s32 $0xF, v20;
	v41 =	vld.idx.msk [tilespmem:v0+s28+$0x0 ss:$0x1], $0xffff;
	[tilespmem:v15+s29+$0x10 ss:$0x1] =	vst.idx.msk $0xffff, v26  }
0x251: {  	v24 =	vmul.u32 $0x11, v24;
	v22 =	vld.idx.msk [tilespmem:v22+s3+$0x0], $0xffff  }
0x252: {  	v19 =	vadd.s32 $0xF, v19;
	v28 =	vmul.u32 $0x11, v28;
	[tilespmem:v15+s29+$0x20 ss:$0x1] =	vst.idx.msk $0xffff, v25  }
0x253: {  	v21 =	vld.idx.msk [tilespmem:v21+s3+$0x0], $0xffff  }
0x254: {  	v26 =	vmul.u32 $0x11, v30;
	[tilespmem:v15+s29+$0x30 ss:$0x1] =	vst.idx.msk $0xffff, v29  }
0x255: {  	v25 =	vmul.u32 $0x11, v40;
	v20 =	vld.idx.msk [tilespmem:v20+s3+$0x0], $0xffff  }
0x256: {  	v30 =	vmul.u32 $0x11, v41;
	[tilespmem:v15+s29+$0x40 ss:$0x1] =	vst.idx.msk $0xffff, v31  }
0x257: {  	v19 =	vld.idx.msk [tilespmem:v19+s3+$0x0], $0xffff  }
0x258: {  	v23 =	vadd.s32 $0xF, v23;
	v40 =	vld.idx.msk [tilespmem:v28+s3+$0x0], $0xffff;
	[tilespmem:v15+s29+$0x50 ss:$0x1] =	vst.idx.msk $0xffff, v36  }
0x259: {  	v31 =	vld.idx.msk [tilespmem:v0+s28+$0x30 ss:$0x1], $0xffff  }
0x25a: {  	v18 =	vadd.s32 $0xF, v18;
	v36 =	vld.idx.msk [tilespmem:v26+s3+$0x0], $0xffff  }
0x25b: {  	v41 =	vld.idx.msk [tilespmem:v25+s3+$0x0], $0xffff  }
0x25c: {  	v42 =	vld.idx.msk [tilespmem:v30+s3+$0x0], $0xffff  }
0x25d: {  	v43 =	vadd.s32 $0x1, v30;
	v23 =	vld.idx.msk [tilespmem:v23+s3+$0x0], $0xffff  }
0x25e: {  	v29 =	vmul.u32 $0x11, v38;
	[tilespmem:v15+s29+$0x60 ss:$0x1] =	vst.idx.msk $0xffff, v27  }
0x25f: {  	v31 =	vmul.u32 $0x11, v31;
	v18 =	vld.idx.msk [tilespmem:v18+s3+$0x0], $0xffff  }
0x260: {  	v27 =	vmul.u32 $0x11, v39;
	[tilespmem:v15+s29+$0x70 ss:$0x1] =	vst.idx.msk $0xffff, v32  }
0x261: {  	[tilespmem:v16+s29+$0x0 ss:$0x1] =	vst.idx.msk $0xffff, v33  }
0x262: {  	v32 =	vadd.s32 $0x1, v27;
	v33 =	vld.idx.msk [tilespmem:v43+s3+$0x0], $0xffff;
	[tilespmem:v16+s29+$0x10 ss:$0x1] =	vst.idx.msk $0xffff, v37  }
0x263: {  	v38 =	vadd.s32 $0x1, v28;
	v37 =	vld.idx.msk [tilespmem:v24+s3+$0x0], $0xffff;
	[tilespmem:v16+s29+$0x20 ss:$0x1] =	vst.idx.msk $0xffff, v22  }
0x264: {  	v22 =	vld.idx.msk [tilespmem:v29+s3+$0x0], $0xffff;
	[tilespmem:v16+s29+$0x30 ss:$0x1] =	vst.idx.msk $0xffff, v21  }
0x265: {  	v39 =	vadd.s32 $0x1, v26;
	v21 =	vld.idx.msk [tilespmem:v31+s3+$0x0], $0xffff;
	[tilespmem:v16+s29+$0x40 ss:$0x1] =	vst.idx.msk $0xffff, v20  }
0x266: {  	v20 =	vld.idx.msk [tilespmem:v27+s3+$0x0], $0xffff;
	[tilespmem:v16+s29+$0x50 ss:$0x1] =	vst.idx.msk $0xffff, v19  }
0x267: {  	v19 =	vadd.s32 $0x1, v31;
	[tilespmem:v1+s28+$0x0 ss:$0x1] =	vst.idx.msk $0xffff, v42  }
0x268: {  	v38 =	vld.idx.msk [tilespmem:v38+s3+$0x0], $0xffff;
	[tilespmem:v16+s29+$0x60 ss:$0x1] =	vst.idx.msk $0xffff, v23  }
0x269: {  	v23 =	vadd.s32 $0x1, v29;
	[tilespmem:v1+s28+$0x10 ss:$0x1] =	vst.idx.msk $0xffff, v40  }
0x26a: {  	v39 =	vld.idx.msk [tilespmem:v39+s3+$0x0], $0xffff;
	[tilespmem:v16+s29+$0x70 ss:$0x1] =	vst.idx.msk $0xffff, v18  }
0x26b: {  	v18 =	vadd.s32 $0x1, v25;
	[tilespmem:v1+s28+$0x20 ss:$0x1] =	vst.idx.msk $0xffff, v36  }
0x26c: {  	v36 =	vld.idx.msk [tilespmem:v19+s3+$0x0], $0xffff  }
0x26d: {  	[tilespmem:v1+s28+$0x30 ss:$0x1] =	vst.idx.msk $0xffff, v21  }
0x26e: {  	v40 =	vld.idx.msk [tilespmem:v23+s3+$0x0], $0xffff  }
0x26f: {  	[tilespmem:v1+s28+$0x40 ss:$0x1] =	vst.idx.msk $0xffff, v22  }
0x270: {  	v42 =	vld.idx.msk [tilespmem:v18+s3+$0x0], $0xffff  }
0x271: {  	[tilespmem:v1+s28+$0x50 ss:$0x1] =	vst.idx.msk $0xffff, v41  }
0x272: {  	s29 =	sor.u32 $0x80, s28;
	v41 =	vld.idx.msk [tilespmem:v32+s3+$0x0], $0xffff  }
0x273: {  	v18 =	vld.idx.msk [tilespmem:v0+s29+$0x10 ss:$0x1], $0xffff  }
0x274: {  	v19 =	vadd.s32 $0x1, v24;
	v23 =	vld.idx.msk [tilespmem:v0+s29+$0x0 ss:$0x1], $0xffff  }
0x275: {  	v21 =	vld.idx.msk [tilespmem:v0+s29+$0x20 ss:$0x1], $0xffff  }
0x276: {  	v22 =	vadd.s32 $0x2, v30;
	v43 =	vld.idx.msk [tilespmem:v0+s29+$0x30 ss:$0x1], $0xffff  }
0x277: {  	v44 =	vld.idx.msk [tilespmem:v0+s29+$0x40 ss:$0x1], $0xffff  }
0x278: {  	[tilespmem:v1+s28+$0x60 ss:$0x1] =	vst.idx.msk $0xffff, v20;
	v45 =	vld.idx.msk [tilespmem:v0+s29+$0x50 ss:$0x1], $0xffff  }
0x279: {  	v46 =	vld.idx.msk [tilespmem:v19+s3+$0x0], $0xffff  }
0x27a: {  	v32 =	vmul.u32 $0x11, v18;
	[tilespmem:v1+s28+$0x70 ss:$0x1] =	vst.idx.msk $0xffff, v37;
	v37 =	vadd.s32 $0x2, v28  }
0x27b: {  	v47 =	vld.idx.msk [tilespmem:v22+s3+$0x0], $0xffff;
	v22 =	vmul.u32 $0x11, v21  }
0x27c: {  	v21 =	vmul.u32 $0x11, v43  }
0x27d: {  	v20 =	vmul.u32 $0x11, v44;
	v18 =	vld.idx.msk [tilespmem:v0+s29+$0x70 ss:$0x1], $0xffff  }
0x27e: {  	v19 =	vmul.u32 $0x11, v45;
	[tilespmem:v2+s28+$0x0 ss:$0x1] =	vst.idx.msk $0xffff, v33;
	v43 =	vld.idx.msk [tilespmem:v0+s29+$0x60 ss:$0x1], $0xffff  }
0x27f: {  	v33 =	vmul.u32 $0x11, v23;
	v37 =	vld.idx.msk [tilespmem:v37+s3+$0x0], $0xffff  }
0x280: {  	v44 =	vld.idx.msk [tilespmem:v32+s3+$0x0], $0xffff  }
0x281: {  	v45 =	vadd.s32 $0x2, v26;
	v48 =	vld.idx.msk [tilespmem:v22+s3+$0x0], $0xffff  }
0x282: {  	v49 =	vld.idx.msk [tilespmem:v21+s3+$0x0], $0xffff  }
0x283: {  	v51 =	vadd.s32 $0x1, v33;
	v18 =	vmul.u32 $0x11, v18;
	v50 =	vld.idx.msk [tilespmem:v20+s3+$0x0], $0xffff  }
0x284: {  	v23 =	vmul.u32 $0x11, v43;
	v43 =	vld.idx.msk [tilespmem:v19+s3+$0x0], $0xffff  }
0x285: {  	[tilespmem:v2+s28+$0x10 ss:$0x1] =	vst.idx.msk $0xffff, v38;
	v38 =	vld.idx.msk [tilespmem:v33+s3+$0x0], $0xffff  }
0x286: {  	v52 =	vadd.s32 $0x2, v31;
	v45 =	vld.idx.msk [tilespmem:v45+s3+$0x0], $0xffff  }
0x287: {  	v53 =	vadd.s32 $0x1, v32  }
0x288: {  	[tilespmem:v2+s28+$0x20 ss:$0x1] =	vst.idx.msk $0xffff, v39;
	v39 =	vadd.s32 $0x2, v29;
	v51 =	vld.idx.msk [tilespmem:v51+s3+$0x0], $0xffff  }
0x289: {  	v55 =	vadd.s32 $0x1, v22;
	v54 =	vld.idx.msk [tilespmem:v18+s3+$0x0], $0xffff;
	[tilespmem:v16+s25+$0x50 ss:$0x1] =	vst.idx.msk $0xffff, v34  }
0x28a: {  	v34 =	vadd.s32 $0x2, v25;
	v56 =	vld.idx.msk [tilespmem:v23+s3+$0x0], $0xffff;
	[tilespmem:v16+s25+$0x60 ss:$0x1] =	vst.idx.msk $0xffff, v35  }
0x28b: {  	v35 =	vld.idx.msk [tilespmem:v52+s3+$0x0], $0xffff;
	[tilespmem:v1+s29+$0x0 ss:$0x1] =	vst.idx.msk $0xffff, v38;
	v38 =	vadd.s32 $0x1, v21  }
0x28c: {  	[tilespmem:v2+s28+$0x30 ss:$0x1] =	vst.idx.msk $0xffff, v36;
	v36 =	vadd.s32 $0x2, v27;
	v52 =	vld.idx.msk [tilespmem:v53+s3+$0x0], $0xffff  }
0x28d: {  	v39 =	vld.idx.msk [tilespmem:v39+s3+$0x0], $0xffff;
	[tilespmem:v1+s29+$0x10 ss:$0x1] =	vst.idx.msk $0xffff, v44;
	v44 =	vadd.s32 $0x1, v20  }
0x28e: {  	[tilespmem:v2+s28+$0x40 ss:$0x1] =	vst.idx.msk $0xffff, v40;
	v40 =	vadd.s32 $0x2, v24;
	v53 =	vld.idx.msk [tilespmem:v55+s3+$0x0], $0xffff  }
0x28f: {  	v34 =	vld.idx.msk [tilespmem:v34+s3+$0x0], $0xffff;
	[tilespmem:v1+s29+$0x20 ss:$0x1] =	vst.idx.msk $0xffff, v48;
	v48 =	vadd.s32 $0x1, v19  }
0x290: {  	[tilespmem:v2+s28+$0x50 ss:$0x1] =	vst.idx.msk $0xffff, v42;
	v42 =	vadd.s32 $0x3, v30;
	v38 =	vld.idx.msk [tilespmem:v38+s3+$0x0], $0xffff  }
0x291: {  	v36 =	vld.idx.msk [tilespmem:v36+s3+$0x0], $0xffff;
	[tilespmem:v1+s29+$0x30 ss:$0x1] =	vst.idx.msk $0xffff, v49;
	v49 =	vadd.s32 $0x1, v23  }
0x292: {  	[tilespmem:v2+s28+$0x60 ss:$0x1] =	vst.idx.msk $0xffff, v41;
	v41 =	vadd.s32 $0x3, v28;
	v44 =	vld.idx.msk [tilespmem:v44+s3+$0x0], $0xffff  }
0x293: {  	v40 =	vld.idx.msk [tilespmem:v40+s3+$0x0], $0xffff;
	[tilespmem:v1+s29+$0x40 ss:$0x1] =	vst.idx.msk $0xffff, v50;
	v50 =	vadd.s32 $0x1, v18  }
0x294: {  	[tilespmem:v2+s28+$0x70 ss:$0x1] =	vst.idx.msk $0xffff, v46;
	v46 =	vadd.s32 $0x3, v26;
	v48 =	vld.idx.msk [tilespmem:v48+s3+$0x0], $0xffff  }
0x295: {  	v42 =	vld.idx.msk [tilespmem:v42+s3+$0x0], $0xffff;
	[tilespmem:v1+s29+$0x50 ss:$0x1] =	vst.idx.msk $0xffff, v43;
	v43 =	vadd.s32 $0x2, v33  }
0x296: {  	[tilespmem:v3+s28+$0x0 ss:$0x1] =	vst.idx.msk $0xffff, v47;
	v47 =	vadd.s32 $0x3, v31;
	v49 =	vld.idx.msk [tilespmem:v49+s3+$0x0], $0xffff  }
0x297: {  	v55 =	vadd.s32 $0x2, v32;
	v41 =	vld.idx.msk [tilespmem:v41+s3+$0x0], $0xffff;
	[tilespmem:v1+s29+$0x60 ss:$0x1] =	vst.idx.msk $0xffff, v56  }
0x298: {  	[tilespmem:v3+s28+$0x10 ss:$0x1] =	vst.idx.msk $0xffff, v37;
	v37 =	vadd.s32 $0x3, v29;
	v50 =	vld.idx.msk [tilespmem:v50+s3+$0x0], $0xffff  }
0x299: {  	v46 =	vld.idx.msk [tilespmem:v46+s3+$0x0], $0xffff;
	[tilespmem:v1+s29+$0x70 ss:$0x1] =	vst.idx.msk $0xffff, v54;
	v54 =	vadd.s32 $0x2, v22  }
0x29a: {  	[tilespmem:v3+s28+$0x20 ss:$0x1] =	vst.idx.msk $0xffff, v45;
	v45 =	vadd.s32 $0x3, v25;
	v43 =	vld.idx.msk [tilespmem:v43+s3+$0x0], $0xffff  }
0x29b: {  	v47 =	vld.idx.msk [tilespmem:v47+s3+$0x0], $0xffff;
	[tilespmem:v2+s29+$0x0 ss:$0x1] =	vst.idx.msk $0xffff, v51;
	v51 =	vadd.s32 $0x2, v21  }
0x29c: {  	[tilespmem:v3+s28+$0x30 ss:$0x1] =	vst.idx.msk $0xffff, v35;
	v35 =	vadd.s32 $0x3, v27;
	v55 =	vld.idx.msk [tilespmem:v55+s3+$0x0], $0xffff  }
0x29d: {  	v37 =	vld.idx.msk [tilespmem:v37+s3+$0x0], $0xffff;
	[tilespmem:v2+s29+$0x10 ss:$0x1] =	vst.idx.msk $0xffff, v52;
	v52 =	vadd.s32 $0x2, v20  }
0x29e: {  	[tilespmem:v3+s28+$0x40 ss:$0x1] =	vst.idx.msk $0xffff, v39;
	v39 =	vadd.s32 $0x3, v24;
	v54 =	vld.idx.msk [tilespmem:v54+s3+$0x0], $0xffff  }
0x29f: {  	v45 =	vld.idx.msk [tilespmem:v45+s3+$0x0], $0xffff;
	[tilespmem:v2+s29+$0x20 ss:$0x1] =	vst.idx.msk $0xffff, v53;
	v53 =	vadd.s32 $0x2, v19  }
0x2a0: {  	[tilespmem:v3+s28+$0x50 ss:$0x1] =	vst.idx.msk $0xffff, v34;
	v34 =	vadd.s32 $0x4, v30;
	v51 =	vld.idx.msk [tilespmem:v51+s3+$0x0], $0xffff  }
0x2a1: {  	v35 =	vld.idx.msk [tilespmem:v35+s3+$0x0], $0xffff;
	[tilespmem:v2+s29+$0x30 ss:$0x1] =	vst.idx.msk $0xffff, v38;
	v38 =	vadd.s32 $0x2, v23  }
0x2a2: {  	[tilespmem:v3+s28+$0x60 ss:$0x1] =	vst.idx.msk $0xffff, v36;
	v36 =	vadd.s32 $0x4, v28;
	v52 =	vld.idx.msk [tilespmem:v52+s3+$0x0], $0xffff  }
0x2a3: {  	v39 =	vld.idx.msk [tilespmem:v39+s3+$0x0], $0xffff;
	[tilespmem:v2+s29+$0x40 ss:$0x1] =	vst.idx.msk $0xffff, v44;
	v44 =	vadd.s32 $0x2, v18  }
0x2a4: {  	[tilespmem:v3+s28+$0x70 ss:$0x1] =	vst.idx.msk $0xffff, v40;
	v40 =	vadd.s32 $0x4, v26;
	v53 =	vld.idx.msk [tilespmem:v53+s3+$0x0], $0xffff  }
0x2a5: {  	v34 =	vld.idx.msk [tilespmem:v34+s3+$0x0], $0xffff;
	[tilespmem:v2+s29+$0x50 ss:$0x1] =	vst.idx.msk $0xffff, v48;
	v48 =	vadd.s32 $0x3, v33  }
0x2a6: {  	[tilespmem:v4+s28+$0x0 ss:$0x1] =	vst.idx.msk $0xffff, v42;
	v42 =	vadd.s32 $0x4, v31;
	v38 =	vld.idx.msk [tilespmem:v38+s3+$0x0], $0xffff  }
0x2a7: {  	v36 =	vld.idx.msk [tilespmem:v36+s3+$0x0], $0xffff;
	[tilespmem:v2+s29+$0x60 ss:$0x1] =	vst.idx.msk $0xffff, v49;
	v49 =	vadd.s32 $0x3, v32  }
0x2a8: {  	[tilespmem:v4+s28+$0x10 ss:$0x1] =	vst.idx.msk $0xffff, v41;
	v41 =	vadd.s32 $0x4, v29;
	v44 =	vld.idx.msk [tilespmem:v44+s3+$0x0], $0xffff  }
0x2a9: {  	v40 =	vld.idx.msk [tilespmem:v40+s3+$0x0], $0xffff;
	[tilespmem:v2+s29+$0x70 ss:$0x1] =	vst.idx.msk $0xffff, v50;
	v50 =	vadd.s32 $0x3, v22  }
0x2aa: {  	[tilespmem:v4+s28+$0x20 ss:$0x1] =	vst.idx.msk $0xffff, v46;
	v46 =	vadd.s32 $0x4, v25;
	v48 =	vld.idx.msk [tilespmem:v48+s3+$0x0], $0xffff  }
0x2ab: {  	v42 =	vld.idx.msk [tilespmem:v42+s3+$0x0], $0xffff;
	[tilespmem:v3+s29+$0x0 ss:$0x1] =	vst.idx.msk $0xffff, v43;
	v43 =	vadd.s32 $0x3, v21  }
0x2ac: {  	[tilespmem:v4+s28+$0x30 ss:$0x1] =	vst.idx.msk $0xffff, v47;
	v47 =	vadd.s32 $0x4, v27;
	v49 =	vld.idx.msk [tilespmem:v49+s3+$0x0], $0xffff  }
0x2ad: {  	v41 =	vld.idx.msk [tilespmem:v41+s3+$0x0], $0xffff;
	[tilespmem:v3+s29+$0x10 ss:$0x1] =	vst.idx.msk $0xffff, v55;
	v55 =	vadd.s32 $0x3, v20  }
0x2ae: {  	[tilespmem:v4+s28+$0x40 ss:$0x1] =	vst.idx.msk $0xffff, v37;
	v37 =	vadd.s32 $0x4, v24;
	v50 =	vld.idx.msk [tilespmem:v50+s3+$0x0], $0xffff  }
0x2af: {  	v46 =	vld.idx.msk [tilespmem:v46+s3+$0x0], $0xffff;
	[tilespmem:v3+s29+$0x20 ss:$0x1] =	vst.idx.msk $0xffff, v54;
	v54 =	vadd.s32 $0x3, v19  }
0x2b0: {  	[tilespmem:v4+s28+$0x50 ss:$0x1] =	vst.idx.msk $0xffff, v45;
	v45 =	vadd.s32 $0x5, v30;
	v43 =	vld.idx.msk [tilespmem:v43+s3+$0x0], $0xffff  }
0x2b1: {  	v47 =	vld.idx.msk [tilespmem:v47+s3+$0x0], $0xffff;
	[tilespmem:v3+s29+$0x30 ss:$0x1] =	vst.idx.msk $0xffff, v51;
	v51 =	vadd.s32 $0x3, v23  }
0x2b2: {  	[tilespmem:v4+s28+$0x60 ss:$0x1] =	vst.idx.msk $0xffff, v35;
	v35 =	vadd.s32 $0x5, v28;
	v55 =	vld.idx.msk [tilespmem:v55+s3+$0x0], $0xffff  }
0x2b3: {  	v37 =	vld.idx.msk [tilespmem:v37+s3+$0x0], $0xffff;
	[tilespmem:v3+s29+$0x40 ss:$0x1] =	vst.idx.msk $0xffff, v52;
	v52 =	vadd.s32 $0x3, v18  }
0x2b4: {  	[tilespmem:v4+s28+$0x70 ss:$0x1] =	vst.idx.msk $0xffff, v39;
	v39 =	vadd.s32 $0x5, v26;
	v54 =	vld.idx.msk [tilespmem:v54+s3+$0x0], $0xffff  }
0x2b5: {  	v45 =	vld.idx.msk [tilespmem:v45+s3+$0x0], $0xffff;
	[tilespmem:v3+s29+$0x50 ss:$0x1] =	vst.idx.msk $0xffff, v53;
	v53 =	vadd.s32 $0x4, v33  }
0x2b6: {  	[tilespmem:v5+s28+$0x0 ss:$0x1] =	vst.idx.msk $0xffff, v34;
	v34 =	vadd.s32 $0x5, v31;
	v51 =	vld.idx.msk [tilespmem:v51+s3+$0x0], $0xffff  }
0x2b7: {  	v35 =	vld.idx.msk [tilespmem:v35+s3+$0x0], $0xffff;
	[tilespmem:v3+s29+$0x60 ss:$0x1] =	vst.idx.msk $0xffff, v38;
	v38 =	vadd.s32 $0x4, v32  }
0x2b8: {  	[tilespmem:v5+s28+$0x10 ss:$0x1] =	vst.idx.msk $0xffff, v36;
	v36 =	vadd.s32 $0x5, v29;
	v52 =	vld.idx.msk [tilespmem:v52+s3+$0x0], $0xffff  }
0x2b9: {  	v39 =	vld.idx.msk [tilespmem:v39+s3+$0x0], $0xffff;
	[tilespmem:v3+s29+$0x70 ss:$0x1] =	vst.idx.msk $0xffff, v44;
	v44 =	vadd.s32 $0x4, v22  }
0x2ba: {  	[tilespmem:v5+s28+$0x20 ss:$0x1] =	vst.idx.msk $0xffff, v40;
	v40 =	vadd.s32 $0x5, v25;
	v53 =	vld.idx.msk [tilespmem:v53+s3+$0x0], $0xffff  }
0x2bb: {  	v34 =	vld.idx.msk [tilespmem:v34+s3+$0x0], $0xffff;
	[tilespmem:v4+s29+$0x0 ss:$0x1] =	vst.idx.msk $0xffff, v48;
	v48 =	vadd.s32 $0x4, v21  }
0x2bc: {  	[tilespmem:v5+s28+$0x30 ss:$0x1] =	vst.idx.msk $0xffff, v42;
	v42 =	vadd.s32 $0x5, v27;
	v38 =	vld.idx.msk [tilespmem:v38+s3+$0x0], $0xffff  }
0x2bd: {  	v36 =	vld.idx.msk [tilespmem:v36+s3+$0x0], $0xffff;
	[tilespmem:v4+s29+$0x10 ss:$0x1] =	vst.idx.msk $0xffff, v49;
	v49 =	vadd.s32 $0x4, v20  }
0x2be: {  	[tilespmem:v5+s28+$0x40 ss:$0x1] =	vst.idx.msk $0xffff, v41;
	v41 =	vadd.s32 $0x5, v24;
	v44 =	vld.idx.msk [tilespmem:v44+s3+$0x0], $0xffff  }
0x2bf: {  	v40 =	vld.idx.msk [tilespmem:v40+s3+$0x0], $0xffff;
	[tilespmem:v4+s29+$0x20 ss:$0x1] =	vst.idx.msk $0xffff, v50;
	v50 =	vadd.s32 $0x4, v19  }
0x2c0: {  	[tilespmem:v5+s28+$0x50 ss:$0x1] =	vst.idx.msk $0xffff, v46;
	v46 =	vadd.s32 $0x6, v30;
	v48 =	vld.idx.msk [tilespmem:v48+s3+$0x0], $0xffff  }
0x2c1: {  	v42 =	vld.idx.msk [tilespmem:v42+s3+$0x0], $0xffff;
	[tilespmem:v4+s29+$0x30 ss:$0x1] =	vst.idx.msk $0xffff, v43;
	v43 =	vadd.s32 $0x4, v23  }
0x2c2: {  	[tilespmem:v5+s28+$0x60 ss:$0x1] =	vst.idx.msk $0xffff, v47;
	v47 =	vadd.s32 $0x6, v28;
	v49 =	vld.idx.msk [tilespmem:v49+s3+$0x0], $0xffff  }
0x2c3: {  	v41 =	vld.idx.msk [tilespmem:v41+s3+$0x0], $0xffff;
	[tilespmem:v4+s29+$0x40 ss:$0x1] =	vst.idx.msk $0xffff, v55;
	v55 =	vadd.s32 $0x4, v18  }
0x2c4: {  	[tilespmem:v5+s28+$0x70 ss:$0x1] =	vst.idx.msk $0xffff, v37;
	v37 =	vadd.s32 $0x6, v26;
	v50 =	vld.idx.msk [tilespmem:v50+s3+$0x0], $0xffff  }
0x2c5: {  	v46 =	vld.idx.msk [tilespmem:v46+s3+$0x0], $0xffff;
	[tilespmem:v4+s29+$0x50 ss:$0x1] =	vst.idx.msk $0xffff, v54;
	v54 =	vadd.s32 $0x5, v33  }
0x2c6: {  	[tilespmem:v6+s28+$0x0 ss:$0x1] =	vst.idx.msk $0xffff, v45;
	v45 =	vadd.s32 $0x6, v31;
	v43 =	vld.idx.msk [tilespmem:v43+s3+$0x0], $0xffff  }
0x2c7: {  	v47 =	vld.idx.msk [tilespmem:v47+s3+$0x0], $0xffff;
	[tilespmem:v4+s29+$0x60 ss:$0x1] =	vst.idx.msk $0xffff, v51;
	v51 =	vadd.s32 $0x5, v32  }
0x2c8: {  	[tilespmem:v6+s28+$0x10 ss:$0x1] =	vst.idx.msk $0xffff, v35;
	v35 =	vadd.s32 $0x6, v29;
	v55 =	vld.idx.msk [tilespmem:v55+s3+$0x0], $0xffff  }
0x2c9: {  	v37 =	vld.idx.msk [tilespmem:v37+s3+$0x0], $0xffff;
	[tilespmem:v4+s29+$0x70 ss:$0x1] =	vst.idx.msk $0xffff, v52;
	v52 =	vadd.s32 $0x5, v22  }
0x2ca: {  	[tilespmem:v6+s28+$0x20 ss:$0x1] =	vst.idx.msk $0xffff, v39;
	v39 =	vadd.s32 $0x6, v25;
	v54 =	vld.idx.msk [tilespmem:v54+s3+$0x0], $0xffff  }
0x2cb: {  	v45 =	vld.idx.msk [tilespmem:v45+s3+$0x0], $0xffff;
	[tilespmem:v5+s29+$0x0 ss:$0x1] =	vst.idx.msk $0xffff, v53;
	v53 =	vadd.s32 $0x5, v21  }
0x2cc: {  	[tilespmem:v6+s28+$0x30 ss:$0x1] =	vst.idx.msk $0xffff, v34;
	v34 =	vadd.s32 $0x6, v27;
	v51 =	vld.idx.msk [tilespmem:v51+s3+$0x0], $0xffff  }
0x2cd: {  	v35 =	vld.idx.msk [tilespmem:v35+s3+$0x0], $0xffff;
	[tilespmem:v5+s29+$0x10 ss:$0x1] =	vst.idx.msk $0xffff, v38;
	v38 =	vadd.s32 $0x5, v20  }
0x2ce: {  	[tilespmem:v6+s28+$0x40 ss:$0x1] =	vst.idx.msk $0xffff, v36;
	v36 =	vadd.s32 $0x6, v24;
	v52 =	vld.idx.msk [tilespmem:v52+s3+$0x0], $0xffff  }
0x2cf: {  	v39 =	vld.idx.msk [tilespmem:v39+s3+$0x0], $0xffff;
	[tilespmem:v5+s29+$0x20 ss:$0x1] =	vst.idx.msk $0xffff, v44;
	v44 =	vadd.s32 $0x5, v19  }
0x2d0: {  	[tilespmem:v6+s28+$0x50 ss:$0x1] =	vst.idx.msk $0xffff, v40;
	v40 =	vadd.s32 $0x7, v30;
	v53 =	vld.idx.msk [tilespmem:v53+s3+$0x0], $0xffff  }
0x2d1: {  	v34 =	vld.idx.msk [tilespmem:v34+s3+$0x0], $0xffff;
	[tilespmem:v5+s29+$0x30 ss:$0x1] =	vst.idx.msk $0xffff, v48;
	v48 =	vadd.s32 $0x5, v23  }
0x2d2: {  	[tilespmem:v6+s28+$0x60 ss:$0x1] =	vst.idx.msk $0xffff, v42;
	v42 =	vadd.s32 $0x7, v28;
	v38 =	vld.idx.msk [tilespmem:v38+s3+$0x0], $0xffff  }
0x2d3: {  	v36 =	vld.idx.msk [tilespmem:v36+s3+$0x0], $0xffff;
	[tilespmem:v5+s29+$0x40 ss:$0x1] =	vst.idx.msk $0xffff, v49;
	v49 =	vadd.s32 $0x5, v18  }
0x2d4: {  	[tilespmem:v6+s28+$0x70 ss:$0x1] =	vst.idx.msk $0xffff, v41;
	v41 =	vadd.s32 $0x7, v26;
	v44 =	vld.idx.msk [tilespmem:v44+s3+$0x0], $0xffff  }
0x2d5: {  	v40 =	vld.idx.msk [tilespmem:v40+s3+$0x0], $0xffff;
	[tilespmem:v5+s29+$0x50 ss:$0x1] =	vst.idx.msk $0xffff, v50;
	v50 =	vadd.s32 $0x6, v33  }
0x2d6: {  	[tilespmem:v7+s28+$0x0 ss:$0x1] =	vst.idx.msk $0xffff, v46;
	v46 =	vadd.s32 $0x7, v31;
	v48 =	vld.idx.msk [tilespmem:v48+s3+$0x0], $0xffff  }
0x2d7: {  	v42 =	vld.idx.msk [tilespmem:v42+s3+$0x0], $0xffff;
	[tilespmem:v5+s29+$0x60 ss:$0x1] =	vst.idx.msk $0xffff, v43;
	v43 =	vadd.s32 $0x6, v32  }
0x2d8: {  	[tilespmem:v7+s28+$0x10 ss:$0x1] =	vst.idx.msk $0xffff, v47;
	v47 =	vadd.s32 $0x7, v29;
	v49 =	vld.idx.msk [tilespmem:v49+s3+$0x0], $0xffff  }
0x2d9: {  	v41 =	vld.idx.msk [tilespmem:v41+s3+$0x0], $0xffff;
	[tilespmem:v5+s29+$0x70 ss:$0x1] =	vst.idx.msk $0xffff, v55;
	v55 =	vadd.s32 $0x6, v22  }
0x2da: {  	[tilespmem:v7+s28+$0x20 ss:$0x1] =	vst.idx.msk $0xffff, v37;
	v37 =	vadd.s32 $0x7, v25;
	v50 =	vld.idx.msk [tilespmem:v50+s3+$0x0], $0xffff  }
0x2db: {  	v46 =	vld.idx.msk [tilespmem:v46+s3+$0x0], $0xffff;
	[tilespmem:v6+s29+$0x0 ss:$0x1] =	vst.idx.msk $0xffff, v54;
	v54 =	vadd.s32 $0x6, v21  }
0x2dc: {  	[tilespmem:v7+s28+$0x30 ss:$0x1] =	vst.idx.msk $0xffff, v45;
	v45 =	vadd.s32 $0x7, v27;
	v43 =	vld.idx.msk [tilespmem:v43+s3+$0x0], $0xffff  }
0x2dd: {  	v47 =	vld.idx.msk [tilespmem:v47+s3+$0x0], $0xffff;
	[tilespmem:v6+s29+$0x10 ss:$0x1] =	vst.idx.msk $0xffff, v51;
	v51 =	vadd.s32 $0x6, v20  }
0x2de: {  	[tilespmem:v7+s28+$0x40 ss:$0x1] =	vst.idx.msk $0xffff, v35;
	v35 =	vadd.s32 $0x7, v24;
	v55 =	vld.idx.msk [tilespmem:v55+s3+$0x0], $0xffff  }
0x2df: {  	v37 =	vld.idx.msk [tilespmem:v37+s3+$0x0], $0xffff;
	[tilespmem:v6+s29+$0x20 ss:$0x1] =	vst.idx.msk $0xffff, v52;
	v52 =	vadd.s32 $0x6, v19  }
0x2e0: {  	[tilespmem:v7+s28+$0x50 ss:$0x1] =	vst.idx.msk $0xffff, v39;
	v39 =	vadd.s32 $0x8, v30;
	v54 =	vld.idx.msk [tilespmem:v54+s3+$0x0], $0xffff  }
0x2e1: {  	v45 =	vld.idx.msk [tilespmem:v45+s3+$0x0], $0xffff;
	[tilespmem:v6+s29+$0x30 ss:$0x1] =	vst.idx.msk $0xffff, v53;
	v53 =	vadd.s32 $0x6, v23  }
0x2e2: {  	[tilespmem:v7+s28+$0x60 ss:$0x1] =	vst.idx.msk $0xffff, v34;
	v34 =	vadd.s32 $0x8, v28;
	v51 =	vld.idx.msk [tilespmem:v51+s3+$0x0], $0xffff  }
0x2e3: {  	v35 =	vld.idx.msk [tilespmem:v35+s3+$0x0], $0xffff;
	[tilespmem:v6+s29+$0x40 ss:$0x1] =	vst.idx.msk $0xffff, v38;
	v38 =	vadd.s32 $0x6, v18  }
0x2e4: {  	[tilespmem:v7+s28+$0x70 ss:$0x1] =	vst.idx.msk $0xffff, v36;
	v36 =	vadd.s32 $0x8, v26;
	v52 =	vld.idx.msk [tilespmem:v52+s3+$0x0], $0xffff  }
0x2e5: {  	v39 =	vld.idx.msk [tilespmem:v39+s3+$0x0], $0xffff;
	[tilespmem:v6+s29+$0x50 ss:$0x1] =	vst.idx.msk $0xffff, v44;
	v44 =	vadd.s32 $0x7, v33  }
0x2e6: {  	[tilespmem:v8+s28+$0x0 ss:$0x1] =	vst.idx.msk $0xffff, v40;
	v40 =	vadd.s32 $0x8, v31;
	v53 =	vld.idx.msk [tilespmem:v53+s3+$0x0], $0xffff  }
0x2e7: {  	v34 =	vld.idx.msk [tilespmem:v34+s3+$0x0], $0xffff;
	[tilespmem:v6+s29+$0x60 ss:$0x1] =	vst.idx.msk $0xffff, v48;
	v48 =	vadd.s32 $0x7, v32  }
0x2e8: {  	[tilespmem:v8+s28+$0x10 ss:$0x1] =	vst.idx.msk $0xffff, v42;
	v42 =	vadd.s32 $0x8, v29;
	v38 =	vld.idx.msk [tilespmem:v38+s3+$0x0], $0xffff  }
0x2e9: {  	v36 =	vld.idx.msk [tilespmem:v36+s3+$0x0], $0xffff;
	[tilespmem:v6+s29+$0x70 ss:$0x1] =	vst.idx.msk $0xffff, v49;
	v49 =	vadd.s32 $0x7, v22  }
0x2ea: {  	[tilespmem:v8+s28+$0x20 ss:$0x1] =	vst.idx.msk $0xffff, v41;
	v41 =	vadd.s32 $0x8, v25;
	v44 =	vld.idx.msk [tilespmem:v44+s3+$0x0], $0xffff  }
0x2eb: {  	v40 =	vld.idx.msk [tilespmem:v40+s3+$0x0], $0xffff;
	[tilespmem:v7+s29+$0x0 ss:$0x1] =	vst.idx.msk $0xffff, v50;
	v50 =	vadd.s32 $0x7, v21  }
0x2ec: {  	[tilespmem:v8+s28+$0x30 ss:$0x1] =	vst.idx.msk $0xffff, v46;
	v46 =	vadd.s32 $0x8, v27;
	v48 =	vld.idx.msk [tilespmem:v48+s3+$0x0], $0xffff  }
0x2ed: {  	v42 =	vld.idx.msk [tilespmem:v42+s3+$0x0], $0xffff;
	[tilespmem:v7+s29+$0x10 ss:$0x1] =	vst.idx.msk $0xffff, v43;
	v43 =	vadd.s32 $0x7, v20  }
0x2ee: {  	[tilespmem:v8+s28+$0x40 ss:$0x1] =	vst.idx.msk $0xffff, v47;
	v47 =	vadd.s32 $0x8, v24;
	v49 =	vld.idx.msk [tilespmem:v49+s3+$0x0], $0xffff  }
0x2ef: {  	v41 =	vld.idx.msk [tilespmem:v41+s3+$0x0], $0xffff;
	[tilespmem:v7+s29+$0x20 ss:$0x1] =	vst.idx.msk $0xffff, v55;
	v55 =	vadd.s32 $0x7, v19  }
0x2f0: {  	[tilespmem:v8+s28+$0x50 ss:$0x1] =	vst.idx.msk $0xffff, v37;
	v37 =	vadd.s32 $0x9, v30;
	v50 =	vld.idx.msk [tilespmem:v50+s3+$0x0], $0xffff  }
0x2f1: {  	v46 =	vld.idx.msk [tilespmem:v46+s3+$0x0], $0xffff;
	[tilespmem:v7+s29+$0x30 ss:$0x1] =	vst.idx.msk $0xffff, v54;
	v54 =	vadd.s32 $0x7, v23  }
0x2f2: {  	[tilespmem:v8+s28+$0x60 ss:$0x1] =	vst.idx.msk $0xffff, v45;
	v45 =	vadd.s32 $0x9, v28;
	v43 =	vld.idx.msk [tilespmem:v43+s3+$0x0], $0xffff  }
0x2f3: {  	v47 =	vld.idx.msk [tilespmem:v47+s3+$0x0], $0xffff;
	[tilespmem:v7+s29+$0x40 ss:$0x1] =	vst.idx.msk $0xffff, v51;
	v51 =	vadd.s32 $0x7, v18  }
0x2f4: {  	[tilespmem:v8+s28+$0x70 ss:$0x1] =	vst.idx.msk $0xffff, v35;
	v35 =	vadd.s32 $0x9, v26;
	v55 =	vld.idx.msk [tilespmem:v55+s3+$0x0], $0xffff  }
0x2f5: {  	v37 =	vld.idx.msk [tilespmem:v37+s3+$0x0], $0xffff;
	[tilespmem:v7+s29+$0x50 ss:$0x1] =	vst.idx.msk $0xffff, v52;
	v52 =	vadd.s32 $0x8, v33  }
0x2f6: {  	[tilespmem:v9+s28+$0x0 ss:$0x1] =	vst.idx.msk $0xffff, v39;
	v39 =	vadd.s32 $0x9, v31;
	v54 =	vld.idx.msk [tilespmem:v54+s3+$0x0], $0xffff  }
0x2f7: {  	v45 =	vld.idx.msk [tilespmem:v45+s3+$0x0], $0xffff;
	[tilespmem:v7+s29+$0x60 ss:$0x1] =	vst.idx.msk $0xffff, v53;
	v53 =	vadd.s32 $0x8, v32  }
0x2f8: {  	[tilespmem:v9+s28+$0x10 ss:$0x1] =	vst.idx.msk $0xffff, v34;
	v34 =	vadd.s32 $0x9, v29;
	v51 =	vld.idx.msk [tilespmem:v51+s3+$0x0], $0xffff  }
0x2f9: {  	v35 =	vld.idx.msk [tilespmem:v35+s3+$0x0], $0xffff;
	[tilespmem:v7+s29+$0x70 ss:$0x1] =	vst.idx.msk $0xffff, v38;
	v38 =	vadd.s32 $0x8, v22  }
0x2fa: {  	[tilespmem:v9+s28+$0x20 ss:$0x1] =	vst.idx.msk $0xffff, v36;
	v36 =	vadd.s32 $0x9, v25;
	v52 =	vld.idx.msk [tilespmem:v52+s3+$0x0], $0xffff  }
0x2fb: {  	v39 =	vld.idx.msk [tilespmem:v39+s3+$0x0], $0xffff;
	[tilespmem:v8+s29+$0x0 ss:$0x1] =	vst.idx.msk $0xffff, v44;
	v44 =	vadd.s32 $0x8, v21  }
0x2fc: {  	[tilespmem:v9+s28+$0x30 ss:$0x1] =	vst.idx.msk $0xffff, v40;
	v40 =	vadd.s32 $0x9, v27;
	v53 =	vld.idx.msk [tilespmem:v53+s3+$0x0], $0xffff  }
0x2fd: {  	v34 =	vld.idx.msk [tilespmem:v34+s3+$0x0], $0xffff;
	[tilespmem:v8+s29+$0x10 ss:$0x1] =	vst.idx.msk $0xffff, v48;
	v48 =	vadd.s32 $0x8, v20  }
0x2fe: {  	[tilespmem:v9+s28+$0x40 ss:$0x1] =	vst.idx.msk $0xffff, v42;
	v42 =	vadd.s32 $0x9, v24;
	v38 =	vld.idx.msk [tilespmem:v38+s3+$0x0], $0xffff  }
0x2ff: {  	v36 =	vld.idx.msk [tilespmem:v36+s3+$0x0], $0xffff;
	[tilespmem:v8+s29+$0x20 ss:$0x1] =	vst.idx.msk $0xffff, v49;
	v49 =	vadd.s32 $0x8, v19  }
0x300: {  	[tilespmem:v9+s28+$0x50 ss:$0x1] =	vst.idx.msk $0xffff, v41;
	v41 =	vadd.s32 $0xA, v30;
	v44 =	vld.idx.msk [tilespmem:v44+s3+$0x0], $0xffff  }
0x301: {  	v40 =	vld.idx.msk [tilespmem:v40+s3+$0x0], $0xffff;
	[tilespmem:v8+s29+$0x30 ss:$0x1] =	vst.idx.msk $0xffff, v50;
	v50 =	vadd.s32 $0x8, v23  }
0x302: {  	[tilespmem:v9+s28+$0x60 ss:$0x1] =	vst.idx.msk $0xffff, v46;
	v46 =	vadd.s32 $0xA, v28;
	v48 =	vld.idx.msk [tilespmem:v48+s3+$0x0], $0xffff  }
0x303: {  	v42 =	vld.idx.msk [tilespmem:v42+s3+$0x0], $0xffff;
	[tilespmem:v8+s29+$0x40 ss:$0x1] =	vst.idx.msk $0xffff, v43;
	v43 =	vadd.s32 $0x8, v18  }
0x304: {  	[tilespmem:v9+s28+$0x70 ss:$0x1] =	vst.idx.msk $0xffff, v47;
	v47 =	vadd.s32 $0xA, v26;
	v49 =	vld.idx.msk [tilespmem:v49+s3+$0x0], $0xffff  }
0x305: {  	v41 =	vld.idx.msk [tilespmem:v41+s3+$0x0], $0xffff;
	[tilespmem:v8+s29+$0x50 ss:$0x1] =	vst.idx.msk $0xffff, v55;
	v55 =	vadd.s32 $0x9, v33  }
0x306: {  	[tilespmem:v10+s28+$0x0 ss:$0x1] =	vst.idx.msk $0xffff, v37;
	v37 =	vadd.s32 $0xA, v31;
	v50 =	vld.idx.msk [tilespmem:v50+s3+$0x0], $0xffff  }
0x307: {  	v46 =	vld.idx.msk [tilespmem:v46+s3+$0x0], $0xffff;
	[tilespmem:v8+s29+$0x60 ss:$0x1] =	vst.idx.msk $0xffff, v54;
	v54 =	vadd.s32 $0x9, v32  }
0x308: {  	[tilespmem:v10+s28+$0x10 ss:$0x1] =	vst.idx.msk $0xffff, v45;
	v45 =	vadd.s32 $0xA, v29;
	v43 =	vld.idx.msk [tilespmem:v43+s3+$0x0], $0xffff  }
0x309: {  	v47 =	vld.idx.msk [tilespmem:v47+s3+$0x0], $0xffff;
	[tilespmem:v8+s29+$0x70 ss:$0x1] =	vst.idx.msk $0xffff, v51;
	v51 =	vadd.s32 $0x9, v22  }
0x30a: {  	[tilespmem:v10+s28+$0x20 ss:$0x1] =	vst.idx.msk $0xffff, v35;
	v35 =	vadd.s32 $0xA, v25;
	v55 =	vld.idx.msk [tilespmem:v55+s3+$0x0], $0xffff  }
0x30b: {  	v37 =	vld.idx.msk [tilespmem:v37+s3+$0x0], $0xffff;
	[tilespmem:v9+s29+$0x0 ss:$0x1] =	vst.idx.msk $0xffff, v52;
	v52 =	vadd.s32 $0x9, v21  }
0x30c: {  	[tilespmem:v10+s28+$0x30 ss:$0x1] =	vst.idx.msk $0xffff, v39;
	v39 =	vadd.s32 $0xA, v27;
	v54 =	vld.idx.msk [tilespmem:v54+s3+$0x0], $0xffff  }
0x30d: {  	v45 =	vld.idx.msk [tilespmem:v45+s3+$0x0], $0xffff;
	[tilespmem:v9+s29+$0x10 ss:$0x1] =	vst.idx.msk $0xffff, v53;
	v53 =	vadd.s32 $0x9, v20  }
0x30e: {  	[tilespmem:v10+s28+$0x40 ss:$0x1] =	vst.idx.msk $0xffff, v34;
	v34 =	vadd.s32 $0xA, v24;
	v51 =	vld.idx.msk [tilespmem:v51+s3+$0x0], $0xffff  }
0x30f: {  	v35 =	vld.idx.msk [tilespmem:v35+s3+$0x0], $0xffff;
	[tilespmem:v9+s29+$0x20 ss:$0x1] =	vst.idx.msk $0xffff, v38;
	v38 =	vadd.s32 $0x9, v19  }
0x310: {  	[tilespmem:v10+s28+$0x50 ss:$0x1] =	vst.idx.msk $0xffff, v36;
	v36 =	vadd.s32 $0xB, v30;
	v52 =	vld.idx.msk [tilespmem:v52+s3+$0x0], $0xffff  }
0x311: {  	v39 =	vld.idx.msk [tilespmem:v39+s3+$0x0], $0xffff;
	[tilespmem:v9+s29+$0x30 ss:$0x1] =	vst.idx.msk $0xffff, v44;
	v44 =	vadd.s32 $0x9, v23  }
0x312: {  	[tilespmem:v10+s28+$0x60 ss:$0x1] =	vst.idx.msk $0xffff, v40;
	v40 =	vadd.s32 $0xB, v28;
	v53 =	vld.idx.msk [tilespmem:v53+s3+$0x0], $0xffff  }
0x313: {  	v34 =	vld.idx.msk [tilespmem:v34+s3+$0x0], $0xffff;
	[tilespmem:v9+s29+$0x40 ss:$0x1] =	vst.idx.msk $0xffff, v48;
	v48 =	vadd.s32 $0x9, v18  }
0x314: {  	[tilespmem:v10+s28+$0x70 ss:$0x1] =	vst.idx.msk $0xffff, v42;
	v42 =	vadd.s32 $0xB, v26;
	v38 =	vld.idx.msk [tilespmem:v38+s3+$0x0], $0xffff  }
0x315: {  	v36 =	vld.idx.msk [tilespmem:v36+s3+$0x0], $0xffff;
	[tilespmem:v9+s29+$0x50 ss:$0x1] =	vst.idx.msk $0xffff, v49;
	v49 =	vadd.s32 $0xA, v33  }
0x316: {  	[tilespmem:v11+s28+$0x0 ss:$0x1] =	vst.idx.msk $0xffff, v41;
	v41 =	vadd.s32 $0xB, v31;
	v44 =	vld.idx.msk [tilespmem:v44+s3+$0x0], $0xffff  }
0x317: {  	v40 =	vld.idx.msk [tilespmem:v40+s3+$0x0], $0xffff;
	[tilespmem:v9+s29+$0x60 ss:$0x1] =	vst.idx.msk $0xffff, v50;
	v50 =	vadd.s32 $0xA, v32  }
0x318: {  	[tilespmem:v11+s28+$0x10 ss:$0x1] =	vst.idx.msk $0xffff, v46;
	v46 =	vadd.s32 $0xB, v29;
	v48 =	vld.idx.msk [tilespmem:v48+s3+$0x0], $0xffff  }
0x319: {  	v42 =	vld.idx.msk [tilespmem:v42+s3+$0x0], $0xffff;
	[tilespmem:v9+s29+$0x70 ss:$0x1] =	vst.idx.msk $0xffff, v43;
	v43 =	vadd.s32 $0xA, v22  }
0x31a: {  	[tilespmem:v11+s28+$0x20 ss:$0x1] =	vst.idx.msk $0xffff, v47;
	v47 =	vadd.s32 $0xB, v25;
	v49 =	vld.idx.msk [tilespmem:v49+s3+$0x0], $0xffff  }
0x31b: {  	v41 =	vld.idx.msk [tilespmem:v41+s3+$0x0], $0xffff;
	[tilespmem:v10+s29+$0x0 ss:$0x1] =	vst.idx.msk $0xffff, v55;
	v55 =	vadd.s32 $0xA, v21  }
0x31c: {  	[tilespmem:v11+s28+$0x30 ss:$0x1] =	vst.idx.msk $0xffff, v37;
	v37 =	vadd.s32 $0xB, v27;
	v50 =	vld.idx.msk [tilespmem:v50+s3+$0x0], $0xffff  }
0x31d: {  	v46 =	vld.idx.msk [tilespmem:v46+s3+$0x0], $0xffff;
	[tilespmem:v10+s29+$0x10 ss:$0x1] =	vst.idx.msk $0xffff, v54;
	v54 =	vadd.s32 $0xA, v20  }
0x31e: {  	[tilespmem:v11+s28+$0x40 ss:$0x1] =	vst.idx.msk $0xffff, v45;
	v45 =	vadd.s32 $0xB, v24;
	v43 =	vld.idx.msk [tilespmem:v43+s3+$0x0], $0xffff  }
0x31f: {  	v47 =	vld.idx.msk [tilespmem:v47+s3+$0x0], $0xffff;
	[tilespmem:v10+s29+$0x20 ss:$0x1] =	vst.idx.msk $0xffff, v51;
	v51 =	vadd.s32 $0xA, v19  }
0x320: {  	[tilespmem:v11+s28+$0x50 ss:$0x1] =	vst.idx.msk $0xffff, v35;
	v35 =	vadd.s32 $0xC, v30;
	v55 =	vld.idx.msk [tilespmem:v55+s3+$0x0], $0xffff  }
0x321: {  	v37 =	vld.idx.msk [tilespmem:v37+s3+$0x0], $0xffff;
	[tilespmem:v10+s29+$0x30 ss:$0x1] =	vst.idx.msk $0xffff, v52;
	v52 =	vadd.s32 $0xA, v23  }
0x322: {  	[tilespmem:v11+s28+$0x60 ss:$0x1] =	vst.idx.msk $0xffff, v39;
	v39 =	vadd.s32 $0xC, v28;
	v54 =	vld.idx.msk [tilespmem:v54+s3+$0x0], $0xffff  }
0x323: {  	v45 =	vld.idx.msk [tilespmem:v45+s3+$0x0], $0xffff;
	[tilespmem:v10+s29+$0x40 ss:$0x1] =	vst.idx.msk $0xffff, v53;
	v53 =	vadd.s32 $0xA, v18  }
0x324: {  	[tilespmem:v11+s28+$0x70 ss:$0x1] =	vst.idx.msk $0xffff, v34;
	v34 =	vadd.s32 $0xC, v26;
	v51 =	vld.idx.msk [tilespmem:v51+s3+$0x0], $0xffff  }
0x325: {  	v35 =	vld.idx.msk [tilespmem:v35+s3+$0x0], $0xffff;
	[tilespmem:v10+s29+$0x50 ss:$0x1] =	vst.idx.msk $0xffff, v38;
	v38 =	vadd.s32 $0xB, v33  }
0x326: {  	[tilespmem:v12+s28+$0x0 ss:$0x1] =	vst.idx.msk $0xffff, v36;
	v36 =	vadd.s32 $0xC, v31;
	v52 =	vld.idx.msk [tilespmem:v52+s3+$0x0], $0xffff  }
0x327: {  	v39 =	vld.idx.msk [tilespmem:v39+s3+$0x0], $0xffff;
	[tilespmem:v10+s29+$0x60 ss:$0x1] =	vst.idx.msk $0xffff, v44;
	v44 =	vadd.s32 $0xB, v32  }
0x328: {  	[tilespmem:v12+s28+$0x10 ss:$0x1] =	vst.idx.msk $0xffff, v40;
	v40 =	vadd.s32 $0xC, v29;
	v53 =	vld.idx.msk [tilespmem:v53+s3+$0x0], $0xffff  }
0x329: {  	v34 =	vld.idx.msk [tilespmem:v34+s3+$0x0], $0xffff;
	[tilespmem:v10+s29+$0x70 ss:$0x1] =	vst.idx.msk $0xffff, v48;
	v48 =	vadd.s32 $0xB, v22  }
0x32a: {  	[tilespmem:v12+s28+$0x20 ss:$0x1] =	vst.idx.msk $0xffff, v42;
	v42 =	vadd.s32 $0xC, v25;
	v38 =	vld.idx.msk [tilespmem:v38+s3+$0x0], $0xffff  }
0x32b: {  	v36 =	vld.idx.msk [tilespmem:v36+s3+$0x0], $0xffff;
	[tilespmem:v11+s29+$0x0 ss:$0x1] =	vst.idx.msk $0xffff, v49;
	v49 =	vadd.s32 $0xB, v21  }
0x32c: {  	[tilespmem:v12+s28+$0x30 ss:$0x1] =	vst.idx.msk $0xffff, v41;
	v41 =	vadd.s32 $0xC, v27;
	v44 =	vld.idx.msk [tilespmem:v44+s3+$0x0], $0xffff  }
0x32d: {  	v40 =	vld.idx.msk [tilespmem:v40+s3+$0x0], $0xffff;
	[tilespmem:v11+s29+$0x10 ss:$0x1] =	vst.idx.msk $0xffff, v50;
	v50 =	vadd.s32 $0xB, v20  }
0x32e: {  	[tilespmem:v12+s28+$0x40 ss:$0x1] =	vst.idx.msk $0xffff, v46;
	v46 =	vadd.s32 $0xC, v24;
	v48 =	vld.idx.msk [tilespmem:v48+s3+$0x0], $0xffff  }
0x32f: {  	v42 =	vld.idx.msk [tilespmem:v42+s3+$0x0], $0xffff;
	[tilespmem:v11+s29+$0x20 ss:$0x1] =	vst.idx.msk $0xffff, v43;
	v43 =	vadd.s32 $0xB, v19  }
0x330: {  	[tilespmem:v12+s28+$0x50 ss:$0x1] =	vst.idx.msk $0xffff, v47;
	v47 =	vadd.s32 $0xD, v30;
	v49 =	vld.idx.msk [tilespmem:v49+s3+$0x0], $0xffff  }
0x331: {  	v41 =	vld.idx.msk [tilespmem:v41+s3+$0x0], $0xffff;
	[tilespmem:v11+s29+$0x30 ss:$0x1] =	vst.idx.msk $0xffff, v55;
	v55 =	vadd.s32 $0xB, v23  }
0x332: {  	[tilespmem:v12+s28+$0x60 ss:$0x1] =	vst.idx.msk $0xffff, v37;
	v37 =	vadd.s32 $0xD, v28;
	v50 =	vld.idx.msk [tilespmem:v50+s3+$0x0], $0xffff  }
0x333: {  	v46 =	vld.idx.msk [tilespmem:v46+s3+$0x0], $0xffff;
	[tilespmem:v11+s29+$0x40 ss:$0x1] =	vst.idx.msk $0xffff, v54;
	v54 =	vadd.s32 $0xB, v18  }
0x334: {  	[tilespmem:v12+s28+$0x70 ss:$0x1] =	vst.idx.msk $0xffff, v45;
	v45 =	vadd.s32 $0xD, v26;
	v43 =	vld.idx.msk [tilespmem:v43+s3+$0x0], $0xffff  }
0x335: {  	v47 =	vld.idx.msk [tilespmem:v47+s3+$0x0], $0xffff;
	[tilespmem:v11+s29+$0x50 ss:$0x1] =	vst.idx.msk $0xffff, v51;
	v51 =	vadd.s32 $0xC, v33  }
0x336: {  	[tilespmem:v13+s28+$0x0 ss:$0x1] =	vst.idx.msk $0xffff, v35;
	v35 =	vadd.s32 $0xD, v31;
	v55 =	vld.idx.msk [tilespmem:v55+s3+$0x0], $0xffff  }
0x337: {  	v37 =	vld.idx.msk [tilespmem:v37+s3+$0x0], $0xffff;
	[tilespmem:v11+s29+$0x60 ss:$0x1] =	vst.idx.msk $0xffff, v52;
	v52 =	vadd.s32 $0xC, v32  }
0x338: {  	[tilespmem:v13+s28+$0x10 ss:$0x1] =	vst.idx.msk $0xffff, v39;
	v39 =	vadd.s32 $0xD, v29;
	v54 =	vld.idx.msk [tilespmem:v54+s3+$0x0], $0xffff  }
0x339: {  	v45 =	vld.idx.msk [tilespmem:v45+s3+$0x0], $0xffff;
	[tilespmem:v11+s29+$0x70 ss:$0x1] =	vst.idx.msk $0xffff, v53;
	v53 =	vadd.s32 $0xC, v22  }
0x33a: {  	[tilespmem:v13+s28+$0x20 ss:$0x1] =	vst.idx.msk $0xffff, v34;
	v34 =	vadd.s32 $0xD, v25;
	v51 =	vld.idx.msk [tilespmem:v51+s3+$0x0], $0xffff  }
0x33b: {  	v35 =	vld.idx.msk [tilespmem:v35+s3+$0x0], $0xffff;
	[tilespmem:v12+s29+$0x0 ss:$0x1] =	vst.idx.msk $0xffff, v38;
	v38 =	vadd.s32 $0xC, v21  }
0x33c: {  	[tilespmem:v13+s28+$0x30 ss:$0x1] =	vst.idx.msk $0xffff, v36;
	v36 =	vadd.s32 $0xD, v27;
	v52 =	vld.idx.msk [tilespmem:v52+s3+$0x0], $0xffff  }
0x33d: {  	v39 =	vld.idx.msk [tilespmem:v39+s3+$0x0], $0xffff;
	[tilespmem:v12+s29+$0x10 ss:$0x1] =	vst.idx.msk $0xffff, v44;
	v44 =	vadd.s32 $0xC, v20  }
0x33e: {  	[tilespmem:v13+s28+$0x40 ss:$0x1] =	vst.idx.msk $0xffff, v40;
	v40 =	vadd.s32 $0xD, v24;
	v53 =	vld.idx.msk [tilespmem:v53+s3+$0x0], $0xffff  }
0x33f: {  	v34 =	vld.idx.msk [tilespmem:v34+s3+$0x0], $0xffff;
	[tilespmem:v12+s29+$0x20 ss:$0x1] =	vst.idx.msk $0xffff, v48;
	v48 =	vadd.s32 $0xC, v19  }
0x340: {  	[tilespmem:v13+s28+$0x50 ss:$0x1] =	vst.idx.msk $0xffff, v42;
	v42 =	vadd.s32 $0xE, v30;
	v38 =	vld.idx.msk [tilespmem:v38+s3+$0x0], $0xffff  }
0x341: {  	v36 =	vld.idx.msk [tilespmem:v36+s3+$0x0], $0xffff;
	[tilespmem:v12+s29+$0x30 ss:$0x1] =	vst.idx.msk $0xffff, v49;
	v49 =	vadd.s32 $0xC, v23  }
0x342: {  	[tilespmem:v13+s28+$0x60 ss:$0x1] =	vst.idx.msk $0xffff, v41;
	v41 =	vadd.s32 $0xE, v28;
	v44 =	vld.idx.msk [tilespmem:v44+s3+$0x0], $0xffff  }
0x343: {  	v40 =	vld.idx.msk [tilespmem:v40+s3+$0x0], $0xffff;
	[tilespmem:v12+s29+$0x40 ss:$0x1] =	vst.idx.msk $0xffff, v50;
	v50 =	vadd.s32 $0xC, v18  }
0x344: {  	[tilespmem:v13+s28+$0x70 ss:$0x1] =	vst.idx.msk $0xffff, v46;
	v46 =	vadd.s32 $0xE, v26;
	v48 =	vld.idx.msk [tilespmem:v48+s3+$0x0], $0xffff  }
0x345: {  	v42 =	vld.idx.msk [tilespmem:v42+s3+$0x0], $0xffff;
	[tilespmem:v12+s29+$0x50 ss:$0x1] =	vst.idx.msk $0xffff, v43;
	v43 =	vadd.s32 $0xD, v33  }
0x346: {  	[tilespmem:v14+s28+$0x0 ss:$0x1] =	vst.idx.msk $0xffff, v47;
	v47 =	vadd.s32 $0xE, v31;
	v49 =	vld.idx.msk [tilespmem:v49+s3+$0x0], $0xffff  }
0x347: {  	v41 =	vld.idx.msk [tilespmem:v41+s3+$0x0], $0xffff;
	[tilespmem:v12+s29+$0x60 ss:$0x1] =	vst.idx.msk $0xffff, v55;
	v55 =	vadd.s32 $0xD, v32  }
0x348: {  	[tilespmem:v14+s28+$0x10 ss:$0x1] =	vst.idx.msk $0xffff, v37;
	v37 =	vadd.s32 $0xE, v29;
	v50 =	vld.idx.msk [tilespmem:v50+s3+$0x0], $0xffff  }
0x349: {  	v46 =	vld.idx.msk [tilespmem:v46+s3+$0x0], $0xffff;
	[tilespmem:v12+s29+$0x70 ss:$0x1] =	vst.idx.msk $0xffff, v54;
	v54 =	vadd.s32 $0xD, v22  }
0x34a: {  	[tilespmem:v14+s28+$0x20 ss:$0x1] =	vst.idx.msk $0xffff, v45;
	v45 =	vadd.s32 $0xE, v25;
	v43 =	vld.idx.msk [tilespmem:v43+s3+$0x0], $0xffff  }
0x34b: {  	v47 =	vld.idx.msk [tilespmem:v47+s3+$0x0], $0xffff;
	[tilespmem:v13+s29+$0x0 ss:$0x1] =	vst.idx.msk $0xffff, v51;
	v51 =	vadd.s32 $0xD, v21  }
0x34c: {  	[tilespmem:v14+s28+$0x30 ss:$0x1] =	vst.idx.msk $0xffff, v35;
	v35 =	vadd.s32 $0xE, v27;
	v55 =	vld.idx.msk [tilespmem:v55+s3+$0x0], $0xffff  }
0x34d: {  	v37 =	vld.idx.msk [tilespmem:v37+s3+$0x0], $0xffff;
	[tilespmem:v13+s29+$0x10 ss:$0x1] =	vst.idx.msk $0xffff, v52;
	v52 =	vadd.s32 $0xD, v20  }
0x34e: {  	[tilespmem:v14+s28+$0x40 ss:$0x1] =	vst.idx.msk $0xffff, v39;
	v39 =	vadd.s32 $0xE, v24;
	v54 =	vld.idx.msk [tilespmem:v54+s3+$0x0], $0xffff  }
0x34f: {  	v45 =	vld.idx.msk [tilespmem:v45+s3+$0x0], $0xffff;
	[tilespmem:v13+s29+$0x20 ss:$0x1] =	vst.idx.msk $0xffff, v53;
	v53 =	vadd.s32 $0xD, v19  }
0x350: {  	v30 =	vadd.s32 $0xF, v30;
	[tilespmem:v14+s28+$0x50 ss:$0x1] =	vst.idx.msk $0xffff, v34;
	v51 =	vld.idx.msk [tilespmem:v51+s3+$0x0], $0xffff  }
0x351: {  	v34 =	vadd.s32 $0xD, v23;
	v56 =	vld.idx.msk [tilespmem:v35+s3+$0x0], $0xffff;
	[tilespmem:v13+s29+$0x30 ss:$0x1] =	vst.idx.msk $0xffff, v38  }
0x352: {  	v28 =	vadd.s32 $0xF, v28;
	[tilespmem:v14+s28+$0x60 ss:$0x1] =	vst.idx.msk $0xffff, v36;
	v36 =	vld.idx.msk [tilespmem:v52+s3+$0x0], $0xffff  }
0x353: {  	v35 =	vadd.s32 $0xD, v18;
	v38 =	vld.idx.msk [tilespmem:v39+s3+$0x0], $0xffff;
	[tilespmem:v13+s29+$0x40 ss:$0x1] =	vst.idx.msk $0xffff, v44  }
0x354: {  	v26 =	vadd.s32 $0xF, v26;
	[tilespmem:v14+s28+$0x70 ss:$0x1] =	vst.idx.msk $0xffff, v40;
	v39 =	vld.idx.msk [tilespmem:v53+s3+$0x0], $0xffff  }
0x355: {  	v40 =	vadd.s32 $0xE, v33;
	v30 =	vld.idx.msk [tilespmem:v30+s3+$0x0], $0xffff;
	[tilespmem:v13+s29+$0x50 ss:$0x1] =	vst.idx.msk $0xffff, v48  }
0x356: {  	v31 =	vadd.s32 $0xF, v31;
	[tilespmem:v15+s28+$0x0 ss:$0x1] =	vst.idx.msk $0xffff, v42;
	v42 =	vld.idx.msk [tilespmem:v34+s3+$0x0], $0xffff  }
0x357: {  	v34 =	vadd.s32 $0xE, v32;
	v28 =	vld.idx.msk [tilespmem:v28+s3+$0x0], $0xffff;
	[tilespmem:v13+s29+$0x60 ss:$0x1] =	vst.idx.msk $0xffff, v49  }
0x358: {  	v29 =	vadd.s32 $0xF, v29;
	[tilespmem:v15+s28+$0x10 ss:$0x1] =	vst.idx.msk $0xffff, v41;
	v41 =	vld.idx.msk [tilespmem:v35+s3+$0x0], $0xffff  }
0x359: {  	v35 =	vadd.s32 $0xE, v22;
	v44 =	vld.idx.msk [tilespmem:v26+s3+$0x0], $0xffff;
	[tilespmem:v13+s29+$0x70 ss:$0x1] =	vst.idx.msk $0xffff, v50  }
0x35a: {  	[tilespmem:v15+s28+$0x20 ss:$0x1] =	vst.idx.msk $0xffff, v46;
	v46 =	vadd.s32 $0xF, v25;
	v40 =	vld.idx.msk [tilespmem:v40+s3+$0x0], $0xffff  }
0x35b: {  	v48 =	vld.idx.msk [tilespmem:v31+s3+$0x0], $0xffff;
	[tilespmem:v14+s29+$0x0 ss:$0x1] =	vst.idx.msk $0xffff, v43;
	v31 =	vadd.s32 $0xE, v21  }
0x35c: {  	v27 =	vadd.s32 $0xF, v27;
	[tilespmem:v15+s28+$0x30 ss:$0x1] =	vst.idx.msk $0xffff, v47;
	v26 =	vld.idx.msk [tilespmem:v34+s3+$0x0], $0xffff  }
0x35d: {  	v47 =	vadd.s32 $0xE, v20;
	v43 =	vld.idx.msk [tilespmem:v29+s3+$0x0], $0xffff;
	[tilespmem:v14+s29+$0x10 ss:$0x1] =	vst.idx.msk $0xffff, v55  }
0x35e: {  	v24 =	vadd.s32 $0xF, v24;
	[tilespmem:v15+s28+$0x40 ss:$0x1] =	vst.idx.msk $0xffff, v37;
	v25 =	vld.idx.msk [tilespmem:v35+s3+$0x0], $0xffff  }
0x35f: {  	v37 =	vadd.s32 $0xE, v19;
	v34 =	vld.idx.msk [tilespmem:v46+s3+$0x0], $0xffff;
	[tilespmem:v14+s29+$0x20 ss:$0x1] =	vst.idx.msk $0xffff, v54  }
0x360: {  	[tilespmem:v15+s28+$0x50 ss:$0x1] =	vst.idx.msk $0xffff, v45;
	v29 =	vld.idx.msk [tilespmem:v31+s3+$0x0], $0xffff  }
0x361: {  	v35 =	vld.idx.msk [tilespmem:v27+s3+$0x0], $0xffff;
	[tilespmem:v14+s29+$0x30 ss:$0x1] =	vst.idx.msk $0xffff, v51;
	v27 =	vadd.s32 $0xE, v23  }
0x362: {  	[tilespmem:v15+s28+$0x60 ss:$0x1] =	vst.idx.msk $0xffff, v56;
	v31 =	vld.idx.msk [tilespmem:v47+s3+$0x0], $0xffff  }
0x363: {  	v24 =	vld.idx.msk [tilespmem:v24+s3+$0x0], $0xffff;
	[tilespmem:v14+s29+$0x40 ss:$0x1] =	vst.idx.msk $0xffff, v36  }
0x364: {  	[tilespmem:v15+s28+$0x70 ss:$0x1] =	vst.idx.msk $0xffff, v38;
	v36 =	vld.idx.msk [tilespmem:v37+s3+$0x0], $0xffff;
	v37 =	vadd.s32 $0xE, v18  }
0x365: {  	[tilespmem:v14+s29+$0x50 ss:$0x1] =	vst.idx.msk $0xffff, v39  }
0x366: {  	[tilespmem:v16+s28+$0x0 ss:$0x1] =	vst.idx.msk $0xffff, v30;
	v27 =	vld.idx.msk [tilespmem:v27+s3+$0x0], $0xffff;
	v30 =	vadd.s32 $0xF, v33  }
0x367: {  	[tilespmem:v16+s28+$0x10 ss:$0x1] =	vst.idx.msk $0xffff, v28  }
0x368: {  	v28 =	vadd.s32 $0xF, v32;
	[tilespmem:v14+s29+$0x60 ss:$0x1] =	vst.idx.msk $0xffff, v42  }
.Ltmp0:
0x369: {  	[tilespmem:v16+s28+$0x20 ss:$0x1] =	vst.idx.msk $0xffff, v44;
	v32 =	vld.idx.msk [tilespmem:v37+s3+$0x0], $0xffff;
	(pc) =	sbr.rel @p0 .LBB2_5-.Ltmp0, $4  }
0x36a: {  	[tilespmem:v14+s29+$0x70 ss:$0x1] =	vst.idx.msk $0xffff, v41  }
0x36b: {  	[tilespmem:v16+s28+$0x30 ss:$0x1] =	vst.idx.msk $0xffff, v48;
	v33 =	vld.idx.msk [tilespmem:v30+s3+$0x0], $0xffff  }
0x36c: {  	[tilespmem:v15+s29+$0x0 ss:$0x1] =	vst.idx.msk $0xffff, v40  }
0x36d: {  	[tilespmem:v16+s28+$0x40 ss:$0x1] =	vst.idx.msk $0xffff, v43;
	v37 =	vld.idx.msk [tilespmem:v28+s3+$0x0], $0xffff  }
0x36e: {  	_ =	sdelay $0x3  }
0x36f: {  	v0 =	vadd.s32 $0xF, v22;
	[tilespmem:v15+s29+$0x10 ss:$0x1] =	vst.idx.msk $0xffff, v26  }
0x370: {  	v1 =	vadd.s32 $0xF, v21;
	[tilespmem:v16+s25+$0x70 ss:$0x1] =	vst.idx.msk $0xffff, v17  }
0x371: {  	v2 =	vadd.s32 $0xF, v20;
	[tilespmem:v16+s28+$0x50 ss:$0x1] =	vst.idx.msk $0xffff, v34  }
0x372: {  	v3 =	vadd.s32 $0xF, v19;
	[tilespmem:v16+s28+$0x60 ss:$0x1] =	vst.idx.msk $0xffff, v35  }
0x373: {  	v4 =	vadd.s32 $0xF, v23;
	[tilespmem:v16+s28+$0x70 ss:$0x1] =	vst.idx.msk $0xffff, v24  }
0x374: {  	v5 =	vadd.s32 $0xF, v18;
	v0 =	vld.idx.msk [tilespmem:v0+s3+$0x0], $0xffff;
	[tilespmem:v15+s29+$0x20 ss:$0x1] =	vst.idx.msk $0xffff, v25  }
0x375: {  	v1 =	vld.idx.msk [tilespmem:v1+s3+$0x0], $0xffff;
	[tilespmem:v15+s29+$0x30 ss:$0x1] =	vst.idx.msk $0xffff, v29  }
0x376: {  	v2 =	vld.idx.msk [tilespmem:v2+s3+$0x0], $0xffff;
	[tilespmem:v15+s29+$0x40 ss:$0x1] =	vst.idx.msk $0xffff, v31  }
0x377: {  	v3 =	vld.idx.msk [tilespmem:v3+s3+$0x0], $0xffff;
	[tilespmem:v15+s29+$0x50 ss:$0x1] =	vst.idx.msk $0xffff, v36  }
0x378: {  	v4 =	vld.idx.msk [tilespmem:v4+s3+$0x0], $0xffff;
	[tilespmem:v15+s29+$0x60 ss:$0x1] =	vst.idx.msk $0xffff, v27  }
0x379: {  	v5 =	vld.idx.msk [tilespmem:v5+s3+$0x0], $0xffff;
	[tilespmem:v15+s29+$0x70 ss:$0x1] =	vst.idx.msk $0xffff, v32  }
0x37a: {  	[tilespmem:v16+s29+$0x0 ss:$0x1] =	vst.idx.msk $0xffff, v33  }
0x37b: {  	[tilespmem:v16+s29+$0x10 ss:$0x1] =	vst.idx.msk $0xffff, v37  }
0x37c: {  	[tilespmem:v16+s29+$0x20 ss:$0x1] =	vst.idx.msk $0xffff, v0  }
0x37d: {  	[tilespmem:v16+s29+$0x30 ss:$0x1] =	vst.idx.msk $0xffff, v1  }
0x37e: {  	s22 =	sshll.u32 s22, $0x11;
	p0 =	sne.s32 s23, $0x19;
	[tilespmem:v16+s29+$0x40 ss:$0x1] =	vst.idx.msk $0xffff, v2  }
.Ltmp1:
0x37f: {  	s22 =	sadd.s32 s21, s22;
	[tilespmem:v16+s29+$0x50 ss:$0x1] =	vst.idx.msk $0xffff, v3;
	(pc) =	sbr.rel @p0 .LBB2_4-.Ltmp1, $4  }
0x380: {  	s22 =	sshrl.u32 s22, $0x3;
	[tilespmem:v16+s29+$0x60 ss:$0x1] =	vst.idx.msk $0xffff, v4  }
0x381: {  	s22 =	sadd.s32 s2, s22;
	[tilespmem:v16+s29+$0x70 ss:$0x1] =	vst.idx.msk $0xffff, v5  }
0x382: {  	[hbm4b:s22+s10] =	stream.strided.scatter [tilespmem:s26], [sflag:s24], $0x4000, s11, s10, $0x38;
	[tilespmem:$0x1D1A0] =	vst v63  }
0x383: {  	s22 =	smov.u32 s23  }
0x384: {  	_ =	swait.ge [sflag:s12], $0x4000  }
0x385: {  	[sflag:s12] =	ssyncset.done $0x0  }
0x386: {  	s19 =	sadd.s32 $0x1, s19;
	[sflag:s12] =	ssyncadd.s32 $0xFFFFC000  }
0x387: {  	p0 =	sne.s32 s19, $0x4;
	_ =	swait.ge [sflag:s13], $0x4000  }
.Ltmp2:
0x388: {  	[sflag:s13] =	ssyncset.done $0x0;
	(pc) =	sbr.rel @p0 .LBB2_3-.Ltmp2, $4  }
0x389: {  	[sflag:s13] =	ssyncadd.s32 $0xFFFFC000  }
0x38a: {  	_ =	swait.ge [sflag:s14], $0x4000  }
0x38b: {  	[sflag:s14] =	ssyncset.done $0x0  }
0x38c: {  	[sflag:s14] =	ssyncadd.s32 $0xFFFFC000  }
0x38d: {  	s16 =	sadd.s32 $0x1, s16  }
0x38e: {  	p0 =	sne.s32 s16, $0x4  }
.Ltmp3:
0x38f: {  	_ = 	snop;
	(pc) =	sbr.rel @p0 .LBB2_2-.Ltmp3, $1  }
0x390: {  	_ =	sdelay $0x3  }
0x391: {  	s15 =	sadd.s32 $0x1, s15  }
0x392: {  	p0 =	sne.s32 s15, s7  }
.Ltmp4:
0x393: {  	_ = 	snop;
	(pc) =	sbr.rel @p0 .LBB2_1-.Ltmp4, $1  }
0x394: {  	_ =	sdelay $0x3  }
0x395: {  	_ =	sfence.sel $0x180000  }
0x396: {  	[bflag:$0x0] =	sbarrier.arrive $0xFFFF  }
0x397: {  	p0 =	sne.s32 s4, $0x0;
	_ =	strace $0x90000047  }
0x398: {  	s0 =	sadd.s32 @!p0 $0x100000, s0;
	[bflag:$0x2] =	sbarrier.arrive $0xFFFF  }
0x399: {  	[sflag:s0] =	ssyncadd.tile.s32 @!p0 $0x1;
	_ =	shalt  }
.Lfunc_end2:
_tile_overlayer_lowered:
.L_overlay_start_2:
0x39a: {  	(tag) =	ssettag $0x2  }
0x39b: {  	s0 =	rddreg [dreg:$0x0];
	s2 =	stileid.u32  }
0x39c: {  	s1 =	rddreg [dreg:$0x1];
	p0 =	sne.s32 s2, $0x0  }
0x39d: {  	s3 =	rddreg [dreg:$0x2];
	[bflag:$0x3] =	sbarrier.arrive $0xFFFF;
	s2 =	simm.s32 @!p0 $0x1C06  }
0x39e: {  	[timem:s3], [sflag:s2] =	dma.local @!p0 [hbm:s0], s1  }
0x39f: {  	s0 =	simm.s32 @!p0 $0x6  }
0x3a0: {  	_ =	swait.ge @!p0 [sflag:s0], s1  }
0x3a1: {  	s1 =	ssub.s32 @!p0 $0x0, s1;
	[sflag:s0] =	ssyncset.done @!p0 $0x0  }
0x3a2: {  	[sflag:s0] =	ssyncadd.s32 @!p0 s1  }
0x3a3: {  	[bflag:$0x3] =	sbarrier.arrive $0xFFFF  }
0x3a4: {  	_ =	shalt  }

</sc_bundles>
